<compile_context>
chip_gen: v7x
topology: tpu7x:2x2x1
jax: 0.10.2.dev20260603
libtpu: 0.0.44.dev20260713+nightly
codegen_flags: <defaults>
</compile_context>

<pallas_src>
import functools

import jax
import jax.numpy as jnp
from jax import lax
from jax.experimental import pallas as pl
from jax.experimental.pallas import tpu as pltpu
from jax.experimental.pallas import tpu_sc as plsc

N = 10000
H = 128
HH = H // 2
E = 320000
NTILE = 32
EPT = E // 16
CW = 80
NCHUNK = EPT // CW
NB = 5
RPS = N // 16

ELP = 106496
SCW = 128
SCH = ELP // (32 * SCW)
SNB = 2


def _sc_mesh():
    return plsc.VectorSubcoreMesh(core_axis_name="c", subcore_axis_name="s")


def _zero_rows(ref, nrows, ncolchunks):
    zf = jnp.zeros((16,), jnp.float32)

    def body(i, _):
        for j in range(ncolchunks):
            ref[i, pl.ds(j * 16, 16)] = zf
        return 0

    lax.fori_loop(0, nrows, body, 0)


def _agg_body(with_counts, msgs_hbm, src_hbm, dst_hbm, *refs):
    if with_counts:
        (S_out, C_out, idx_src, idx_dst, zrow, acc,
         ones, zcnt, cnt) = refs[:9]
        rbs = refs[9:9 + NB]
        sems = refs[9 + NB:]
    else:
        (S_out, idx_src, idx_dst, zrow, acc) = refs[:5]
        rbs = refs[5:5 + NB]
        sems = refs[5 + NB:]

    c = lax.axis_index("c")
    s = lax.axis_index("s")
    w = c * 16 + s

    zb = jnp.zeros((32,), jnp.bfloat16)

    def zrow_body(i, _):
        for j in range(H // 32):
            zrow[i, pl.ds(j * 32, 32)] = zb
        return 0

    lax.fori_loop(0, 125, zrow_body, 0)
    if with_counts:
        of = jnp.ones((16,), jnp.float32)

        def fill_ones(i, _):
            ones[i, :] = of
            return 0

        lax.fori_loop(0, CW, fill_ones, 0)
        _zero_rows(zcnt, 125, 1)

    pltpu.sync_copy(src_hbm.at[w], idx_src)
    pltpu.sync_copy(dst_hbm.at[w], idx_dst)

    offv = jnp.zeros((16,), jnp.int32) + c * N

    def offset_body(i, _):
        for j in range(CW // 16):
            sl = pl.ds(j * 16, 16)
            idx_src[i, sl] = idx_src[i, sl] + offv
        return 0

    lax.fori_loop(0, NCHUNK, offset_body, 0)

    for k in range(RPS // 125):
        pltpu.sync_copy(zrow, acc.at[pl.ds(s * RPS + k * 125, 125)])
    if with_counts:
        for k in range(RPS // 125):
            pltpu.sync_copy(zcnt, cnt.at[pl.ds(s * RPS + k * 125, 125)])

    plsc.subcore_barrier()

    for b in range(NB):
        pltpu.async_copy(msgs_hbm.at[idx_src.at[b]], rbs[b], sems[b])

    def chunk_body(i, _):
        for b in range(NB):
            cch = i * NB + b
            pltpu.make_async_copy(
                msgs_hbm.at[idx_src.at[cch]], rbs[b], sems[b]).wait()
            pltpu.sync_copy(rbs[b], acc.at[idx_dst.at[cch]], add=True)
            if with_counts:
                pltpu.sync_copy(ones, cnt.at[idx_dst.at[cch]], add=True)

            @pl.when(cch + NB < NCHUNK)
            def _():
                pltpu.async_copy(
                    msgs_hbm.at[idx_src.at[cch + NB]], rbs[b], sems[b])
        return 0

    lax.fori_loop(0, NCHUNK // NB, chunk_body, 0)

    plsc.subcore_barrier()

    pltpu.sync_copy(acc.at[pl.ds(s * RPS, RPS)], S_out.at[w])
    if with_counts:
        pltpu.sync_copy(cnt.at[pl.ds(s * RPS, RPS)], C_out.at[w])


def _sc_aggregate(msgs, src3, dst3, with_counts):
    out_type = [jax.ShapeDtypeStruct((NTILE, RPS, H), jnp.bfloat16)]
    scratch = [
        pltpu.VMEM((NCHUNK, CW), jnp.int32),
        pltpu.VMEM((NCHUNK, CW), jnp.int32),
        pltpu.VMEM((125, H), jnp.bfloat16),
        pltpu.VMEM_SHARED((N, H), jnp.bfloat16),
    ]
    if with_counts:
        out_type.append(jax.ShapeDtypeStruct((NTILE, RPS, 16), jnp.float32))
        scratch += [
            pltpu.VMEM((CW, 16), jnp.float32),
            pltpu.VMEM((125, 16), jnp.float32),
            pltpu.VMEM_SHARED((N, 16), jnp.float32),
        ]
    scratch += [pltpu.VMEM((CW, H), jnp.bfloat16)] * NB
    scratch += [pltpu.SemaphoreType.DMA] * NB
    return pl.kernel(
        functools.partial(_agg_body, with_counts),
        out_type=out_type,
        mesh=_sc_mesh(),
        scratch_types=scratch,
        compiler_params=pltpu.CompilerParams(use_tc_tiling_on_sc=False),
    )(msgs, src3, dst3)


def _score_body(h2_hbm, el0_hbm, el1_hbm, out_hbm, idx0, idx1, sc, *refs):
    ubs = refs[:SNB]
    rbs = refs[SNB:2 * SNB]
    usems = refs[2 * SNB:3 * SNB]
    rsems = refs[3 * SNB:]
    c = lax.axis_index("c")
    s = lax.axis_index("s")
    w = c * 16 + s
    pltpu.sync_copy(el0_hbm.at[w], idx0)
    pltpu.sync_copy(el1_hbm.at[w], idx1)

    offv = jnp.zeros((16,), jnp.int32) + N

    def off_body(i, _):
        for j in range(SCW // 16):
            sl = pl.ds(j * 16, 16)
            idx0[i, sl] = idx0[i, sl] + offv
        return 0

    lax.fori_loop(0, SCH, off_body, 0)

    for b in range(SNB):
        pltpu.async_copy(h2_hbm.at[idx0.at[b]], ubs[b], usems[b])
        pltpu.async_copy(h2_hbm.at[idx1.at[b]], rbs[b], rsems[b])

    lane = lax.iota(jnp.int32, 16)
    rows_g = [lane + g * 16 for g in range(SCW // 16)]

    def chunk(i, _):
        for b in range(SNB):
            cch = SNB * i + b
            ub, rb = ubs[b], rbs[b]
            pltpu.make_async_copy(h2_hbm.at[idx0.at[cch]], ub,
                                  usems[b]).wait()
            pltpu.make_async_copy(h2_hbm.at[idx1.at[cch]], rb,
                                  rsems[b]).wait()

            def hblk(ho, accs):
                for hh in range(8):
                    cols = (lane + (ho * 8 + hh)) & (H - 1)
                    new = []
                    for g in range(SCW // 16):
                        u = plsc.load_gather(ub, [rows_g[g], cols])
                        r = plsc.load_gather(rb, [rows_g[g], cols])
                        new.append(accs[g] + u * r)
                    accs = tuple(new)
                return accs

            accs = lax.fori_loop(
                0, H // 8, hblk,
                tuple(jnp.zeros((16,), jnp.float32)
                      for _ in range(SCW // 16)))
            for g in range(SCW // 16):
                sc[cch, pl.ds(g * 16, 16)] = accs[g]

            @pl.when(cch + SNB < SCH)
            def _():
                pltpu.async_copy(h2_hbm.at[idx0.at[cch + SNB]], ub, usems[b])
                pltpu.async_copy(h2_hbm.at[idx1.at[cch + SNB]], rb, rsems[b])
        return 0

    lax.fori_loop(0, SCH // SNB, chunk, 0)
    pltpu.sync_copy(sc, out_hbm.at[w])


def _sc_score(h2, el0, el1):
    scratch = [
        pltpu.VMEM((SCH, SCW), jnp.int32),
        pltpu.VMEM((SCH, SCW), jnp.int32),
        pltpu.VMEM((SCH, SCW), jnp.float32),
    ]
    scratch += [pltpu.VMEM((SCW, H), jnp.float32)] * (2 * SNB)
    scratch += [pltpu.SemaphoreType.DMA] * (2 * SNB)
    return pl.kernel(
        _score_body,
        out_type=jax.ShapeDtypeStruct((NTILE, SCH, SCW), jnp.float32),
        mesh=_sc_mesh(),
        scratch_types=scratch,
        compiler_params=pltpu.CompilerParams(needs_layout_passes=False),
    )(h2, el0, el1)


_ROWS = 1000
_G = N // _ROWS


def _half_idx(p):
    return jnp.where(p < _G, p + _G, p - _G)


def _tc_encode(xr, xu, emb_r, emb_u, W_r, W_u, b2, Wl2s, Wr2s):

    def body(xr_ref, xu_ref, er_ref, eu_ref, Wr_ref, Wu_ref, b_ref,
             Wl_ref, Wr2_ref, m_ref, st_ref):
        p = pl.program_id(0)

        def emit(h):
            pm = jnp.dot(h, Wl_ref[0], preferred_element_type=jnp.float32)
            m_ref[...] = pm.astype(jnp.bfloat16)
            st_ref[...] = jnp.dot(h, Wr2_ref[0],
                                  preferred_element_type=jnp.float32)

        @pl.when(p < _G)
        def _():
            h = jnp.dot(xr_ref[...], Wr_ref[...],
                        preferred_element_type=jnp.float32)
            emit(h + b_ref[0] + er_ref[...])

        @pl.when(p >= _G)
        def _():
            h = jnp.dot(xu_ref[...], Wu_ref[...],
                        preferred_element_type=jnp.float32)
            emit(h + b_ref[0] + eu_ref[...])

    kr = xr.shape[1]
    ku = xu.shape[1]
    return pl.pallas_call(
        body,
        grid=(2 * _G,),
        in_specs=[
            pl.BlockSpec((_ROWS, kr), lambda p: (jnp.minimum(p, _G - 1), 0)),
            pl.BlockSpec((_ROWS, ku),
                         lambda p: (jnp.maximum(p, _G) - _G, 0)),
            pl.BlockSpec((_ROWS, H), lambda p: (jnp.minimum(p, _G - 1), 0)),
            pl.BlockSpec((_ROWS, H),
                         lambda p: (jnp.maximum(p, _G) - _G, 0)),
            pl.BlockSpec((kr, H), lambda p: (0, 0)),
            pl.BlockSpec((ku, H), lambda p: (0, 0)),
            pl.BlockSpec((1, 1, H), lambda p: (p // _G, 0, 0)),
            pl.BlockSpec((1, H, H), lambda p: (p // _G, 0, 0)),
            pl.BlockSpec((1, H, H), lambda p: (p // _G, 0, 0)),
        ],
        out_specs=[
            pl.BlockSpec((_ROWS, H), lambda p: (p, 0)),
            pl.BlockSpec((_ROWS, H), lambda p: (p, 0)),
        ],
        out_shape=[
            jax.ShapeDtypeStruct((2 * N, H), jnp.bfloat16),
            jax.ShapeDtypeStruct((2 * N, H), jnp.float32),
        ],
    )(xr, xu, emb_r, emb_u, W_r, W_u, b2, Wl2s, Wr2s)


def _tc_mid(S1, Cf, st1, bl2, Wl2s, Wr2s):

    def body(S_ref, C_ref, st_ref, b_ref, Wl_ref, Wr_ref,
             m_ref, st2_ref):
        inv = 1.0 / jnp.maximum(C_ref[...][:, 0:1], 1.0)
        h = jnp.maximum(
            S_ref[...].astype(jnp.float32) * inv + b_ref[0] + st_ref[...],
            0.0)
        pm = jnp.dot(h, Wl_ref[0], preferred_element_type=jnp.float32)
        m_ref[...] = pm.astype(jnp.bfloat16)
        st2_ref[...] = jnp.dot(h, Wr_ref[0],
                               preferred_element_type=jnp.float32)

    return pl.pallas_call(
        body,
        grid=(2 * _G,),
        in_specs=[
            pl.BlockSpec((_ROWS, H), lambda p: (_half_idx(p), 0)),
            pl.BlockSpec((_ROWS, 16), lambda p: (_half_idx(p), 0)),
            pl.BlockSpec((_ROWS, H), lambda p: (p, 0)),
            pl.BlockSpec((1, 1, H), lambda p: (p // _G, 0, 0)),
            pl.BlockSpec((1, H, H), lambda p: (p // _G, 0, 0)),
            pl.BlockSpec((1, H, H), lambda p: (p // _G, 0, 0)),
        ],
        out_specs=[
            pl.BlockSpec((_ROWS, H), lambda p: (p, 0)),
            pl.BlockSpec((_ROWS, H), lambda p: (p, 0)),
        ],
        out_shape=[
            jax.ShapeDtypeStruct((2 * N, H), jnp.bfloat16),
            jax.ShapeDtypeStruct((2 * N, H), jnp.float32),
        ],
    )(S1, Cf, st1, bl2, Wl2s, Wr2s)


def _tc_final(S2, Cf, st2, bl2):

    def body(S_ref, C_ref, st_ref, b_ref, h2_ref):
        inv = 1.0 / jnp.maximum(C_ref[...][:, 0:1], 1.0)
        h2_ref[...] = (S_ref[...].astype(jnp.float32) * inv
                       + b_ref[0] + st_ref[...])

    return pl.pallas_call(
        body,
        grid=(2 * _G,),
        in_specs=[
            pl.BlockSpec((_ROWS, H), lambda p: (_half_idx(p), 0)),
            pl.BlockSpec((_ROWS, 16), lambda p: (_half_idx(p), 0)),
            pl.BlockSpec((_ROWS, H), lambda p: (p, 0)),
            pl.BlockSpec((1, 1, H), lambda p: (p // _G, 0, 0)),
        ],
        out_specs=pl.BlockSpec((_ROWS, H), lambda p: (p, 0)),
        out_shape=jax.ShapeDtypeStruct((2 * N, H), jnp.float32),
    )(S2, Cf, st2, bl2)


def kernel(x_user, x_recipe, node_id_user, node_id_recipe, edge_index_u2r,
           edge_index_r2u, edge_label_index, W_user_lin, b_user_lin,
           W_recipe_lin, b_recipe_lin, emb_user, emb_recipe,
           Wl1_u2r, bl1_u2r, Wr1_u2r, Wl1_r2u, bl1_r2u, Wr1_r2u,
           Wl2_u2r, bl2_u2r, Wr2_u2r, Wl2_r2u, bl2_r2u, Wr2_r2u):
    xup = jnp.pad(x_user, ((0, 0), (0, 6)))
    Wup = jnp.pad(W_user_lin, ((0, 6), (0, 0)))

    b2 = jnp.stack([b_recipe_lin, b_user_lin]).reshape(2, 1, H)
    Wl1s = jnp.stack([Wl1_r2u, Wl1_u2r])
    Wr1s = jnp.stack([Wr1_u2r, Wr1_r2u])
    bl1s = jnp.stack([bl1_u2r, bl1_r2u]).reshape(2, 1, H)
    Wl2s = jnp.stack([Wl2_r2u, Wl2_u2r])
    Wr2s = jnp.stack([Wr2_u2r, Wr2_r2u])
    bl2s = jnp.stack([bl2_u2r, bl2_r2u]).reshape(2, 1, H)

    m1, st1 = _tc_encode(x_recipe, xup, emb_recipe, emb_user,
                         W_recipe_lin, Wup, b2, Wl1s, Wr1s)

    src_all = jnp.concatenate(
        [edge_index_r2u[0], edge_index_u2r[0]]).reshape(NTILE, NCHUNK, CW)
    dst_all = jnp.concatenate(
        [edge_index_r2u[1], edge_index_u2r[1]]).reshape(NTILE, NCHUNK, CW)

    S1, C = _sc_aggregate(m1, src_all, dst_all, with_counts=True)
    Cf = C.reshape(2 * N, 16)

    m2, st2 = _tc_mid(S1.reshape(2 * N, H), Cf, st1, bl1s, Wl2s, Wr2s)

    (S2,) = _sc_aggregate(m2, src_all, dst_all, with_counts=False)

    h2 = _tc_final(S2.reshape(2 * N, H), Cf, st2, bl2s)

    pad = jnp.zeros((ELP - edge_label_index.shape[1],), jnp.int32)
    el0 = jnp.concatenate([edge_label_index[0], pad]).reshape(NTILE, SCH, SCW)
    el1 = jnp.concatenate([edge_label_index[1], pad]).reshape(NTILE, SCH, SCW)
    scores = _sc_score(h2, el0, el1)
    return scores.reshape(-1)[:edge_label_index.shape[1]]

# --- scband reference (transcript-rebuilt; emitter-appended) ---
"""Pipeline reference for scband-model-53420803227981 (READ-ONLY COPY).

The authoritative reference and input builder live on the scoring server;
editing this copy changes nothing except your own understanding.
"""

import jax, jax.numpy as jnp
import numpy as np

N_USER = 10000
N_RECIPE = 10000
E = 320000
EL = 100000
H = 128
UF = 58
RF = 512


def setup_inputs(seed: int = 0) -> dict:
    key = jax.random.key(seed)
    ks = jax.random.split(key, 30)
    d = {}
    d["x_user"] = jax.random.normal(ks[0], (N_USER, UF), dtype=jnp.float32)
    d["x_recipe"] = jax.random.normal(ks[1], (N_RECIPE, RF), dtype=jnp.float32)
    d["node_id_user"] = jnp.arange(N_USER, dtype=jnp.int32)
    d["node_id_recipe"] = jnp.arange(N_RECIPE, dtype=jnp.int32)
    d["edge_index_u2r"] = jnp.stack([
        jax.random.randint(ks[2], (E,), 0, N_USER),
        jax.random.randint(ks[3], (E,), 0, N_RECIPE)]).astype(jnp.int32)
    d["edge_index_r2u"] = jnp.stack([
        jax.random.randint(ks[4], (E,), 0, N_RECIPE),
        jax.random.randint(ks[5], (E,), 0, N_USER)]).astype(jnp.int32)
    d["edge_label_index"] = jnp.stack([
        jax.random.randint(ks[6], (EL,), 0, N_USER),
        jax.random.randint(ks[7], (EL,), 0, N_RECIPE)]).astype(jnp.int32)
    idx = [8]
    def p(shape):
        w = jax.random.normal(ks[idx[0]], shape, dtype=jnp.float32) * 0.05
        idx[0] += 1
        return w
    d["W_user_lin"] = p((UF, H)); d["b_user_lin"] = p((H,))
    d["W_recipe_lin"] = p((RF, H)); d["b_recipe_lin"] = p((H,))
    d["emb_user"] = p((N_USER, H)); d["emb_recipe"] = p((N_RECIPE, H))
    for layer in (1, 2):
        for et in ("u2r", "r2u"):
            d["Wl%d_%s" % (layer, et)] = p((H, H))
            d["bl%d_%s" % (layer, et)] = p((H,))
            d["Wr%d_%s" % (layer, et)] = p((H, H))
    return d


def _sage(x_src, x_dst, edge_index, Wl, bl, Wr):
    # PyG SAGEConv with mean aggregation: lin_l(mean_j x_src[j]) + lin_r(x_dst)
    src = edge_index[0]
    dst = edge_index[1]
    num_dst = x_dst.shape[0]
    msgs = jnp.take(x_src, src, axis=0)
    summed = jax.ops.segment_sum(msgs, dst, num_segments=num_dst)
    cnt = jax.ops.segment_sum(jnp.ones((edge_index.shape[1],), dtype=x_src.dtype), dst, num_segments=num_dst)
    mean = summed / jnp.clip(cnt, 1.0)[:, None]
    return mean @ Wl + bl + x_dst @ Wr


def reference(x_user, x_recipe, node_id_user, node_id_recipe,
              edge_index_u2r, edge_index_r2u, edge_label_index,
              W_user_lin, b_user_lin, W_recipe_lin, b_recipe_lin,
              emb_user, emb_recipe,
              Wl1_u2r, bl1_u2r, Wr1_u2r, Wl1_r2u, bl1_r2u, Wr1_r2u,
              Wl2_u2r, bl2_u2r, Wr2_u2r, Wl2_r2u, bl2_r2u, Wr2_r2u):
    xu = x_user @ W_user_lin + b_user_lin + jnp.take(emb_user, node_id_user, axis=0)
    xr = x_recipe @ W_recipe_lin + b_recipe_lin + jnp.take(emb_recipe, node_id_recipe, axis=0)
    # hetero GraphSAGE layer 1 (relu), simultaneous update from previous dict
    hu = jax.nn.relu(_sage(xr, xu, edge_index_r2u, Wl1_r2u, bl1_r2u, Wr1_r2u))
    hr = jax.nn.relu(_sage(xu, xr, edge_index_u2r, Wl1_u2r, bl1_u2r, Wr1_u2r))
    # layer 2 (no relu)
    hu2 = _sage(hr, hu, edge_index_r2u, Wl2_r2u, bl2_r2u, Wr2_r2u)
    hr2 = _sage(hu, hr, edge_index_u2r, Wl2_u2r, bl2_u2r, Wr2_u2r)
    # dot-product edge classifier
    eu = jnp.take(hu2, edge_label_index[0], axis=0)
    er = jnp.take(hr2, edge_label_index[1], axis=0)
    return (eu * er).sum(axis=-1)

if __name__ == "__main__":
    import jax
    _d = setup_inputs()
    print(jax.jit(kernel)(*tuple(_d.values())))

</pallas_src>

<mosaic_0001>
#map = affine_map<(d0, d1) -> (0, 0)>
#map1 = affine_map<(d0, d1) -> (0, 0, 0)>
module attributes {stable_mosaic.version = 14 : i64} {
  func.func @_agg_body(%arg0: i32, %arg1: i32, %arg2: memref<20000x128xbf16, #tpu.memory_space<hbm>>, %arg3: memref<32x250x80xi32, #tpu.memory_space<hbm>>, %arg4: memref<32x250x80xi32, #tpu.memory_space<hbm>>, %arg5: memref<32x625x128xbf16, #tpu.memory_space<hbm>>, %arg6: memref<32x625x16xf32, #tpu.memory_space<hbm>>, %arg7: memref<250x80xi32, #tpu.memory_space<vmem>>, %arg8: memref<250x80xi32, #tpu.memory_space<vmem>>, %arg9: memref<125x128xbf16, #tpu.memory_space<vmem>>, %arg10: memref<10000x128xbf16, #tpu.memory_space<vmem_shared>>, %arg11: memref<80x16xf32, #tpu.memory_space<vmem>>, %arg12: memref<125x16xf32, #tpu.memory_space<vmem>>, %arg13: memref<10000x16xf32, #tpu.memory_space<vmem_shared>>, %arg14: memref<80x128xbf16, #tpu.memory_space<vmem>>, %arg15: memref<80x128xbf16, #tpu.memory_space<vmem>>, %arg16: memref<80x128xbf16, #tpu.memory_space<vmem>>, %arg17: memref<80x128xbf16, #tpu.memory_space<vmem>>, %arg18: memref<80x128xbf16, #tpu.memory_space<vmem>>, %arg19: memref<!tpu.dma_semaphore, #tpu.memory_space<semaphore_mem>>, %arg20: memref<!tpu.dma_semaphore, #tpu.memory_space<semaphore_mem>>, %arg21: memref<!tpu.dma_semaphore, #tpu.memory_space<semaphore_mem>>, %arg22: memref<!tpu.dma_semaphore, #tpu.memory_space<semaphore_mem>>, %arg23: memref<!tpu.dma_semaphore, #tpu.memory_space<semaphore_mem>>) attributes {dimension_semantics = [#tpu.dimension_semantics<core_parallel>, #tpu.dimension_semantics<subcore_parallel>], iteration_bounds = array<i64: 2, 16>, scalar_prefetch = 0 : i64, scratch_operands = 17 : i64, tpu.core_type = #tpu.core_type<sc_vector_subcore>, window_params = [{transform_indices = #map}, {transform_indices = #map1}, {transform_indices = #map1}, {transform_indices = #map1}, {transform_indices = #map1}]} {
    %mul3A = arith.constant 16 : i32
    %mul3A_0 = arith.muli %arg0, %mul3A : i32
    %add3A = arith.addi %mul3A_0, %arg1 : i32
    %broadcast_in_dim3A = arith.constant 0.000000e+00 : bf16
    %broadcast_in_dim3A_1 = vector.broadcast %broadcast_in_dim3A : bf16 to vector<32xbf16>
    %scan3A = arith.constant 0 : i32
    %scan3A_2 = arith.constant 0 : i32
    %scan3A_3 = arith.constant 125 : i32
    %scan3A_4 = arith.addi %scan3A_2, %scan3A_3 : i32
    %scan3A_5 = arith.constant 1 : i32
    %scan3A_6 = scf.for %scan3A_125 = %scan3A_2 to %scan3A_4 step %scan3A_5 iter_args(%scan3A_126 = %scan3A) -> (i32)  : i32 {
      %swap3A = arith.index_cast %scan3A_125 : i32 to index
      %swap3A_127 = arith.constant 0 : index
      %swap3A_128 = tpu.vector_load %arg9[%swap3A, %swap3A_127] {strides = array<i32>} : memref<125x128xbf16, #tpu.memory_space<vmem>>, vector<1x32xbf16>,
      %swap3A_129 = vector.shape_cast %swap3A_128 : vector<1x32xbf16> to vector<32xbf16>
      %swap3A_130 = vector.shape_cast %broadcast_in_dim3A_1 : vector<32xbf16> to vector<1x32xbf16>
      tpu.vector_store %arg9[%swap3A, %swap3A_127], %swap3A_130 {strides = array<i32>} : memref<125x128xbf16, #tpu.memory_space<vmem>>, vector<1x32xbf16>,
      %swap3A_131 = arith.index_cast %scan3A_125 : i32 to index
      %swap3A_132 = arith.constant 32 : index
      %swap3A_133 = tpu.vector_load %arg9[%swap3A_131, %swap3A_132] {strides = array<i32>} : memref<125x128xbf16, #tpu.memory_space<vmem>>, vector<1x32xbf16>,
      %swap3A_134 = vector.shape_cast %swap3A_133 : vector<1x32xbf16> to vector<32xbf16>
      %swap3A_135 = vector.shape_cast %broadcast_in_dim3A_1 : vector<32xbf16> to vector<1x32xbf16>
      tpu.vector_store %arg9[%swap3A_131, %swap3A_132], %swap3A_135 {strides = array<i32>} : memref<125x128xbf16, #tpu.memory_space<vmem>>, vector<1x32xbf16>,
      %swap3A_136 = arith.index_cast %scan3A_125 : i32 to index
      %swap3A_137 = arith.constant 64 : index
      %swap3A_138 = tpu.vector_load %arg9[%swap3A_136, %swap3A_137] {strides = array<i32>} : memref<125x128xbf16, #tpu.memory_space<vmem>>, vector<1x32xbf16>,
      %swap3A_139 = vector.shape_cast %swap3A_138 : vector<1x32xbf16> to vector<32xbf16>
      %swap3A_140 = vector.shape_cast %broadcast_in_dim3A_1 : vector<32xbf16> to vector<1x32xbf16>
      tpu.vector_store %arg9[%swap3A_136, %swap3A_137], %swap3A_140 {strides = array<i32>} : memref<125x128xbf16, #tpu.memory_space<vmem>>, vector<1x32xbf16>,
      %swap3A_141 = arith.index_cast %scan3A_125 : i32 to index
      %swap3A_142 = arith.constant 96 : index
      %swap3A_143 = tpu.vector_load %arg9[%swap3A_141, %swap3A_142] {strides = array<i32>} : memref<125x128xbf16, #tpu.memory_space<vmem>>, vector<1x32xbf16>,
      %swap3A_144 = vector.shape_cast %swap3A_143 : vector<1x32xbf16> to vector<32xbf16>
      %swap3A_145 = vector.shape_cast %broadcast_in_dim3A_1 : vector<32xbf16> to vector<1x32xbf16>
      tpu.vector_store %arg9[%swap3A_141, %swap3A_142], %swap3A_145 {strides = array<i32>} : memref<125x128xbf16, #tpu.memory_space<vmem>>, vector<1x32xbf16>,
      %scan3A_146 = arith.constant 0 : i32
      scf.yield %scan3A_146 : i32
    }
    %scan3A_7 = arith.constant 125 : i32
    %broadcast_in_dim3A_8 = arith.constant 1.000000e+00 : f32
    %broadcast_in_dim3A_9 = vector.broadcast %broadcast_in_dim3A_8 : f32 to vector<16xf32>
    %scan3A_10 = arith.constant 0 : i32
    %scan3A_11 = arith.constant 0 : i32
    %scan3A_12 = arith.constant 80 : i32
    %scan3A_13 = arith.addi %scan3A_11, %scan3A_12 : i32
    %scan3A_14 = arith.constant 1 : i32
    %scan3A_15 = scf.for %scan3A_125 = %scan3A_11 to %scan3A_13 step %scan3A_14 iter_args(%scan3A_126 = %scan3A_10) -> (i32)  : i32 {
      %swap3A = arith.index_cast %scan3A_125 : i32 to index
      %swap3A_127 = arith.constant 0 : index
      %swap3A_128 = tpu.vector_load %arg11[%swap3A, %swap3A_127] {strides = array<i32>} : memref<80x16xf32, #tpu.memory_space<vmem>>, vector<1x16xf32>,
      %swap3A_129 = vector.shape_cast %swap3A_128 : vector<1x16xf32> to vector<16xf32>
      %swap3A_130 = vector.shape_cast %broadcast_in_dim3A_9 : vector<16xf32> to vector<1x16xf32>
      tpu.vector_store %arg11[%swap3A, %swap3A_127], %swap3A_130 {strides = array<i32>} : memref<80x16xf32, #tpu.memory_space<vmem>>, vector<1x16xf32>,
      %scan3A_131 = arith.constant 0 : i32
      scf.yield %scan3A_131 : i32
    }
    %scan3A_16 = arith.constant 80 : i32
    %broadcast_in_dim3A_17 = arith.constant 0.000000e+00 : f32
    %broadcast_in_dim3A_18 = vector.broadcast %broadcast_in_dim3A_17 : f32 to vector<16xf32>
    %scan3A_19 = arith.constant 0 : i32
    %scan3A_20 = arith.constant 0 : i32
    %scan3A_21 = arith.constant 125 : i32
    %scan3A_22 = arith.addi %scan3A_20, %scan3A_21 : i32
    %scan3A_23 = arith.constant 1 : i32
    %scan3A_24 = scf.for %scan3A_125 = %scan3A_20 to %scan3A_22 step %scan3A_23 iter_args(%scan3A_126 = %scan3A_19) -> (i32)  : i32 {
      %swap3A = arith.index_cast %scan3A_125 : i32 to index
      %swap3A_127 = arith.constant 0 : index
      %swap3A_128 = tpu.vector_load %arg12[%swap3A, %swap3A_127] {strides = array<i32>} : memref<125x16xf32, #tpu.memory_space<vmem>>, vector<1x16xf32>,
      %swap3A_129 = vector.shape_cast %swap3A_128 : vector<1x16xf32> to vector<16xf32>
      %swap3A_130 = vector.shape_cast %broadcast_in_dim3A_18 : vector<16xf32> to vector<1x16xf32>
      tpu.vector_store %arg12[%swap3A, %swap3A_127], %swap3A_130 {strides = array<i32>} : memref<125x16xf32, #tpu.memory_space<vmem>>, vector<1x16xf32>,
      %scan3A_131 = arith.constant 0 : i32
      scf.yield %scan3A_131 : i32
    }
    %scan3A_25 = arith.constant 125 : i32
    "tpu.region"() ({
      %run_scoped3A = tpu.sem_alloc : memref<!tpu.dma_semaphore, #tpu.memory_space<semaphore_mem>>
      %dma_start3A_125 = arith.constant 0 : i32
      %dma_start3A_126 = arith.constant 0 : i32
      %dma_start3A_127 = tpu.memref_slice %arg3[%add3A, %dma_start3A_125, %dma_start3A_126] : memref<32x250x80xi32, #tpu.memory_space<hbm>> -> memref<1x250x80xi32, #tpu.memory_space<hbm>>
      %dma_start3A_128 = tpu.memref_squeeze %dma_start3A_127 : memref<1x250x80xi32, #tpu.memory_space<hbm>> -> memref<250x80xi32, #tpu.memory_space<hbm>>
      %dma_start3A_129 = arith.constant 0 : i32
      %dma_start3A_130 = arith.constant 0 : i32
      %dma_start3A_131 = tpu.memref_slice %arg3[%add3A, %dma_start3A_129, %dma_start3A_130] : memref<32x250x80xi32, #tpu.memory_space<hbm>> -> memref<1x250x80xi32, #tpu.memory_space<hbm>>
      %dma_start3A_132 = tpu.memref_squeeze %dma_start3A_131 : memref<1x250x80xi32, #tpu.memory_space<hbm>> -> memref<250x80xi32, #tpu.memory_space<hbm>>
      tpu.enqueue_dma source(%dma_start3A_132 : memref<250x80xi32, #tpu.memory_space<hbm>>) target(%arg7 : memref<250x80xi32, #tpu.memory_space<vmem>>) target_semaphore(%run_scoped3A : memref<!tpu.dma_semaphore, #tpu.memory_space<semaphore_mem>>)
      %dma_wait3A = arith.constant 0 : i32
      %dma_wait3A_133 = arith.constant 0 : i32
      %dma_wait3A_134 = tpu.memref_slice %arg3[%add3A, %dma_wait3A, %dma_wait3A_133] : memref<32x250x80xi32, #tpu.memory_space<hbm>> -> memref<1x250x80xi32, #tpu.memory_space<hbm>>
      %dma_wait3A_135 = tpu.memref_squeeze %dma_wait3A_134 : memref<1x250x80xi32, #tpu.memory_space<hbm>> -> memref<250x80xi32, #tpu.memory_space<hbm>>
      %dma_wait3A_136 = arith.constant 0 : i32
      %dma_wait3A_137 = arith.constant 0 : i32
      %dma_wait3A_138 = tpu.memref_slice %arg3[%add3A, %dma_wait3A_136, %dma_wait3A_137] : memref<32x250x80xi32, #tpu.memory_space<hbm>> -> memref<1x250x80xi32, #tpu.memory_space<hbm>>
      %dma_wait3A_139 = tpu.memref_squeeze %dma_wait3A_138 : memref<1x250x80xi32, #tpu.memory_space<hbm>> -> memref<250x80xi32, #tpu.memory_space<hbm>>
      tpu.wait_dma2 semaphore(%run_scoped3A : memref<!tpu.dma_semaphore, #tpu.memory_space<semaphore_mem>>) src(%dma_wait3A_139 : memref<250x80xi32, #tpu.memory_space<hbm>>) dst(%arg7 : memref<250x80xi32, #tpu.memory_space<vmem>>)
      tpu.yield
    }) : () -> ()
    "tpu.region"() ({
      %run_scoped3A = tpu.sem_alloc : memref<!tpu.dma_semaphore, #tpu.memory_space<semaphore_mem>>
      %dma_start3A_125 = arith.constant 0 : i32
      %dma_start3A_126 = arith.constant 0 : i32
      %dma_start3A_127 = tpu.memref_slice %arg4[%add3A, %dma_start3A_125, %dma_start3A_126] : memref<32x250x80xi32, #tpu.memory_space<hbm>> -> memref<1x250x80xi32, #tpu.memory_space<hbm>>
      %dma_start3A_128 = tpu.memref_squeeze %dma_start3A_127 : memref<1x250x80xi32, #tpu.memory_space<hbm>> -> memref<250x80xi32, #tpu.memory_space<hbm>>
      %dma_start3A_129 = arith.constant 0 : i32
      %dma_start3A_130 = arith.constant 0 : i32
      %dma_start3A_131 = tpu.memref_slice %arg4[%add3A, %dma_start3A_129, %dma_start3A_130] : memref<32x250x80xi32, #tpu.memory_space<hbm>> -> memref<1x250x80xi32, #tpu.memory_space<hbm>>
      %dma_start3A_132 = tpu.memref_squeeze %dma_start3A_131 : memref<1x250x80xi32, #tpu.memory_space<hbm>> -> memref<250x80xi32, #tpu.memory_space<hbm>>
      tpu.enqueue_dma source(%dma_start3A_132 : memref<250x80xi32, #tpu.memory_space<hbm>>) target(%arg8 : memref<250x80xi32, #tpu.memory_space<vmem>>) target_semaphore(%run_scoped3A : memref<!tpu.dma_semaphore, #tpu.memory_space<semaphore_mem>>)
      %dma_wait3A = arith.constant 0 : i32
      %dma_wait3A_133 = arith.constant 0 : i32
      %dma_wait3A_134 = tpu.memref_slice %arg4[%add3A, %dma_wait3A, %dma_wait3A_133] : memref<32x250x80xi32, #tpu.memory_space<hbm>> -> memref<1x250x80xi32, #tpu.memory_space<hbm>>
      %dma_wait3A_135 = tpu.memref_squeeze %dma_wait3A_134 : memref<1x250x80xi32, #tpu.memory_space<hbm>> -> memref<250x80xi32, #tpu.memory_space<hbm>>
      %dma_wait3A_136 = arith.constant 0 : i32
      %dma_wait3A_137 = arith.constant 0 : i32
      %dma_wait3A_138 = tpu.memref_slice %arg4[%add3A, %dma_wait3A_136, %dma_wait3A_137] : memref<32x250x80xi32, #tpu.memory_space<hbm>> -> memref<1x250x80xi32, #tpu.memory_space<hbm>>
      %dma_wait3A_139 = tpu.memref_squeeze %dma_wait3A_138 : memref<1x250x80xi32, #tpu.memory_space<hbm>> -> memref<250x80xi32, #tpu.memory_space<hbm>>
      tpu.wait_dma2 semaphore(%run_scoped3A : memref<!tpu.dma_semaphore, #tpu.memory_space<semaphore_mem>>) src(%dma_wait3A_139 : memref<250x80xi32, #tpu.memory_space<hbm>>) dst(%arg8 : memref<250x80xi32, #tpu.memory_space<vmem>>)
      tpu.yield
    }) : () -> ()
    %broadcast_in_dim3A_26 = arith.constant 0 : i32
    %broadcast_in_dim3A_27 = vector.broadcast %broadcast_in_dim3A_26 : i32 to vector<16xi32>
    %mul3A_28 = arith.constant 10000 : i32
    %mul3A_29 = arith.muli %arg0, %mul3A_28 : i32
    %add3A_30 = vector.broadcast %mul3A_29 : i32 to vector<16xi32>
    %add3A_31 = arith.addi %broadcast_in_dim3A_27, %add3A_30 : vector<16xi32>
    %scan3A_32 = arith.constant 0 : i32
    %scan3A_33 = arith.constant 0 : i32
    %scan3A_34 = arith.constant 250 : i32
    %scan3A_35 = arith.addi %scan3A_33, %scan3A_34 : i32
    %scan3A_36 = arith.constant 1 : i32
    %scan3A_37 = scf.for %scan3A_125 = %scan3A_33 to %scan3A_35 step %scan3A_36 iter_args(%scan3A_126 = %scan3A_32) -> (i32)  : i32 {
      %get3A = arith.index_cast %scan3A_125 : i32 to index
      %get3A_127 = arith.constant 0 : index
      %get3A_128 = tpu.vector_load %arg7[%get3A, %get3A_127] {strides = array<i32>} : memref<250x80xi32, #tpu.memory_space<vmem>>, vector<1x16xi32>,
      %get3A_129 = vector.shape_cast %get3A_128 : vector<1x16xi32> to vector<16xi32>
      %add3A_130 = arith.addi %get3A_129, %add3A_31 : vector<16xi32>
      %swap3A = arith.index_cast %scan3A_125 : i32 to index
      %swap3A_131 = arith.constant 0 : index
      %swap3A_132 = tpu.vector_load %arg7[%swap3A, %swap3A_131] {strides = array<i32>} : memref<250x80xi32, #tpu.memory_space<vmem>>, vector<1x16xi32>,
      %swap3A_133 = vector.shape_cast %swap3A_132 : vector<1x16xi32> to vector<16xi32>
      %swap3A_134 = vector.shape_cast %add3A_130 : vector<16xi32> to vector<1x16xi32>
      tpu.vector_store %arg7[%swap3A, %swap3A_131], %swap3A_134 {strides = array<i32>} : memref<250x80xi32, #tpu.memory_space<vmem>>, vector<1x16xi32>,
      %get3A_135 = arith.index_cast %scan3A_125 : i32 to index
      %get3A_136 = arith.constant 16 : index
      %get3A_137 = tpu.vector_load %arg7[%get3A_135, %get3A_136] {strides = array<i32>} : memref<250x80xi32, #tpu.memory_space<vmem>>, vector<1x16xi32>,
      %get3A_138 = vector.shape_cast %get3A_137 : vector<1x16xi32> to vector<16xi32>
      %add3A_139 = arith.addi %get3A_138, %add3A_31 : vector<16xi32>
      %swap3A_140 = arith.index_cast %scan3A_125 : i32 to index
      %swap3A_141 = arith.constant 16 : index
      %swap3A_142 = tpu.vector_load %arg7[%swap3A_140, %swap3A_141] {strides = array<i32>} : memref<250x80xi32, #tpu.memory_space<vmem>>, vector<1x16xi32>,
      %swap3A_143 = vector.shape_cast %swap3A_142 : vector<1x16xi32> to vector<16xi32>
      %swap3A_144 = vector.shape_cast %add3A_139 : vector<16xi32> to vector<1x16xi32>
      tpu.vector_store %arg7[%swap3A_140, %swap3A_141], %swap3A_144 {strides = array<i32>} : memref<250x80xi32, #tpu.memory_space<vmem>>, vector<1x16xi32>,
      %get3A_145 = arith.index_cast %scan3A_125 : i32 to index
      %get3A_146 = arith.constant 32 : index
      %get3A_147 = tpu.vector_load %arg7[%get3A_145, %get3A_146] {strides = array<i32>} : memref<250x80xi32, #tpu.memory_space<vmem>>, vector<1x16xi32>,
      %get3A_148 = vector.shape_cast %get3A_147 : vector<1x16xi32> to vector<16xi32>
      %add3A_149 = arith.addi %get3A_148, %add3A_31 : vector<16xi32>
      %swap3A_150 = arith.index_cast %scan3A_125 : i32 to index
      %swap3A_151 = arith.constant 32 : index
      %swap3A_152 = tpu.vector_load %arg7[%swap3A_150, %swap3A_151] {strides = array<i32>} : memref<250x80xi32, #tpu.memory_space<vmem>>, vector<1x16xi32>,
      %swap3A_153 = vector.shape_cast %swap3A_152 : vector<1x16xi32> to vector<16xi32>
      %swap3A_154 = vector.shape_cast %add3A_149 : vector<16xi32> to vector<1x16xi32>
      tpu.vector_store %arg7[%swap3A_150, %swap3A_151], %swap3A_154 {strides = array<i32>} : memref<250x80xi32, #tpu.memory_space<vmem>>, vector<1x16xi32>,
      %get3A_155 = arith.index_cast %scan3A_125 : i32 to index
      %get3A_156 = arith.constant 48 : index
      %get3A_157 = tpu.vector_load %arg7[%get3A_155, %get3A_156] {strides = array<i32>} : memref<250x80xi32, #tpu.memory_space<vmem>>, vector<1x16xi32>,
      %get3A_158 = vector.shape_cast %get3A_157 : vector<1x16xi32> to vector<16xi32>
      %add3A_159 = arith.addi %get3A_158, %add3A_31 : vector<16xi32>
      %swap3A_160 = arith.index_cast %scan3A_125 : i32 to index
      %swap3A_161 = arith.constant 48 : index
      %swap3A_162 = tpu.vector_load %arg7[%swap3A_160, %swap3A_161] {strides = array<i32>} : memref<250x80xi32, #tpu.memory_space<vmem>>, vector<1x16xi32>,
      %swap3A_163 = vector.shape_cast %swap3A_162 : vector<1x16xi32> to vector<16xi32>
      %swap3A_164 = vector.shape_cast %add3A_159 : vector<16xi32> to vector<1x16xi32>
      tpu.vector_store %arg7[%swap3A_160, %swap3A_161], %swap3A_164 {strides = array<i32>} : memref<250x80xi32, #tpu.memory_space<vmem>>, vector<1x16xi32>,
      %get3A_165 = arith.index_cast %scan3A_125 : i32 to index
      %get3A_166 = arith.constant 64 : index
      %get3A_167 = tpu.vector_load %arg7[%get3A_165, %get3A_166] {strides = array<i32>} : memref<250x80xi32, #tpu.memory_space<vmem>>, vector<1x16xi32>,
      %get3A_168 = vector.shape_cast %get3A_167 : vector<1x16xi32> to vector<16xi32>
      %add3A_169 = arith.addi %get3A_168, %add3A_31 : vector<16xi32>
      %swap3A_170 = arith.index_cast %scan3A_125 : i32 to index
      %swap3A_171 = arith.constant 64 : index
      %swap3A_172 = tpu.vector_load %arg7[%swap3A_170, %swap3A_171] {strides = array<i32>} : memref<250x80xi32, #tpu.memory_space<vmem>>, vector<1x16xi32>,
      %swap3A_173 = vector.shape_cast %swap3A_172 : vector<1x16xi32> to vector<16xi32>
      %swap3A_174 = vector.shape_cast %add3A_169 : vector<16xi32> to vector<1x16xi32>
      tpu.vector_store %arg7[%swap3A_170, %swap3A_171], %swap3A_174 {strides = array<i32>} : memref<250x80xi32, #tpu.memory_space<vmem>>, vector<1x16xi32>,
      %scan3A_175 = arith.constant 0 : i32
      scf.yield %scan3A_175 : i32
    }
    %scan3A_38 = arith.constant 250 : i32
    %mul3A_39 = arith.constant 625 : i32
    %mul3A_40 = arith.muli %arg1, %mul3A_39 : i32
    %add3A_41 = arith.constant 0 : i32
    %add3A_42 = arith.addi %mul3A_40, %add3A_41 : i32
    "tpu.region"() ({
      %run_scoped3A = tpu.sem_alloc : memref<!tpu.dma_semaphore, #tpu.memory_space<semaphore_mem>>
      %dma_start3A_125 = arith.constant 0 : i32
      %dma_start3A_126 = tpu.memref_slice %arg10[%add3A_42, %dma_start3A_125] : memref<10000x128xbf16, #tpu.memory_space<vmem_shared>> -> memref<125x128xbf16, #tpu.memory_space<vmem_shared>>
      %dma_start3A_127 = arith.constant 0 : i32
      %dma_start3A_128 = tpu.memref_slice %arg10[%add3A_42, %dma_start3A_127] : memref<10000x128xbf16, #tpu.memory_space<vmem_shared>> -> memref<125x128xbf16, #tpu.memory_space<vmem_shared>>
      tpu.enqueue_dma source(%arg9 : memref<125x128xbf16, #tpu.memory_space<vmem>>) target(%dma_start3A_128 : memref<125x128xbf16, #tpu.memory_space<vmem_shared>>) target_semaphore(%run_scoped3A : memref<!tpu.dma_semaphore, #tpu.memory_space<semaphore_mem>>)
      %dma_wait3A = arith.constant 0 : i32
      %dma_wait3A_129 = tpu.memref_slice %arg10[%add3A_42, %dma_wait3A] : memref<10000x128xbf16, #tpu.memory_space<vmem_shared>> -> memref<125x128xbf16, #tpu.memory_space<vmem_shared>>
      %dma_wait3A_130 = arith.constant 0 : i32
      %dma_wait3A_131 = tpu.memref_slice %arg10[%add3A_42, %dma_wait3A_130] : memref<10000x128xbf16, #tpu.memory_space<vmem_shared>> -> memref<125x128xbf16, #tpu.memory_space<vmem_shared>>
      tpu.wait_dma2 semaphore(%run_scoped3A : memref<!tpu.dma_semaphore, #tpu.memory_space<semaphore_mem>>) src(%arg9 : memref<125x128xbf16, #tpu.memory_space<vmem>>) dst(%dma_wait3A_131 : memref<125x128xbf16, #tpu.memory_space<vmem_shared>>)
      tpu.yield
    }) : () -> ()
    %mul3A_43 = arith.constant 625 : i32
    %mul3A_44 = arith.muli %arg1, %mul3A_43 : i32
    %add3A_45 = arith.constant 125 : i32
    %add3A_46 = arith.addi %mul3A_44, %add3A_45 : i32
    "tpu.region"() ({
      %run_scoped3A = tpu.sem_alloc : memref<!tpu.dma_semaphore, #tpu.memory_space<semaphore_mem>>
      %dma_start3A_125 = arith.constant 0 : i32
      %dma_start3A_126 = tpu.memref_slice %arg10[%add3A_46, %dma_start3A_125] : memref<10000x128xbf16, #tpu.memory_space<vmem_shared>> -> memref<125x128xbf16, #tpu.memory_space<vmem_shared>>
      %dma_start3A_127 = arith.constant 0 : i32
      %dma_start3A_128 = tpu.memref_slice %arg10[%add3A_46, %dma_start3A_127] : memref<10000x128xbf16, #tpu.memory_space<vmem_shared>> -> memref<125x128xbf16, #tpu.memory_space<vmem_shared>>
      tpu.enqueue_dma source(%arg9 : memref<125x128xbf16, #tpu.memory_space<vmem>>) target(%dma_start3A_128 : memref<125x128xbf16, #tpu.memory_space<vmem_shared>>) target_semaphore(%run_scoped3A : memref<!tpu.dma_semaphore, #tpu.memory_space<semaphore_mem>>)
      %dma_wait3A = arith.constant 0 : i32
      %dma_wait3A_129 = tpu.memref_slice %arg10[%add3A_46, %dma_wait3A] : memref<10000x128xbf16, #tpu.memory_space<vmem_shared>> -> memref<125x128xbf16, #tpu.memory_space<vmem_shared>>
      %dma_wait3A_130 = arith.constant 0 : i32
      %dma_wait3A_131 = tpu.memref_slice %arg10[%add3A_46, %dma_wait3A_130] : memref<10000x128xbf16, #tpu.memory_space<vmem_shared>> -> memref<125x128xbf16, #tpu.memory_space<vmem_shared>>
      tpu.wait_dma2 semaphore(%run_scoped3A : memref<!tpu.dma_semaphore, #tpu.memory_space<semaphore_mem>>) src(%arg9 : memref<125x128xbf16, #tpu.memory_space<vmem>>) dst(%dma_wait3A_131 : memref<125x128xbf16, #tpu.memory_space<vmem_shared>>)
      tpu.yield
    }) : () -> ()
    %mul3A_47 = arith.constant 625 : i32
    %mul3A_48 = arith.muli %arg1, %mul3A_47 : i32
    %add3A_49 = arith.constant 250 : i32
    %add3A_50 = arith.addi %mul3A_48, %add3A_49 : i32
    "tpu.region"() ({
      %run_scoped3A = tpu.sem_alloc : memref<!tpu.dma_semaphore, #tpu.memory_space<semaphore_mem>>
      %dma_start3A_125 = arith.constant 0 : i32
      %dma_start3A_126 = tpu.memref_slice %arg10[%add3A_50, %dma_start3A_125] : memref<10000x128xbf16, #tpu.memory_space<vmem_shared>> -> memref<125x128xbf16, #tpu.memory_space<vmem_shared>>
      %dma_start3A_127 = arith.constant 0 : i32
      %dma_start3A_128 = tpu.memref_slice %arg10[%add3A_50, %dma_start3A_127] : memref<10000x128xbf16, #tpu.memory_space<vmem_shared>> -> memref<125x128xbf16, #tpu.memory_space<vmem_shared>>
      tpu.enqueue_dma source(%arg9 : memref<125x128xbf16, #tpu.memory_space<vmem>>) target(%dma_start3A_128 : memref<125x128xbf16, #tpu.memory_space<vmem_shared>>) target_semaphore(%run_scoped3A : memref<!tpu.dma_semaphore, #tpu.memory_space<semaphore_mem>>)
      %dma_wait3A = arith.constant 0 : i32
      %dma_wait3A_129 = tpu.memref_slice %arg10[%add3A_50, %dma_wait3A] : memref<10000x128xbf16, #tpu.memory_space<vmem_shared>> -> memref<125x128xbf16, #tpu.memory_space<vmem_shared>>
      %dma_wait3A_130 = arith.constant 0 : i32
      %dma_wait3A_131 = tpu.memref_slice %arg10[%add3A_50, %dma_wait3A_130] : memref<10000x128xbf16, #tpu.memory_space<vmem_shared>> -> memref<125x128xbf16, #tpu.memory_space<vmem_shared>>
      tpu.wait_dma2 semaphore(%run_scoped3A : memref<!tpu.dma_semaphore, #tpu.memory_space<semaphore_mem>>) src(%arg9 : memref<125x128xbf16, #tpu.memory_space<vmem>>) dst(%dma_wait3A_131 : memref<125x128xbf16, #tpu.memory_space<vmem_shared>>)
      tpu.yield
    }) : () -> ()
    %mul3A_51 = arith.constant 625 : i32
    %mul3A_52 = arith.muli %arg1, %mul3A_51 : i32
    %add3A_53 = arith.constant 375 : i32
    %add3A_54 = arith.addi %mul3A_52, %add3A_53 : i32
    "tpu.region"() ({
      %run_scoped3A = tpu.sem_alloc : memref<!tpu.dma_semaphore, #tpu.memory_space<semaphore_mem>>
      %dma_start3A_125 = arith.constant 0 : i32
      %dma_start3A_126 = tpu.memref_slice %arg10[%add3A_54, %dma_start3A_125] : memref<10000x128xbf16, #tpu.memory_space<vmem_shared>> -> memref<125x128xbf16, #tpu.memory_space<vmem_shared>>
      %dma_start3A_127 = arith.constant 0 : i32
      %dma_start3A_128 = tpu.memref_slice %arg10[%add3A_54, %dma_start3A_127] : memref<10000x128xbf16, #tpu.memory_space<vmem_shared>> -> memref<125x128xbf16, #tpu.memory_space<vmem_shared>>
      tpu.enqueue_dma source(%arg9 : memref<125x128xbf16, #tpu.memory_space<vmem>>) target(%dma_start3A_128 : memref<125x128xbf16, #tpu.memory_space<vmem_shared>>) target_semaphore(%run_scoped3A : memref<!tpu.dma_semaphore, #tpu.memory_space<semaphore_mem>>)
      %dma_wait3A = arith.constant 0 : i32
      %dma_wait3A_129 = tpu.memref_slice %arg10[%add3A_54, %dma_wait3A] : memref<10000x128xbf16, #tpu.memory_space<vmem_shared>> -> memref<125x128xbf16, #tpu.memory_space<vmem_shared>>
      %dma_wait3A_130 = arith.constant 0 : i32
      %dma_wait3A_131 = tpu.memref_slice %arg10[%add3A_54, %dma_wait3A_130] : memref<10000x128xbf16, #tpu.memory_space<vmem_shared>> -> memref<125x128xbf16, #tpu.memory_space<vmem_shared>>
      tpu.wait_dma2 semaphore(%run_scoped3A : memref<!tpu.dma_semaphore, #tpu.memory_space<semaphore_mem>>) src(%arg9 : memref<125x128xbf16, #tpu.memory_space<vmem>>) dst(%dma_wait3A_131 : memref<125x128xbf16, #tpu.memory_space<vmem_shared>>)
      tpu.yield
    }) : () -> ()
    %mul3A_55 = arith.constant 625 : i32
    %mul3A_56 = arith.muli %arg1, %mul3A_55 : i32
    %add3A_57 = arith.constant 500 : i32
    %add3A_58 = arith.addi %mul3A_56, %add3A_57 : i32
    "tpu.region"() ({
      %run_scoped3A = tpu.sem_alloc : memref<!tpu.dma_semaphore, #tpu.memory_space<semaphore_mem>>
      %dma_start3A_125 = arith.constant 0 : i32
      %dma_start3A_126 = tpu.memref_slice %arg10[%add3A_58, %dma_start3A_125] : memref<10000x128xbf16, #tpu.memory_space<vmem_shared>> -> memref<125x128xbf16, #tpu.memory_space<vmem_shared>>
      %dma_start3A_127 = arith.constant 0 : i32
      %dma_start3A_128 = tpu.memref_slice %arg10[%add3A_58, %dma_start3A_127] : memref<10000x128xbf16, #tpu.memory_space<vmem_shared>> -> memref<125x128xbf16, #tpu.memory_space<vmem_shared>>
      tpu.enqueue_dma source(%arg9 : memref<125x128xbf16, #tpu.memory_space<vmem>>) target(%dma_start3A_128 : memref<125x128xbf16, #tpu.memory_space<vmem_shared>>) target_semaphore(%run_scoped3A : memref<!tpu.dma_semaphore, #tpu.memory_space<semaphore_mem>>)
      %dma_wait3A = arith.constant 0 : i32
      %dma_wait3A_129 = tpu.memref_slice %arg10[%add3A_58, %dma_wait3A] : memref<10000x128xbf16, #tpu.memory_space<vmem_shared>> -> memref<125x128xbf16, #tpu.memory_space<vmem_shared>>
      %dma_wait3A_130 = arith.constant 0 : i32
      %dma_wait3A_131 = tpu.memref_slice %arg10[%add3A_58, %dma_wait3A_130] : memref<10000x128xbf16, #tpu.memory_space<vmem_shared>> -> memref<125x128xbf16, #tpu.memory_space<vmem_shared>>
      tpu.wait_dma2 semaphore(%run_scoped3A : memref<!tpu.dma_semaphore, #tpu.memory_space<semaphore_mem>>) src(%arg9 : memref<125x128xbf16, #tpu.memory_space<vmem>>) dst(%dma_wait3A_131 : memref<125x128xbf16, #tpu.memory_space<vmem_shared>>)
      tpu.yield
    }) : () -> ()
    %mul3A_59 = arith.constant 625 : i32
    %mul3A_60 = arith.muli %arg1, %mul3A_59 : i32
    %add3A_61 = arith.constant 0 : i32
    %add3A_62 = arith.addi %mul3A_60, %add3A_61 : i32
    "tpu.region"() ({
      %run_scoped3A = tpu.sem_alloc : memref<!tpu.dma_semaphore, #tpu.memory_space<semaphore_mem>>
      %dma_start3A_125 = arith.constant 0 : i32
      %dma_start3A_126 = tpu.memref_slice %arg13[%add3A_62, %dma_start3A_125] : memref<10000x16xf32, #tpu.memory_space<vmem_shared>> -> memref<125x16xf32, #tpu.memory_space<vmem_shared>>
      %dma_start3A_127 = arith.constant 0 : i32
      %dma_start3A_128 = tpu.memref_slice %arg13[%add3A_62, %dma_start3A_127] : memref<10000x16xf32, #tpu.memory_space<vmem_shared>> -> memref<125x16xf32, #tpu.memory_space<vmem_shared>>
      tpu.enqueue_dma source(%arg12 : memref<125x16xf32, #tpu.memory_space<vmem>>) target(%dma_start3A_128 : memref<125x16xf32, #tpu.memory_space<vmem_shared>>) target_semaphore(%run_scoped3A : memref<!tpu.dma_semaphore, #tpu.memory_space<semaphore_mem>>)
      %dma_wait3A = arith.constant 0 : i32
      %dma_wait3A_129 = tpu.memref_slice %arg13[%add3A_62, %dma_wait3A] : memref<10000x16xf32, #tpu.memory_space<vmem_shared>> -> memref<125x16xf32, #tpu.memory_space<vmem_shared>>
      %dma_wait3A_130 = arith.constant 0 : i32
      %dma_wait3A_131 = tpu.memref_slice %arg13[%add3A_62, %dma_wait3A_130] : memref<10000x16xf32, #tpu.memory_space<vmem_shared>> -> memref<125x16xf32, #tpu.memory_space<vmem_shared>>
      tpu.wait_dma2 semaphore(%run_scoped3A : memref<!tpu.dma_semaphore, #tpu.memory_space<semaphore_mem>>) src(%arg12 : memref<125x16xf32, #tpu.memory_space<vmem>>) dst(%dma_wait3A_131 : memref<125x16xf32, #tpu.memory_space<vmem_shared>>)
      tpu.yield
    }) : () -> ()
    %mul3A_63 = arith.constant 625 : i32
    %mul3A_64 = arith.muli %arg1, %mul3A_63 : i32
    %add3A_65 = arith.constant 125 : i32
    %add3A_66 = arith.addi %mul3A_64, %add3A_65 : i32
    "tpu.region"() ({
      %run_scoped3A = tpu.sem_alloc : memref<!tpu.dma_semaphore, #tpu.memory_space<semaphore_mem>>
      %dma_start3A_125 = arith.constant 0 : i32
      %dma_start3A_126 = tpu.memref_slice %arg13[%add3A_66, %dma_start3A_125] : memref<10000x16xf32, #tpu.memory_space<vmem_shared>> -> memref<125x16xf32, #tpu.memory_space<vmem_shared>>
      %dma_start3A_127 = arith.constant 0 : i32
      %dma_start3A_128 = tpu.memref_slice %arg13[%add3A_66, %dma_start3A_127] : memref<10000x16xf32, #tpu.memory_space<vmem_shared>> -> memref<125x16xf32, #tpu.memory_space<vmem_shared>>
      tpu.enqueue_dma source(%arg12 : memref<125x16xf32, #tpu.memory_space<vmem>>) target(%dma_start3A_128 : memref<125x16xf32, #tpu.memory_space<vmem_shared>>) target_semaphore(%run_scoped3A : memref<!tpu.dma_semaphore, #tpu.memory_space<semaphore_mem>>)
      %dma_wait3A = arith.constant 0 : i32
      %dma_wait3A_129 = tpu.memref_slice %arg13[%add3A_66, %dma_wait3A] : memref<10000x16xf32, #tpu.memory_space<vmem_shared>> -> memref<125x16xf32, #tpu.memory_space<vmem_shared>>
      %dma_wait3A_130 = arith.constant 0 : i32
      %dma_wait3A_131 = tpu.memref_slice %arg13[%add3A_66, %dma_wait3A_130] : memref<10000x16xf32, #tpu.memory_space<vmem_shared>> -> memref<125x16xf32, #tpu.memory_space<vmem_shared>>
      tpu.wait_dma2 semaphore(%run_scoped3A : memref<!tpu.dma_semaphore, #tpu.memory_space<semaphore_mem>>) src(%arg12 : memref<125x16xf32, #tpu.memory_space<vmem>>) dst(%dma_wait3A_131 : memref<125x16xf32, #tpu.memory_space<vmem_shared>>)
      tpu.yield
    }) : () -> ()
    %mul3A_67 = arith.constant 625 : i32
    %mul3A_68 = arith.muli %arg1, %mul3A_67 : i32
    %add3A_69 = arith.constant 250 : i32
    %add3A_70 = arith.addi %mul3A_68, %add3A_69 : i32
    "tpu.region"() ({
      %run_scoped3A = tpu.sem_alloc : memref<!tpu.dma_semaphore, #tpu.memory_space<semaphore_mem>>
      %dma_start3A_125 = arith.constant 0 : i32
      %dma_start3A_126 = tpu.memref_slice %arg13[%add3A_70, %dma_start3A_125] : memref<10000x16xf32, #tpu.memory_space<vmem_shared>> -> memref<125x16xf32, #tpu.memory_space<vmem_shared>>
      %dma_start3A_127 = arith.constant 0 : i32
      %dma_start3A_128 = tpu.memref_slice %arg13[%add3A_70, %dma_start3A_127] : memref<10000x16xf32, #tpu.memory_space<vmem_shared>> -> memref<125x16xf32, #tpu.memory_space<vmem_shared>>
      tpu.enqueue_dma source(%arg12 : memref<125x16xf32, #tpu.memory_space<vmem>>) target(%dma_start3A_128 : memref<125x16xf32, #tpu.memory_space<vmem_shared>>) target_semaphore(%run_scoped3A : memref<!tpu.dma_semaphore, #tpu.memory_space<semaphore_mem>>)
      %dma_wait3A = arith.constant 0 : i32
      %dma_wait3A_129 = tpu.memref_slice %arg13[%add3A_70, %dma_wait3A] : memref<10000x16xf32, #tpu.memory_space<vmem_shared>> -> memref<125x16xf32, #tpu.memory_space<vmem_shared>>
      %dma_wait3A_130 = arith.constant 0 : i32
      %dma_wait3A_131 = tpu.memref_slice %arg13[%add3A_70, %dma_wait3A_130] : memref<10000x16xf32, #tpu.memory_space<vmem_shared>> -> memref<125x16xf32, #tpu.memory_space<vmem_shared>>
      tpu.wait_dma2 semaphore(%run_scoped3A : memref<!tpu.dma_semaphore, #tpu.memory_space<semaphore_mem>>) src(%arg12 : memref<125x16xf32, #tpu.memory_space<vmem>>) dst(%dma_wait3A_131 : memref<125x16xf32, #tpu.memory_space<vmem_shared>>)
      tpu.yield
    }) : () -> ()
    %mul3A_71 = arith.constant 625 : i32
    %mul3A_72 = arith.muli %arg1, %mul3A_71 : i32
    %add3A_73 = arith.constant 375 : i32
    %add3A_74 = arith.addi %mul3A_72, %add3A_73 : i32
    "tpu.region"() ({
      %run_scoped3A = tpu.sem_alloc : memref<!tpu.dma_semaphore, #tpu.memory_space<semaphore_mem>>
      %dma_start3A_125 = arith.constant 0 : i32
      %dma_start3A_126 = tpu.memref_slice %arg13[%add3A_74, %dma_start3A_125] : memref<10000x16xf32, #tpu.memory_space<vmem_shared>> -> memref<125x16xf32, #tpu.memory_space<vmem_shared>>
      %dma_start3A_127 = arith.constant 0 : i32
      %dma_start3A_128 = tpu.memref_slice %arg13[%add3A_74, %dma_start3A_127] : memref<10000x16xf32, #tpu.memory_space<vmem_shared>> -> memref<125x16xf32, #tpu.memory_space<vmem_shared>>
      tpu.enqueue_dma source(%arg12 : memref<125x16xf32, #tpu.memory_space<vmem>>) target(%dma_start3A_128 : memref<125x16xf32, #tpu.memory_space<vmem_shared>>) target_semaphore(%run_scoped3A : memref<!tpu.dma_semaphore, #tpu.memory_space<semaphore_mem>>)
      %dma_wait3A = arith.constant 0 : i32
      %dma_wait3A_129 = tpu.memref_slice %arg13[%add3A_74, %dma_wait3A] : memref<10000x16xf32, #tpu.memory_space<vmem_shared>> -> memref<125x16xf32, #tpu.memory_space<vmem_shared>>
      %dma_wait3A_130 = arith.constant 0 : i32
      %dma_wait3A_131 = tpu.memref_slice %arg13[%add3A_74, %dma_wait3A_130] : memref<10000x16xf32, #tpu.memory_space<vmem_shared>> -> memref<125x16xf32, #tpu.memory_space<vmem_shared>>
      tpu.wait_dma2 semaphore(%run_scoped3A : memref<!tpu.dma_semaphore, #tpu.memory_space<semaphore_mem>>) src(%arg12 : memref<125x16xf32, #tpu.memory_space<vmem>>) dst(%dma_wait3A_131 : memref<125x16xf32, #tpu.memory_space<vmem_shared>>)
      tpu.yield
    }) : () -> ()
    %mul3A_75 = arith.constant 625 : i32
    %mul3A_76 = arith.muli %arg1, %mul3A_75 : i32
    %add3A_77 = arith.constant 500 : i32
    %add3A_78 = arith.addi %mul3A_76, %add3A_77 : i32
    "tpu.region"() ({
      %run_scoped3A = tpu.sem_alloc : memref<!tpu.dma_semaphore, #tpu.memory_space<semaphore_mem>>
      %dma_start3A_125 = arith.constant 0 : i32
      %dma_start3A_126 = tpu.memref_slice %arg13[%add3A_78, %dma_start3A_125] : memref<10000x16xf32, #tpu.memory_space<vmem_shared>> -> memref<125x16xf32, #tpu.memory_space<vmem_shared>>
      %dma_start3A_127 = arith.constant 0 : i32
      %dma_start3A_128 = tpu.memref_slice %arg13[%add3A_78, %dma_start3A_127] : memref<10000x16xf32, #tpu.memory_space<vmem_shared>> -> memref<125x16xf32, #tpu.memory_space<vmem_shared>>
      tpu.enqueue_dma source(%arg12 : memref<125x16xf32, #tpu.memory_space<vmem>>) target(%dma_start3A_128 : memref<125x16xf32, #tpu.memory_space<vmem_shared>>) target_semaphore(%run_scoped3A : memref<!tpu.dma_semaphore, #tpu.memory_space<semaphore_mem>>)
      %dma_wait3A = arith.constant 0 : i32
      %dma_wait3A_129 = tpu.memref_slice %arg13[%add3A_78, %dma_wait3A] : memref<10000x16xf32, #tpu.memory_space<vmem_shared>> -> memref<125x16xf32, #tpu.memory_space<vmem_shared>>
      %dma_wait3A_130 = arith.constant 0 : i32
      %dma_wait3A_131 = tpu.memref_slice %arg13[%add3A_78, %dma_wait3A_130] : memref<10000x16xf32, #tpu.memory_space<vmem_shared>> -> memref<125x16xf32, #tpu.memory_space<vmem_shared>>
      tpu.wait_dma2 semaphore(%run_scoped3A : memref<!tpu.dma_semaphore, #tpu.memory_space<semaphore_mem>>) src(%arg12 : memref<125x16xf32, #tpu.memory_space<vmem>>) dst(%dma_wait3A_131 : memref<125x16xf32, #tpu.memory_space<vmem_shared>>)
      tpu.yield
    }) : () -> ()
    %barrier3A = arith.constant 0 : index
    tpu.barrier barrier_id(%barrier3A)
    %dma_start3A = arith.constant 0 : i32
    %dma_start3A_79 = arith.constant 0 : i32
    %dma_start3A_80 = tpu.memref_slice %arg7[%dma_start3A, %dma_start3A_79] : memref<250x80xi32, #tpu.memory_space<vmem>> -> memref<1x80xi32, #tpu.memory_space<vmem>>
    %dma_start3A_81 = tpu.memref_squeeze %dma_start3A_80 : memref<1x80xi32, #tpu.memory_space<vmem>> -> memref<80xi32, #tpu.memory_space<vmem>>
    %dma_start3A_82 = arith.constant 0 : i32
    %dma_start3A_83 = arith.constant 0 : i32
    %dma_start3A_84 = tpu.memref_slice %arg2[%dma_start3A_82, %dma_start3A_83] : memref<20000x128xbf16, #tpu.memory_space<hbm>> -> memref<20000x128xbf16, #tpu.memory_space<hbm>>
    tpu.enqueue_indirect_dma source(%dma_start3A_84 : memref<20000x128xbf16, #tpu.memory_space<hbm>>) target(%arg14 : memref<80x128xbf16, #tpu.memory_space<vmem>>) offsets(%dma_start3A_81 : memref<80xi32, #tpu.memory_space<vmem>>) semaphore(%arg19 : memref<!tpu.dma_semaphore, #tpu.memory_space<semaphore_mem>>)
    %dma_start3A_85 = arith.constant 1 : i32
    %dma_start3A_86 = arith.constant 0 : i32
    %dma_start3A_87 = tpu.memref_slice %arg7[%dma_start3A_85, %dma_start3A_86] : memref<250x80xi32, #tpu.memory_space<vmem>> -> memref<1x80xi32, #tpu.memory_space<vmem>>
    %dma_start3A_88 = tpu.memref_squeeze %dma_start3A_87 : memref<1x80xi32, #tpu.memory_space<vmem>> -> memref<80xi32, #tpu.memory_space<vmem>>
    %dma_start3A_89 = arith.constant 0 : i32
    %dma_start3A_90 = arith.constant 0 : i32
    %dma_start3A_91 = tpu.memref_slice %arg2[%dma_start3A_89, %dma_start3A_90] : memref<20000x128xbf16, #tpu.memory_space<hbm>> -> memref<20000x128xbf16, #tpu.memory_space<hbm>>
    tpu.enqueue_indirect_dma source(%dma_start3A_91 : memref<20000x128xbf16, #tpu.memory_space<hbm>>) target(%arg15 : memref<80x128xbf16, #tpu.memory_space<vmem>>) offsets(%dma_start3A_88 : memref<80xi32, #tpu.memory_space<vmem>>) semaphore(%arg20 : memref<!tpu.dma_semaphore, #tpu.memory_space<semaphore_mem>>)
    %dma_start3A_92 = arith.constant 2 : i32
    %dma_start3A_93 = arith.constant 0 : i32
    %dma_start3A_94 = tpu.memref_slice %arg7[%dma_start3A_92, %dma_start3A_93] : memref<250x80xi32, #tpu.memory_space<vmem>> -> memref<1x80xi32, #tpu.memory_space<vmem>>
    %dma_start3A_95 = tpu.memref_squeeze %dma_start3A_94 : memref<1x80xi32, #tpu.memory_space<vmem>> -> memref<80xi32, #tpu.memory_space<vmem>>
    %dma_start3A_96 = arith.constant 0 : i32
    %dma_start3A_97 = arith.constant 0 : i32
    %dma_start3A_98 = tpu.memref_slice %arg2[%dma_start3A_96, %dma_start3A_97] : memref<20000x128xbf16, #tpu.memory_space<hbm>> -> memref<20000x128xbf16, #tpu.memory_space<hbm>>
    tpu.enqueue_indirect_dma source(%dma_start3A_98 : memref<20000x128xbf16, #tpu.memory_space<hbm>>) target(%arg16 : memref<80x128xbf16, #tpu.memory_space<vmem>>) offsets(%dma_start3A_95 : memref<80xi32, #tpu.memory_space<vmem>>) semaphore(%arg21 : memref<!tpu.dma_semaphore, #tpu.memory_space<semaphore_mem>>)
    %dma_start3A_99 = arith.constant 3 : i32
    %dma_start3A_100 = arith.constant 0 : i32
    %dma_start3A_101 = tpu.memref_slice %arg7[%dma_start3A_99, %dma_start3A_100] : memref<250x80xi32, #tpu.memory_space<vmem>> -> memref<1x80xi32, #tpu.memory_space<vmem>>
    %dma_start3A_102 = tpu.memref_squeeze %dma_start3A_101 : memref<1x80xi32, #tpu.memory_space<vmem>> -> memref<80xi32, #tpu.memory_space<vmem>>
    %dma_start3A_103 = arith.constant 0 : i32
    %dma_start3A_104 = arith.constant 0 : i32
    %dma_start3A_105 = tpu.memref_slice %arg2[%dma_start3A_103, %dma_start3A_104] : memref<20000x128xbf16, #tpu.memory_space<hbm>> -> memref<20000x128xbf16, #tpu.memory_space<hbm>>
    tpu.enqueue_indirect_dma source(%dma_start3A_105 : memref<20000x128xbf16, #tpu.memory_space<hbm>>) target(%arg17 : memref<80x128xbf16, #tpu.memory_space<vmem>>) offsets(%dma_start3A_102 : memref<80xi32, #tpu.memory_space<vmem>>) semaphore(%arg22 : memref<!tpu.dma_semaphore, #tpu.memory_space<semaphore_mem>>)
    %dma_start3A_106 = arith.constant 4 : i32
    %dma_start3A_107 = arith.constant 0 : i32
    %dma_start3A_108 = tpu.memref_slice %arg7[%dma_start3A_106, %dma_start3A_107] : memref<250x80xi32, #tpu.memory_space<vmem>> -> memref<1x80xi32, #tpu.memory_space<vmem>>
    %dma_start3A_109 = tpu.memref_squeeze %dma_start3A_108 : memref<1x80xi32, #tpu.memory_space<vmem>> -> memref<80xi32, #tpu.memory_space<vmem>>
    %dma_start3A_110 = arith.constant 0 : i32
    %dma_start3A_111 = arith.constant 0 : i32
    %dma_start3A_112 = tpu.memref_slice %arg2[%dma_start3A_110, %dma_start3A_111] : memref<20000x128xbf16, #tpu.memory_space<hbm>> -> memref<20000x128xbf16, #tpu.memory_space<hbm>>
    tpu.enqueue_indirect_dma source(%dma_start3A_112 : memref<20000x128xbf16, #tpu.memory_space<hbm>>) target(%arg18 : memref<80x128xbf16, #tpu.memory_space<vmem>>) offsets(%dma_start3A_109 : memref<80xi32, #tpu.memory_space<vmem>>) semaphore(%arg23 : memref<!tpu.dma_semaphore, #tpu.memory_space<semaphore_mem>>)
    %scan3A_113 = arith.constant 0 : i32
    %scan3A_114 = arith.constant 0 : i32
    %scan3A_115 = arith.constant 50 : i32
    %scan3A_116 = arith.addi %scan3A_114, %scan3A_115 : i32
    %scan3A_117 = arith.constant 1 : i32
    %scan3A_118 = scf.for %scan3A_125 = %scan3A_114 to %scan3A_116 step %scan3A_117 iter_args(%scan3A_126 = %scan3A_113) -> (i32)  : i32 {
      %mul3A_127 = arith.constant 5 : i32
      %mul3A_128 = arith.muli %scan3A_125, %mul3A_127 : i32
      %add3A_129 = arith.constant 0 : i32
      %add3A_130 = arith.addi %mul3A_128, %add3A_129 : i32
      %dma_wait3A = arith.constant 0 : i32
      %dma_wait3A_131 = tpu.memref_slice %arg7[%add3A_130, %dma_wait3A] : memref<250x80xi32, #tpu.memory_space<vmem>> -> memref<1x80xi32, #tpu.memory_space<vmem>>
      %dma_wait3A_132 = tpu.memref_squeeze %dma_wait3A_131 : memref<1x80xi32, #tpu.memory_space<vmem>> -> memref<80xi32, #tpu.memory_space<vmem>>
      %dma_wait3A_133 = arith.constant 0 : i32
      %dma_wait3A_134 = arith.constant 0 : i32
      %dma_wait3A_135 = tpu.memref_slice %arg2[%dma_wait3A_133, %dma_wait3A_134] : memref<20000x128xbf16, #tpu.memory_space<hbm>> -> memref<20000x128xbf16, #tpu.memory_space<hbm>>
      tpu.wait_indirect_dma semaphore(%arg19 : memref<!tpu.dma_semaphore, #tpu.memory_space<semaphore_mem>>) src(%dma_wait3A_135 : memref<20000x128xbf16, #tpu.memory_space<hbm>>) dst(%arg14 : memref<80x128xbf16, #tpu.memory_space<vmem>>)
      "tpu.region"() ({
        %run_scoped3A = tpu.sem_alloc : memref<!tpu.dma_semaphore, #tpu.memory_space<semaphore_mem>>
        %dma_start3A_209 = arith.constant 0 : i32
        %dma_start3A_210 = tpu.memref_slice %arg8[%add3A_130, %dma_start3A_209] : memref<250x80xi32, #tpu.memory_space<vmem>> -> memref<1x80xi32, #tpu.memory_space<vmem>>
        %dma_start3A_211 = tpu.memref_squeeze %dma_start3A_210 : memref<1x80xi32, #tpu.memory_space<vmem>> -> memref<80xi32, #tpu.memory_space<vmem>>
        %dma_start3A_212 = arith.constant 0 : i32
        %dma_start3A_213 = arith.constant 0 : i32
        %dma_start3A_214 = tpu.memref_slice %arg10[%dma_start3A_212, %dma_start3A_213] : memref<10000x128xbf16, #tpu.memory_space<vmem_shared>> -> memref<10000x128xbf16, #tpu.memory_space<vmem_shared>>
        tpu.enqueue_indirect_dma source(%arg14 : memref<80x128xbf16, #tpu.memory_space<vmem>>) target(%dma_start3A_214 : memref<10000x128xbf16, #tpu.memory_space<vmem_shared>>) offsets(%dma_start3A_211 : memref<80xi32, #tpu.memory_space<vmem>>) semaphore(%run_scoped3A : memref<!tpu.dma_semaphore, #tpu.memory_space<semaphore_mem>>) {add = true}
        %dma_wait3A_215 = arith.constant 0 : i32
        %dma_wait3A_216 = tpu.memref_slice %arg8[%add3A_130, %dma_wait3A_215] : memref<250x80xi32, #tpu.memory_space<vmem>> -> memref<1x80xi32, #tpu.memory_space<vmem>>
        %dma_wait3A_217 = tpu.memref_squeeze %dma_wait3A_216 : memref<1x80xi32, #tpu.memory_space<vmem>> -> memref<80xi32, #tpu.memory_space<vmem>>
        %dma_wait3A_218 = arith.constant 0 : i32
        %dma_wait3A_219 = arith.constant 0 : i32
        %dma_wait3A_220 = tpu.memref_slice %arg10[%dma_wait3A_218, %dma_wait3A_219] : memref<10000x128xbf16, #tpu.memory_space<vmem_shared>> -> memref<10000x128xbf16, #tpu.memory_space<vmem_shared>>
        tpu.wait_indirect_dma semaphore(%run_scoped3A : memref<!tpu.dma_semaphore, #tpu.memory_space<semaphore_mem>>) src(%arg14 : memref<80x128xbf16, #tpu.memory_space<vmem>>) dst(%dma_wait3A_220 : memref<10000x128xbf16, #tpu.memory_space<vmem_shared>>)
        tpu.yield
      }) : () -> ()
      "tpu.region"() ({
        %run_scoped3A = tpu.sem_alloc : memref<!tpu.dma_semaphore, #tpu.memory_space<semaphore_mem>>
        %dma_start3A_209 = arith.constant 0 : i32
        %dma_start3A_210 = tpu.memref_slice %arg8[%add3A_130, %dma_start3A_209] : memref<250x80xi32, #tpu.memory_space<vmem>> -> memref<1x80xi32, #tpu.memory_space<vmem>>
        %dma_start3A_211 = tpu.memref_squeeze %dma_start3A_210 : memref<1x80xi32, #tpu.memory_space<vmem>> -> memref<80xi32, #tpu.memory_space<vmem>>
        %dma_start3A_212 = arith.constant 0 : i32
        %dma_start3A_213 = arith.constant 0 : i32
        %dma_start3A_214 = tpu.memref_slice %arg13[%dma_start3A_212, %dma_start3A_213] : memref<10000x16xf32, #tpu.memory_space<vmem_shared>> -> memref<10000x16xf32, #tpu.memory_space<vmem_shared>>
        tpu.enqueue_indirect_dma source(%arg11 : memref<80x16xf32, #tpu.memory_space<vmem>>) target(%dma_start3A_214 : memref<10000x16xf32, #tpu.memory_space<vmem_shared>>) offsets(%dma_start3A_211 : memref<80xi32, #tpu.memory_space<vmem>>) semaphore(%run_scoped3A : memref<!tpu.dma_semaphore, #tpu.memory_space<semaphore_mem>>) {add = true}
        %dma_wait3A_215 = arith.constant 0 : i32
        %dma_wait3A_216 = tpu.memref_slice %arg8[%add3A_130, %dma_wait3A_215] : memref<250x80xi32, #tpu.memory_space<vmem>> -> memref<1x80xi32, #tpu.memory_space<vmem>>
        %dma_wait3A_217 = tpu.memref_squeeze %dma_wait3A_216 : memref<1x80xi32, #tpu.memory_space<vmem>> -> memref<80xi32, #tpu.memory_space<vmem>>
        %dma_wait3A_218 = arith.constant 0 : i32
        %dma_wait3A_219 = arith.constant 0 : i32
        %dma_wait3A_220 = tpu.memref_slice %arg13[%dma_wait3A_218, %dma_wait3A_219] : memref<10000x16xf32, #tpu.memory_space<vmem_shared>> -> memref<10000x16xf32, #tpu.memory_space<vmem_shared>>
        tpu.wait_indirect_dma semaphore(%run_scoped3A : memref<!tpu.dma_semaphore, #tpu.memory_space<semaphore_mem>>) src(%arg11 : memref<80x16xf32, #tpu.memory_space<vmem>>) dst(%dma_wait3A_220 : memref<10000x16xf32, #tpu.memory_space<vmem_shared>>)
        tpu.yield
      }) : () -> ()
      %add3A_136 = arith.constant 5 : i32
      %add3A_137 = arith.addi %add3A_130, %add3A_136 : i32
      %lt3A = arith.constant 250 : i32
      %lt3A_138 = arith.cmpi slt, %add3A_137, %lt3A : i32
      %convert_element_type3A = arith.extui %lt3A_138 : i1 to i32
      %cond3A = arith.constant 0 : i32
      %cond3A_139 = arith.cmpi ne, %convert_element_type3A, %cond3A : i32
      scf.if %cond3A_139 {
        %add3A_209 = arith.constant 5 : i32
        %add3A_210 = arith.addi %add3A_130, %add3A_209 : i32
        %dma_start3A_211 = arith.constant 0 : i32
        %dma_start3A_212 = tpu.memref_slice %arg7[%add3A_210, %dma_start3A_211] : memref<250x80xi32, #tpu.memory_space<vmem>> -> memref<1x80xi32, #tpu.memory_space<vmem>>
        %dma_start3A_213 = tpu.memref_squeeze %dma_start3A_212 : memref<1x80xi32, #tpu.memory_space<vmem>> -> memref<80xi32, #tpu.memory_space<vmem>>
        %dma_start3A_214 = arith.constant 0 : i32
        %dma_start3A_215 = arith.constant 0 : i32
        %dma_start3A_216 = tpu.memref_slice %arg2[%dma_start3A_214, %dma_start3A_215] : memref<20000x128xbf16, #tpu.memory_space<hbm>> -> memref<20000x128xbf16, #tpu.memory_space<hbm>>
        tpu.enqueue_indirect_dma source(%dma_start3A_216 : memref<20000x128xbf16, #tpu.memory_space<hbm>>) target(%arg14 : memref<80x128xbf16, #tpu.memory_space<vmem>>) offsets(%dma_start3A_213 : memref<80xi32, #tpu.memory_space<vmem>>) semaphore(%arg19 : memref<!tpu.dma_semaphore, #tpu.memory_space<semaphore_mem>>)
      } else {
      }
      %mul3A_140 = arith.constant 5 : i32
      %mul3A_141 = arith.muli %scan3A_125, %mul3A_140 : i32
      %add3A_142 = arith.constant 1 : i32
      %add3A_143 = arith.addi %mul3A_141, %add3A_142 : i32
      %dma_wait3A_144 = arith.constant 0 : i32
      %dma_wait3A_145 = tpu.memref_slice %arg7[%add3A_143, %dma_wait3A_144] : memref<250x80xi32, #tpu.memory_space<vmem>> -> memref<1x80xi32, #tpu.memory_space<vmem>>
      %dma_wait3A_146 = tpu.memref_squeeze %dma_wait3A_145 : memref<1x80xi32, #tpu.memory_space<vmem>> -> memref<80xi32, #tpu.memory_space<vmem>>
      %dma_wait3A_147 = arith.constant 0 : i32
      %dma_wait3A_148 = arith.constant 0 : i32
      %dma_wait3A_149 = tpu.memref_slice %arg2[%dma_wait3A_147, %dma_wait3A_148] : memref<20000x128xbf16, #tpu.memory_space<hbm>> -> memref<20000x128xbf16, #tpu.memory_space<hbm>>
      tpu.wait_indirect_dma semaphore(%arg20 : memref<!tpu.dma_semaphore, #tpu.memory_space<semaphore_mem>>) src(%dma_wait3A_149 : memref<20000x128xbf16, #tpu.memory_space<hbm>>) dst(%arg15 : memref<80x128xbf16, #tpu.memory_space<vmem>>)
      "tpu.region"() ({
        %run_scoped3A = tpu.sem_alloc : memref<!tpu.dma_semaphore, #tpu.memory_space<semaphore_mem>>
        %dma_start3A_209 = arith.constant 0 : i32
        %dma_start3A_210 = tpu.memref_slice %arg8[%add3A_143, %dma_start3A_209] : memref<250x80xi32, #tpu.memory_space<vmem>> -> memref<1x80xi32, #tpu.memory_space<vmem>>
        %dma_start3A_211 = tpu.memref_squeeze %dma_start3A_210 : memref<1x80xi32, #tpu.memory_space<vmem>> -> memref<80xi32, #tpu.memory_space<vmem>>
        %dma_start3A_212 = arith.constant 0 : i32
        %dma_start3A_213 = arith.constant 0 : i32
        %dma_start3A_214 = tpu.memref_slice %arg10[%dma_start3A_212, %dma_start3A_213] : memref<10000x128xbf16, #tpu.memory_space<vmem_shared>> -> memref<10000x128xbf16, #tpu.memory_space<vmem_shared>>
        tpu.enqueue_indirect_dma source(%arg15 : memref<80x128xbf16, #tpu.memory_space<vmem>>) target(%dma_start3A_214 : memref<10000x128xbf16, #tpu.memory_space<vmem_shared>>) offsets(%dma_start3A_211 : memref<80xi32, #tpu.memory_space<vmem>>) semaphore(%run_scoped3A : memref<!tpu.dma_semaphore, #tpu.memory_space<semaphore_mem>>) {add = true}
        %dma_wait3A_215 = arith.constant 0 : i32
        %dma_wait3A_216 = tpu.memref_slice %arg8[%add3A_143, %dma_wait3A_215] : memref<250x80xi32, #tpu.memory_space<vmem>> -> memref<1x80xi32, #tpu.memory_space<vmem>>
        %dma_wait3A_217 = tpu.memref_squeeze %dma_wait3A_216 : memref<1x80xi32, #tpu.memory_space<vmem>> -> memref<80xi32, #tpu.memory_space<vmem>>
        %dma_wait3A_218 = arith.constant 0 : i32
        %dma_wait3A_219 = arith.constant 0 : i32
        %dma_wait3A_220 = tpu.memref_slice %arg10[%dma_wait3A_218, %dma_wait3A_219] : memref<10000x128xbf16, #tpu.memory_space<vmem_shared>> -> memref<10000x128xbf16, #tpu.memory_space<vmem_shared>>
        tpu.wait_indirect_dma semaphore(%run_scoped3A : memref<!tpu.dma_semaphore, #tpu.memory_space<semaphore_mem>>) src(%arg15 : memref<80x128xbf16, #tpu.memory_space<vmem>>) dst(%dma_wait3A_220 : memref<10000x128xbf16, #tpu.memory_space<vmem_shared>>)
        tpu.yield
      }) : () -> ()
      "tpu.region"() ({
        %run_scoped3A = tpu.sem_alloc : memref<!tpu.dma_semaphore, #tpu.memory_space<semaphore_mem>>
        %dma_start3A_209 = arith.constant 0 : i32
        %dma_start3A_210 = tpu.memref_slice %arg8[%add3A_143, %dma_start3A_209] : memref<250x80xi32, #tpu.memory_space<vmem>> -> memref<1x80xi32, #tpu.memory_space<vmem>>
        %dma_start3A_211 = tpu.memref_squeeze %dma_start3A_210 : memref<1x80xi32, #tpu.memory_space<vmem>> -> memref<80xi32, #tpu.memory_space<vmem>>
        %dma_start3A_212 = arith.constant 0 : i32
        %dma_start3A_213 = arith.constant 0 : i32
        %dma_start3A_214 = tpu.memref_slice %arg13[%dma_start3A_212, %dma_start3A_213] : memref<10000x16xf32, #tpu.memory_space<vmem_shared>> -> memref<10000x16xf32, #tpu.memory_space<vmem_shared>>
        tpu.enqueue_indirect_dma source(%arg11 : memref<80x16xf32, #tpu.memory_space<vmem>>) target(%dma_start3A_214 : memref<10000x16xf32, #tpu.memory_space<vmem_shared>>) offsets(%dma_start3A_211 : memref<80xi32, #tpu.memory_space<vmem>>) semaphore(%run_scoped3A : memref<!tpu.dma_semaphore, #tpu.memory_space<semaphore_mem>>) {add = true}
        %dma_wait3A_215 = arith.constant 0 : i32
        %dma_wait3A_216 = tpu.memref_slice %arg8[%add3A_143, %dma_wait3A_215] : memref<250x80xi32, #tpu.memory_space<vmem>> -> memref<1x80xi32, #tpu.memory_space<vmem>>
        %dma_wait3A_217 = tpu.memref_squeeze %dma_wait3A_216 : memref<1x80xi32, #tpu.memory_space<vmem>> -> memref<80xi32, #tpu.memory_space<vmem>>
        %dma_wait3A_218 = arith.constant 0 : i32
        %dma_wait3A_219 = arith.constant 0 : i32
        %dma_wait3A_220 = tpu.memref_slice %arg13[%dma_wait3A_218, %dma_wait3A_219] : memref<10000x16xf32, #tpu.memory_space<vmem_shared>> -> memref<10000x16xf32, #tpu.memory_space<vmem_shared>>
        tpu.wait_indirect_dma semaphore(%run_scoped3A : memref<!tpu.dma_semaphore, #tpu.memory_space<semaphore_mem>>) src(%arg11 : memref<80x16xf32, #tpu.memory_space<vmem>>) dst(%dma_wait3A_220 : memref<10000x16xf32, #tpu.memory_space<vmem_shared>>)
        tpu.yield
      }) : () -> ()
      %add3A_150 = arith.constant 5 : i32
      %add3A_151 = arith.addi %add3A_143, %add3A_150 : i32
      %lt3A_152 = arith.constant 250 : i32
      %lt3A_153 = arith.cmpi slt, %add3A_151, %lt3A_152 : i32
      %convert_element_type3A_154 = arith.extui %lt3A_153 : i1 to i32
      %cond3A_155 = arith.constant 0 : i32
      %cond3A_156 = arith.cmpi ne, %convert_element_type3A_154, %cond3A_155 : i32
      scf.if %cond3A_156 {
        %add3A_209 = arith.constant 5 : i32
        %add3A_210 = arith.addi %add3A_143, %add3A_209 : i32
        %dma_start3A_211 = arith.constant 0 : i32
        %dma_start3A_212 = tpu.memref_slice %arg7[%add3A_210, %dma_start3A_211] : memref<250x80xi32, #tpu.memory_space<vmem>> -> memref<1x80xi32, #tpu.memory_space<vmem>>
        %dma_start3A_213 = tpu.memref_squeeze %dma_start3A_212 : memref<1x80xi32, #tpu.memory_space<vmem>> -> memref<80xi32, #tpu.memory_space<vmem>>
        %dma_start3A_214 = arith.constant 0 : i32
        %dma_start3A_215 = arith.constant 0 : i32
        %dma_start3A_216 = tpu.memref_slice %arg2[%dma_start3A_214, %dma_start3A_215] : memref<20000x128xbf16, #tpu.memory_space<hbm>> -> memref<20000x128xbf16, #tpu.memory_space<hbm>>
        tpu.enqueue_indirect_dma source(%dma_start3A_216 : memref<20000x128xbf16, #tpu.memory_space<hbm>>) target(%arg15 : memref<80x128xbf16, #tpu.memory_space<vmem>>) offsets(%dma_start3A_213 : memref<80xi32, #tpu.memory_space<vmem>>) semaphore(%arg20 : memref<!tpu.dma_semaphore, #tpu.memory_space<semaphore_mem>>)
      } else {
      }
      %mul3A_157 = arith.constant 5 : i32
      %mul3A_158 = arith.muli %scan3A_125, %mul3A_157 : i32
      %add3A_159 = arith.constant 2 : i32
      %add3A_160 = arith.addi %mul3A_158, %add3A_159 : i32
      %dma_wait3A_161 = arith.constant 0 : i32
      %dma_wait3A_162 = tpu.memref_slice %arg7[%add3A_160, %dma_wait3A_161] : memref<250x80xi32, #tpu.memory_space<vmem>> -> memref<1x80xi32, #tpu.memory_space<vmem>>
      %dma_wait3A_163 = tpu.memref_squeeze %dma_wait3A_162 : memref<1x80xi32, #tpu.memory_space<vmem>> -> memref<80xi32, #tpu.memory_space<vmem>>
      %dma_wait3A_164 = arith.constant 0 : i32
      %dma_wait3A_165 = arith.constant 0 : i32
      %dma_wait3A_166 = tpu.memref_slice %arg2[%dma_wait3A_164, %dma_wait3A_165] : memref<20000x128xbf16, #tpu.memory_space<hbm>> -> memref<20000x128xbf16, #tpu.memory_space<hbm>>
      tpu.wait_indirect_dma semaphore(%arg21 : memref<!tpu.dma_semaphore, #tpu.memory_space<semaphore_mem>>) src(%dma_wait3A_166 : memref<20000x128xbf16, #tpu.memory_space<hbm>>) dst(%arg16 : memref<80x128xbf16, #tpu.memory_space<vmem>>)
      "tpu.region"() ({
        %run_scoped3A = tpu.sem_alloc : memref<!tpu.dma_semaphore, #tpu.memory_space<semaphore_mem>>
        %dma_start3A_209 = arith.constant 0 : i32
        %dma_start3A_210 = tpu.memref_slice %arg8[%add3A_160, %dma_start3A_209] : memref<250x80xi32, #tpu.memory_space<vmem>> -> memref<1x80xi32, #tpu.memory_space<vmem>>
        %dma_start3A_211 = tpu.memref_squeeze %dma_start3A_210 : memref<1x80xi32, #tpu.memory_space<vmem>> -> memref<80xi32, #tpu.memory_space<vmem>>
        %dma_start3A_212 = arith.constant 0 : i32
        %dma_start3A_213 = arith.constant 0 : i32
        %dma_start3A_214 = tpu.memref_slice %arg10[%dma_start3A_212, %dma_start3A_213] : memref<10000x128xbf16, #tpu.memory_space<vmem_shared>> -> memref<10000x128xbf16, #tpu.memory_space<vmem_shared>>
        tpu.enqueue_indirect_dma source(%arg16 : memref<80x128xbf16, #tpu.memory_space<vmem>>) target(%dma_start3A_214 : memref<10000x128xbf16, #tpu.memory_space<vmem_shared>>) offsets(%dma_start3A_211 : memref<80xi32, #tpu.memory_space<vmem>>) semaphore(%run_scoped3A : memref<!tpu.dma_semaphore, #tpu.memory_space<semaphore_mem>>) {add = true}
        %dma_wait3A_215 = arith.constant 0 : i32
        %dma_wait3A_216 = tpu.memref_slice %arg8[%add3A_160, %dma_wait3A_215] : memref<250x80xi32, #tpu.memory_space<vmem>> -> memref<1x80xi32, #tpu.memory_space<vmem>>
        %dma_wait3A_217 = tpu.memref_squeeze %dma_wait3A_216 : memref<1x80xi32, #tpu.memory_space<vmem>> -> memref<80xi32, #tpu.memory_space<vmem>>
        %dma_wait3A_218 = arith.constant 0 : i32
        %dma_wait3A_219 = arith.constant 0 : i32
        %dma_wait3A_220 = tpu.memref_slice %arg10[%dma_wait3A_218, %dma_wait3A_219] : memref<10000x128xbf16, #tpu.memory_space<vmem_shared>> -> memref<10000x128xbf16, #tpu.memory_space<vmem_shared>>
        tpu.wait_indirect_dma semaphore(%run_scoped3A : memref<!tpu.dma_semaphore, #tpu.memory_space<semaphore_mem>>) src(%arg16 : memref<80x128xbf16, #tpu.memory_space<vmem>>) dst(%dma_wait3A_220 : memref<10000x128xbf16, #tpu.memory_space<vmem_shared>>)
        tpu.yield
      }) : () -> ()
      "tpu.region"() ({
        %run_scoped3A = tpu.sem_alloc : memref<!tpu.dma_semaphore, #tpu.memory_space<semaphore_mem>>
        %dma_start3A_209 = arith.constant 0 : i32
        %dma_start3A_210 = tpu.memref_slice %arg8[%add3A_160, %dma_start3A_209] : memref<250x80xi32, #tpu.memory_space<vmem>> -> memref<1x80xi32, #tpu.memory_space<vmem>>
        %dma_start3A_211 = tpu.memref_squeeze %dma_start3A_210 : memref<1x80xi32, #tpu.memory_space<vmem>> -> memref<80xi32, #tpu.memory_space<vmem>>
        %dma_start3A_212 = arith.constant 0 : i32
        %dma_start3A_213 = arith.constant 0 : i32
        %dma_start3A_214 = tpu.memref_slice %arg13[%dma_start3A_212, %dma_start3A_213] : memref<10000x16xf32, #tpu.memory_space<vmem_shared>> -> memref<10000x16xf32, #tpu.memory_space<vmem_shared>>
        tpu.enqueue_indirect_dma source(%arg11 : memref<80x16xf32, #tpu.memory_space<vmem>>) target(%dma_start3A_214 : memref<10000x16xf32, #tpu.memory_space<vmem_shared>>) offsets(%dma_start3A_211 : memref<80xi32, #tpu.memory_space<vmem>>) semaphore(%run_scoped3A : memref<!tpu.dma_semaphore, #tpu.memory_space<semaphore_mem>>) {add = true}
        %dma_wait3A_215 = arith.constant 0 : i32
        %dma_wait3A_216 = tpu.memref_slice %arg8[%add3A_160, %dma_wait3A_215] : memref<250x80xi32, #tpu.memory_space<vmem>> -> memref<1x80xi32, #tpu.memory_space<vmem>>
        %dma_wait3A_217 = tpu.memref_squeeze %dma_wait3A_216 : memref<1x80xi32, #tpu.memory_space<vmem>> -> memref<80xi32, #tpu.memory_space<vmem>>
        %dma_wait3A_218 = arith.constant 0 : i32
        %dma_wait3A_219 = arith.constant 0 : i32
        %dma_wait3A_220 = tpu.memref_slice %arg13[%dma_wait3A_218, %dma_wait3A_219] : memref<10000x16xf32, #tpu.memory_space<vmem_shared>> -> memref<10000x16xf32, #tpu.memory_space<vmem_shared>>
        tpu.wait_indirect_dma semaphore(%run_scoped3A : memref<!tpu.dma_semaphore, #tpu.memory_space<semaphore_mem>>) src(%arg11 : memref<80x16xf32, #tpu.memory_space<vmem>>) dst(%dma_wait3A_220 : memref<10000x16xf32, #tpu.memory_space<vmem_shared>>)
        tpu.yield
      }) : () -> ()
      %add3A_167 = arith.constant 5 : i32
      %add3A_168 = arith.addi %add3A_160, %add3A_167 : i32
      %lt3A_169 = arith.constant 250 : i32
      %lt3A_170 = arith.cmpi slt, %add3A_168, %lt3A_169 : i32
      %convert_element_type3A_171 = arith.extui %lt3A_170 : i1 to i32
      %cond3A_172 = arith.constant 0 : i32
      %cond3A_173 = arith.cmpi ne, %convert_element_type3A_171, %cond3A_172 : i32
      scf.if %cond3A_173 {
        %add3A_209 = arith.constant 5 : i32
        %add3A_210 = arith.addi %add3A_160, %add3A_209 : i32
        %dma_start3A_211 = arith.constant 0 : i32
        %dma_start3A_212 = tpu.memref_slice %arg7[%add3A_210, %dma_start3A_211] : memref<250x80xi32, #tpu.memory_space<vmem>> -> memref<1x80xi32, #tpu.memory_space<vmem>>
        %dma_start3A_213 = tpu.memref_squeeze %dma_start3A_212 : memref<1x80xi32, #tpu.memory_space<vmem>> -> memref<80xi32, #tpu.memory_space<vmem>>
        %dma_start3A_214 = arith.constant 0 : i32
        %dma_start3A_215 = arith.constant 0 : i32
        %dma_start3A_216 = tpu.memref_slice %arg2[%dma_start3A_214, %dma_start3A_215] : memref<20000x128xbf16, #tpu.memory_space<hbm>> -> memref<20000x128xbf16, #tpu.memory_space<hbm>>
        tpu.enqueue_indirect_dma source(%dma_start3A_216 : memref<20000x128xbf16, #tpu.memory_space<hbm>>) target(%arg16 : memref<80x128xbf16, #tpu.memory_space<vmem>>) offsets(%dma_start3A_213 : memref<80xi32, #tpu.memory_space<vmem>>) semaphore(%arg21 : memref<!tpu.dma_semaphore, #tpu.memory_space<semaphore_mem>>)
      } else {
      }
      %mul3A_174 = arith.constant 5 : i32
      %mul3A_175 = arith.muli %scan3A_125, %mul3A_174 : i32
      %add3A_176 = arith.constant 3 : i32
      %add3A_177 = arith.addi %mul3A_175, %add3A_176 : i32
      %dma_wait3A_178 = arith.constant 0 : i32
      %dma_wait3A_179 = tpu.memref_slice %arg7[%add3A_177, %dma_wait3A_178] : memref<250x80xi32, #tpu.memory_space<vmem>> -> memref<1x80xi32, #tpu.memory_space<vmem>>
      %dma_wait3A_180 = tpu.memref_squeeze %dma_wait3A_179 : memref<1x80xi32, #tpu.memory_space<vmem>> -> memref<80xi32, #tpu.memory_space<vmem>>
      %dma_wait3A_181 = arith.constant 0 : i32
      %dma_wait3A_182 = arith.constant 0 : i32
      %dma_wait3A_183 = tpu.memref_slice %arg2[%dma_wait3A_181, %dma_wait3A_182] : memref<20000x128xbf16, #tpu.memory_space<hbm>> -> memref<20000x128xbf16, #tpu.memory_space<hbm>>
      tpu.wait_indirect_dma semaphore(%arg22 : memref<!tpu.dma_semaphore, #tpu.memory_space<semaphore_mem>>) src(%dma_wait3A_183 : memref<20000x128xbf16, #tpu.memory_space<hbm>>) dst(%arg17 : memref<80x128xbf16, #tpu.memory_space<vmem>>)
      "tpu.region"() ({
        %run_scoped3A = tpu.sem_alloc : memref<!tpu.dma_semaphore, #tpu.memory_space<semaphore_mem>>
        %dma_start3A_209 = arith.constant 0 : i32
        %dma_start3A_210 = tpu.memref_slice %arg8[%add3A_177, %dma_start3A_209] : memref<250x80xi32, #tpu.memory_space<vmem>> -> memref<1x80xi32, #tpu.memory_space<vmem>>
        %dma_start3A_211 = tpu.memref_squeeze %dma_start3A_210 : memref<1x80xi32, #tpu.memory_space<vmem>> -> memref<80xi32, #tpu.memory_space<vmem>>
        %dma_start3A_212 = arith.constant 0 : i32
        %dma_start3A_213 = arith.constant 0 : i32
        %dma_start3A_214 = tpu.memref_slice %arg10[%dma_start3A_212, %dma_start3A_213] : memref<10000x128xbf16, #tpu.memory_space<vmem_shared>> -> memref<10000x128xbf16, #tpu.memory_space<vmem_shared>>
        tpu.enqueue_indirect_dma source(%arg17 : memref<80x128xbf16, #tpu.memory_space<vmem>>) target(%dma_start3A_214 : memref<10000x128xbf16, #tpu.memory_space<vmem_shared>>) offsets(%dma_start3A_211 : memref<80xi32, #tpu.memory_space<vmem>>) semaphore(%run_scoped3A : memref<!tpu.dma_semaphore, #tpu.memory_space<semaphore_mem>>) {add = true}
        %dma_wait3A_215 = arith.constant 0 : i32
        %dma_wait3A_216 = tpu.memref_slice %arg8[%add3A_177, %dma_wait3A_215] : memref<250x80xi32, #tpu.memory_space<vmem>> -> memref<1x80xi32, #tpu.memory_space<vmem>>
        %dma_wait3A_217 = tpu.memref_squeeze %dma_wait3A_216 : memref<1x80xi32, #tpu.memory_space<vmem>> -> memref<80xi32, #tpu.memory_space<vmem>>
        %dma_wait3A_218 = arith.constant 0 : i32
        %dma_wait3A_219 = arith.constant 0 : i32
        %dma_wait3A_220 = tpu.memref_slice %arg10[%dma_wait3A_218, %dma_wait3A_219] : memref<10000x128xbf16, #tpu.memory_space<vmem_shared>> -> memref<10000x128xbf16, #tpu.memory_space<vmem_shared>>
        tpu.wait_indirect_dma semaphore(%run_scoped3A : memref<!tpu.dma_semaphore, #tpu.memory_space<semaphore_mem>>) src(%arg17 : memref<80x128xbf16, #tpu.memory_space<vmem>>) dst(%dma_wait3A_220 : memref<10000x128xbf16, #tpu.memory_space<vmem_shared>>)
        tpu.yield
      }) : () -> ()
      "tpu.region"() ({
        %run_scoped3A = tpu.sem_alloc : memref<!tpu.dma_semaphore, #tpu.memory_space<semaphore_mem>>
        %dma_start3A_209 = arith.constant 0 : i32
        %dma_start3A_210 = tpu.memref_slice %arg8[%add3A_177, %dma_start3A_209] : memref<250x80xi32, #tpu.memory_space<vmem>> -> memref<1x80xi32, #tpu.memory_space<vmem>>
        %dma_start3A_211 = tpu.memref_squeeze %dma_start3A_210 : memref<1x80xi32, #tpu.memory_space<vmem>> -> memref<80xi32, #tpu.memory_space<vmem>>
        %dma_start3A_212 = arith.constant 0 : i32
        %dma_start3A_213 = arith.constant 0 : i32
        %dma_start3A_214 = tpu.memref_slice %arg13[%dma_start3A_212, %dma_start3A_213] : memref<10000x16xf32, #tpu.memory_space<vmem_shared>> -> memref<10000x16xf32, #tpu.memory_space<vmem_shared>>
        tpu.enqueue_indirect_dma source(%arg11 : memref<80x16xf32, #tpu.memory_space<vmem>>) target(%dma_start3A_214 : memref<10000x16xf32, #tpu.memory_space<vmem_shared>>) offsets(%dma_start3A_211 : memref<80xi32, #tpu.memory_space<vmem>>) semaphore(%run_scoped3A : memref<!tpu.dma_semaphore, #tpu.memory_space<semaphore_mem>>) {add = true}
        %dma_wait3A_215 = arith.constant 0 : i32
        %dma_wait3A_216 = tpu.memref_slice %arg8[%add3A_177, %dma_wait3A_215] : memref<250x80xi32, #tpu.memory_space<vmem>> -> memref<1x80xi32, #tpu.memory_space<vmem>>
        %dma_wait3A_217 = tpu.memref_squeeze %dma_wait3A_216 : memref<1x80xi32, #tpu.memory_space<vmem>> -> memref<80xi32, #tpu.memory_space<vmem>>
        %dma_wait3A_218 = arith.constant 0 : i32
        %dma_wait3A_219 = arith.constant 0 : i32
        %dma_wait3A_220 = tpu.memref_slice %arg13[%dma_wait3A_218, %dma_wait3A_219] : memref<10000x16xf32, #tpu.memory_space<vmem_shared>> -> memref<10000x16xf32, #tpu.memory_space<vmem_shared>>
        tpu.wait_indirect_dma semaphore(%run_scoped3A : memref<!tpu.dma_semaphore, #tpu.memory_space<semaphore_mem>>) src(%arg11 : memref<80x16xf32, #tpu.memory_space<vmem>>) dst(%dma_wait3A_220 : memref<10000x16xf32, #tpu.memory_space<vmem_shared>>)
        tpu.yield
      }) : () -> ()
      %add3A_184 = arith.constant 5 : i32
      %add3A_185 = arith.addi %add3A_177, %add3A_184 : i32
      %lt3A_186 = arith.constant 250 : i32
      %lt3A_187 = arith.cmpi slt, %add3A_185, %lt3A_186 : i32
      %convert_element_type3A_188 = arith.extui %lt3A_187 : i1 to i32
      %cond3A_189 = arith.constant 0 : i32
      %cond3A_190 = arith.cmpi ne, %convert_element_type3A_188, %cond3A_189 : i32
      scf.if %cond3A_190 {
        %add3A_209 = arith.constant 5 : i32
        %add3A_210 = arith.addi %add3A_177, %add3A_209 : i32
        %dma_start3A_211 = arith.constant 0 : i32
        %dma_start3A_212 = tpu.memref_slice %arg7[%add3A_210, %dma_start3A_211] : memref<250x80xi32, #tpu.memory_space<vmem>> -> memref<1x80xi32, #tpu.memory_space<vmem>>
        %dma_start3A_213 = tpu.memref_squeeze %dma_start3A_212 : memref<1x80xi32, #tpu.memory_space<vmem>> -> memref<80xi32, #tpu.memory_space<vmem>>
        %dma_start3A_214 = arith.constant 0 : i32
        %dma_start3A_215 = arith.constant 0 : i32
        %dma_start3A_216 = tpu.memref_slice %arg2[%dma_start3A_214, %dma_start3A_215] : memref<20000x128xbf16, #tpu.memory_space<hbm>> -> memref<20000x128xbf16, #tpu.memory_space<hbm>>
        tpu.enqueue_indirect_dma source(%dma_start3A_216 : memref<20000x128xbf16, #tpu.memory_space<hbm>>) target(%arg17 : memref<80x128xbf16, #tpu.memory_space<vmem>>) offsets(%dma_start3A_213 : memref<80xi32, #tpu.memory_space<vmem>>) semaphore(%arg22 : memref<!tpu.dma_semaphore, #tpu.memory_space<semaphore_mem>>)
      } else {
      }
      %mul3A_191 = arith.constant 5 : i32
      %mul3A_192 = arith.muli %scan3A_125, %mul3A_191 : i32
      %add3A_193 = arith.constant 4 : i32
      %add3A_194 = arith.addi %mul3A_192, %add3A_193 : i32
      %dma_wait3A_195 = arith.constant 0 : i32
      %dma_wait3A_196 = tpu.memref_slice %arg7[%add3A_194, %dma_wait3A_195] : memref<250x80xi32, #tpu.memory_space<vmem>> -> memref<1x80xi32, #tpu.memory_space<vmem>>
      %dma_wait3A_197 = tpu.memref_squeeze %dma_wait3A_196 : memref<1x80xi32, #tpu.memory_space<vmem>> -> memref<80xi32, #tpu.memory_space<vmem>>
      %dma_wait3A_198 = arith.constant 0 : i32
      %dma_wait3A_199 = arith.constant 0 : i32
      %dma_wait3A_200 = tpu.memref_slice %arg2[%dma_wait3A_198, %dma_wait3A_199] : memref<20000x128xbf16, #tpu.memory_space<hbm>> -> memref<20000x128xbf16, #tpu.memory_space<hbm>>
      tpu.wait_indirect_dma semaphore(%arg23 : memref<!tpu.dma_semaphore, #tpu.memory_space<semaphore_mem>>) src(%dma_wait3A_200 : memref<20000x128xbf16, #tpu.memory_space<hbm>>) dst(%arg18 : memref<80x128xbf16, #tpu.memory_space<vmem>>)
      "tpu.region"() ({
        %run_scoped3A = tpu.sem_alloc : memref<!tpu.dma_semaphore, #tpu.memory_space<semaphore_mem>>
        %dma_start3A_209 = arith.constant 0 : i32
        %dma_start3A_210 = tpu.memref_slice %arg8[%add3A_194, %dma_start3A_209] : memref<250x80xi32, #tpu.memory_space<vmem>> -> memref<1x80xi32, #tpu.memory_space<vmem>>
        %dma_start3A_211 = tpu.memref_squeeze %dma_start3A_210 : memref<1x80xi32, #tpu.memory_space<vmem>> -> memref<80xi32, #tpu.memory_space<vmem>>
        %dma_start3A_212 = arith.constant 0 : i32
        %dma_start3A_213 = arith.constant 0 : i32
        %dma_start3A_214 = tpu.memref_slice %arg10[%dma_start3A_212, %dma_start3A_213] : memref<10000x128xbf16, #tpu.memory_space<vmem_shared>> -> memref<10000x128xbf16, #tpu.memory_space<vmem_shared>>
        tpu.enqueue_indirect_dma source(%arg18 : memref<80x128xbf16, #tpu.memory_space<vmem>>) target(%dma_start3A_214 : memref<10000x128xbf16, #tpu.memory_space<vmem_shared>>) offsets(%dma_start3A_211 : memref<80xi32, #tpu.memory_space<vmem>>) semaphore(%run_scoped3A : memref<!tpu.dma_semaphore, #tpu.memory_space<semaphore_mem>>) {add = true}
        %dma_wait3A_215 = arith.constant 0 : i32
        %dma_wait3A_216 = tpu.memref_slice %arg8[%add3A_194, %dma_wait3A_215] : memref<250x80xi32, #tpu.memory_space<vmem>> -> memref<1x80xi32, #tpu.memory_space<vmem>>
        %dma_wait3A_217 = tpu.memref_squeeze %dma_wait3A_216 : memref<1x80xi32, #tpu.memory_space<vmem>> -> memref<80xi32, #tpu.memory_space<vmem>>
        %dma_wait3A_218 = arith.constant 0 : i32
        %dma_wait3A_219 = arith.constant 0 : i32
        %dma_wait3A_220 = tpu.memref_slice %arg10[%dma_wait3A_218, %dma_wait3A_219] : memref<10000x128xbf16, #tpu.memory_space<vmem_shared>> -> memref<10000x128xbf16, #tpu.memory_space<vmem_shared>>
        tpu.wait_indirect_dma semaphore(%run_scoped3A : memref<!tpu.dma_semaphore, #tpu.memory_space<semaphore_mem>>) src(%arg18 : memref<80x128xbf16, #tpu.memory_space<vmem>>) dst(%dma_wait3A_220 : memref<10000x128xbf16, #tpu.memory_space<vmem_shared>>)
        tpu.yield
      }) : () -> ()
      "tpu.region"() ({
        %run_scoped3A = tpu.sem_alloc : memref<!tpu.dma_semaphore, #tpu.memory_space<semaphore_mem>>
        %dma_start3A_209 = arith.constant 0 : i32
        %dma_start3A_210 = tpu.memref_slice %arg8[%add3A_194, %dma_start3A_209] : memref<250x80xi32, #tpu.memory_space<vmem>> -> memref<1x80xi32, #tpu.memory_space<vmem>>
        %dma_start3A_211 = tpu.memref_squeeze %dma_start3A_210 : memref<1x80xi32, #tpu.memory_space<vmem>> -> memref<80xi32, #tpu.memory_space<vmem>>
        %dma_start3A_212 = arith.constant 0 : i32
        %dma_start3A_213 = arith.constant 0 : i32
        %dma_start3A_214 = tpu.memref_slice %arg13[%dma_start3A_212, %dma_start3A_213] : memref<10000x16xf32, #tpu.memory_space<vmem_shared>> -> memref<10000x16xf32, #tpu.memory_space<vmem_shared>>
        tpu.enqueue_indirect_dma source(%arg11 : memref<80x16xf32, #tpu.memory_space<vmem>>) target(%dma_start3A_214 : memref<10000x16xf32, #tpu.memory_space<vmem_shared>>) offsets(%dma_start3A_211 : memref<80xi32, #tpu.memory_space<vmem>>) semaphore(%run_scoped3A : memref<!tpu.dma_semaphore, #tpu.memory_space<semaphore_mem>>) {add = true}
        %dma_wait3A_215 = arith.constant 0 : i32
        %dma_wait3A_216 = tpu.memref_slice %arg8[%add3A_194, %dma_wait3A_215] : memref<250x80xi32, #tpu.memory_space<vmem>> -> memref<1x80xi32, #tpu.memory_space<vmem>>
        %dma_wait3A_217 = tpu.memref_squeeze %dma_wait3A_216 : memref<1x80xi32, #tpu.memory_space<vmem>> -> memref<80xi32, #tpu.memory_space<vmem>>
        %dma_wait3A_218 = arith.constant 0 : i32
        %dma_wait3A_219 = arith.constant 0 : i32
        %dma_wait3A_220 = tpu.memref_slice %arg13[%dma_wait3A_218, %dma_wait3A_219] : memref<10000x16xf32, #tpu.memory_space<vmem_shared>> -> memref<10000x16xf32, #tpu.memory_space<vmem_shared>>
        tpu.wait_indirect_dma semaphore(%run_scoped3A : memref<!tpu.dma_semaphore, #tpu.memory_space<semaphore_mem>>) src(%arg11 : memref<80x16xf32, #tpu.memory_space<vmem>>) dst(%dma_wait3A_220 : memref<10000x16xf32, #tpu.memory_space<vmem_shared>>)
        tpu.yield
      }) : () -> ()
      %add3A_201 = arith.constant 5 : i32
      %add3A_202 = arith.addi %add3A_194, %add3A_201 : i32
      %lt3A_203 = arith.constant 250 : i32
      %lt3A_204 = arith.cmpi slt, %add3A_202, %lt3A_203 : i32
      %convert_element_type3A_205 = arith.extui %lt3A_204 : i1 to i32
      %cond3A_206 = arith.constant 0 : i32
      %cond3A_207 = arith.cmpi ne, %convert_element_type3A_205, %cond3A_206 : i32
      scf.if %cond3A_207 {
        %add3A_209 = arith.constant 5 : i32
        %add3A_210 = arith.addi %add3A_194, %add3A_209 : i32
        %dma_start3A_211 = arith.constant 0 : i32
        %dma_start3A_212 = tpu.memref_slice %arg7[%add3A_210, %dma_start3A_211] : memref<250x80xi32, #tpu.memory_space<vmem>> -> memref<1x80xi32, #tpu.memory_space<vmem>>
        %dma_start3A_213 = tpu.memref_squeeze %dma_start3A_212 : memref<1x80xi32, #tpu.memory_space<vmem>> -> memref<80xi32, #tpu.memory_space<vmem>>
        %dma_start3A_214 = arith.constant 0 : i32
        %dma_start3A_215 = arith.constant 0 : i32
        %dma_start3A_216 = tpu.memref_slice %arg2[%dma_start3A_214, %dma_start3A_215] : memref<20000x128xbf16, #tpu.memory_space<hbm>> -> memref<20000x128xbf16, #tpu.memory_space<hbm>>
        tpu.enqueue_indirect_dma source(%dma_start3A_216 : memref<20000x128xbf16, #tpu.memory_space<hbm>>) target(%arg18 : memref<80x128xbf16, #tpu.memory_space<vmem>>) offsets(%dma_start3A_213 : memref<80xi32, #tpu.memory_space<vmem>>) semaphore(%arg23 : memref<!tpu.dma_semaphore, #tpu.memory_space<semaphore_mem>>)
      } else {
      }
      %scan3A_208 = arith.constant 0 : i32
      scf.yield %scan3A_208 : i32
    }
    %scan3A_119 = arith.constant 50 : i32
    %barrier3A_120 = arith.constant 0 : index
    tpu.barrier barrier_id(%barrier3A_120)
    %mul3A_121 = arith.constant 625 : i32
    %mul3A_122 = arith.muli %arg1, %mul3A_121 : i32
    "tpu.region"() ({
      %run_scoped3A = tpu.sem_alloc : memref<!tpu.dma_semaphore, #tpu.memory_space<semaphore_mem>>
      %dma_start3A_125 = arith.constant 0 : i32
      %dma_start3A_126 = arith.constant 0 : i32
      %dma_start3A_127 = tpu.memref_slice %arg5[%add3A, %dma_start3A_125, %dma_start3A_126] : memref<32x625x128xbf16, #tpu.memory_space<hbm>> -> memref<1x625x128xbf16, #tpu.memory_space<hbm>>
      %dma_start3A_128 = tpu.memref_squeeze %dma_start3A_127 : memref<1x625x128xbf16, #tpu.memory_space<hbm>> -> memref<625x128xbf16, #tpu.memory_space<hbm>>
      %dma_start3A_129 = arith.constant 0 : i32
      %dma_start3A_130 = tpu.memref_slice %arg10[%mul3A_122, %dma_start3A_129] : memref<10000x128xbf16, #tpu.memory_space<vmem_shared>> -> memref<625x128xbf16, #tpu.memory_space<vmem_shared>>
      tpu.enqueue_dma source(%dma_start3A_130 : memref<625x128xbf16, #tpu.memory_space<vmem_shared>>) target(%dma_start3A_128 : memref<625x128xbf16, #tpu.memory_space<hbm>>) target_semaphore(%run_scoped3A : memref<!tpu.dma_semaphore, #tpu.memory_space<semaphore_mem>>)
      %dma_wait3A = arith.constant 0 : i32
      %dma_wait3A_131 = arith.constant 0 : i32
      %dma_wait3A_132 = tpu.memref_slice %arg5[%add3A, %dma_wait3A, %dma_wait3A_131] : memref<32x625x128xbf16, #tpu.memory_space<hbm>> -> memref<1x625x128xbf16, #tpu.memory_space<hbm>>
      %dma_wait3A_133 = tpu.memref_squeeze %dma_wait3A_132 : memref<1x625x128xbf16, #tpu.memory_space<hbm>> -> memref<625x128xbf16, #tpu.memory_space<hbm>>
      %dma_wait3A_134 = arith.constant 0 : i32
      %dma_wait3A_135 = tpu.memref_slice %arg10[%mul3A_122, %dma_wait3A_134] : memref<10000x128xbf16, #tpu.memory_space<vmem_shared>> -> memref<625x128xbf16, #tpu.memory_space<vmem_shared>>
      tpu.wait_dma2 semaphore(%run_scoped3A : memref<!tpu.dma_semaphore, #tpu.memory_space<semaphore_mem>>) src(%dma_wait3A_135 : memref<625x128xbf16, #tpu.memory_space<vmem_shared>>) dst(%dma_wait3A_133 : memref<625x128xbf16, #tpu.memory_space<hbm>>)
      tpu.yield
    }) : () -> ()
    %mul3A_123 = arith.constant 625 : i32
    %mul3A_124 = arith.muli %arg1, %mul3A_123 : i32
    "tpu.region"() ({
      %run_scoped3A = tpu.sem_alloc : memref<!tpu.dma_semaphore, #tpu.memory_space<semaphore_mem>>
      %dma_start3A_125 = arith.constant 0 : i32
      %dma_start3A_126 = arith.constant 0 : i32
      %dma_start3A_127 = tpu.memref_slice %arg6[%add3A, %dma_start3A_125, %dma_start3A_126] : memref<32x625x16xf32, #tpu.memory_space<hbm>> -> memref<1x625x16xf32, #tpu.memory_space<hbm>>
      %dma_start3A_128 = tpu.memref_squeeze %dma_start3A_127 : memref<1x625x16xf32, #tpu.memory_space<hbm>> -> memref<625x16xf32, #tpu.memory_space<hbm>>
      %dma_start3A_129 = arith.constant 0 : i32
      %dma_start3A_130 = tpu.memref_slice %arg13[%mul3A_124, %dma_start3A_129] : memref<10000x16xf32, #tpu.memory_space<vmem_shared>> -> memref<625x16xf32, #tpu.memory_space<vmem_shared>>
      tpu.enqueue_dma source(%dma_start3A_130 : memref<625x16xf32, #tpu.memory_space<vmem_shared>>) target(%dma_start3A_128 : memref<625x16xf32, #tpu.memory_space<hbm>>) target_semaphore(%run_scoped3A : memref<!tpu.dma_semaphore, #tpu.memory_space<semaphore_mem>>)
      %dma_wait3A = arith.constant 0 : i32
      %dma_wait3A_131 = arith.constant 0 : i32
      %dma_wait3A_132 = tpu.memref_slice %arg6[%add3A, %dma_wait3A, %dma_wait3A_131] : memref<32x625x16xf32, #tpu.memory_space<hbm>> -> memref<1x625x16xf32, #tpu.memory_space<hbm>>
      %dma_wait3A_133 = tpu.memref_squeeze %dma_wait3A_132 : memref<1x625x16xf32, #tpu.memory_space<hbm>> -> memref<625x16xf32, #tpu.memory_space<hbm>>
      %dma_wait3A_134 = arith.constant 0 : i32
      %dma_wait3A_135 = tpu.memref_slice %arg13[%mul3A_124, %dma_wait3A_134] : memref<10000x16xf32, #tpu.memory_space<vmem_shared>> -> memref<625x16xf32, #tpu.memory_space<vmem_shared>>
      tpu.wait_dma2 semaphore(%run_scoped3A : memref<!tpu.dma_semaphore, #tpu.memory_space<semaphore_mem>>) src(%dma_wait3A_135 : memref<625x16xf32, #tpu.memory_space<vmem_shared>>) dst(%dma_wait3A_133 : memref<625x16xf32, #tpu.memory_space<hbm>>)
      tpu.yield
    }) : () -> ()
    return
  }
}

#map = affine_map<(d0, d1) -> (0, 0)>
#map1 = affine_map<(d0, d1) -> (0, 0, 0)>
module attributes {stable_mosaic.version = 14 : i64} {
  func.func @_agg_body(%arg0: i32, %arg1: i32, %arg2: memref<20000x128xbf16, #tpu.memory_space<hbm>>, %arg3: memref<32x250x80xi32, #tpu.memory_space<hbm>>, %arg4: memref<32x250x80xi32, #tpu.memory_space<hbm>>, %arg5: memref<32x625x128xbf16, #tpu.memory_space<hbm>>, %arg6: memref<250x80xi32, #tpu.memory_space<vmem>>, %arg7: memref<250x80xi32, #tpu.memory_space<vmem>>, %arg8: memref<125x128xbf16, #tpu.memory_space<vmem>>, %arg9: memref<10000x128xbf16, #tpu.memory_space<vmem_shared>>, %arg10: memref<80x128xbf16, #tpu.memory_space<vmem>>, %arg11: memref<80x128xbf16, #tpu.memory_space<vmem>>, %arg12: memref<80x128xbf16, #tpu.memory_space<vmem>>, %arg13: memref<80x128xbf16, #tpu.memory_space<vmem>>, %arg14: memref<80x128xbf16, #tpu.memory_space<vmem>>, %arg15: memref<!tpu.dma_semaphore, #tpu.memory_space<semaphore_mem>>, %arg16: memref<!tpu.dma_semaphore, #tpu.memory_space<semaphore_mem>>, %arg17: memref<!tpu.dma_semaphore, #tpu.memory_space<semaphore_mem>>, %arg18: memref<!tpu.dma_semaphore, #tpu.memory_space<semaphore_mem>>, %arg19: memref<!tpu.dma_semaphore, #tpu.memory_space<semaphore_mem>>) attributes {dimension_semantics = [#tpu.dimension_semantics<core_parallel>, #tpu.dimension_semantics<subcore_parallel>], iteration_bounds = array<i64: 2, 16>, scalar_prefetch = 0 : i64, scratch_operands = 14 : i64, tpu.core_type = #tpu.core_type<sc_vector_subcore>, window_params = [{transform_indices = #map}, {transform_indices = #map1}, {transform_indices = #map1}, {transform_indices = #map1}]} {
    %mul3A = arith.constant 16 : i32
    %mul3A_0 = arith.muli %arg0, %mul3A : i32
    %add3A = arith.addi %mul3A_0, %arg1 : i32
    %broadcast_in_dim3A = arith.constant 0.000000e+00 : bf16
    %broadcast_in_dim3A_1 = vector.broadcast %broadcast_in_dim3A : bf16 to vector<32xbf16>
    %scan3A = arith.constant 0 : i32
    %scan3A_2 = arith.constant 0 : i32
    %scan3A_3 = arith.constant 125 : i32
    %scan3A_4 = arith.addi %scan3A_2, %scan3A_3 : i32
    %scan3A_5 = arith.constant 1 : i32
    %scan3A_6 = scf.for %scan3A_85 = %scan3A_2 to %scan3A_4 step %scan3A_5 iter_args(%scan3A_86 = %scan3A) -> (i32)  : i32 {
      %swap3A = arith.index_cast %scan3A_85 : i32 to index
      %swap3A_87 = arith.constant 0 : index
      %swap3A_88 = tpu.vector_load %arg8[%swap3A, %swap3A_87] {strides = array<i32>} : memref<125x128xbf16, #tpu.memory_space<vmem>>, vector<1x32xbf16>,
      %swap3A_89 = vector.shape_cast %swap3A_88 : vector<1x32xbf16> to vector<32xbf16>
      %swap3A_90 = vector.shape_cast %broadcast_in_dim3A_1 : vector<32xbf16> to vector<1x32xbf16>
      tpu.vector_store %arg8[%swap3A, %swap3A_87], %swap3A_90 {strides = array<i32>} : memref<125x128xbf16, #tpu.memory_space<vmem>>, vector<1x32xbf16>,
      %swap3A_91 = arith.index_cast %scan3A_85 : i32 to index
      %swap3A_92 = arith.constant 32 : index
      %swap3A_93 = tpu.vector_load %arg8[%swap3A_91, %swap3A_92] {strides = array<i32>} : memref<125x128xbf16, #tpu.memory_space<vmem>>, vector<1x32xbf16>,
      %swap3A_94 = vector.shape_cast %swap3A_93 : vector<1x32xbf16> to vector<32xbf16>
      %swap3A_95 = vector.shape_cast %broadcast_in_dim3A_1 : vector<32xbf16> to vector<1x32xbf16>
      tpu.vector_store %arg8[%swap3A_91, %swap3A_92], %swap3A_95 {strides = array<i32>} : memref<125x128xbf16, #tpu.memory_space<vmem>>, vector<1x32xbf16>,
      %swap3A_96 = arith.index_cast %scan3A_85 : i32 to index
      %swap3A_97 = arith.constant 64 : index
      %swap3A_98 = tpu.vector_load %arg8[%swap3A_96, %swap3A_97] {strides = array<i32>} : memref<125x128xbf16, #tpu.memory_space<vmem>>, vector<1x32xbf16>,
      %swap3A_99 = vector.shape_cast %swap3A_98 : vector<1x32xbf16> to vector<32xbf16>
      %swap3A_100 = vector.shape_cast %broadcast_in_dim3A_1 : vector<32xbf16> to vector<1x32xbf16>
      tpu.vector_store %arg8[%swap3A_96, %swap3A_97], %swap3A_100 {strides = array<i32>} : memref<125x128xbf16, #tpu.memory_space<vmem>>, vector<1x32xbf16>,
      %swap3A_101 = arith.index_cast %scan3A_85 : i32 to index
      %swap3A_102 = arith.constant 96 : index
      %swap3A_103 = tpu.vector_load %arg8[%swap3A_101, %swap3A_102] {strides = array<i32>} : memref<125x128xbf16, #tpu.memory_space<vmem>>, vector<1x32xbf16>,
      %swap3A_104 = vector.shape_cast %swap3A_103 : vector<1x32xbf16> to vector<32xbf16>
      %swap3A_105 = vector.shape_cast %broadcast_in_dim3A_1 : vector<32xbf16> to vector<1x32xbf16>
      tpu.vector_store %arg8[%swap3A_101, %swap3A_102], %swap3A_105 {strides = array<i32>} : memref<125x128xbf16, #tpu.memory_space<vmem>>, vector<1x32xbf16>,
      %scan3A_106 = arith.constant 0 : i32
      scf.yield %scan3A_106 : i32
    }
    %scan3A_7 = arith.constant 125 : i32
    "tpu.region"() ({
      %run_scoped3A = tpu.sem_alloc : memref<!tpu.dma_semaphore, #tpu.memory_space<semaphore_mem>>
      %dma_start3A_85 = arith.constant 0 : i32
      %dma_start3A_86 = arith.constant 0 : i32
      %dma_start3A_87 = tpu.memref_slice %arg3[%add3A, %dma_start3A_85, %dma_start3A_86] : memref<32x250x80xi32, #tpu.memory_space<hbm>> -> memref<1x250x80xi32, #tpu.memory_space<hbm>>
      %dma_start3A_88 = tpu.memref_squeeze %dma_start3A_87 : memref<1x250x80xi32, #tpu.memory_space<hbm>> -> memref<250x80xi32, #tpu.memory_space<hbm>>
      %dma_start3A_89 = arith.constant 0 : i32
      %dma_start3A_90 = arith.constant 0 : i32
      %dma_start3A_91 = tpu.memref_slice %arg3[%add3A, %dma_start3A_89, %dma_start3A_90] : memref<32x250x80xi32, #tpu.memory_space<hbm>> -> memref<1x250x80xi32, #tpu.memory_space<hbm>>
      %dma_start3A_92 = tpu.memref_squeeze %dma_start3A_91 : memref<1x250x80xi32, #tpu.memory_space<hbm>> -> memref<250x80xi32, #tpu.memory_space<hbm>>
      tpu.enqueue_dma source(%dma_start3A_92 : memref<250x80xi32, #tpu.memory_space<hbm>>) target(%arg6 : memref<250x80xi32, #tpu.memory_space<vmem>>) target_semaphore(%run_scoped3A : memref<!tpu.dma_semaphore, #tpu.memory_space<semaphore_mem>>)
      %dma_wait3A = arith.constant 0 : i32
      %dma_wait3A_93 = arith.constant 0 : i32
      %dma_wait3A_94 = tpu.memref_slice %arg3[%add3A, %dma_wait3A, %dma_wait3A_93] : memref<32x250x80xi32, #tpu.memory_space<hbm>> -> memref<1x250x80xi32, #tpu.memory_space<hbm>>
      %dma_wait3A_95 = tpu.memref_squeeze %dma_wait3A_94 : memref<1x250x80xi32, #tpu.memory_space<hbm>> -> memref<250x80xi32, #tpu.memory_space<hbm>>
      %dma_wait3A_96 = arith.constant 0 : i32
      %dma_wait3A_97 = arith.constant 0 : i32
      %dma_wait3A_98 = tpu.memref_slice %arg3[%add3A, %dma_wait3A_96, %dma_wait3A_97] : memref<32x250x80xi32, #tpu.memory_space<hbm>> -> memref<1x250x80xi32, #tpu.memory_space<hbm>>
      %dma_wait3A_99 = tpu.memref_squeeze %dma_wait3A_98 : memref<1x250x80xi32, #tpu.memory_space<hbm>> -> memref<250x80xi32, #tpu.memory_space<hbm>>
      tpu.wait_dma2 semaphore(%run_scoped3A : memref<!tpu.dma_semaphore, #tpu.memory_space<semaphore_mem>>) src(%dma_wait3A_99 : memref<250x80xi32, #tpu.memory_space<hbm>>) dst(%arg6 : memref<250x80xi32, #tpu.memory_space<vmem>>)
      tpu.yield
    }) : () -> ()
    "tpu.region"() ({
      %run_scoped3A = tpu.sem_alloc : memref<!tpu.dma_semaphore, #tpu.memory_space<semaphore_mem>>
      %dma_start3A_85 = arith.constant 0 : i32
      %dma_start3A_86 = arith.constant 0 : i32
      %dma_start3A_87 = tpu.memref_slice %arg4[%add3A, %dma_start3A_85, %dma_start3A_86] : memref<32x250x80xi32, #tpu.memory_space<hbm>> -> memref<1x250x80xi32, #tpu.memory_space<hbm>>
      %dma_start3A_88 = tpu.memref_squeeze %dma_start3A_87 : memref<1x250x80xi32, #tpu.memory_space<hbm>> -> memref<250x80xi32, #tpu.memory_space<hbm>>
      %dma_start3A_89 = arith.constant 0 : i32
      %dma_start3A_90 = arith.constant 0 : i32
      %dma_start3A_91 = tpu.memref_slice %arg4[%add3A, %dma_start3A_89, %dma_start3A_90] : memref<32x250x80xi32, #tpu.memory_space<hbm>> -> memref<1x250x80xi32, #tpu.memory_space<hbm>>
      %dma_start3A_92 = tpu.memref_squeeze %dma_start3A_91 : memref<1x250x80xi32, #tpu.memory_space<hbm>> -> memref<250x80xi32, #tpu.memory_space<hbm>>
      tpu.enqueue_dma source(%dma_start3A_92 : memref<250x80xi32, #tpu.memory_space<hbm>>) target(%arg7 : memref<250x80xi32, #tpu.memory_space<vmem>>) target_semaphore(%run_scoped3A : memref<!tpu.dma_semaphore, #tpu.memory_space<semaphore_mem>>)
      %dma_wait3A = arith.constant 0 : i32
      %dma_wait3A_93 = arith.constant 0 : i32
      %dma_wait3A_94 = tpu.memref_slice %arg4[%add3A, %dma_wait3A, %dma_wait3A_93] : memref<32x250x80xi32, #tpu.memory_space<hbm>> -> memref<1x250x80xi32, #tpu.memory_space<hbm>>
      %dma_wait3A_95 = tpu.memref_squeeze %dma_wait3A_94 : memref<1x250x80xi32, #tpu.memory_space<hbm>> -> memref<250x80xi32, #tpu.memory_space<hbm>>
      %dma_wait3A_96 = arith.constant 0 : i32
      %dma_wait3A_97 = arith.constant 0 : i32
      %dma_wait3A_98 = tpu.memref_slice %arg4[%add3A, %dma_wait3A_96, %dma_wait3A_97] : memref<32x250x80xi32, #tpu.memory_space<hbm>> -> memref<1x250x80xi32, #tpu.memory_space<hbm>>
      %dma_wait3A_99 = tpu.memref_squeeze %dma_wait3A_98 : memref<1x250x80xi32, #tpu.memory_space<hbm>> -> memref<250x80xi32, #tpu.memory_space<hbm>>
      tpu.wait_dma2 semaphore(%run_scoped3A : memref<!tpu.dma_semaphore, #tpu.memory_space<semaphore_mem>>) src(%dma_wait3A_99 : memref<250x80xi32, #tpu.memory_space<hbm>>) dst(%arg7 : memref<250x80xi32, #tpu.memory_space<vmem>>)
      tpu.yield
    }) : () -> ()
    %broadcast_in_dim3A_8 = arith.constant 0 : i32
    %broadcast_in_dim3A_9 = vector.broadcast %broadcast_in_dim3A_8 : i32 to vector<16xi32>
    %mul3A_10 = arith.constant 10000 : i32
    %mul3A_11 = arith.muli %arg0, %mul3A_10 : i32
    %add3A_12 = vector.broadcast %mul3A_11 : i32 to vector<16xi32>
    %add3A_13 = arith.addi %broadcast_in_dim3A_9, %add3A_12 : vector<16xi32>
    %scan3A_14 = arith.constant 0 : i32
    %scan3A_15 = arith.constant 0 : i32
    %scan3A_16 = arith.constant 250 : i32
    %scan3A_17 = arith.addi %scan3A_15, %scan3A_16 : i32
    %scan3A_18 = arith.constant 1 : i32
    %scan3A_19 = scf.for %scan3A_85 = %scan3A_15 to %scan3A_17 step %scan3A_18 iter_args(%scan3A_86 = %scan3A_14) -> (i32)  : i32 {
      %get3A = arith.index_cast %scan3A_85 : i32 to index
      %get3A_87 = arith.constant 0 : index
      %get3A_88 = tpu.vector_load %arg6[%get3A, %get3A_87] {strides = array<i32>} : memref<250x80xi32, #tpu.memory_space<vmem>>, vector<1x16xi32>,
      %get3A_89 = vector.shape_cast %get3A_88 : vector<1x16xi32> to vector<16xi32>
      %add3A_90 = arith.addi %get3A_89, %add3A_13 : vector<16xi32>
      %swap3A = arith.index_cast %scan3A_85 : i32 to index
      %swap3A_91 = arith.constant 0 : index
      %swap3A_92 = tpu.vector_load %arg6[%swap3A, %swap3A_91] {strides = array<i32>} : memref<250x80xi32, #tpu.memory_space<vmem>>, vector<1x16xi32>,
      %swap3A_93 = vector.shape_cast %swap3A_92 : vector<1x16xi32> to vector<16xi32>
      %swap3A_94 = vector.shape_cast %add3A_90 : vector<16xi32> to vector<1x16xi32>
      tpu.vector_store %arg6[%swap3A, %swap3A_91], %swap3A_94 {strides = array<i32>} : memref<250x80xi32, #tpu.memory_space<vmem>>, vector<1x16xi32>,
      %get3A_95 = arith.index_cast %scan3A_85 : i32 to index
      %get3A_96 = arith.constant 16 : index
      %get3A_97 = tpu.vector_load %arg6[%get3A_95, %get3A_96] {strides = array<i32>} : memref<250x80xi32, #tpu.memory_space<vmem>>, vector<1x16xi32>,
      %get3A_98 = vector.shape_cast %get3A_97 : vector<1x16xi32> to vector<16xi32>
      %add3A_99 = arith.addi %get3A_98, %add3A_13 : vector<16xi32>
      %swap3A_100 = arith.index_cast %scan3A_85 : i32 to index
      %swap3A_101 = arith.constant 16 : index
      %swap3A_102 = tpu.vector_load %arg6[%swap3A_100, %swap3A_101] {strides = array<i32>} : memref<250x80xi32, #tpu.memory_space<vmem>>, vector<1x16xi32>,
      %swap3A_103 = vector.shape_cast %swap3A_102 : vector<1x16xi32> to vector<16xi32>
      %swap3A_104 = vector.shape_cast %add3A_99 : vector<16xi32> to vector<1x16xi32>
      tpu.vector_store %arg6[%swap3A_100, %swap3A_101], %swap3A_104 {strides = array<i32>} : memref<250x80xi32, #tpu.memory_space<vmem>>, vector<1x16xi32>,
      %get3A_105 = arith.index_cast %scan3A_85 : i32 to index
      %get3A_106 = arith.constant 32 : index
      %get3A_107 = tpu.vector_load %arg6[%get3A_105, %get3A_106] {strides = array<i32>} : memref<250x80xi32, #tpu.memory_space<vmem>>, vector<1x16xi32>,
      %get3A_108 = vector.shape_cast %get3A_107 : vector<1x16xi32> to vector<16xi32>
      %add3A_109 = arith.addi %get3A_108, %add3A_13 : vector<16xi32>
      %swap3A_110 = arith.index_cast %scan3A_85 : i32 to index
      %swap3A_111 = arith.constant 32 : index
      %swap3A_112 = tpu.vector_load %arg6[%swap3A_110, %swap3A_111] {strides = array<i32>} : memref<250x80xi32, #tpu.memory_space<vmem>>, vector<1x16xi32>,
      %swap3A_113 = vector.shape_cast %swap3A_112 : vector<1x16xi32> to vector<16xi32>
      %swap3A_114 = vector.shape_cast %add3A_109 : vector<16xi32> to vector<1x16xi32>
      tpu.vector_store %arg6[%swap3A_110, %swap3A_111], %swap3A_114 {strides = array<i32>} : memref<250x80xi32, #tpu.memory_space<vmem>>, vector<1x16xi32>,
      %get3A_115 = arith.index_cast %scan3A_85 : i32 to index
      %get3A_116 = arith.constant 48 : index
      %get3A_117 = tpu.vector_load %arg6[%get3A_115, %get3A_116] {strides = array<i32>} : memref<250x80xi32, #tpu.memory_space<vmem>>, vector<1x16xi32>,
      %get3A_118 = vector.shape_cast %get3A_117 : vector<1x16xi32> to vector<16xi32>
      %add3A_119 = arith.addi %get3A_118, %add3A_13 : vector<16xi32>
      %swap3A_120 = arith.index_cast %scan3A_85 : i32 to index
      %swap3A_121 = arith.constant 48 : index
      %swap3A_122 = tpu.vector_load %arg6[%swap3A_120, %swap3A_121] {strides = array<i32>} : memref<250x80xi32, #tpu.memory_space<vmem>>, vector<1x16xi32>,
      %swap3A_123 = vector.shape_cast %swap3A_122 : vector<1x16xi32> to vector<16xi32>
      %swap3A_124 = vector.shape_cast %add3A_119 : vector<16xi32> to vector<1x16xi32>
      tpu.vector_store %arg6[%swap3A_120, %swap3A_121], %swap3A_124 {strides = array<i32>} : memref<250x80xi32, #tpu.memory_space<vmem>>, vector<1x16xi32>,
      %get3A_125 = arith.index_cast %scan3A_85 : i32 to index
      %get3A_126 = arith.constant 64 : index
      %get3A_127 = tpu.vector_load %arg6[%get3A_125, %get3A_126] {strides = array<i32>} : memref<250x80xi32, #tpu.memory_space<vmem>>, vector<1x16xi32>,
      %get3A_128 = vector.shape_cast %get3A_127 : vector<1x16xi32> to vector<16xi32>
      %add3A_129 = arith.addi %get3A_128, %add3A_13 : vector<16xi32>
      %swap3A_130 = arith.index_cast %scan3A_85 : i32 to index
      %swap3A_131 = arith.constant 64 : index
      %swap3A_132 = tpu.vector_load %arg6[%swap3A_130, %swap3A_131] {strides = array<i32>} : memref<250x80xi32, #tpu.memory_space<vmem>>, vector<1x16xi32>,
      %swap3A_133 = vector.shape_cast %swap3A_132 : vector<1x16xi32> to vector<16xi32>
      %swap3A_134 = vector.shape_cast %add3A_129 : vector<16xi32> to vector<1x16xi32>
      tpu.vector_store %arg6[%swap3A_130, %swap3A_131], %swap3A_134 {strides = array<i32>} : memref<250x80xi32, #tpu.memory_space<vmem>>, vector<1x16xi32>,
      %scan3A_135 = arith.constant 0 : i32
      scf.yield %scan3A_135 : i32
    }
    %scan3A_20 = arith.constant 250 : i32
    %mul3A_21 = arith.constant 625 : i32
    %mul3A_22 = arith.muli %arg1, %mul3A_21 : i32
    %add3A_23 = arith.constant 0 : i32
    %add3A_24 = arith.addi %mul3A_22, %add3A_23 : i32
    "tpu.region"() ({
      %run_scoped3A = tpu.sem_alloc : memref<!tpu.dma_semaphore, #tpu.memory_space<semaphore_mem>>
      %dma_start3A_85 = arith.constant 0 : i32
      %dma_start3A_86 = tpu.memref_slice %arg9[%add3A_24, %dma_start3A_85] : memref<10000x128xbf16, #tpu.memory_space<vmem_shared>> -> memref<125x128xbf16, #tpu.memory_space<vmem_shared>>
      %dma_start3A_87 = arith.constant 0 : i32
      %dma_start3A_88 = tpu.memref_slice %arg9[%add3A_24, %dma_start3A_87] : memref<10000x128xbf16, #tpu.memory_space<vmem_shared>> -> memref<125x128xbf16, #tpu.memory_space<vmem_shared>>
      tpu.enqueue_dma source(%arg8 : memref<125x128xbf16, #tpu.memory_space<vmem>>) target(%dma_start3A_88 : memref<125x128xbf16, #tpu.memory_space<vmem_shared>>) target_semaphore(%run_scoped3A : memref<!tpu.dma_semaphore, #tpu.memory_space<semaphore_mem>>)
      %dma_wait3A = arith.constant 0 : i32
      %dma_wait3A_89 = tpu.memref_slice %arg9[%add3A_24, %dma_wait3A] : memref<10000x128xbf16, #tpu.memory_space<vmem_shared>> -> memref<125x128xbf16, #tpu.memory_space<vmem_shared>>
      %dma_wait3A_90 = arith.constant 0 : i32
      %dma_wait3A_91 = tpu.memref_slice %arg9[%add3A_24, %dma_wait3A_90] : memref<10000x128xbf16, #tpu.memory_space<vmem_shared>> -> memref<125x128xbf16, #tpu.memory_space<vmem_shared>>
      tpu.wait_dma2 semaphore(%run_scoped3A : memref<!tpu.dma_semaphore, #tpu.memory_space<semaphore_mem>>) src(%arg8 : memref<125x128xbf16, #tpu.memory_space<vmem>>) dst(%dma_wait3A_91 : memref<125x128xbf16, #tpu.memory_space<vmem_shared>>)
      tpu.yield
    }) : () -> ()
    %mul3A_25 = arith.constant 625 : i32
    %mul3A_26 = arith.muli %arg1, %mul3A_25 : i32
    %add3A_27 = arith.constant 125 : i32
    %add3A_28 = arith.addi %mul3A_26, %add3A_27 : i32
    "tpu.region"() ({
      %run_scoped3A = tpu.sem_alloc : memref<!tpu.dma_semaphore, #tpu.memory_space<semaphore_mem>>
      %dma_start3A_85 = arith.constant 0 : i32
      %dma_start3A_86 = tpu.memref_slice %arg9[%add3A_28, %dma_start3A_85] : memref<10000x128xbf16, #tpu.memory_space<vmem_shared>> -> memref<125x128xbf16, #tpu.memory_space<vmem_shared>>
      %dma_start3A_87 = arith.constant 0 : i32
      %dma_start3A_88 = tpu.memref_slice %arg9[%add3A_28, %dma_start3A_87] : memref<10000x128xbf16, #tpu.memory_space<vmem_shared>> -> memref<125x128xbf16, #tpu.memory_space<vmem_shared>>
      tpu.enqueue_dma source(%arg8 : memref<125x128xbf16, #tpu.memory_space<vmem>>) target(%dma_start3A_88 : memref<125x128xbf16, #tpu.memory_space<vmem_shared>>) target_semaphore(%run_scoped3A : memref<!tpu.dma_semaphore, #tpu.memory_space<semaphore_mem>>)
      %dma_wait3A = arith.constant 0 : i32
      %dma_wait3A_89 = tpu.memref_slice %arg9[%add3A_28, %dma_wait3A] : memref<10000x128xbf16, #tpu.memory_space<vmem_shared>> -> memref<125x128xbf16, #tpu.memory_space<vmem_shared>>
      %dma_wait3A_90 = arith.constant 0 : i32
      %dma_wait3A_91 = tpu.memref_slice %arg9[%add3A_28, %dma_wait3A_90] : memref<10000x128xbf16, #tpu.memory_space<vmem_shared>> -> memref<125x128xbf16, #tpu.memory_space<vmem_shared>>
      tpu.wait_dma2 semaphore(%run_scoped3A : memref<!tpu.dma_semaphore, #tpu.memory_space<semaphore_mem>>) src(%arg8 : memref<125x128xbf16, #tpu.memory_space<vmem>>) dst(%dma_wait3A_91 : memref<125x128xbf16, #tpu.memory_space<vmem_shared>>)
      tpu.yield
    }) : () -> ()
    %mul3A_29 = arith.constant 625 : i32
    %mul3A_30 = arith.muli %arg1, %mul3A_29 : i32
    %add3A_31 = arith.constant 250 : i32
    %add3A_32 = arith.addi %mul3A_30, %add3A_31 : i32
    "tpu.region"() ({
      %run_scoped3A = tpu.sem_alloc : memref<!tpu.dma_semaphore, #tpu.memory_space<semaphore_mem>>
      %dma_start3A_85 = arith.constant 0 : i32
      %dma_start3A_86 = tpu.memref_slice %arg9[%add3A_32, %dma_start3A_85] : memref<10000x128xbf16, #tpu.memory_space<vmem_shared>> -> memref<125x128xbf16, #tpu.memory_space<vmem_shared>>
      %dma_start3A_87 = arith.constant 0 : i32
      %dma_start3A_88 = tpu.memref_slice %arg9[%add3A_32, %dma_start3A_87] : memref<10000x128xbf16, #tpu.memory_space<vmem_shared>> -> memref<125x128xbf16, #tpu.memory_space<vmem_shared>>
      tpu.enqueue_dma source(%arg8 : memref<125x128xbf16, #tpu.memory_space<vmem>>) target(%dma_start3A_88 : memref<125x128xbf16, #tpu.memory_space<vmem_shared>>) target_semaphore(%run_scoped3A : memref<!tpu.dma_semaphore, #tpu.memory_space<semaphore_mem>>)
      %dma_wait3A = arith.constant 0 : i32
      %dma_wait3A_89 = tpu.memref_slice %arg9[%add3A_32, %dma_wait3A] : memref<10000x128xbf16, #tpu.memory_space<vmem_shared>> -> memref<125x128xbf16, #tpu.memory_space<vmem_shared>>
      %dma_wait3A_90 = arith.constant 0 : i32
      %dma_wait3A_91 = tpu.memref_slice %arg9[%add3A_32, %dma_wait3A_90] : memref<10000x128xbf16, #tpu.memory_space<vmem_shared>> -> memref<125x128xbf16, #tpu.memory_space<vmem_shared>>
      tpu.wait_dma2 semaphore(%run_scoped3A : memref<!tpu.dma_semaphore, #tpu.memory_space<semaphore_mem>>) src(%arg8 : memref<125x128xbf16, #tpu.memory_space<vmem>>) dst(%dma_wait3A_91 : memref<125x128xbf16, #tpu.memory_space<vmem_shared>>)
      tpu.yield
    }) : () -> ()
    %mul3A_33 = arith.constant 625 : i32
    %mul3A_34 = arith.muli %arg1, %mul3A_33 : i32
    %add3A_35 = arith.constant 375 : i32
    %add3A_36 = arith.addi %mul3A_34, %add3A_35 : i32
    "tpu.region"() ({
      %run_scoped3A = tpu.sem_alloc : memref<!tpu.dma_semaphore, #tpu.memory_space<semaphore_mem>>
      %dma_start3A_85 = arith.constant 0 : i32
      %dma_start3A_86 = tpu.memref_slice %arg9[%add3A_36, %dma_start3A_85] : memref<10000x128xbf16, #tpu.memory_space<vmem_shared>> -> memref<125x128xbf16, #tpu.memory_space<vmem_shared>>
      %dma_start3A_87 = arith.constant 0 : i32
      %dma_start3A_88 = tpu.memref_slice %arg9[%add3A_36, %dma_start3A_87] : memref<10000x128xbf16, #tpu.memory_space<vmem_shared>> -> memref<125x128xbf16, #tpu.memory_space<vmem_shared>>
      tpu.enqueue_dma source(%arg8 : memref<125x128xbf16, #tpu.memory_space<vmem>>) target(%dma_start3A_88 : memref<125x128xbf16, #tpu.memory_space<vmem_shared>>) target_semaphore(%run_scoped3A : memref<!tpu.dma_semaphore, #tpu.memory_space<semaphore_mem>>)
      %dma_wait3A = arith.constant 0 : i32
      %dma_wait3A_89 = tpu.memref_slice %arg9[%add3A_36, %dma_wait3A] : memref<10000x128xbf16, #tpu.memory_space<vmem_shared>> -> memref<125x128xbf16, #tpu.memory_space<vmem_shared>>
      %dma_wait3A_90 = arith.constant 0 : i32
      %dma_wait3A_91 = tpu.memref_slice %arg9[%add3A_36, %dma_wait3A_90] : memref<10000x128xbf16, #tpu.memory_space<vmem_shared>> -> memref<125x128xbf16, #tpu.memory_space<vmem_shared>>
      tpu.wait_dma2 semaphore(%run_scoped3A : memref<!tpu.dma_semaphore, #tpu.memory_space<semaphore_mem>>) src(%arg8 : memref<125x128xbf16, #tpu.memory_space<vmem>>) dst(%dma_wait3A_91 : memref<125x128xbf16, #tpu.memory_space<vmem_shared>>)
      tpu.yield
    }) : () -> ()
    %mul3A_37 = arith.constant 625 : i32
    %mul3A_38 = arith.muli %arg1, %mul3A_37 : i32
    %add3A_39 = arith.constant 500 : i32
    %add3A_40 = arith.addi %mul3A_38, %add3A_39 : i32
    "tpu.region"() ({
      %run_scoped3A = tpu.sem_alloc : memref<!tpu.dma_semaphore, #tpu.memory_space<semaphore_mem>>
      %dma_start3A_85 = arith.constant 0 : i32
      %dma_start3A_86 = tpu.memref_slice %arg9[%add3A_40, %dma_start3A_85] : memref<10000x128xbf16, #tpu.memory_space<vmem_shared>> -> memref<125x128xbf16, #tpu.memory_space<vmem_shared>>
      %dma_start3A_87 = arith.constant 0 : i32
      %dma_start3A_88 = tpu.memref_slice %arg9[%add3A_40, %dma_start3A_87] : memref<10000x128xbf16, #tpu.memory_space<vmem_shared>> -> memref<125x128xbf16, #tpu.memory_space<vmem_shared>>
      tpu.enqueue_dma source(%arg8 : memref<125x128xbf16, #tpu.memory_space<vmem>>) target(%dma_start3A_88 : memref<125x128xbf16, #tpu.memory_space<vmem_shared>>) target_semaphore(%run_scoped3A : memref<!tpu.dma_semaphore, #tpu.memory_space<semaphore_mem>>)
      %dma_wait3A = arith.constant 0 : i32
      %dma_wait3A_89 = tpu.memref_slice %arg9[%add3A_40, %dma_wait3A] : memref<10000x128xbf16, #tpu.memory_space<vmem_shared>> -> memref<125x128xbf16, #tpu.memory_space<vmem_shared>>
      %dma_wait3A_90 = arith.constant 0 : i32
      %dma_wait3A_91 = tpu.memref_slice %arg9[%add3A_40, %dma_wait3A_90] : memref<10000x128xbf16, #tpu.memory_space<vmem_shared>> -> memref<125x128xbf16, #tpu.memory_space<vmem_shared>>
      tpu.wait_dma2 semaphore(%run_scoped3A : memref<!tpu.dma_semaphore, #tpu.memory_space<semaphore_mem>>) src(%arg8 : memref<125x128xbf16, #tpu.memory_space<vmem>>) dst(%dma_wait3A_91 : memref<125x128xbf16, #tpu.memory_space<vmem_shared>>)
      tpu.yield
    }) : () -> ()
    %barrier3A = arith.constant 0 : index
    tpu.barrier barrier_id(%barrier3A)
    %dma_start3A = arith.constant 0 : i32
    %dma_start3A_41 = arith.constant 0 : i32
    %dma_start3A_42 = tpu.memref_slice %arg6[%dma_start3A, %dma_start3A_41] : memref<250x80xi32, #tpu.memory_space<vmem>> -> memref<1x80xi32, #tpu.memory_space<vmem>>
    %dma_start3A_43 = tpu.memref_squeeze %dma_start3A_42 : memref<1x80xi32, #tpu.memory_space<vmem>> -> memref<80xi32, #tpu.memory_space<vmem>>
    %dma_start3A_44 = arith.constant 0 : i32
    %dma_start3A_45 = arith.constant 0 : i32
    %dma_start3A_46 = tpu.memref_slice %arg2[%dma_start3A_44, %dma_start3A_45] : memref<20000x128xbf16, #tpu.memory_space<hbm>> -> memref<20000x128xbf16, #tpu.memory_space<hbm>>
    tpu.enqueue_indirect_dma source(%dma_start3A_46 : memref<20000x128xbf16, #tpu.memory_space<hbm>>) target(%arg10 : memref<80x128xbf16, #tpu.memory_space<vmem>>) offsets(%dma_start3A_43 : memref<80xi32, #tpu.memory_space<vmem>>) semaphore(%arg15 : memref<!tpu.dma_semaphore, #tpu.memory_space<semaphore_mem>>)
    %dma_start3A_47 = arith.constant 1 : i32
    %dma_start3A_48 = arith.constant 0 : i32
    %dma_start3A_49 = tpu.memref_slice %arg6[%dma_start3A_47, %dma_start3A_48] : memref<250x80xi32, #tpu.memory_space<vmem>> -> memref<1x80xi32, #tpu.memory_space<vmem>>
    %dma_start3A_50 = tpu.memref_squeeze %dma_start3A_49 : memref<1x80xi32, #tpu.memory_space<vmem>> -> memref<80xi32, #tpu.memory_space<vmem>>
    %dma_start3A_51 = arith.constant 0 : i32
    %dma_start3A_52 = arith.constant 0 : i32
    %dma_start3A_53 = tpu.memref_slice %arg2[%dma_start3A_51, %dma_start3A_52] : memref<20000x128xbf16, #tpu.memory_space<hbm>> -> memref<20000x128xbf16, #tpu.memory_space<hbm>>
    tpu.enqueue_indirect_dma source(%dma_start3A_53 : memref<20000x128xbf16, #tpu.memory_space<hbm>>) target(%arg11 : memref<80x128xbf16, #tpu.memory_space<vmem>>) offsets(%dma_start3A_50 : memref<80xi32, #tpu.memory_space<vmem>>) semaphore(%arg16 : memref<!tpu.dma_semaphore, #tpu.memory_space<semaphore_mem>>)
    %dma_start3A_54 = arith.constant 2 : i32
    %dma_start3A_55 = arith.constant 0 : i32
    %dma_start3A_56 = tpu.memref_slice %arg6[%dma_start3A_54, %dma_start3A_55] : memref<250x80xi32, #tpu.memory_space<vmem>> -> memref<1x80xi32, #tpu.memory_space<vmem>>
    %dma_start3A_57 = tpu.memref_squeeze %dma_start3A_56 : memref<1x80xi32, #tpu.memory_space<vmem>> -> memref<80xi32, #tpu.memory_space<vmem>>
    %dma_start3A_58 = arith.constant 0 : i32
    %dma_start3A_59 = arith.constant 0 : i32
    %dma_start3A_60 = tpu.memref_slice %arg2[%dma_start3A_58, %dma_start3A_59] : memref<20000x128xbf16, #tpu.memory_space<hbm>> -> memref<20000x128xbf16, #tpu.memory_space<hbm>>
    tpu.enqueue_indirect_dma source(%dma_start3A_60 : memref<20000x128xbf16, #tpu.memory_space<hbm>>) target(%arg12 : memref<80x128xbf16, #tpu.memory_space<vmem>>) offsets(%dma_start3A_57 : memref<80xi32, #tpu.memory_space<vmem>>) semaphore(%arg17 : memref<!tpu.dma_semaphore, #tpu.memory_space<semaphore_mem>>)
    %dma_start3A_61 = arith.constant 3 : i32
    %dma_start3A_62 = arith.constant 0 : i32
    %dma_start3A_63 = tpu.memref_slice %arg6[%dma_start3A_61, %dma_start3A_62] : memref<250x80xi32, #tpu.memory_space<vmem>> -> memref<1x80xi32, #tpu.memory_space<vmem>>
    %dma_start3A_64 = tpu.memref_squeeze %dma_start3A_63 : memref<1x80xi32, #tpu.memory_space<vmem>> -> memref<80xi32, #tpu.memory_space<vmem>>
    %dma_start3A_65 = arith.constant 0 : i32
    %dma_start3A_66 = arith.constant 0 : i32
    %dma_start3A_67 = tpu.memref_slice %arg2[%dma_start3A_65, %dma_start3A_66] : memref<20000x128xbf16, #tpu.memory_space<hbm>> -> memref<20000x128xbf16, #tpu.memory_space<hbm>>
    tpu.enqueue_indirect_dma source(%dma_start3A_67 : memref<20000x128xbf16, #tpu.memory_space<hbm>>) target(%arg13 : memref<80x128xbf16, #tpu.memory_space<vmem>>) offsets(%dma_start3A_64 : memref<80xi32, #tpu.memory_space<vmem>>) semaphore(%arg18 : memref<!tpu.dma_semaphore, #tpu.memory_space<semaphore_mem>>)
    %dma_start3A_68 = arith.constant 4 : i32
    %dma_start3A_69 = arith.constant 0 : i32
    %dma_start3A_70 = tpu.memref_slice %arg6[%dma_start3A_68, %dma_start3A_69] : memref<250x80xi32, #tpu.memory_space<vmem>> -> memref<1x80xi32, #tpu.memory_space<vmem>>
    %dma_start3A_71 = tpu.memref_squeeze %dma_start3A_70 : memref<1x80xi32, #tpu.memory_space<vmem>> -> memref<80xi32, #tpu.memory_space<vmem>>
    %dma_start3A_72 = arith.constant 0 : i32
    %dma_start3A_73 = arith.constant 0 : i32
    %dma_start3A_74 = tpu.memref_slice %arg2[%dma_start3A_72, %dma_start3A_73] : memref<20000x128xbf16, #tpu.memory_space<hbm>> -> memref<20000x128xbf16, #tpu.memory_space<hbm>>
    tpu.enqueue_indirect_dma source(%dma_start3A_74 : memref<20000x128xbf16, #tpu.memory_space<hbm>>) target(%arg14 : memref<80x128xbf16, #tpu.memory_space<vmem>>) offsets(%dma_start3A_71 : memref<80xi32, #tpu.memory_space<vmem>>) semaphore(%arg19 : memref<!tpu.dma_semaphore, #tpu.memory_space<semaphore_mem>>)
    %scan3A_75 = arith.constant 0 : i32
    %scan3A_76 = arith.constant 0 : i32
    %scan3A_77 = arith.constant 50 : i32
    %scan3A_78 = arith.addi %scan3A_76, %scan3A_77 : i32
    %scan3A_79 = arith.constant 1 : i32
    %scan3A_80 = scf.for %scan3A_85 = %scan3A_76 to %scan3A_78 step %scan3A_79 iter_args(%scan3A_86 = %scan3A_75) -> (i32)  : i32 {
      %mul3A_87 = arith.constant 5 : i32
      %mul3A_88 = arith.muli %scan3A_85, %mul3A_87 : i32
      %add3A_89 = arith.constant 0 : i32
      %add3A_90 = arith.addi %mul3A_88, %add3A_89 : i32
      %dma_wait3A = arith.constant 0 : i32
      %dma_wait3A_91 = tpu.memref_slice %arg6[%add3A_90, %dma_wait3A] : memref<250x80xi32, #tpu.memory_space<vmem>> -> memref<1x80xi32, #tpu.memory_space<vmem>>
      %dma_wait3A_92 = tpu.memref_squeeze %dma_wait3A_91 : memref<1x80xi32, #tpu.memory_space<vmem>> -> memref<80xi32, #tpu.memory_space<vmem>>
      %dma_wait3A_93 = arith.constant 0 : i32
      %dma_wait3A_94 = arith.constant 0 : i32
      %dma_wait3A_95 = tpu.memref_slice %arg2[%dma_wait3A_93, %dma_wait3A_94] : memref<20000x128xbf16, #tpu.memory_space<hbm>> -> memref<20000x128xbf16, #tpu.memory_space<hbm>>
      tpu.wait_indirect_dma semaphore(%arg15 : memref<!tpu.dma_semaphore, #tpu.memory_space<semaphore_mem>>) src(%dma_wait3A_95 : memref<20000x128xbf16, #tpu.memory_space<hbm>>) dst(%arg10 : memref<80x128xbf16, #tpu.memory_space<vmem>>)
      "tpu.region"() ({
        %run_scoped3A = tpu.sem_alloc : memref<!tpu.dma_semaphore, #tpu.memory_space<semaphore_mem>>
        %dma_start3A_169 = arith.constant 0 : i32
        %dma_start3A_170 = tpu.memref_slice %arg7[%add3A_90, %dma_start3A_169] : memref<250x80xi32, #tpu.memory_space<vmem>> -> memref<1x80xi32, #tpu.memory_space<vmem>>
        %dma_start3A_171 = tpu.memref_squeeze %dma_start3A_170 : memref<1x80xi32, #tpu.memory_space<vmem>> -> memref<80xi32, #tpu.memory_space<vmem>>
        %dma_start3A_172 = arith.constant 0 : i32
        %dma_start3A_173 = arith.constant 0 : i32
        %dma_start3A_174 = tpu.memref_slice %arg9[%dma_start3A_172, %dma_start3A_173] : memref<10000x128xbf16, #tpu.memory_space<vmem_shared>> -> memref<10000x128xbf16, #tpu.memory_space<vmem_shared>>
        tpu.enqueue_indirect_dma source(%arg10 : memref<80x128xbf16, #tpu.memory_space<vmem>>) target(%dma_start3A_174 : memref<10000x128xbf16, #tpu.memory_space<vmem_shared>>) offsets(%dma_start3A_171 : memref<80xi32, #tpu.memory_space<vmem>>) semaphore(%run_scoped3A : memref<!tpu.dma_semaphore, #tpu.memory_space<semaphore_mem>>) {add = true}
        %dma_wait3A_175 = arith.constant 0 : i32
        %dma_wait3A_176 = tpu.memref_slice %arg7[%add3A_90, %dma_wait3A_175] : memref<250x80xi32, #tpu.memory_space<vmem>> -> memref<1x80xi32, #tpu.memory_space<vmem>>
        %dma_wait3A_177 = tpu.memref_squeeze %dma_wait3A_176 : memref<1x80xi32, #tpu.memory_space<vmem>> -> memref<80xi32, #tpu.memory_space<vmem>>
        %dma_wait3A_178 = arith.constant 0 : i32
        %dma_wait3A_179 = arith.constant 0 : i32
        %dma_wait3A_180 = tpu.memref_slice %arg9[%dma_wait3A_178, %dma_wait3A_179] : memref<10000x128xbf16, #tpu.memory_space<vmem_shared>> -> memref<10000x128xbf16, #tpu.memory_space<vmem_shared>>
        tpu.wait_indirect_dma semaphore(%run_scoped3A : memref<!tpu.dma_semaphore, #tpu.memory_space<semaphore_mem>>) src(%arg10 : memref<80x128xbf16, #tpu.memory_space<vmem>>) dst(%dma_wait3A_180 : memref<10000x128xbf16, #tpu.memory_space<vmem_shared>>)
        tpu.yield
      }) : () -> ()
      %add3A_96 = arith.constant 5 : i32
      %add3A_97 = arith.addi %add3A_90, %add3A_96 : i32
      %lt3A = arith.constant 250 : i32
      %lt3A_98 = arith.cmpi slt, %add3A_97, %lt3A : i32
      %convert_element_type3A = arith.extui %lt3A_98 : i1 to i32
      %cond3A = arith.constant 0 : i32
      %cond3A_99 = arith.cmpi ne, %convert_element_type3A, %cond3A : i32
      scf.if %cond3A_99 {
        %add3A_169 = arith.constant 5 : i32
        %add3A_170 = arith.addi %add3A_90, %add3A_169 : i32
        %dma_start3A_171 = arith.constant 0 : i32
        %dma_start3A_172 = tpu.memref_slice %arg6[%add3A_170, %dma_start3A_171] : memref<250x80xi32, #tpu.memory_space<vmem>> -> memref<1x80xi32, #tpu.memory_space<vmem>>
        %dma_start3A_173 = tpu.memref_squeeze %dma_start3A_172 : memref<1x80xi32, #tpu.memory_space<vmem>> -> memref<80xi32, #tpu.memory_space<vmem>>
        %dma_start3A_174 = arith.constant 0 : i32
        %dma_start3A_175 = arith.constant 0 : i32
        %dma_start3A_176 = tpu.memref_slice %arg2[%dma_start3A_174, %dma_start3A_175] : memref<20000x128xbf16, #tpu.memory_space<hbm>> -> memref<20000x128xbf16, #tpu.memory_space<hbm>>
        tpu.enqueue_indirect_dma source(%dma_start3A_176 : memref<20000x128xbf16, #tpu.memory_space<hbm>>) target(%arg10 : memref<80x128xbf16, #tpu.memory_space<vmem>>) offsets(%dma_start3A_173 : memref<80xi32, #tpu.memory_space<vmem>>) semaphore(%arg15 : memref<!tpu.dma_semaphore, #tpu.memory_space<semaphore_mem>>)
      } else {
      }
      %mul3A_100 = arith.constant 5 : i32
      %mul3A_101 = arith.muli %scan3A_85, %mul3A_100 : i32
      %add3A_102 = arith.constant 1 : i32
      %add3A_103 = arith.addi %mul3A_101, %add3A_102 : i32
      %dma_wait3A_104 = arith.constant 0 : i32
      %dma_wait3A_105 = tpu.memref_slice %arg6[%add3A_103, %dma_wait3A_104] : memref<250x80xi32, #tpu.memory_space<vmem>> -> memref<1x80xi32, #tpu.memory_space<vmem>>
      %dma_wait3A_106 = tpu.memref_squeeze %dma_wait3A_105 : memref<1x80xi32, #tpu.memory_space<vmem>> -> memref<80xi32, #tpu.memory_space<vmem>>
      %dma_wait3A_107 = arith.constant 0 : i32
      %dma_wait3A_108 = arith.constant 0 : i32
      %dma_wait3A_109 = tpu.memref_slice %arg2[%dma_wait3A_107, %dma_wait3A_108] : memref<20000x128xbf16, #tpu.memory_space<hbm>> -> memref<20000x128xbf16, #tpu.memory_space<hbm>>
      tpu.wait_indirect_dma semaphore(%arg16 : memref<!tpu.dma_semaphore, #tpu.memory_space<semaphore_mem>>) src(%dma_wait3A_109 : memref<20000x128xbf16, #tpu.memory_space<hbm>>) dst(%arg11 : memref<80x128xbf16, #tpu.memory_space<vmem>>)
      "tpu.region"() ({
        %run_scoped3A = tpu.sem_alloc : memref<!tpu.dma_semaphore, #tpu.memory_space<semaphore_mem>>
        %dma_start3A_169 = arith.constant 0 : i32
        %dma_start3A_170 = tpu.memref_slice %arg7[%add3A_103, %dma_start3A_169] : memref<250x80xi32, #tpu.memory_space<vmem>> -> memref<1x80xi32, #tpu.memory_space<vmem>>
        %dma_start3A_171 = tpu.memref_squeeze %dma_start3A_170 : memref<1x80xi32, #tpu.memory_space<vmem>> -> memref<80xi32, #tpu.memory_space<vmem>>
        %dma_start3A_172 = arith.constant 0 : i32
        %dma_start3A_173 = arith.constant 0 : i32
        %dma_start3A_174 = tpu.memref_slice %arg9[%dma_start3A_172, %dma_start3A_173] : memref<10000x128xbf16, #tpu.memory_space<vmem_shared>> -> memref<10000x128xbf16, #tpu.memory_space<vmem_shared>>
        tpu.enqueue_indirect_dma source(%arg11 : memref<80x128xbf16, #tpu.memory_space<vmem>>) target(%dma_start3A_174 : memref<10000x128xbf16, #tpu.memory_space<vmem_shared>>) offsets(%dma_start3A_171 : memref<80xi32, #tpu.memory_space<vmem>>) semaphore(%run_scoped3A : memref<!tpu.dma_semaphore, #tpu.memory_space<semaphore_mem>>) {add = true}
        %dma_wait3A_175 = arith.constant 0 : i32
        %dma_wait3A_176 = tpu.memref_slice %arg7[%add3A_103, %dma_wait3A_175] : memref<250x80xi32, #tpu.memory_space<vmem>> -> memref<1x80xi32, #tpu.memory_space<vmem>>
        %dma_wait3A_177 = tpu.memref_squeeze %dma_wait3A_176 : memref<1x80xi32, #tpu.memory_space<vmem>> -> memref<80xi32, #tpu.memory_space<vmem>>
        %dma_wait3A_178 = arith.constant 0 : i32
        %dma_wait3A_179 = arith.constant 0 : i32
        %dma_wait3A_180 = tpu.memref_slice %arg9[%dma_wait3A_178, %dma_wait3A_179] : memref<10000x128xbf16, #tpu.memory_space<vmem_shared>> -> memref<10000x128xbf16, #tpu.memory_space<vmem_shared>>
        tpu.wait_indirect_dma semaphore(%run_scoped3A : memref<!tpu.dma_semaphore, #tpu.memory_space<semaphore_mem>>) src(%arg11 : memref<80x128xbf16, #tpu.memory_space<vmem>>) dst(%dma_wait3A_180 : memref<10000x128xbf16, #tpu.memory_space<vmem_shared>>)
        tpu.yield
      }) : () -> ()
      %add3A_110 = arith.constant 5 : i32
      %add3A_111 = arith.addi %add3A_103, %add3A_110 : i32
      %lt3A_112 = arith.constant 250 : i32
      %lt3A_113 = arith.cmpi slt, %add3A_111, %lt3A_112 : i32
      %convert_element_type3A_114 = arith.extui %lt3A_113 : i1 to i32
      %cond3A_115 = arith.constant 0 : i32
      %cond3A_116 = arith.cmpi ne, %convert_element_type3A_114, %cond3A_115 : i32
      scf.if %cond3A_116 {
        %add3A_169 = arith.constant 5 : i32
        %add3A_170 = arith.addi %add3A_103, %add3A_169 : i32
        %dma_start3A_171 = arith.constant 0 : i32
        %dma_start3A_172 = tpu.memref_slice %arg6[%add3A_170, %dma_start3A_171] : memref<250x80xi32, #tpu.memory_space<vmem>> -> memref<1x80xi32, #tpu.memory_space<vmem>>
        %dma_start3A_173 = tpu.memref_squeeze %dma_start3A_172 : memref<1x80xi32, #tpu.memory_space<vmem>> -> memref<80xi32, #tpu.memory_space<vmem>>
        %dma_start3A_174 = arith.constant 0 : i32
        %dma_start3A_175 = arith.constant 0 : i32
        %dma_start3A_176 = tpu.memref_slice %arg2[%dma_start3A_174, %dma_start3A_175] : memref<20000x128xbf16, #tpu.memory_space<hbm>> -> memref<20000x128xbf16, #tpu.memory_space<hbm>>
        tpu.enqueue_indirect_dma source(%dma_start3A_176 : memref<20000x128xbf16, #tpu.memory_space<hbm>>) target(%arg11 : memref<80x128xbf16, #tpu.memory_space<vmem>>) offsets(%dma_start3A_173 : memref<80xi32, #tpu.memory_space<vmem>>) semaphore(%arg16 : memref<!tpu.dma_semaphore, #tpu.memory_space<semaphore_mem>>)
      } else {
      }
      %mul3A_117 = arith.constant 5 : i32
      %mul3A_118 = arith.muli %scan3A_85, %mul3A_117 : i32
      %add3A_119 = arith.constant 2 : i32
      %add3A_120 = arith.addi %mul3A_118, %add3A_119 : i32
      %dma_wait3A_121 = arith.constant 0 : i32
      %dma_wait3A_122 = tpu.memref_slice %arg6[%add3A_120, %dma_wait3A_121] : memref<250x80xi32, #tpu.memory_space<vmem>> -> memref<1x80xi32, #tpu.memory_space<vmem>>
      %dma_wait3A_123 = tpu.memref_squeeze %dma_wait3A_122 : memref<1x80xi32, #tpu.memory_space<vmem>> -> memref<80xi32, #tpu.memory_space<vmem>>
      %dma_wait3A_124 = arith.constant 0 : i32
      %dma_wait3A_125 = arith.constant 0 : i32
      %dma_wait3A_126 = tpu.memref_slice %arg2[%dma_wait3A_124, %dma_wait3A_125] : memref<20000x128xbf16, #tpu.memory_space<hbm>> -> memref<20000x128xbf16, #tpu.memory_space<hbm>>
      tpu.wait_indirect_dma semaphore(%arg17 : memref<!tpu.dma_semaphore, #tpu.memory_space<semaphore_mem>>) src(%dma_wait3A_126 : memref<20000x128xbf16, #tpu.memory_space<hbm>>) dst(%arg12 : memref<80x128xbf16, #tpu.memory_space<vmem>>)
      "tpu.region"() ({
        %run_scoped3A = tpu.sem_alloc : memref<!tpu.dma_semaphore, #tpu.memory_space<semaphore_mem>>
        %dma_start3A_169 = arith.constant 0 : i32
        %dma_start3A_170 = tpu.memref_slice %arg7[%add3A_120, %dma_start3A_169] : memref<250x80xi32, #tpu.memory_space<vmem>> -> memref<1x80xi32, #tpu.memory_space<vmem>>
        %dma_start3A_171 = tpu.memref_squeeze %dma_start3A_170 : memref<1x80xi32, #tpu.memory_space<vmem>> -> memref<80xi32, #tpu.memory_space<vmem>>
        %dma_start3A_172 = arith.constant 0 : i32
        %dma_start3A_173 = arith.constant 0 : i32
        %dma_start3A_174 = tpu.memref_slice %arg9[%dma_start3A_172, %dma_start3A_173] : memref<10000x128xbf16, #tpu.memory_space<vmem_shared>> -> memref<10000x128xbf16, #tpu.memory_space<vmem_shared>>
        tpu.enqueue_indirect_dma source(%arg12 : memref<80x128xbf16, #tpu.memory_space<vmem>>) target(%dma_start3A_174 : memref<10000x128xbf16, #tpu.memory_space<vmem_shared>>) offsets(%dma_start3A_171 : memref<80xi32, #tpu.memory_space<vmem>>) semaphore(%run_scoped3A : memref<!tpu.dma_semaphore, #tpu.memory_space<semaphore_mem>>) {add = true}
        %dma_wait3A_175 = arith.constant 0 : i32
        %dma_wait3A_176 = tpu.memref_slice %arg7[%add3A_120, %dma_wait3A_175] : memref<250x80xi32, #tpu.memory_space<vmem>> -> memref<1x80xi32, #tpu.memory_space<vmem>>
        %dma_wait3A_177 = tpu.memref_squeeze %dma_wait3A_176 : memref<1x80xi32, #tpu.memory_space<vmem>> -> memref<80xi32, #tpu.memory_space<vmem>>
        %dma_wait3A_178 = arith.constant 0 : i32
        %dma_wait3A_179 = arith.constant 0 : i32
        %dma_wait3A_180 = tpu.memref_slice %arg9[%dma_wait3A_178, %dma_wait3A_179] : memref<10000x128xbf16, #tpu.memory_space<vmem_shared>> -> memref<10000x128xbf16, #tpu.memory_space<vmem_shared>>
        tpu.wait_indirect_dma semaphore(%run_scoped3A : memref<!tpu.dma_semaphore, #tpu.memory_space<semaphore_mem>>) src(%arg12 : memref<80x128xbf16, #tpu.memory_space<vmem>>) dst(%dma_wait3A_180 : memref<10000x128xbf16, #tpu.memory_space<vmem_shared>>)
        tpu.yield
      }) : () -> ()
      %add3A_127 = arith.constant 5 : i32
      %add3A_128 = arith.addi %add3A_120, %add3A_127 : i32
      %lt3A_129 = arith.constant 250 : i32
      %lt3A_130 = arith.cmpi slt, %add3A_128, %lt3A_129 : i32
      %convert_element_type3A_131 = arith.extui %lt3A_130 : i1 to i32
      %cond3A_132 = arith.constant 0 : i32
      %cond3A_133 = arith.cmpi ne, %convert_element_type3A_131, %cond3A_132 : i32
      scf.if %cond3A_133 {
        %add3A_169 = arith.constant 5 : i32
        %add3A_170 = arith.addi %add3A_120, %add3A_169 : i32
        %dma_start3A_171 = arith.constant 0 : i32
        %dma_start3A_172 = tpu.memref_slice %arg6[%add3A_170, %dma_start3A_171] : memref<250x80xi32, #tpu.memory_space<vmem>> -> memref<1x80xi32, #tpu.memory_space<vmem>>
        %dma_start3A_173 = tpu.memref_squeeze %dma_start3A_172 : memref<1x80xi32, #tpu.memory_space<vmem>> -> memref<80xi32, #tpu.memory_space<vmem>>
        %dma_start3A_174 = arith.constant 0 : i32
        %dma_start3A_175 = arith.constant 0 : i32
        %dma_start3A_176 = tpu.memref_slice %arg2[%dma_start3A_174, %dma_start3A_175] : memref<20000x128xbf16, #tpu.memory_space<hbm>> -> memref<20000x128xbf16, #tpu.memory_space<hbm>>
        tpu.enqueue_indirect_dma source(%dma_start3A_176 : memref<20000x128xbf16, #tpu.memory_space<hbm>>) target(%arg12 : memref<80x128xbf16, #tpu.memory_space<vmem>>) offsets(%dma_start3A_173 : memref<80xi32, #tpu.memory_space<vmem>>) semaphore(%arg17 : memref<!tpu.dma_semaphore, #tpu.memory_space<semaphore_mem>>)
      } else {
      }
      %mul3A_134 = arith.constant 5 : i32
      %mul3A_135 = arith.muli %scan3A_85, %mul3A_134 : i32
      %add3A_136 = arith.constant 3 : i32
      %add3A_137 = arith.addi %mul3A_135, %add3A_136 : i32
      %dma_wait3A_138 = arith.constant 0 : i32
      %dma_wait3A_139 = tpu.memref_slice %arg6[%add3A_137, %dma_wait3A_138] : memref<250x80xi32, #tpu.memory_space<vmem>> -> memref<1x80xi32, #tpu.memory_space<vmem>>
      %dma_wait3A_140 = tpu.memref_squeeze %dma_wait3A_139 : memref<1x80xi32, #tpu.memory_space<vmem>> -> memref<80xi32, #tpu.memory_space<vmem>>
      %dma_wait3A_141 = arith.constant 0 : i32
      %dma_wait3A_142 = arith.constant 0 : i32
      %dma_wait3A_143 = tpu.memref_slice %arg2[%dma_wait3A_141, %dma_wait3A_142] : memref<20000x128xbf16, #tpu.memory_space<hbm>> -> memref<20000x128xbf16, #tpu.memory_space<hbm>>
      tpu.wait_indirect_dma semaphore(%arg18 : memref<!tpu.dma_semaphore, #tpu.memory_space<semaphore_mem>>) src(%dma_wait3A_143 : memref<20000x128xbf16, #tpu.memory_space<hbm>>) dst(%arg13 : memref<80x128xbf16, #tpu.memory_space<vmem>>)
      "tpu.region"() ({
        %run_scoped3A = tpu.sem_alloc : memref<!tpu.dma_semaphore, #tpu.memory_space<semaphore_mem>>
        %dma_start3A_169 = arith.constant 0 : i32
        %dma_start3A_170 = tpu.memref_slice %arg7[%add3A_137, %dma_start3A_169] : memref<250x80xi32, #tpu.memory_space<vmem>> -> memref<1x80xi32, #tpu.memory_space<vmem>>
        %dma_start3A_171 = tpu.memref_squeeze %dma_start3A_170 : memref<1x80xi32, #tpu.memory_space<vmem>> -> memref<80xi32, #tpu.memory_space<vmem>>
        %dma_start3A_172 = arith.constant 0 : i32
        %dma_start3A_173 = arith.constant 0 : i32
        %dma_start3A_174 = tpu.memref_slice %arg9[%dma_start3A_172, %dma_start3A_173] : memref<10000x128xbf16, #tpu.memory_space<vmem_shared>> -> memref<10000x128xbf16, #tpu.memory_space<vmem_shared>>
        tpu.enqueue_indirect_dma source(%arg13 : memref<80x128xbf16, #tpu.memory_space<vmem>>) target(%dma_start3A_174 : memref<10000x128xbf16, #tpu.memory_space<vmem_shared>>) offsets(%dma_start3A_171 : memref<80xi32, #tpu.memory_space<vmem>>) semaphore(%run_scoped3A : memref<!tpu.dma_semaphore, #tpu.memory_space<semaphore_mem>>) {add = true}
        %dma_wait3A_175 = arith.constant 0 : i32
        %dma_wait3A_176 = tpu.memref_slice %arg7[%add3A_137, %dma_wait3A_175] : memref<250x80xi32, #tpu.memory_space<vmem>> -> memref<1x80xi32, #tpu.memory_space<vmem>>
        %dma_wait3A_177 = tpu.memref_squeeze %dma_wait3A_176 : memref<1x80xi32, #tpu.memory_space<vmem>> -> memref<80xi32, #tpu.memory_space<vmem>>
        %dma_wait3A_178 = arith.constant 0 : i32
        %dma_wait3A_179 = arith.constant 0 : i32
        %dma_wait3A_180 = tpu.memref_slice %arg9[%dma_wait3A_178, %dma_wait3A_179] : memref<10000x128xbf16, #tpu.memory_space<vmem_shared>> -> memref<10000x128xbf16, #tpu.memory_space<vmem_shared>>
        tpu.wait_indirect_dma semaphore(%run_scoped3A : memref<!tpu.dma_semaphore, #tpu.memory_space<semaphore_mem>>) src(%arg13 : memref<80x128xbf16, #tpu.memory_space<vmem>>) dst(%dma_wait3A_180 : memref<10000x128xbf16, #tpu.memory_space<vmem_shared>>)
        tpu.yield
      }) : () -> ()
      %add3A_144 = arith.constant 5 : i32
      %add3A_145 = arith.addi %add3A_137, %add3A_144 : i32
      %lt3A_146 = arith.constant 250 : i32
      %lt3A_147 = arith.cmpi slt, %add3A_145, %lt3A_146 : i32
      %convert_element_type3A_148 = arith.extui %lt3A_147 : i1 to i32
      %cond3A_149 = arith.constant 0 : i32
      %cond3A_150 = arith.cmpi ne, %convert_element_type3A_148, %cond3A_149 : i32
      scf.if %cond3A_150 {
        %add3A_169 = arith.constant 5 : i32
        %add3A_170 = arith.addi %add3A_137, %add3A_169 : i32
        %dma_start3A_171 = arith.constant 0 : i32
        %dma_start3A_172 = tpu.memref_slice %arg6[%add3A_170, %dma_start3A_171] : memref<250x80xi32, #tpu.memory_space<vmem>> -> memref<1x80xi32, #tpu.memory_space<vmem>>
        %dma_start3A_173 = tpu.memref_squeeze %dma_start3A_172 : memref<1x80xi32, #tpu.memory_space<vmem>> -> memref<80xi32, #tpu.memory_space<vmem>>
        %dma_start3A_174 = arith.constant 0 : i32
        %dma_start3A_175 = arith.constant 0 : i32
        %dma_start3A_176 = tpu.memref_slice %arg2[%dma_start3A_174, %dma_start3A_175] : memref<20000x128xbf16, #tpu.memory_space<hbm>> -> memref<20000x128xbf16, #tpu.memory_space<hbm>>
        tpu.enqueue_indirect_dma source(%dma_start3A_176 : memref<20000x128xbf16, #tpu.memory_space<hbm>>) target(%arg13 : memref<80x128xbf16, #tpu.memory_space<vmem>>) offsets(%dma_start3A_173 : memref<80xi32, #tpu.memory_space<vmem>>) semaphore(%arg18 : memref<!tpu.dma_semaphore, #tpu.memory_space<semaphore_mem>>)
      } else {
      }
      %mul3A_151 = arith.constant 5 : i32
      %mul3A_152 = arith.muli %scan3A_85, %mul3A_151 : i32
      %add3A_153 = arith.constant 4 : i32
      %add3A_154 = arith.addi %mul3A_152, %add3A_153 : i32
      %dma_wait3A_155 = arith.constant 0 : i32
      %dma_wait3A_156 = tpu.memref_slice %arg6[%add3A_154, %dma_wait3A_155] : memref<250x80xi32, #tpu.memory_space<vmem>> -> memref<1x80xi32, #tpu.memory_space<vmem>>
      %dma_wait3A_157 = tpu.memref_squeeze %dma_wait3A_156 : memref<1x80xi32, #tpu.memory_space<vmem>> -> memref<80xi32, #tpu.memory_space<vmem>>
      %dma_wait3A_158 = arith.constant 0 : i32
      %dma_wait3A_159 = arith.constant 0 : i32
      %dma_wait3A_160 = tpu.memref_slice %arg2[%dma_wait3A_158, %dma_wait3A_159] : memref<20000x128xbf16, #tpu.memory_space<hbm>> -> memref<20000x128xbf16, #tpu.memory_space<hbm>>
      tpu.wait_indirect_dma semaphore(%arg19 : memref<!tpu.dma_semaphore, #tpu.memory_space<semaphore_mem>>) src(%dma_wait3A_160 : memref<20000x128xbf16, #tpu.memory_space<hbm>>) dst(%arg14 : memref<80x128xbf16, #tpu.memory_space<vmem>>)
      "tpu.region"() ({
        %run_scoped3A = tpu.sem_alloc : memref<!tpu.dma_semaphore, #tpu.memory_space<semaphore_mem>>
        %dma_start3A_169 = arith.constant 0 : i32
        %dma_start3A_170 = tpu.memref_slice %arg7[%add3A_154, %dma_start3A_169] : memref<250x80xi32, #tpu.memory_space<vmem>> -> memref<1x80xi32, #tpu.memory_space<vmem>>
        %dma_start3A_171 = tpu.memref_squeeze %dma_start3A_170 : memref<1x80xi32, #tpu.memory_space<vmem>> -> memref<80xi32, #tpu.memory_space<vmem>>
        %dma_start3A_172 = arith.constant 0 : i32
        %dma_start3A_173 = arith.constant 0 : i32
        %dma_start3A_174 = tpu.memref_slice %arg9[%dma_start3A_172, %dma_start3A_173] : memref<10000x128xbf16, #tpu.memory_space<vmem_shared>> -> memref<10000x128xbf16, #tpu.memory_space<vmem_shared>>
        tpu.enqueue_indirect_dma source(%arg14 : memref<80x128xbf16, #tpu.memory_space<vmem>>) target(%dma_start3A_174 : memref<10000x128xbf16, #tpu.memory_space<vmem_shared>>) offsets(%dma_start3A_171 : memref<80xi32, #tpu.memory_space<vmem>>) semaphore(%run_scoped3A : memref<!tpu.dma_semaphore, #tpu.memory_space<semaphore_mem>>) {add = true}
        %dma_wait3A_175 = arith.constant 0 : i32
        %dma_wait3A_176 = tpu.memref_slice %arg7[%add3A_154, %dma_wait3A_175] : memref<250x80xi32, #tpu.memory_space<vmem>> -> memref<1x80xi32, #tpu.memory_space<vmem>>
        %dma_wait3A_177 = tpu.memref_squeeze %dma_wait3A_176 : memref<1x80xi32, #tpu.memory_space<vmem>> -> memref<80xi32, #tpu.memory_space<vmem>>
        %dma_wait3A_178 = arith.constant 0 : i32
        %dma_wait3A_179 = arith.constant 0 : i32
        %dma_wait3A_180 = tpu.memref_slice %arg9[%dma_wait3A_178, %dma_wait3A_179] : memref<10000x128xbf16, #tpu.memory_space<vmem_shared>> -> memref<10000x128xbf16, #tpu.memory_space<vmem_shared>>
        tpu.wait_indirect_dma semaphore(%run_scoped3A : memref<!tpu.dma_semaphore, #tpu.memory_space<semaphore_mem>>) src(%arg14 : memref<80x128xbf16, #tpu.memory_space<vmem>>) dst(%dma_wait3A_180 : memref<10000x128xbf16, #tpu.memory_space<vmem_shared>>)
        tpu.yield
      }) : () -> ()
      %add3A_161 = arith.constant 5 : i32
      %add3A_162 = arith.addi %add3A_154, %add3A_161 : i32
      %lt3A_163 = arith.constant 250 : i32
      %lt3A_164 = arith.cmpi slt, %add3A_162, %lt3A_163 : i32
      %convert_element_type3A_165 = arith.extui %lt3A_164 : i1 to i32
      %cond3A_166 = arith.constant 0 : i32
      %cond3A_167 = arith.cmpi ne, %convert_element_type3A_165, %cond3A_166 : i32
      scf.if %cond3A_167 {
        %add3A_169 = arith.constant 5 : i32
        %add3A_170 = arith.addi %add3A_154, %add3A_169 : i32
        %dma_start3A_171 = arith.constant 0 : i32
        %dma_start3A_172 = tpu.memref_slice %arg6[%add3A_170, %dma_start3A_171] : memref<250x80xi32, #tpu.memory_space<vmem>> -> memref<1x80xi32, #tpu.memory_space<vmem>>
        %dma_start3A_173 = tpu.memref_squeeze %dma_start3A_172 : memref<1x80xi32, #tpu.memory_space<vmem>> -> memref<80xi32, #tpu.memory_space<vmem>>
        %dma_start3A_174 = arith.constant 0 : i32
        %dma_start3A_175 = arith.constant 0 : i32
        %dma_start3A_176 = tpu.memref_slice %arg2[%dma_start3A_174, %dma_start3A_175] : memref<20000x128xbf16, #tpu.memory_space<hbm>> -> memref<20000x128xbf16, #tpu.memory_space<hbm>>
        tpu.enqueue_indirect_dma source(%dma_start3A_176 : memref<20000x128xbf16, #tpu.memory_space<hbm>>) target(%arg14 : memref<80x128xbf16, #tpu.memory_space<vmem>>) offsets(%dma_start3A_173 : memref<80xi32, #tpu.memory_space<vmem>>) semaphore(%arg19 : memref<!tpu.dma_semaphore, #tpu.memory_space<semaphore_mem>>)
      } else {
      }
      %scan3A_168 = arith.constant 0 : i32
      scf.yield %scan3A_168 : i32
    }
    %scan3A_81 = arith.constant 50 : i32
    %barrier3A_82 = arith.constant 0 : index
    tpu.barrier barrier_id(%barrier3A_82)
    %mul3A_83 = arith.constant 625 : i32
    %mul3A_84 = arith.muli %arg1, %mul3A_83 : i32
    "tpu.region"() ({
      %run_scoped3A = tpu.sem_alloc : memref<!tpu.dma_semaphore, #tpu.memory_space<semaphore_mem>>
      %dma_start3A_85 = arith.constant 0 : i32
      %dma_start3A_86 = arith.constant 0 : i32
      %dma_start3A_87 = tpu.memref_slice %arg5[%add3A, %dma_start3A_85, %dma_start3A_86] : memref<32x625x128xbf16, #tpu.memory_space<hbm>> -> memref<1x625x128xbf16, #tpu.memory_space<hbm>>
      %dma_start3A_88 = tpu.memref_squeeze %dma_start3A_87 : memref<1x625x128xbf16, #tpu.memory_space<hbm>> -> memref<625x128xbf16, #tpu.memory_space<hbm>>
      %dma_start3A_89 = arith.constant 0 : i32
      %dma_start3A_90 = tpu.memref_slice %arg9[%mul3A_84, %dma_start3A_89] : memref<10000x128xbf16, #tpu.memory_space<vmem_shared>> -> memref<625x128xbf16, #tpu.memory_space<vmem_shared>>
      tpu.enqueue_dma source(%dma_start3A_90 : memref<625x128xbf16, #tpu.memory_space<vmem_shared>>) target(%dma_start3A_88 : memref<625x128xbf16, #tpu.memory_space<hbm>>) target_semaphore(%run_scoped3A : memref<!tpu.dma_semaphore, #tpu.memory_space<semaphore_mem>>)
      %dma_wait3A = arith.constant 0 : i32
      %dma_wait3A_91 = arith.constant 0 : i32
      %dma_wait3A_92 = tpu.memref_slice %arg5[%add3A, %dma_wait3A, %dma_wait3A_91] : memref<32x625x128xbf16, #tpu.memory_space<hbm>> -> memref<1x625x128xbf16, #tpu.memory_space<hbm>>
      %dma_wait3A_93 = tpu.memref_squeeze %dma_wait3A_92 : memref<1x625x128xbf16, #tpu.memory_space<hbm>> -> memref<625x128xbf16, #tpu.memory_space<hbm>>
      %dma_wait3A_94 = arith.constant 0 : i32
      %dma_wait3A_95 = tpu.memref_slice %arg9[%mul3A_84, %dma_wait3A_94] : memref<10000x128xbf16, #tpu.memory_space<vmem_shared>> -> memref<625x128xbf16, #tpu.memory_space<vmem_shared>>
      tpu.wait_dma2 semaphore(%run_scoped3A : memref<!tpu.dma_semaphore, #tpu.memory_space<semaphore_mem>>) src(%dma_wait3A_95 : memref<625x128xbf16, #tpu.memory_space<vmem_shared>>) dst(%dma_wait3A_93 : memref<625x128xbf16, #tpu.memory_space<hbm>>)
      tpu.yield
    }) : () -> ()
    return
  }
}

#map = affine_map<(d0, d1) -> (0, 0)>
#map1 = affine_map<(d0, d1) -> (0, 0, 0)>
module attributes {stable_mosaic.version = 14 : i64} {
  func.func @_score_body(%arg0: i32, %arg1: i32, %arg2: memref<20000x128xf32, #tpu.memory_space<hbm>>, %arg3: memref<32x26x128xi32, #tpu.memory_space<hbm>>, %arg4: memref<32x26x128xi32, #tpu.memory_space<hbm>>, %arg5: memref<32x26x128xf32, #tpu.memory_space<hbm>>, %arg6: memref<26x128xi32, #tpu.memory_space<vmem>>, %arg7: memref<26x128xi32, #tpu.memory_space<vmem>>, %arg8: memref<26x128xf32, #tpu.memory_space<vmem>>, %arg9: memref<128x128xf32, #tpu.memory_space<vmem>>, %arg10: memref<128x128xf32, #tpu.memory_space<vmem>>, %arg11: memref<128x128xf32, #tpu.memory_space<vmem>>, %arg12: memref<128x128xf32, #tpu.memory_space<vmem>>, %arg13: memref<!tpu.dma_semaphore, #tpu.memory_space<semaphore_mem>>, %arg14: memref<!tpu.dma_semaphore, #tpu.memory_space<semaphore_mem>>, %arg15: memref<!tpu.dma_semaphore, #tpu.memory_space<semaphore_mem>>, %arg16: memref<!tpu.dma_semaphore, #tpu.memory_space<semaphore_mem>>) attributes {dimension_semantics = [#tpu.dimension_semantics<core_parallel>, #tpu.dimension_semantics<subcore_parallel>], iteration_bounds = array<i64: 2, 16>, scalar_prefetch = 0 : i64, scratch_operands = 11 : i64, tpu.core_type = #tpu.core_type<sc_vector_subcore>, window_params = [{transform_indices = #map}, {transform_indices = #map1}, {transform_indices = #map1}, {transform_indices = #map1}]} {
    %mul3A = arith.constant 16 : i32
    %mul3A_0 = arith.muli %arg0, %mul3A : i32
    %add3A = arith.addi %mul3A_0, %arg1 : i32
    "tpu.region"() ({
      %run_scoped3A = tpu.sem_alloc : memref<!tpu.dma_semaphore, #tpu.memory_space<semaphore_mem>>
      %dma_start3A_69 = arith.constant 0 : i32
      %dma_start3A_70 = arith.constant 0 : i32
      %dma_start3A_71 = tpu.memref_slice %arg3[%add3A, %dma_start3A_69, %dma_start3A_70] : memref<32x26x128xi32, #tpu.memory_space<hbm>> -> memref<1x26x128xi32, #tpu.memory_space<hbm>>
      %dma_start3A_72 = tpu.memref_squeeze %dma_start3A_71 : memref<1x26x128xi32, #tpu.memory_space<hbm>> -> memref<26x128xi32, #tpu.memory_space<hbm>>
      %dma_start3A_73 = arith.constant 0 : i32
      %dma_start3A_74 = arith.constant 0 : i32
      %dma_start3A_75 = tpu.memref_slice %arg3[%add3A, %dma_start3A_73, %dma_start3A_74] : memref<32x26x128xi32, #tpu.memory_space<hbm>> -> memref<1x26x128xi32, #tpu.memory_space<hbm>>
      %dma_start3A_76 = tpu.memref_squeeze %dma_start3A_75 : memref<1x26x128xi32, #tpu.memory_space<hbm>> -> memref<26x128xi32, #tpu.memory_space<hbm>>
      tpu.enqueue_dma source(%dma_start3A_76 : memref<26x128xi32, #tpu.memory_space<hbm>>) target(%arg6 : memref<26x128xi32, #tpu.memory_space<vmem>>) target_semaphore(%run_scoped3A : memref<!tpu.dma_semaphore, #tpu.memory_space<semaphore_mem>>)
      %dma_wait3A = arith.constant 0 : i32
      %dma_wait3A_77 = arith.constant 0 : i32
      %dma_wait3A_78 = tpu.memref_slice %arg3[%add3A, %dma_wait3A, %dma_wait3A_77] : memref<32x26x128xi32, #tpu.memory_space<hbm>> -> memref<1x26x128xi32, #tpu.memory_space<hbm>>
      %dma_wait3A_79 = tpu.memref_squeeze %dma_wait3A_78 : memref<1x26x128xi32, #tpu.memory_space<hbm>> -> memref<26x128xi32, #tpu.memory_space<hbm>>
      %dma_wait3A_80 = arith.constant 0 : i32
      %dma_wait3A_81 = arith.constant 0 : i32
      %dma_wait3A_82 = tpu.memref_slice %arg3[%add3A, %dma_wait3A_80, %dma_wait3A_81] : memref<32x26x128xi32, #tpu.memory_space<hbm>> -> memref<1x26x128xi32, #tpu.memory_space<hbm>>
      %dma_wait3A_83 = tpu.memref_squeeze %dma_wait3A_82 : memref<1x26x128xi32, #tpu.memory_space<hbm>> -> memref<26x128xi32, #tpu.memory_space<hbm>>
      tpu.wait_dma2 semaphore(%run_scoped3A : memref<!tpu.dma_semaphore, #tpu.memory_space<semaphore_mem>>) src(%dma_wait3A_83 : memref<26x128xi32, #tpu.memory_space<hbm>>) dst(%arg6 : memref<26x128xi32, #tpu.memory_space<vmem>>)
      tpu.yield
    }) : () -> ()
    "tpu.region"() ({
      %run_scoped3A = tpu.sem_alloc : memref<!tpu.dma_semaphore, #tpu.memory_space<semaphore_mem>>
      %dma_start3A_69 = arith.constant 0 : i32
      %dma_start3A_70 = arith.constant 0 : i32
      %dma_start3A_71 = tpu.memref_slice %arg4[%add3A, %dma_start3A_69, %dma_start3A_70] : memref<32x26x128xi32, #tpu.memory_space<hbm>> -> memref<1x26x128xi32, #tpu.memory_space<hbm>>
      %dma_start3A_72 = tpu.memref_squeeze %dma_start3A_71 : memref<1x26x128xi32, #tpu.memory_space<hbm>> -> memref<26x128xi32, #tpu.memory_space<hbm>>
      %dma_start3A_73 = arith.constant 0 : i32
      %dma_start3A_74 = arith.constant 0 : i32
      %dma_start3A_75 = tpu.memref_slice %arg4[%add3A, %dma_start3A_73, %dma_start3A_74] : memref<32x26x128xi32, #tpu.memory_space<hbm>> -> memref<1x26x128xi32, #tpu.memory_space<hbm>>
      %dma_start3A_76 = tpu.memref_squeeze %dma_start3A_75 : memref<1x26x128xi32, #tpu.memory_space<hbm>> -> memref<26x128xi32, #tpu.memory_space<hbm>>
      tpu.enqueue_dma source(%dma_start3A_76 : memref<26x128xi32, #tpu.memory_space<hbm>>) target(%arg7 : memref<26x128xi32, #tpu.memory_space<vmem>>) target_semaphore(%run_scoped3A : memref<!tpu.dma_semaphore, #tpu.memory_space<semaphore_mem>>)
      %dma_wait3A = arith.constant 0 : i32
      %dma_wait3A_77 = arith.constant 0 : i32
      %dma_wait3A_78 = tpu.memref_slice %arg4[%add3A, %dma_wait3A, %dma_wait3A_77] : memref<32x26x128xi32, #tpu.memory_space<hbm>> -> memref<1x26x128xi32, #tpu.memory_space<hbm>>
      %dma_wait3A_79 = tpu.memref_squeeze %dma_wait3A_78 : memref<1x26x128xi32, #tpu.memory_space<hbm>> -> memref<26x128xi32, #tpu.memory_space<hbm>>
      %dma_wait3A_80 = arith.constant 0 : i32
      %dma_wait3A_81 = arith.constant 0 : i32
      %dma_wait3A_82 = tpu.memref_slice %arg4[%add3A, %dma_wait3A_80, %dma_wait3A_81] : memref<32x26x128xi32, #tpu.memory_space<hbm>> -> memref<1x26x128xi32, #tpu.memory_space<hbm>>
      %dma_wait3A_83 = tpu.memref_squeeze %dma_wait3A_82 : memref<1x26x128xi32, #tpu.memory_space<hbm>> -> memref<26x128xi32, #tpu.memory_space<hbm>>
      tpu.wait_dma2 semaphore(%run_scoped3A : memref<!tpu.dma_semaphore, #tpu.memory_space<semaphore_mem>>) src(%dma_wait3A_83 : memref<26x128xi32, #tpu.memory_space<hbm>>) dst(%arg7 : memref<26x128xi32, #tpu.memory_space<vmem>>)
      tpu.yield
    }) : () -> ()
    %broadcast_in_dim3A = arith.constant 0 : i32
    %broadcast_in_dim3A_1 = vector.broadcast %broadcast_in_dim3A : i32 to vector<16xi32>
    %add3A_2 = arith.constant 10000 : i32
    %add3A_3 = vector.broadcast %add3A_2 : i32 to vector<16xi32>
    %add3A_4 = arith.addi %broadcast_in_dim3A_1, %add3A_3 : vector<16xi32>
    %scan3A = arith.constant 0 : i32
    %scan3A_5 = arith.constant 0 : i32
    %scan3A_6 = arith.constant 26 : i32
    %scan3A_7 = arith.addi %scan3A_5, %scan3A_6 : i32
    %scan3A_8 = arith.constant 1 : i32
    %scan3A_9 = scf.for %scan3A_69 = %scan3A_5 to %scan3A_7 step %scan3A_8 iter_args(%scan3A_70 = %scan3A) -> (i32)  : i32 {
      %get3A = arith.index_cast %scan3A_69 : i32 to index
      %get3A_71 = arith.constant 0 : index
      %get3A_72 = tpu.vector_load %arg6[%get3A, %get3A_71] {strides = array<i32>} : memref<26x128xi32, #tpu.memory_space<vmem>>, vector<16xi32>,
      %add3A_73 = arith.addi %get3A_72, %add3A_4 : vector<16xi32>
      %swap3A = arith.index_cast %scan3A_69 : i32 to index
      %swap3A_74 = arith.constant 0 : index
      %swap3A_75 = tpu.vector_load %arg6[%swap3A, %swap3A_74] {strides = array<i32>} : memref<26x128xi32, #tpu.memory_space<vmem>>, vector<16xi32>,
      tpu.vector_store %arg6[%swap3A, %swap3A_74], %add3A_73 {strides = array<i32>} : memref<26x128xi32, #tpu.memory_space<vmem>>, vector<16xi32>,
      %get3A_76 = arith.index_cast %scan3A_69 : i32 to index
      %get3A_77 = arith.constant 16 : index
      %get3A_78 = tpu.vector_load %arg6[%get3A_76, %get3A_77] {strides = array<i32>} : memref<26x128xi32, #tpu.memory_space<vmem>>, vector<16xi32>,
      %add3A_79 = arith.addi %get3A_78, %add3A_4 : vector<16xi32>
      %swap3A_80 = arith.index_cast %scan3A_69 : i32 to index
      %swap3A_81 = arith.constant 16 : index
      %swap3A_82 = tpu.vector_load %arg6[%swap3A_80, %swap3A_81] {strides = array<i32>} : memref<26x128xi32, #tpu.memory_space<vmem>>, vector<16xi32>,
      tpu.vector_store %arg6[%swap3A_80, %swap3A_81], %add3A_79 {strides = array<i32>} : memref<26x128xi32, #tpu.memory_space<vmem>>, vector<16xi32>,
      %get3A_83 = arith.index_cast %scan3A_69 : i32 to index
      %get3A_84 = arith.constant 32 : index
      %get3A_85 = tpu.vector_load %arg6[%get3A_83, %get3A_84] {strides = array<i32>} : memref<26x128xi32, #tpu.memory_space<vmem>>, vector<16xi32>,
      %add3A_86 = arith.addi %get3A_85, %add3A_4 : vector<16xi32>
      %swap3A_87 = arith.index_cast %scan3A_69 : i32 to index
      %swap3A_88 = arith.constant 32 : index
      %swap3A_89 = tpu.vector_load %arg6[%swap3A_87, %swap3A_88] {strides = array<i32>} : memref<26x128xi32, #tpu.memory_space<vmem>>, vector<16xi32>,
      tpu.vector_store %arg6[%swap3A_87, %swap3A_88], %add3A_86 {strides = array<i32>} : memref<26x128xi32, #tpu.memory_space<vmem>>, vector<16xi32>,
      %get3A_90 = arith.index_cast %scan3A_69 : i32 to index
      %get3A_91 = arith.constant 48 : index
      %get3A_92 = tpu.vector_load %arg6[%get3A_90, %get3A_91] {strides = array<i32>} : memref<26x128xi32, #tpu.memory_space<vmem>>, vector<16xi32>,
      %add3A_93 = arith.addi %get3A_92, %add3A_4 : vector<16xi32>
      %swap3A_94 = arith.index_cast %scan3A_69 : i32 to index
      %swap3A_95 = arith.constant 48 : index
      %swap3A_96 = tpu.vector_load %arg6[%swap3A_94, %swap3A_95] {strides = array<i32>} : memref<26x128xi32, #tpu.memory_space<vmem>>, vector<16xi32>,
      tpu.vector_store %arg6[%swap3A_94, %swap3A_95], %add3A_93 {strides = array<i32>} : memref<26x128xi32, #tpu.memory_space<vmem>>, vector<16xi32>,
      %get3A_97 = arith.index_cast %scan3A_69 : i32 to index
      %get3A_98 = arith.constant 64 : index
      %get3A_99 = tpu.vector_load %arg6[%get3A_97, %get3A_98] {strides = array<i32>} : memref<26x128xi32, #tpu.memory_space<vmem>>, vector<16xi32>,
      %add3A_100 = arith.addi %get3A_99, %add3A_4 : vector<16xi32>
      %swap3A_101 = arith.index_cast %scan3A_69 : i32 to index
      %swap3A_102 = arith.constant 64 : index
      %swap3A_103 = tpu.vector_load %arg6[%swap3A_101, %swap3A_102] {strides = array<i32>} : memref<26x128xi32, #tpu.memory_space<vmem>>, vector<16xi32>,
      tpu.vector_store %arg6[%swap3A_101, %swap3A_102], %add3A_100 {strides = array<i32>} : memref<26x128xi32, #tpu.memory_space<vmem>>, vector<16xi32>,
      %get3A_104 = arith.index_cast %scan3A_69 : i32 to index
      %get3A_105 = arith.constant 80 : index
      %get3A_106 = tpu.vector_load %arg6[%get3A_104, %get3A_105] {strides = array<i32>} : memref<26x128xi32, #tpu.memory_space<vmem>>, vector<16xi32>,
      %add3A_107 = arith.addi %get3A_106, %add3A_4 : vector<16xi32>
      %swap3A_108 = arith.index_cast %scan3A_69 : i32 to index
      %swap3A_109 = arith.constant 80 : index
      %swap3A_110 = tpu.vector_load %arg6[%swap3A_108, %swap3A_109] {strides = array<i32>} : memref<26x128xi32, #tpu.memory_space<vmem>>, vector<16xi32>,
      tpu.vector_store %arg6[%swap3A_108, %swap3A_109], %add3A_107 {strides = array<i32>} : memref<26x128xi32, #tpu.memory_space<vmem>>, vector<16xi32>,
      %get3A_111 = arith.index_cast %scan3A_69 : i32 to index
      %get3A_112 = arith.constant 96 : index
      %get3A_113 = tpu.vector_load %arg6[%get3A_111, %get3A_112] {strides = array<i32>} : memref<26x128xi32, #tpu.memory_space<vmem>>, vector<16xi32>,
      %add3A_114 = arith.addi %get3A_113, %add3A_4 : vector<16xi32>
      %swap3A_115 = arith.index_cast %scan3A_69 : i32 to index
      %swap3A_116 = arith.constant 96 : index
      %swap3A_117 = tpu.vector_load %arg6[%swap3A_115, %swap3A_116] {strides = array<i32>} : memref<26x128xi32, #tpu.memory_space<vmem>>, vector<16xi32>,
      tpu.vector_store %arg6[%swap3A_115, %swap3A_116], %add3A_114 {strides = array<i32>} : memref<26x128xi32, #tpu.memory_space<vmem>>, vector<16xi32>,
      %get3A_118 = arith.index_cast %scan3A_69 : i32 to index
      %get3A_119 = arith.constant 112 : index
      %get3A_120 = tpu.vector_load %arg6[%get3A_118, %get3A_119] {strides = array<i32>} : memref<26x128xi32, #tpu.memory_space<vmem>>, vector<16xi32>,
      %add3A_121 = arith.addi %get3A_120, %add3A_4 : vector<16xi32>
      %swap3A_122 = arith.index_cast %scan3A_69 : i32 to index
      %swap3A_123 = arith.constant 112 : index
      %swap3A_124 = tpu.vector_load %arg6[%swap3A_122, %swap3A_123] {strides = array<i32>} : memref<26x128xi32, #tpu.memory_space<vmem>>, vector<16xi32>,
      tpu.vector_store %arg6[%swap3A_122, %swap3A_123], %add3A_121 {strides = array<i32>} : memref<26x128xi32, #tpu.memory_space<vmem>>, vector<16xi32>,
      %scan3A_125 = arith.constant 0 : i32
      scf.yield %scan3A_125 : i32
    }
    %scan3A_10 = arith.constant 26 : i32
    %dma_start3A = arith.constant 0 : i32
    %dma_start3A_11 = arith.constant 0 : i32
    %dma_start3A_12 = tpu.memref_slice %arg6[%dma_start3A, %dma_start3A_11] : memref<26x128xi32, #tpu.memory_space<vmem>> -> memref<1x128xi32, #tpu.memory_space<vmem>>
    %dma_start3A_13 = tpu.memref_squeeze %dma_start3A_12 : memref<1x128xi32, #tpu.memory_space<vmem>> -> memref<128xi32, #tpu.memory_space<vmem>>
    %dma_start3A_14 = arith.constant 0 : i32
    %dma_start3A_15 = arith.constant 0 : i32
    %dma_start3A_16 = tpu.memref_slice %arg2[%dma_start3A_14, %dma_start3A_15] : memref<20000x128xf32, #tpu.memory_space<hbm>> -> memref<20000x128xf32, #tpu.memory_space<hbm>>
    tpu.enqueue_indirect_dma source(%dma_start3A_16 : memref<20000x128xf32, #tpu.memory_space<hbm>>) target(%arg9 : memref<128x128xf32, #tpu.memory_space<vmem>>) offsets(%dma_start3A_13 : memref<128xi32, #tpu.memory_space<vmem>>) semaphore(%arg13 : memref<!tpu.dma_semaphore, #tpu.memory_space<semaphore_mem>>)
    %dma_start3A_17 = arith.constant 0 : i32
    %dma_start3A_18 = arith.constant 0 : i32
    %dma_start3A_19 = tpu.memref_slice %arg7[%dma_start3A_17, %dma_start3A_18] : memref<26x128xi32, #tpu.memory_space<vmem>> -> memref<1x128xi32, #tpu.memory_space<vmem>>
    %dma_start3A_20 = tpu.memref_squeeze %dma_start3A_19 : memref<1x128xi32, #tpu.memory_space<vmem>> -> memref<128xi32, #tpu.memory_space<vmem>>
    %dma_start3A_21 = arith.constant 0 : i32
    %dma_start3A_22 = arith.constant 0 : i32
    %dma_start3A_23 = tpu.memref_slice %arg2[%dma_start3A_21, %dma_start3A_22] : memref<20000x128xf32, #tpu.memory_space<hbm>> -> memref<20000x128xf32, #tpu.memory_space<hbm>>
    tpu.enqueue_indirect_dma source(%dma_start3A_23 : memref<20000x128xf32, #tpu.memory_space<hbm>>) target(%arg11 : memref<128x128xf32, #tpu.memory_space<vmem>>) offsets(%dma_start3A_20 : memref<128xi32, #tpu.memory_space<vmem>>) semaphore(%arg15 : memref<!tpu.dma_semaphore, #tpu.memory_space<semaphore_mem>>)
    %dma_start3A_24 = arith.constant 1 : i32
    %dma_start3A_25 = arith.constant 0 : i32
    %dma_start3A_26 = tpu.memref_slice %arg6[%dma_start3A_24, %dma_start3A_25] : memref<26x128xi32, #tpu.memory_space<vmem>> -> memref<1x128xi32, #tpu.memory_space<vmem>>
    %dma_start3A_27 = tpu.memref_squeeze %dma_start3A_26 : memref<1x128xi32, #tpu.memory_space<vmem>> -> memref<128xi32, #tpu.memory_space<vmem>>
    %dma_start3A_28 = arith.constant 0 : i32
    %dma_start3A_29 = arith.constant 0 : i32
    %dma_start3A_30 = tpu.memref_slice %arg2[%dma_start3A_28, %dma_start3A_29] : memref<20000x128xf32, #tpu.memory_space<hbm>> -> memref<20000x128xf32, #tpu.memory_space<hbm>>
    tpu.enqueue_indirect_dma source(%dma_start3A_30 : memref<20000x128xf32, #tpu.memory_space<hbm>>) target(%arg10 : memref<128x128xf32, #tpu.memory_space<vmem>>) offsets(%dma_start3A_27 : memref<128xi32, #tpu.memory_space<vmem>>) semaphore(%arg14 : memref<!tpu.dma_semaphore, #tpu.memory_space<semaphore_mem>>)
    %dma_start3A_31 = arith.constant 1 : i32
    %dma_start3A_32 = arith.constant 0 : i32
    %dma_start3A_33 = tpu.memref_slice %arg7[%dma_start3A_31, %dma_start3A_32] : memref<26x128xi32, #tpu.memory_space<vmem>> -> memref<1x128xi32, #tpu.memory_space<vmem>>
    %dma_start3A_34 = tpu.memref_squeeze %dma_start3A_33 : memref<1x128xi32, #tpu.memory_space<vmem>> -> memref<128xi32, #tpu.memory_space<vmem>>
    %dma_start3A_35 = arith.constant 0 : i32
    %dma_start3A_36 = arith.constant 0 : i32
    %dma_start3A_37 = tpu.memref_slice %arg2[%dma_start3A_35, %dma_start3A_36] : memref<20000x128xf32, #tpu.memory_space<hbm>> -> memref<20000x128xf32, #tpu.memory_space<hbm>>
    tpu.enqueue_indirect_dma source(%dma_start3A_37 : memref<20000x128xf32, #tpu.memory_space<hbm>>) target(%arg12 : memref<128x128xf32, #tpu.memory_space<vmem>>) offsets(%dma_start3A_34 : memref<128xi32, #tpu.memory_space<vmem>>) semaphore(%arg16 : memref<!tpu.dma_semaphore, #tpu.memory_space<semaphore_mem>>)
    %iota3A = tpu.iota {dimensions = array<i32: 0>} : vector<16xi32>
    %add3A_38 = arith.constant 0 : i32
    %add3A_39 = vector.broadcast %add3A_38 : i32 to vector<16xi32>
    %add3A_40 = arith.addi %iota3A, %add3A_39 : vector<16xi32>
    %add3A_41 = arith.constant 16 : i32
    %add3A_42 = vector.broadcast %add3A_41 : i32 to vector<16xi32>
    %add3A_43 = arith.addi %iota3A, %add3A_42 : vector<16xi32>
    %add3A_44 = arith.constant 32 : i32
    %add3A_45 = vector.broadcast %add3A_44 : i32 to vector<16xi32>
    %add3A_46 = arith.addi %iota3A, %add3A_45 : vector<16xi32>
    %add3A_47 = arith.constant 48 : i32
    %add3A_48 = vector.broadcast %add3A_47 : i32 to vector<16xi32>
    %add3A_49 = arith.addi %iota3A, %add3A_48 : vector<16xi32>
    %add3A_50 = arith.constant 64 : i32
    %add3A_51 = vector.broadcast %add3A_50 : i32 to vector<16xi32>
    %add3A_52 = arith.addi %iota3A, %add3A_51 : vector<16xi32>
    %add3A_53 = arith.constant 80 : i32
    %add3A_54 = vector.broadcast %add3A_53 : i32 to vector<16xi32>
    %add3A_55 = arith.addi %iota3A, %add3A_54 : vector<16xi32>
    %add3A_56 = arith.constant 96 : i32
    %add3A_57 = vector.broadcast %add3A_56 : i32 to vector<16xi32>
    %add3A_58 = arith.addi %iota3A, %add3A_57 : vector<16xi32>
    %add3A_59 = arith.constant 112 : i32
    %add3A_60 = vector.broadcast %add3A_59 : i32 to vector<16xi32>
    %add3A_61 = arith.addi %iota3A, %add3A_60 : vector<16xi32>
    %scan3A_62 = arith.constant 0 : i32
    %scan3A_63 = arith.constant 0 : i32
    %scan3A_64 = arith.constant 13 : i32
    %scan3A_65 = arith.addi %scan3A_63, %scan3A_64 : i32
    %scan3A_66 = arith.constant 1 : i32
    %scan3A_67 = scf.for %scan3A_69 = %scan3A_63 to %scan3A_65 step %scan3A_66 iter_args(%scan3A_70 = %scan3A_62) -> (i32)  : i32 {
      %mul3A_71 = arith.constant 2 : i32
      %mul3A_72 = arith.muli %mul3A_71, %scan3A_69 : i32
      %add3A_73 = arith.constant 0 : i32
      %add3A_74 = arith.addi %mul3A_72, %add3A_73 : i32
      %dma_wait3A = arith.constant 0 : i32
      %dma_wait3A_75 = tpu.memref_slice %arg6[%add3A_74, %dma_wait3A] : memref<26x128xi32, #tpu.memory_space<vmem>> -> memref<1x128xi32, #tpu.memory_space<vmem>>
      %dma_wait3A_76 = tpu.memref_squeeze %dma_wait3A_75 : memref<1x128xi32, #tpu.memory_space<vmem>> -> memref<128xi32, #tpu.memory_space<vmem>>
      %dma_wait3A_77 = arith.constant 0 : i32
      %dma_wait3A_78 = arith.constant 0 : i32
      %dma_wait3A_79 = tpu.memref_slice %arg2[%dma_wait3A_77, %dma_wait3A_78] : memref<20000x128xf32, #tpu.memory_space<hbm>> -> memref<20000x128xf32, #tpu.memory_space<hbm>>
      tpu.wait_indirect_dma semaphore(%arg13 : memref<!tpu.dma_semaphore, #tpu.memory_space<semaphore_mem>>) src(%dma_wait3A_79 : memref<20000x128xf32, #tpu.memory_space<hbm>>) dst(%arg9 : memref<128x128xf32, #tpu.memory_space<vmem>>)
      %dma_wait3A_80 = arith.constant 0 : i32
      %dma_wait3A_81 = tpu.memref_slice %arg7[%add3A_74, %dma_wait3A_80] : memref<26x128xi32, #tpu.memory_space<vmem>> -> memref<1x128xi32, #tpu.memory_space<vmem>>
      %dma_wait3A_82 = tpu.memref_squeeze %dma_wait3A_81 : memref<1x128xi32, #tpu.memory_space<vmem>> -> memref<128xi32, #tpu.memory_space<vmem>>
      %dma_wait3A_83 = arith.constant 0 : i32
      %dma_wait3A_84 = arith.constant 0 : i32
      %dma_wait3A_85 = tpu.memref_slice %arg2[%dma_wait3A_83, %dma_wait3A_84] : memref<20000x128xf32, #tpu.memory_space<hbm>> -> memref<20000x128xf32, #tpu.memory_space<hbm>>
      tpu.wait_indirect_dma semaphore(%arg15 : memref<!tpu.dma_semaphore, #tpu.memory_space<semaphore_mem>>) src(%dma_wait3A_85 : memref<20000x128xf32, #tpu.memory_space<hbm>>) dst(%arg11 : memref<128x128xf32, #tpu.memory_space<vmem>>)
      %broadcast_in_dim3A_86 = arith.constant 0.000000e+00 : f32
      %broadcast_in_dim3A_87 = vector.broadcast %broadcast_in_dim3A_86 : f32 to vector<16xf32>
      %broadcast_in_dim3A_88 = arith.constant 0.000000e+00 : f32
      %broadcast_in_dim3A_89 = vector.broadcast %broadcast_in_dim3A_88 : f32 to vector<16xf32>
      %broadcast_in_dim3A_90 = arith.constant 0.000000e+00 : f32
      %broadcast_in_dim3A_91 = vector.broadcast %broadcast_in_dim3A_90 : f32 to vector<16xf32>
      %broadcast_in_dim3A_92 = arith.constant 0.000000e+00 : f32
      %broadcast_in_dim3A_93 = vector.broadcast %broadcast_in_dim3A_92 : f32 to vector<16xf32>
      %broadcast_in_dim3A_94 = arith.constant 0.000000e+00 : f32
      %broadcast_in_dim3A_95 = vector.broadcast %broadcast_in_dim3A_94 : f32 to vector<16xf32>
      %broadcast_in_dim3A_96 = arith.constant 0.000000e+00 : f32
      %broadcast_in_dim3A_97 = vector.broadcast %broadcast_in_dim3A_96 : f32 to vector<16xf32>
      %broadcast_in_dim3A_98 = arith.constant 0.000000e+00 : f32
      %broadcast_in_dim3A_99 = vector.broadcast %broadcast_in_dim3A_98 : f32 to vector<16xf32>
      %broadcast_in_dim3A_100 = arith.constant 0.000000e+00 : f32
      %broadcast_in_dim3A_101 = vector.broadcast %broadcast_in_dim3A_100 : f32 to vector<16xf32>
      %scan3A_102 = arith.constant 0 : i32
      %scan3A_103 = arith.constant 16 : i32
      %scan3A_104 = arith.addi %scan3A_102, %scan3A_103 : i32
      %scan3A_105 = arith.constant 1 : i32
      %scan3A_106:8 = scf.for %scan3A_205 = %scan3A_102 to %scan3A_104 step %scan3A_105 iter_args(%scan3A_206 = %broadcast_in_dim3A_87, %scan3A_207 = %broadcast_in_dim3A_89, %scan3A_208 = %broadcast_in_dim3A_91, %scan3A_209 = %broadcast_in_dim3A_93, %scan3A_210 = %broadcast_in_dim3A_95, %scan3A_211 = %broadcast_in_dim3A_97, %scan3A_212 = %broadcast_in_dim3A_99, %scan3A_213 = %broadcast_in_dim3A_101) -> (vector<16xf32>, vector<16xf32>, vector<16xf32>, vector<16xf32>, vector<16xf32>, vector<16xf32>, vector<16xf32>, vector<16xf32>)  : i32 {
        %mul3A_214 = arith.constant 8 : i32
        %mul3A_215 = arith.muli %scan3A_205, %mul3A_214 : i32
        %add3A_216 = arith.constant 0 : i32
        %add3A_217 = arith.addi %mul3A_215, %add3A_216 : i32
        %add3A_218 = vector.broadcast %add3A_217 : i32 to vector<16xi32>
        %add3A_219 = arith.addi %iota3A, %add3A_218 : vector<16xi32>
        %and3A = arith.constant 127 : i32
        %and3A_220 = vector.broadcast %and3A : i32 to vector<16xi32>
        %and3A_221 = arith.andi %add3A_219, %and3A_220 : vector<16xi32>
        %gather3A = tpu.vector_load_idx %arg9[%add3A_40, %and3A_221] : memref<128x128xf32, #tpu.memory_space<vmem>>[vector<16xi32>, vector<16xi32>], vector<16xf32>,
        %gather3A_222 = tpu.vector_load_idx %arg11[%add3A_40, %and3A_221] : memref<128x128xf32, #tpu.memory_space<vmem>>[vector<16xi32>, vector<16xi32>], vector<16xf32>,
        %mul3A_223 = arith.mulf %gather3A, %gather3A_222 : vector<16xf32>
        %add3A_224 = arith.addf %scan3A_206, %mul3A_223 : vector<16xf32>
        %gather3A_225 = tpu.vector_load_idx %arg9[%add3A_43, %and3A_221] : memref<128x128xf32, #tpu.memory_space<vmem>>[vector<16xi32>, vector<16xi32>], vector<16xf32>,
        %gather3A_226 = tpu.vector_load_idx %arg11[%add3A_43, %and3A_221] : memref<128x128xf32, #tpu.memory_space<vmem>>[vector<16xi32>, vector<16xi32>], vector<16xf32>,
        %mul3A_227 = arith.mulf %gather3A_225, %gather3A_226 : vector<16xf32>
        %add3A_228 = arith.addf %scan3A_207, %mul3A_227 : vector<16xf32>
        %gather3A_229 = tpu.vector_load_idx %arg9[%add3A_46, %and3A_221] : memref<128x128xf32, #tpu.memory_space<vmem>>[vector<16xi32>, vector<16xi32>], vector<16xf32>,
        %gather3A_230 = tpu.vector_load_idx %arg11[%add3A_46, %and3A_221] : memref<128x128xf32, #tpu.memory_space<vmem>>[vector<16xi32>, vector<16xi32>], vector<16xf32>,
        %mul3A_231 = arith.mulf %gather3A_229, %gather3A_230 : vector<16xf32>
        %add3A_232 = arith.addf %scan3A_208, %mul3A_231 : vector<16xf32>
        %gather3A_233 = tpu.vector_load_idx %arg9[%add3A_49, %and3A_221] : memref<128x128xf32, #tpu.memory_space<vmem>>[vector<16xi32>, vector<16xi32>], vector<16xf32>,
        %gather3A_234 = tpu.vector_load_idx %arg11[%add3A_49, %and3A_221] : memref<128x128xf32, #tpu.memory_space<vmem>>[vector<16xi32>, vector<16xi32>], vector<16xf32>,
        %mul3A_235 = arith.mulf %gather3A_233, %gather3A_234 : vector<16xf32>
        %add3A_236 = arith.addf %scan3A_209, %mul3A_235 : vector<16xf32>
        %gather3A_237 = tpu.vector_load_idx %arg9[%add3A_52, %and3A_221] : memref<128x128xf32, #tpu.memory_space<vmem>>[vector<16xi32>, vector<16xi32>], vector<16xf32>,
        %gather3A_238 = tpu.vector_load_idx %arg11[%add3A_52, %and3A_221] : memref<128x128xf32, #tpu.memory_space<vmem>>[vector<16xi32>, vector<16xi32>], vector<16xf32>,
        %mul3A_239 = arith.mulf %gather3A_237, %gather3A_238 : vector<16xf32>
        %add3A_240 = arith.addf %scan3A_210, %mul3A_239 : vector<16xf32>
        %gather3A_241 = tpu.vector_load_idx %arg9[%add3A_55, %and3A_221] : memref<128x128xf32, #tpu.memory_space<vmem>>[vector<16xi32>, vector<16xi32>], vector<16xf32>,
        %gather3A_242 = tpu.vector_load_idx %arg11[%add3A_55, %and3A_221] : memref<128x128xf32, #tpu.memory_space<vmem>>[vector<16xi32>, vector<16xi32>], vector<16xf32>,
        %mul3A_243 = arith.mulf %gather3A_241, %gather3A_242 : vector<16xf32>
        %add3A_244 = arith.addf %scan3A_211, %mul3A_243 : vector<16xf32>
        %gather3A_245 = tpu.vector_load_idx %arg9[%add3A_58, %and3A_221] : memref<128x128xf32, #tpu.memory_space<vmem>>[vector<16xi32>, vector<16xi32>], vector<16xf32>,
        %gather3A_246 = tpu.vector_load_idx %arg11[%add3A_58, %and3A_221] : memref<128x128xf32, #tpu.memory_space<vmem>>[vector<16xi32>, vector<16xi32>], vector<16xf32>,
        %mul3A_247 = arith.mulf %gather3A_245, %gather3A_246 : vector<16xf32>
        %add3A_248 = arith.addf %scan3A_212, %mul3A_247 : vector<16xf32>
        %gather3A_249 = tpu.vector_load_idx %arg9[%add3A_61, %and3A_221] : memref<128x128xf32, #tpu.memory_space<vmem>>[vector<16xi32>, vector<16xi32>], vector<16xf32>,
        %gather3A_250 = tpu.vector_load_idx %arg11[%add3A_61, %and3A_221] : memref<128x128xf32, #tpu.memory_space<vmem>>[vector<16xi32>, vector<16xi32>], vector<16xf32>,
        %mul3A_251 = arith.mulf %gather3A_249, %gather3A_250 : vector<16xf32>
        %add3A_252 = arith.addf %scan3A_213, %mul3A_251 : vector<16xf32>
        %mul3A_253 = arith.constant 8 : i32
        %mul3A_254 = arith.muli %scan3A_205, %mul3A_253 : i32
        %add3A_255 = arith.constant 1 : i32
        %add3A_256 = arith.addi %mul3A_254, %add3A_255 : i32
        %add3A_257 = vector.broadcast %add3A_256 : i32 to vector<16xi32>
        %add3A_258 = arith.addi %iota3A, %add3A_257 : vector<16xi32>
        %and3A_259 = arith.constant 127 : i32
        %and3A_260 = vector.broadcast %and3A_259 : i32 to vector<16xi32>
        %and3A_261 = arith.andi %add3A_258, %and3A_260 : vector<16xi32>
        %gather3A_262 = tpu.vector_load_idx %arg9[%add3A_40, %and3A_261] : memref<128x128xf32, #tpu.memory_space<vmem>>[vector<16xi32>, vector<16xi32>], vector<16xf32>,
        %gather3A_263 = tpu.vector_load_idx %arg11[%add3A_40, %and3A_261] : memref<128x128xf32, #tpu.memory_space<vmem>>[vector<16xi32>, vector<16xi32>], vector<16xf32>,
        %mul3A_264 = arith.mulf %gather3A_262, %gather3A_263 : vector<16xf32>
        %add3A_265 = arith.addf %add3A_224, %mul3A_264 : vector<16xf32>
        %gather3A_266 = tpu.vector_load_idx %arg9[%add3A_43, %and3A_261] : memref<128x128xf32, #tpu.memory_space<vmem>>[vector<16xi32>, vector<16xi32>], vector<16xf32>,
        %gather3A_267 = tpu.vector_load_idx %arg11[%add3A_43, %and3A_261] : memref<128x128xf32, #tpu.memory_space<vmem>>[vector<16xi32>, vector<16xi32>], vector<16xf32>,
        %mul3A_268 = arith.mulf %gather3A_266, %gather3A_267 : vector<16xf32>
        %add3A_269 = arith.addf %add3A_228, %mul3A_268 : vector<16xf32>
        %gather3A_270 = tpu.vector_load_idx %arg9[%add3A_46, %and3A_261] : memref<128x128xf32, #tpu.memory_space<vmem>>[vector<16xi32>, vector<16xi32>], vector<16xf32>,
        %gather3A_271 = tpu.vector_load_idx %arg11[%add3A_46, %and3A_261] : memref<128x128xf32, #tpu.memory_space<vmem>>[vector<16xi32>, vector<16xi32>], vector<16xf32>,
        %mul3A_272 = arith.mulf %gather3A_270, %gather3A_271 : vector<16xf32>
        %add3A_273 = arith.addf %add3A_232, %mul3A_272 : vector<16xf32>
        %gather3A_274 = tpu.vector_load_idx %arg9[%add3A_49, %and3A_261] : memref<128x128xf32, #tpu.memory_space<vmem>>[vector<16xi32>, vector<16xi32>], vector<16xf32>,
        %gather3A_275 = tpu.vector_load_idx %arg11[%add3A_49, %and3A_261] : memref<128x128xf32, #tpu.memory_space<vmem>>[vector<16xi32>, vector<16xi32>], vector<16xf32>,
        %mul3A_276 = arith.mulf %gather3A_274, %gather3A_275 : vector<16xf32>
        %add3A_277 = arith.addf %add3A_236, %mul3A_276 : vector<16xf32>
        %gather3A_278 = tpu.vector_load_idx %arg9[%add3A_52, %and3A_261] : memref<128x128xf32, #tpu.memory_space<vmem>>[vector<16xi32>, vector<16xi32>], vector<16xf32>,
        %gather3A_279 = tpu.vector_load_idx %arg11[%add3A_52, %and3A_261] : memref<128x128xf32, #tpu.memory_space<vmem>>[vector<16xi32>, vector<16xi32>], vector<16xf32>,
        %mul3A_280 = arith.mulf %gather3A_278, %gather3A_279 : vector<16xf32>
        %add3A_281 = arith.addf %add3A_240, %mul3A_280 : vector<16xf32>
        %gather3A_282 = tpu.vector_load_idx %arg9[%add3A_55, %and3A_261] : memref<128x128xf32, #tpu.memory_space<vmem>>[vector<16xi32>, vector<16xi32>], vector<16xf32>,
        %gather3A_283 = tpu.vector_load_idx %arg11[%add3A_55, %and3A_261] : memref<128x128xf32, #tpu.memory_space<vmem>>[vector<16xi32>, vector<16xi32>], vector<16xf32>,
        %mul3A_284 = arith.mulf %gather3A_282, %gather3A_283 : vector<16xf32>
        %add3A_285 = arith.addf %add3A_244, %mul3A_284 : vector<16xf32>
        %gather3A_286 = tpu.vector_load_idx %arg9[%add3A_58, %and3A_261] : memref<128x128xf32, #tpu.memory_space<vmem>>[vector<16xi32>, vector<16xi32>], vector<16xf32>,
        %gather3A_287 = tpu.vector_load_idx %arg11[%add3A_58, %and3A_261] : memref<128x128xf32, #tpu.memory_space<vmem>>[vector<16xi32>, vector<16xi32>], vector<16xf32>,
        %mul3A_288 = arith.mulf %gather3A_286, %gather3A_287 : vector<16xf32>
        %add3A_289 = arith.addf %add3A_248, %mul3A_288 : vector<16xf32>
        %gather3A_290 = tpu.vector_load_idx %arg9[%add3A_61, %and3A_261] : memref<128x128xf32, #tpu.memory_space<vmem>>[vector<16xi32>, vector<16xi32>], vector<16xf32>,
        %gather3A_291 = tpu.vector_load_idx %arg11[%add3A_61, %and3A_261] : memref<128x128xf32, #tpu.memory_space<vmem>>[vector<16xi32>, vector<16xi32>], vector<16xf32>,
        %mul3A_292 = arith.mulf %gather3A_290, %gather3A_291 : vector<16xf32>
        %add3A_293 = arith.addf %add3A_252, %mul3A_292 : vector<16xf32>
        %mul3A_294 = arith.constant 8 : i32
        %mul3A_295 = arith.muli %scan3A_205, %mul3A_294 : i32
        %add3A_296 = arith.constant 2 : i32
        %add3A_297 = arith.addi %mul3A_295, %add3A_296 : i32
        %add3A_298 = vector.broadcast %add3A_297 : i32 to vector<16xi32>
        %add3A_299 = arith.addi %iota3A, %add3A_298 : vector<16xi32>
        %and3A_300 = arith.constant 127 : i32
        %and3A_301 = vector.broadcast %and3A_300 : i32 to vector<16xi32>
        %and3A_302 = arith.andi %add3A_299, %and3A_301 : vector<16xi32>
        %gather3A_303 = tpu.vector_load_idx %arg9[%add3A_40, %and3A_302] : memref<128x128xf32, #tpu.memory_space<vmem>>[vector<16xi32>, vector<16xi32>], vector<16xf32>,
        %gather3A_304 = tpu.vector_load_idx %arg11[%add3A_40, %and3A_302] : memref<128x128xf32, #tpu.memory_space<vmem>>[vector<16xi32>, vector<16xi32>], vector<16xf32>,
        %mul3A_305 = arith.mulf %gather3A_303, %gather3A_304 : vector<16xf32>
        %add3A_306 = arith.addf %add3A_265, %mul3A_305 : vector<16xf32>
        %gather3A_307 = tpu.vector_load_idx %arg9[%add3A_43, %and3A_302] : memref<128x128xf32, #tpu.memory_space<vmem>>[vector<16xi32>, vector<16xi32>], vector<16xf32>,
        %gather3A_308 = tpu.vector_load_idx %arg11[%add3A_43, %and3A_302] : memref<128x128xf32, #tpu.memory_space<vmem>>[vector<16xi32>, vector<16xi32>], vector<16xf32>,
        %mul3A_309 = arith.mulf %gather3A_307, %gather3A_308 : vector<16xf32>
        %add3A_310 = arith.addf %add3A_269, %mul3A_309 : vector<16xf32>
        %gather3A_311 = tpu.vector_load_idx %arg9[%add3A_46, %and3A_302] : memref<128x128xf32, #tpu.memory_space<vmem>>[vector<16xi32>, vector<16xi32>], vector<16xf32>,
        %gather3A_312 = tpu.vector_load_idx %arg11[%add3A_46, %and3A_302] : memref<128x128xf32, #tpu.memory_space<vmem>>[vector<16xi32>, vector<16xi32>], vector<16xf32>,
        %mul3A_313 = arith.mulf %gather3A_311, %gather3A_312 : vector<16xf32>
        %add3A_314 = arith.addf %add3A_273, %mul3A_313 : vector<16xf32>
        %gather3A_315 = tpu.vector_load_idx %arg9[%add3A_49, %and3A_302] : memref<128x128xf32, #tpu.memory_space<vmem>>[vector<16xi32>, vector<16xi32>], vector<16xf32>,
        %gather3A_316 = tpu.vector_load_idx %arg11[%add3A_49, %and3A_302] : memref<128x128xf32, #tpu.memory_space<vmem>>[vector<16xi32>, vector<16xi32>], vector<16xf32>,
        %mul3A_317 = arith.mulf %gather3A_315, %gather3A_316 : vector<16xf32>
        %add3A_318 = arith.addf %add3A_277, %mul3A_317 : vector<16xf32>
        %gather3A_319 = tpu.vector_load_idx %arg9[%add3A_52, %and3A_302] : memref<128x128xf32, #tpu.memory_space<vmem>>[vector<16xi32>, vector<16xi32>], vector<16xf32>,
        %gather3A_320 = tpu.vector_load_idx %arg11[%add3A_52, %and3A_302] : memref<128x128xf32, #tpu.memory_space<vmem>>[vector<16xi32>, vector<16xi32>], vector<16xf32>,
        %mul3A_321 = arith.mulf %gather3A_319, %gather3A_320 : vector<16xf32>
        %add3A_322 = arith.addf %add3A_281, %mul3A_321 : vector<16xf32>
        %gather3A_323 = tpu.vector_load_idx %arg9[%add3A_55, %and3A_302] : memref<128x128xf32, #tpu.memory_space<vmem>>[vector<16xi32>, vector<16xi32>], vector<16xf32>,
        %gather3A_324 = tpu.vector_load_idx %arg11[%add3A_55, %and3A_302] : memref<128x128xf32, #tpu.memory_space<vmem>>[vector<16xi32>, vector<16xi32>], vector<16xf32>,
        %mul3A_325 = arith.mulf %gather3A_323, %gather3A_324 : vector<16xf32>
        %add3A_326 = arith.addf %add3A_285, %mul3A_325 : vector<16xf32>
        %gather3A_327 = tpu.vector_load_idx %arg9[%add3A_58, %and3A_302] : memref<128x128xf32, #tpu.memory_space<vmem>>[vector<16xi32>, vector<16xi32>], vector<16xf32>,
        %gather3A_328 = tpu.vector_load_idx %arg11[%add3A_58, %and3A_302] : memref<128x128xf32, #tpu.memory_space<vmem>>[vector<16xi32>, vector<16xi32>], vector<16xf32>,
        %mul3A_329 = arith.mulf %gather3A_327, %gather3A_328 : vector<16xf32>
        %add3A_330 = arith.addf %add3A_289, %mul3A_329 : vector<16xf32>
        %gather3A_331 = tpu.vector_load_idx %arg9[%add3A_61, %and3A_302] : memref<128x128xf32, #tpu.memory_space<vmem>>[vector<16xi32>, vector<16xi32>], vector<16xf32>,
        %gather3A_332 = tpu.vector_load_idx %arg11[%add3A_61, %and3A_302] : memref<128x128xf32, #tpu.memory_space<vmem>>[vector<16xi32>, vector<16xi32>], vector<16xf32>,
        %mul3A_333 = arith.mulf %gather3A_331, %gather3A_332 : vector<16xf32>
        %add3A_334 = arith.addf %add3A_293, %mul3A_333 : vector<16xf32>
        %mul3A_335 = arith.constant 8 : i32
        %mul3A_336 = arith.muli %scan3A_205, %mul3A_335 : i32
        %add3A_337 = arith.constant 3 : i32
        %add3A_338 = arith.addi %mul3A_336, %add3A_337 : i32
        %add3A_339 = vector.broadcast %add3A_338 : i32 to vector<16xi32>
        %add3A_340 = arith.addi %iota3A, %add3A_339 : vector<16xi32>
        %and3A_341 = arith.constant 127 : i32
        %and3A_342 = vector.broadcast %and3A_341 : i32 to vector<16xi32>
        %and3A_343 = arith.andi %add3A_340, %and3A_342 : vector<16xi32>
        %gather3A_344 = tpu.vector_load_idx %arg9[%add3A_40, %and3A_343] : memref<128x128xf32, #tpu.memory_space<vmem>>[vector<16xi32>, vector<16xi32>], vector<16xf32>,
        %gather3A_345 = tpu.vector_load_idx %arg11[%add3A_40, %and3A_343] : memref<128x128xf32, #tpu.memory_space<vmem>>[vector<16xi32>, vector<16xi32>], vector<16xf32>,
        %mul3A_346 = arith.mulf %gather3A_344, %gather3A_345 : vector<16xf32>
        %add3A_347 = arith.addf %add3A_306, %mul3A_346 : vector<16xf32>
        %gather3A_348 = tpu.vector_load_idx %arg9[%add3A_43, %and3A_343] : memref<128x128xf32, #tpu.memory_space<vmem>>[vector<16xi32>, vector<16xi32>], vector<16xf32>,
        %gather3A_349 = tpu.vector_load_idx %arg11[%add3A_43, %and3A_343] : memref<128x128xf32, #tpu.memory_space<vmem>>[vector<16xi32>, vector<16xi32>], vector<16xf32>,
        %mul3A_350 = arith.mulf %gather3A_348, %gather3A_349 : vector<16xf32>
        %add3A_351 = arith.addf %add3A_310, %mul3A_350 : vector<16xf32>
        %gather3A_352 = tpu.vector_load_idx %arg9[%add3A_46, %and3A_343] : memref<128x128xf32, #tpu.memory_space<vmem>>[vector<16xi32>, vector<16xi32>], vector<16xf32>,
        %gather3A_353 = tpu.vector_load_idx %arg11[%add3A_46, %and3A_343] : memref<128x128xf32, #tpu.memory_space<vmem>>[vector<16xi32>, vector<16xi32>], vector<16xf32>,
        %mul3A_354 = arith.mulf %gather3A_352, %gather3A_353 : vector<16xf32>
        %add3A_355 = arith.addf %add3A_314, %mul3A_354 : vector<16xf32>
        %gather3A_356 = tpu.vector_load_idx %arg9[%add3A_49, %and3A_343] : memref<128x128xf32, #tpu.memory_space<vmem>>[vector<16xi32>, vector<16xi32>], vector<16xf32>,
        %gather3A_357 = tpu.vector_load_idx %arg11[%add3A_49, %and3A_343] : memref<128x128xf32, #tpu.memory_space<vmem>>[vector<16xi32>, vector<16xi32>], vector<16xf32>,
        %mul3A_358 = arith.mulf %gather3A_356, %gather3A_357 : vector<16xf32>
        %add3A_359 = arith.addf %add3A_318, %mul3A_358 : vector<16xf32>
        %gather3A_360 = tpu.vector_load_idx %arg9[%add3A_52, %and3A_343] : memref<128x128xf32, #tpu.memory_space<vmem>>[vector<16xi32>, vector<16xi32>], vector<16xf32>,
        %gather3A_361 = tpu.vector_load_idx %arg11[%add3A_52, %and3A_343] : memref<128x128xf32, #tpu.memory_space<vmem>>[vector<16xi32>, vector<16xi32>], vector<16xf32>,
        %mul3A_362 = arith.mulf %gather3A_360, %gather3A_361 : vector<16xf32>
        %add3A_363 = arith.addf %add3A_322, %mul3A_362 : vector<16xf32>
        %gather3A_364 = tpu.vector_load_idx %arg9[%add3A_55, %and3A_343] : memref<128x128xf32, #tpu.memory_space<vmem>>[vector<16xi32>, vector<16xi32>], vector<16xf32>,
        %gather3A_365 = tpu.vector_load_idx %arg11[%add3A_55, %and3A_343] : memref<128x128xf32, #tpu.memory_space<vmem>>[vector<16xi32>, vector<16xi32>], vector<16xf32>,
        %mul3A_366 = arith.mulf %gather3A_364, %gather3A_365 : vector<16xf32>
        %add3A_367 = arith.addf %add3A_326, %mul3A_366 : vector<16xf32>
        %gather3A_368 = tpu.vector_load_idx %arg9[%add3A_58, %and3A_343] : memref<128x128xf32, #tpu.memory_space<vmem>>[vector<16xi32>, vector<16xi32>], vector<16xf32>,
        %gather3A_369 = tpu.vector_load_idx %arg11[%add3A_58, %and3A_343] : memref<128x128xf32, #tpu.memory_space<vmem>>[vector<16xi32>, vector<16xi32>], vector<16xf32>,
        %mul3A_370 = arith.mulf %gather3A_368, %gather3A_369 : vector<16xf32>
        %add3A_371 = arith.addf %add3A_330, %mul3A_370 : vector<16xf32>
        %gather3A_372 = tpu.vector_load_idx %arg9[%add3A_61, %and3A_343] : memref<128x128xf32, #tpu.memory_space<vmem>>[vector<16xi32>, vector<16xi32>], vector<16xf32>,
        %gather3A_373 = tpu.vector_load_idx %arg11[%add3A_61, %and3A_343] : memref<128x128xf32, #tpu.memory_space<vmem>>[vector<16xi32>, vector<16xi32>], vector<16xf32>,
        %mul3A_374 = arith.mulf %gather3A_372, %gather3A_373 : vector<16xf32>
        %add3A_375 = arith.addf %add3A_334, %mul3A_374 : vector<16xf32>
        %mul3A_376 = arith.constant 8 : i32
        %mul3A_377 = arith.muli %scan3A_205, %mul3A_376 : i32
        %add3A_378 = arith.constant 4 : i32
        %add3A_379 = arith.addi %mul3A_377, %add3A_378 : i32
        %add3A_380 = vector.broadcast %add3A_379 : i32 to vector<16xi32>
        %add3A_381 = arith.addi %iota3A, %add3A_380 : vector<16xi32>
        %and3A_382 = arith.constant 127 : i32
        %and3A_383 = vector.broadcast %and3A_382 : i32 to vector<16xi32>
        %and3A_384 = arith.andi %add3A_381, %and3A_383 : vector<16xi32>
        %gather3A_385 = tpu.vector_load_idx %arg9[%add3A_40, %and3A_384] : memref<128x128xf32, #tpu.memory_space<vmem>>[vector<16xi32>, vector<16xi32>], vector<16xf32>,
        %gather3A_386 = tpu.vector_load_idx %arg11[%add3A_40, %and3A_384] : memref<128x128xf32, #tpu.memory_space<vmem>>[vector<16xi32>, vector<16xi32>], vector<16xf32>,
        %mul3A_387 = arith.mulf %gather3A_385, %gather3A_386 : vector<16xf32>
        %add3A_388 = arith.addf %add3A_347, %mul3A_387 : vector<16xf32>
        %gather3A_389 = tpu.vector_load_idx %arg9[%add3A_43, %and3A_384] : memref<128x128xf32, #tpu.memory_space<vmem>>[vector<16xi32>, vector<16xi32>], vector<16xf32>,
        %gather3A_390 = tpu.vector_load_idx %arg11[%add3A_43, %and3A_384] : memref<128x128xf32, #tpu.memory_space<vmem>>[vector<16xi32>, vector<16xi32>], vector<16xf32>,
        %mul3A_391 = arith.mulf %gather3A_389, %gather3A_390 : vector<16xf32>
        %add3A_392 = arith.addf %add3A_351, %mul3A_391 : vector<16xf32>
        %gather3A_393 = tpu.vector_load_idx %arg9[%add3A_46, %and3A_384] : memref<128x128xf32, #tpu.memory_space<vmem>>[vector<16xi32>, vector<16xi32>], vector<16xf32>,
        %gather3A_394 = tpu.vector_load_idx %arg11[%add3A_46, %and3A_384] : memref<128x128xf32, #tpu.memory_space<vmem>>[vector<16xi32>, vector<16xi32>], vector<16xf32>,
        %mul3A_395 = arith.mulf %gather3A_393, %gather3A_394 : vector<16xf32>
        %add3A_396 = arith.addf %add3A_355, %mul3A_395 : vector<16xf32>
        %gather3A_397 = tpu.vector_load_idx %arg9[%add3A_49, %and3A_384] : memref<128x128xf32, #tpu.memory_space<vmem>>[vector<16xi32>, vector<16xi32>], vector<16xf32>,
        %gather3A_398 = tpu.vector_load_idx %arg11[%add3A_49, %and3A_384] : memref<128x128xf32, #tpu.memory_space<vmem>>[vector<16xi32>, vector<16xi32>], vector<16xf32>,
        %mul3A_399 = arith.mulf %gather3A_397, %gather3A_398 : vector<16xf32>
        %add3A_400 = arith.addf %add3A_359, %mul3A_399 : vector<16xf32>
        %gather3A_401 = tpu.vector_load_idx %arg9[%add3A_52, %and3A_384] : memref<128x128xf32, #tpu.memory_space<vmem>>[vector<16xi32>, vector<16xi32>], vector<16xf32>,
        %gather3A_402 = tpu.vector_load_idx %arg11[%add3A_52, %and3A_384] : memref<128x128xf32, #tpu.memory_space<vmem>>[vector<16xi32>, vector<16xi32>], vector<16xf32>,
        %mul3A_403 = arith.mulf %gather3A_401, %gather3A_402 : vector<16xf32>
        %add3A_404 = arith.addf %add3A_363, %mul3A_403 : vector<16xf32>
        %gather3A_405 = tpu.vector_load_idx %arg9[%add3A_55, %and3A_384] : memref<128x128xf32, #tpu.memory_space<vmem>>[vector<16xi32>, vector<16xi32>], vector<16xf32>,
        %gather3A_406 = tpu.vector_load_idx %arg11[%add3A_55, %and3A_384] : memref<128x128xf32, #tpu.memory_space<vmem>>[vector<16xi32>, vector<16xi32>], vector<16xf32>,
        %mul3A_407 = arith.mulf %gather3A_405, %gather3A_406 : vector<16xf32>
        %add3A_408 = arith.addf %add3A_367, %mul3A_407 : vector<16xf32>
        %gather3A_409 = tpu.vector_load_idx %arg9[%add3A_58, %and3A_384] : memref<128x128xf32, #tpu.memory_space<vmem>>[vector<16xi32>, vector<16xi32>], vector<16xf32>,
        %gather3A_410 = tpu.vector_load_idx %arg11[%add3A_58, %and3A_384] : memref<128x128xf32, #tpu.memory_space<vmem>>[vector<16xi32>, vector<16xi32>], vector<16xf32>,
        %mul3A_411 = arith.mulf %gather3A_409, %gather3A_410 : vector<16xf32>
        %add3A_412 = arith.addf %add3A_371, %mul3A_411 : vector<16xf32>
        %gather3A_413 = tpu.vector_load_idx %arg9[%add3A_61, %and3A_384] : memref<128x128xf32, #tpu.memory_space<vmem>>[vector<16xi32>, vector<16xi32>], vector<16xf32>,
        %gather3A_414 = tpu.vector_load_idx %arg11[%add3A_61, %and3A_384] : memref<128x128xf32, #tpu.memory_space<vmem>>[vector<16xi32>, vector<16xi32>], vector<16xf32>,
        %mul3A_415 = arith.mulf %gather3A_413, %gather3A_414 : vector<16xf32>
        %add3A_416 = arith.addf %add3A_375, %mul3A_415 : vector<16xf32>
        %mul3A_417 = arith.constant 8 : i32
        %mul3A_418 = arith.muli %scan3A_205, %mul3A_417 : i32
        %add3A_419 = arith.constant 5 : i32
        %add3A_420 = arith.addi %mul3A_418, %add3A_419 : i32
        %add3A_421 = vector.broadcast %add3A_420 : i32 to vector<16xi32>
        %add3A_422 = arith.addi %iota3A, %add3A_421 : vector<16xi32>
        %and3A_423 = arith.constant 127 : i32
        %and3A_424 = vector.broadcast %and3A_423 : i32 to vector<16xi32>
        %and3A_425 = arith.andi %add3A_422, %and3A_424 : vector<16xi32>
        %gather3A_426 = tpu.vector_load_idx %arg9[%add3A_40, %and3A_425] : memref<128x128xf32, #tpu.memory_space<vmem>>[vector<16xi32>, vector<16xi32>], vector<16xf32>,
        %gather3A_427 = tpu.vector_load_idx %arg11[%add3A_40, %and3A_425] : memref<128x128xf32, #tpu.memory_space<vmem>>[vector<16xi32>, vector<16xi32>], vector<16xf32>,
        %mul3A_428 = arith.mulf %gather3A_426, %gather3A_427 : vector<16xf32>
        %add3A_429 = arith.addf %add3A_388, %mul3A_428 : vector<16xf32>
        %gather3A_430 = tpu.vector_load_idx %arg9[%add3A_43, %and3A_425] : memref<128x128xf32, #tpu.memory_space<vmem>>[vector<16xi32>, vector<16xi32>], vector<16xf32>,
        %gather3A_431 = tpu.vector_load_idx %arg11[%add3A_43, %and3A_425] : memref<128x128xf32, #tpu.memory_space<vmem>>[vector<16xi32>, vector<16xi32>], vector<16xf32>,
        %mul3A_432 = arith.mulf %gather3A_430, %gather3A_431 : vector<16xf32>
        %add3A_433 = arith.addf %add3A_392, %mul3A_432 : vector<16xf32>
        %gather3A_434 = tpu.vector_load_idx %arg9[%add3A_46, %and3A_425] : memref<128x128xf32, #tpu.memory_space<vmem>>[vector<16xi32>, vector<16xi32>], vector<16xf32>,
        %gather3A_435 = tpu.vector_load_idx %arg11[%add3A_46, %and3A_425] : memref<128x128xf32, #tpu.memory_space<vmem>>[vector<16xi32>, vector<16xi32>], vector<16xf32>,
        %mul3A_436 = arith.mulf %gather3A_434, %gather3A_435 : vector<16xf32>
        %add3A_437 = arith.addf %add3A_396, %mul3A_436 : vector<16xf32>
        %gather3A_438 = tpu.vector_load_idx %arg9[%add3A_49, %and3A_425] : memref<128x128xf32, #tpu.memory_space<vmem>>[vector<16xi32>, vector<16xi32>], vector<16xf32>,
        %gather3A_439 = tpu.vector_load_idx %arg11[%add3A_49, %and3A_425] : memref<128x128xf32, #tpu.memory_space<vmem>>[vector<16xi32>, vector<16xi32>], vector<16xf32>,
        %mul3A_440 = arith.mulf %gather3A_438, %gather3A_439 : vector<16xf32>
        %add3A_441 = arith.addf %add3A_400, %mul3A_440 : vector<16xf32>
        %gather3A_442 = tpu.vector_load_idx %arg9[%add3A_52, %and3A_425] : memref<128x128xf32, #tpu.memory_space<vmem>>[vector<16xi32>, vector<16xi32>], vector<16xf32>,
        %gather3A_443 = tpu.vector_load_idx %arg11[%add3A_52, %and3A_425] : memref<128x128xf32, #tpu.memory_space<vmem>>[vector<16xi32>, vector<16xi32>], vector<16xf32>,
        %mul3A_444 = arith.mulf %gather3A_442, %gather3A_443 : vector<16xf32>
        %add3A_445 = arith.addf %add3A_404, %mul3A_444 : vector<16xf32>
        %gather3A_446 = tpu.vector_load_idx %arg9[%add3A_55, %and3A_425] : memref<128x128xf32, #tpu.memory_space<vmem>>[vector<16xi32>, vector<16xi32>], vector<16xf32>,
        %gather3A_447 = tpu.vector_load_idx %arg11[%add3A_55, %and3A_425] : memref<128x128xf32, #tpu.memory_space<vmem>>[vector<16xi32>, vector<16xi32>], vector<16xf32>,
        %mul3A_448 = arith.mulf %gather3A_446, %gather3A_447 : vector<16xf32>
        %add3A_449 = arith.addf %add3A_408, %mul3A_448 : vector<16xf32>
        %gather3A_450 = tpu.vector_load_idx %arg9[%add3A_58, %and3A_425] : memref<128x128xf32, #tpu.memory_space<vmem>>[vector<16xi32>, vector<16xi32>], vector<16xf32>,
        %gather3A_451 = tpu.vector_load_idx %arg11[%add3A_58, %and3A_425] : memref<128x128xf32, #tpu.memory_space<vmem>>[vector<16xi32>, vector<16xi32>], vector<16xf32>,
        %mul3A_452 = arith.mulf %gather3A_450, %gather3A_451 : vector<16xf32>
        %add3A_453 = arith.addf %add3A_412, %mul3A_452 : vector<16xf32>
        %gather3A_454 = tpu.vector_load_idx %arg9[%add3A_61, %and3A_425] : memref<128x128xf32, #tpu.memory_space<vmem>>[vector<16xi32>, vector<16xi32>], vector<16xf32>,
        %gather3A_455 = tpu.vector_load_idx %arg11[%add3A_61, %and3A_425] : memref<128x128xf32, #tpu.memory_space<vmem>>[vector<16xi32>, vector<16xi32>], vector<16xf32>,
        %mul3A_456 = arith.mulf %gather3A_454, %gather3A_455 : vector<16xf32>
        %add3A_457 = arith.addf %add3A_416, %mul3A_456 : vector<16xf32>
        %mul3A_458 = arith.constant 8 : i32
        %mul3A_459 = arith.muli %scan3A_205, %mul3A_458 : i32
        %add3A_460 = arith.constant 6 : i32
        %add3A_461 = arith.addi %mul3A_459, %add3A_460 : i32
        %add3A_462 = vector.broadcast %add3A_461 : i32 to vector<16xi32>
        %add3A_463 = arith.addi %iota3A, %add3A_462 : vector<16xi32>
        %and3A_464 = arith.constant 127 : i32
        %and3A_465 = vector.broadcast %and3A_464 : i32 to vector<16xi32>
        %and3A_466 = arith.andi %add3A_463, %and3A_465 : vector<16xi32>
        %gather3A_467 = tpu.vector_load_idx %arg9[%add3A_40, %and3A_466] : memref<128x128xf32, #tpu.memory_space<vmem>>[vector<16xi32>, vector<16xi32>], vector<16xf32>,
        %gather3A_468 = tpu.vector_load_idx %arg11[%add3A_40, %and3A_466] : memref<128x128xf32, #tpu.memory_space<vmem>>[vector<16xi32>, vector<16xi32>], vector<16xf32>,
        %mul3A_469 = arith.mulf %gather3A_467, %gather3A_468 : vector<16xf32>
        %add3A_470 = arith.addf %add3A_429, %mul3A_469 : vector<16xf32>
        %gather3A_471 = tpu.vector_load_idx %arg9[%add3A_43, %and3A_466] : memref<128x128xf32, #tpu.memory_space<vmem>>[vector<16xi32>, vector<16xi32>], vector<16xf32>,
        %gather3A_472 = tpu.vector_load_idx %arg11[%add3A_43, %and3A_466] : memref<128x128xf32, #tpu.memory_space<vmem>>[vector<16xi32>, vector<16xi32>], vector<16xf32>,
        %mul3A_473 = arith.mulf %gather3A_471, %gather3A_472 : vector<16xf32>
        %add3A_474 = arith.addf %add3A_433, %mul3A_473 : vector<16xf32>
        %gather3A_475 = tpu.vector_load_idx %arg9[%add3A_46, %and3A_466] : memref<128x128xf32, #tpu.memory_space<vmem>>[vector<16xi32>, vector<16xi32>], vector<16xf32>,
        %gather3A_476 = tpu.vector_load_idx %arg11[%add3A_46, %and3A_466] : memref<128x128xf32, #tpu.memory_space<vmem>>[vector<16xi32>, vector<16xi32>], vector<16xf32>,
        %mul3A_477 = arith.mulf %gather3A_475, %gather3A_476 : vector<16xf32>
        %add3A_478 = arith.addf %add3A_437, %mul3A_477 : vector<16xf32>
        %gather3A_479 = tpu.vector_load_idx %arg9[%add3A_49, %and3A_466] : memref<128x128xf32, #tpu.memory_space<vmem>>[vector<16xi32>, vector<16xi32>], vector<16xf32>,
        %gather3A_480 = tpu.vector_load_idx %arg11[%add3A_49, %and3A_466] : memref<128x128xf32, #tpu.memory_space<vmem>>[vector<16xi32>, vector<16xi32>], vector<16xf32>,
        %mul3A_481 = arith.mulf %gather3A_479, %gather3A_480 : vector<16xf32>
        %add3A_482 = arith.addf %add3A_441, %mul3A_481 : vector<16xf32>
        %gather3A_483 = tpu.vector_load_idx %arg9[%add3A_52, %and3A_466] : memref<128x128xf32, #tpu.memory_space<vmem>>[vector<16xi32>, vector<16xi32>], vector<16xf32>,
        %gather3A_484 = tpu.vector_load_idx %arg11[%add3A_52, %and3A_466] : memref<128x128xf32, #tpu.memory_space<vmem>>[vector<16xi32>, vector<16xi32>], vector<16xf32>,
        %mul3A_485 = arith.mulf %gather3A_483, %gather3A_484 : vector<16xf32>
        %add3A_486 = arith.addf %add3A_445, %mul3A_485 : vector<16xf32>
        %gather3A_487 = tpu.vector_load_idx %arg9[%add3A_55, %and3A_466] : memref<128x128xf32, #tpu.memory_space<vmem>>[vector<16xi32>, vector<16xi32>], vector<16xf32>,
        %gather3A_488 = tpu.vector_load_idx %arg11[%add3A_55, %and3A_466] : memref<128x128xf32, #tpu.memory_space<vmem>>[vector<16xi32>, vector<16xi32>], vector<16xf32>,
        %mul3A_489 = arith.mulf %gather3A_487, %gather3A_488 : vector<16xf32>
        %add3A_490 = arith.addf %add3A_449, %mul3A_489 : vector<16xf32>
        %gather3A_491 = tpu.vector_load_idx %arg9[%add3A_58, %and3A_466] : memref<128x128xf32, #tpu.memory_space<vmem>>[vector<16xi32>, vector<16xi32>], vector<16xf32>,
        %gather3A_492 = tpu.vector_load_idx %arg11[%add3A_58, %and3A_466] : memref<128x128xf32, #tpu.memory_space<vmem>>[vector<16xi32>, vector<16xi32>], vector<16xf32>,
        %mul3A_493 = arith.mulf %gather3A_491, %gather3A_492 : vector<16xf32>
        %add3A_494 = arith.addf %add3A_453, %mul3A_493 : vector<16xf32>
        %gather3A_495 = tpu.vector_load_idx %arg9[%add3A_61, %and3A_466] : memref<128x128xf32, #tpu.memory_space<vmem>>[vector<16xi32>, vector<16xi32>], vector<16xf32>,
        %gather3A_496 = tpu.vector_load_idx %arg11[%add3A_61, %and3A_466] : memref<128x128xf32, #tpu.memory_space<vmem>>[vector<16xi32>, vector<16xi32>], vector<16xf32>,
        %mul3A_497 = arith.mulf %gather3A_495, %gather3A_496 : vector<16xf32>
        %add3A_498 = arith.addf %add3A_457, %mul3A_497 : vector<16xf32>
        %mul3A_499 = arith.constant 8 : i32
        %mul3A_500 = arith.muli %scan3A_205, %mul3A_499 : i32
        %add3A_501 = arith.constant 7 : i32
        %add3A_502 = arith.addi %mul3A_500, %add3A_501 : i32
        %add3A_503 = vector.broadcast %add3A_502 : i32 to vector<16xi32>
        %add3A_504 = arith.addi %iota3A, %add3A_503 : vector<16xi32>
        %and3A_505 = arith.constant 127 : i32
        %and3A_506 = vector.broadcast %and3A_505 : i32 to vector<16xi32>
        %and3A_507 = arith.andi %add3A_504, %and3A_506 : vector<16xi32>
        %gather3A_508 = tpu.vector_load_idx %arg9[%add3A_40, %and3A_507] : memref<128x128xf32, #tpu.memory_space<vmem>>[vector<16xi32>, vector<16xi32>], vector<16xf32>,
        %gather3A_509 = tpu.vector_load_idx %arg11[%add3A_40, %and3A_507] : memref<128x128xf32, #tpu.memory_space<vmem>>[vector<16xi32>, vector<16xi32>], vector<16xf32>,
        %mul3A_510 = arith.mulf %gather3A_508, %gather3A_509 : vector<16xf32>
        %add3A_511 = arith.addf %add3A_470, %mul3A_510 : vector<16xf32>
        %gather3A_512 = tpu.vector_load_idx %arg9[%add3A_43, %and3A_507] : memref<128x128xf32, #tpu.memory_space<vmem>>[vector<16xi32>, vector<16xi32>], vector<16xf32>,
        %gather3A_513 = tpu.vector_load_idx %arg11[%add3A_43, %and3A_507] : memref<128x128xf32, #tpu.memory_space<vmem>>[vector<16xi32>, vector<16xi32>], vector<16xf32>,
        %mul3A_514 = arith.mulf %gather3A_512, %gather3A_513 : vector<16xf32>
        %add3A_515 = arith.addf %add3A_474, %mul3A_514 : vector<16xf32>
        %gather3A_516 = tpu.vector_load_idx %arg9[%add3A_46, %and3A_507] : memref<128x128xf32, #tpu.memory_space<vmem>>[vector<16xi32>, vector<16xi32>], vector<16xf32>,
        %gather3A_517 = tpu.vector_load_idx %arg11[%add3A_46, %and3A_507] : memref<128x128xf32, #tpu.memory_space<vmem>>[vector<16xi32>, vector<16xi32>], vector<16xf32>,
        %mul3A_518 = arith.mulf %gather3A_516, %gather3A_517 : vector<16xf32>
        %add3A_519 = arith.addf %add3A_478, %mul3A_518 : vector<16xf32>
        %gather3A_520 = tpu.vector_load_idx %arg9[%add3A_49, %and3A_507] : memref<128x128xf32, #tpu.memory_space<vmem>>[vector<16xi32>, vector<16xi32>], vector<16xf32>,
        %gather3A_521 = tpu.vector_load_idx %arg11[%add3A_49, %and3A_507] : memref<128x128xf32, #tpu.memory_space<vmem>>[vector<16xi32>, vector<16xi32>], vector<16xf32>,
        %mul3A_522 = arith.mulf %gather3A_520, %gather3A_521 : vector<16xf32>
        %add3A_523 = arith.addf %add3A_482, %mul3A_522 : vector<16xf32>
        %gather3A_524 = tpu.vector_load_idx %arg9[%add3A_52, %and3A_507] : memref<128x128xf32, #tpu.memory_space<vmem>>[vector<16xi32>, vector<16xi32>], vector<16xf32>,
        %gather3A_525 = tpu.vector_load_idx %arg11[%add3A_52, %and3A_507] : memref<128x128xf32, #tpu.memory_space<vmem>>[vector<16xi32>, vector<16xi32>], vector<16xf32>,
        %mul3A_526 = arith.mulf %gather3A_524, %gather3A_525 : vector<16xf32>
        %add3A_527 = arith.addf %add3A_486, %mul3A_526 : vector<16xf32>
        %gather3A_528 = tpu.vector_load_idx %arg9[%add3A_55, %and3A_507] : memref<128x128xf32, #tpu.memory_space<vmem>>[vector<16xi32>, vector<16xi32>], vector<16xf32>,
        %gather3A_529 = tpu.vector_load_idx %arg11[%add3A_55, %and3A_507] : memref<128x128xf32, #tpu.memory_space<vmem>>[vector<16xi32>, vector<16xi32>], vector<16xf32>,
        %mul3A_530 = arith.mulf %gather3A_528, %gather3A_529 : vector<16xf32>
        %add3A_531 = arith.addf %add3A_490, %mul3A_530 : vector<16xf32>
        %gather3A_532 = tpu.vector_load_idx %arg9[%add3A_58, %and3A_507] : memref<128x128xf32, #tpu.memory_space<vmem>>[vector<16xi32>, vector<16xi32>], vector<16xf32>,
        %gather3A_533 = tpu.vector_load_idx %arg11[%add3A_58, %and3A_507] : memref<128x128xf32, #tpu.memory_space<vmem>>[vector<16xi32>, vector<16xi32>], vector<16xf32>,
        %mul3A_534 = arith.mulf %gather3A_532, %gather3A_533 : vector<16xf32>
        %add3A_535 = arith.addf %add3A_494, %mul3A_534 : vector<16xf32>
        %gather3A_536 = tpu.vector_load_idx %arg9[%add3A_61, %and3A_507] : memref<128x128xf32, #tpu.memory_space<vmem>>[vector<16xi32>, vector<16xi32>], vector<16xf32>,
        %gather3A_537 = tpu.vector_load_idx %arg11[%add3A_61, %and3A_507] : memref<128x128xf32, #tpu.memory_space<vmem>>[vector<16xi32>, vector<16xi32>], vector<16xf32>,
        %mul3A_538 = arith.mulf %gather3A_536, %gather3A_537 : vector<16xf32>
        %add3A_539 = arith.addf %add3A_498, %mul3A_538 : vector<16xf32>
        scf.yield %add3A_511, %add3A_515, %add3A_519, %add3A_523, %add3A_527, %add3A_531, %add3A_535, %add3A_539 : vector<16xf32>, vector<16xf32>, vector<16xf32>, vector<16xf32>, vector<16xf32>, vector<16xf32>, vector<16xf32>, vector<16xf32>
      }
      %scan3A_107 = arith.constant 16 : i32
      %swap3A = arith.index_cast %add3A_74 : i32 to index
      %swap3A_108 = arith.constant 0 : index
      %swap3A_109 = tpu.vector_load %arg8[%swap3A, %swap3A_108] {strides = array<i32>} : memref<26x128xf32, #tpu.memory_space<vmem>>, vector<16xf32>,
      tpu.vector_store %arg8[%swap3A, %swap3A_108], %scan3A_106#0 {strides = array<i32>} : memref<26x128xf32, #tpu.memory_space<vmem>>, vector<16xf32>,
      %swap3A_110 = arith.index_cast %add3A_74 : i32 to index
      %swap3A_111 = arith.constant 16 : index
      %swap3A_112 = tpu.vector_load %arg8[%swap3A_110, %swap3A_111] {strides = array<i32>} : memref<26x128xf32, #tpu.memory_space<vmem>>, vector<16xf32>,
      tpu.vector_store %arg8[%swap3A_110, %swap3A_111], %scan3A_106#1 {strides = array<i32>} : memref<26x128xf32, #tpu.memory_space<vmem>>, vector<16xf32>,
      %swap3A_113 = arith.index_cast %add3A_74 : i32 to index
      %swap3A_114 = arith.constant 32 : index
      %swap3A_115 = tpu.vector_load %arg8[%swap3A_113, %swap3A_114] {strides = array<i32>} : memref<26x128xf32, #tpu.memory_space<vmem>>, vector<16xf32>,
      tpu.vector_store %arg8[%swap3A_113, %swap3A_114], %scan3A_106#2 {strides = array<i32>} : memref<26x128xf32, #tpu.memory_space<vmem>>, vector<16xf32>,
      %swap3A_116 = arith.index_cast %add3A_74 : i32 to index
      %swap3A_117 = arith.constant 48 : index
      %swap3A_118 = tpu.vector_load %arg8[%swap3A_116, %swap3A_117] {strides = array<i32>} : memref<26x128xf32, #tpu.memory_space<vmem>>, vector<16xf32>,
      tpu.vector_store %arg8[%swap3A_116, %swap3A_117], %scan3A_106#3 {strides = array<i32>} : memref<26x128xf32, #tpu.memory_space<vmem>>, vector<16xf32>,
      %swap3A_119 = arith.index_cast %add3A_74 : i32 to index
      %swap3A_120 = arith.constant 64 : index
      %swap3A_121 = tpu.vector_load %arg8[%swap3A_119, %swap3A_120] {strides = array<i32>} : memref<26x128xf32, #tpu.memory_space<vmem>>, vector<16xf32>,
      tpu.vector_store %arg8[%swap3A_119, %swap3A_120], %scan3A_106#4 {strides = array<i32>} : memref<26x128xf32, #tpu.memory_space<vmem>>, vector<16xf32>,
      %swap3A_122 = arith.index_cast %add3A_74 : i32 to index
      %swap3A_123 = arith.constant 80 : index
      %swap3A_124 = tpu.vector_load %arg8[%swap3A_122, %swap3A_123] {strides = array<i32>} : memref<26x128xf32, #tpu.memory_space<vmem>>, vector<16xf32>,
      tpu.vector_store %arg8[%swap3A_122, %swap3A_123], %scan3A_106#5 {strides = array<i32>} : memref<26x128xf32, #tpu.memory_space<vmem>>, vector<16xf32>,
      %swap3A_125 = arith.index_cast %add3A_74 : i32 to index
      %swap3A_126 = arith.constant 96 : index
      %swap3A_127 = tpu.vector_load %arg8[%swap3A_125, %swap3A_126] {strides = array<i32>} : memref<26x128xf32, #tpu.memory_space<vmem>>, vector<16xf32>,
      tpu.vector_store %arg8[%swap3A_125, %swap3A_126], %scan3A_106#6 {strides = array<i32>} : memref<26x128xf32, #tpu.memory_space<vmem>>, vector<16xf32>,
      %swap3A_128 = arith.index_cast %add3A_74 : i32 to index
      %swap3A_129 = arith.constant 112 : index
      %swap3A_130 = tpu.vector_load %arg8[%swap3A_128, %swap3A_129] {strides = array<i32>} : memref<26x128xf32, #tpu.memory_space<vmem>>, vector<16xf32>,
      tpu.vector_store %arg8[%swap3A_128, %swap3A_129], %scan3A_106#7 {strides = array<i32>} : memref<26x128xf32, #tpu.memory_space<vmem>>, vector<16xf32>,
      %add3A_131 = arith.constant 2 : i32
      %add3A_132 = arith.addi %add3A_74, %add3A_131 : i32
      %lt3A = arith.constant 26 : i32
      %lt3A_133 = arith.cmpi slt, %add3A_132, %lt3A : i32
      %convert_element_type3A = arith.extui %lt3A_133 : i1 to i32
      %cond3A = arith.constant 0 : i32
      %cond3A_134 = arith.cmpi ne, %convert_element_type3A, %cond3A : i32
      scf.if %cond3A_134 {
        %add3A_205 = arith.constant 2 : i32
        %add3A_206 = arith.addi %add3A_74, %add3A_205 : i32
        %dma_start3A_207 = arith.constant 0 : i32
        %dma_start3A_208 = tpu.memref_slice %arg6[%add3A_206, %dma_start3A_207] : memref<26x128xi32, #tpu.memory_space<vmem>> -> memref<1x128xi32, #tpu.memory_space<vmem>>
        %dma_start3A_209 = tpu.memref_squeeze %dma_start3A_208 : memref<1x128xi32, #tpu.memory_space<vmem>> -> memref<128xi32, #tpu.memory_space<vmem>>
        %dma_start3A_210 = arith.constant 0 : i32
        %dma_start3A_211 = arith.constant 0 : i32
        %dma_start3A_212 = tpu.memref_slice %arg2[%dma_start3A_210, %dma_start3A_211] : memref<20000x128xf32, #tpu.memory_space<hbm>> -> memref<20000x128xf32, #tpu.memory_space<hbm>>
        tpu.enqueue_indirect_dma source(%dma_start3A_212 : memref<20000x128xf32, #tpu.memory_space<hbm>>) target(%arg9 : memref<128x128xf32, #tpu.memory_space<vmem>>) offsets(%dma_start3A_209 : memref<128xi32, #tpu.memory_space<vmem>>) semaphore(%arg13 : memref<!tpu.dma_semaphore, #tpu.memory_space<semaphore_mem>>)
        %add3A_213 = arith.constant 2 : i32
        %add3A_214 = arith.addi %add3A_74, %add3A_213 : i32
        %dma_start3A_215 = arith.constant 0 : i32
        %dma_start3A_216 = tpu.memref_slice %arg7[%add3A_214, %dma_start3A_215] : memref<26x128xi32, #tpu.memory_space<vmem>> -> memref<1x128xi32, #tpu.memory_space<vmem>>
        %dma_start3A_217 = tpu.memref_squeeze %dma_start3A_216 : memref<1x128xi32, #tpu.memory_space<vmem>> -> memref<128xi32, #tpu.memory_space<vmem>>
        %dma_start3A_218 = arith.constant 0 : i32
        %dma_start3A_219 = arith.constant 0 : i32
        %dma_start3A_220 = tpu.memref_slice %arg2[%dma_start3A_218, %dma_start3A_219] : memref<20000x128xf32, #tpu.memory_space<hbm>> -> memref<20000x128xf32, #tpu.memory_space<hbm>>
        tpu.enqueue_indirect_dma source(%dma_start3A_220 : memref<20000x128xf32, #tpu.memory_space<hbm>>) target(%arg11 : memref<128x128xf32, #tpu.memory_space<vmem>>) offsets(%dma_start3A_217 : memref<128xi32, #tpu.memory_space<vmem>>) semaphore(%arg15 : memref<!tpu.dma_semaphore, #tpu.memory_space<semaphore_mem>>)
      } else {
      }
      %mul3A_135 = arith.constant 2 : i32
      %mul3A_136 = arith.muli %mul3A_135, %scan3A_69 : i32
      %add3A_137 = arith.constant 1 : i32
      %add3A_138 = arith.addi %mul3A_136, %add3A_137 : i32
      %dma_wait3A_139 = arith.constant 0 : i32
      %dma_wait3A_140 = tpu.memref_slice %arg6[%add3A_138, %dma_wait3A_139] : memref<26x128xi32, #tpu.memory_space<vmem>> -> memref<1x128xi32, #tpu.memory_space<vmem>>
      %dma_wait3A_141 = tpu.memref_squeeze %dma_wait3A_140 : memref<1x128xi32, #tpu.memory_space<vmem>> -> memref<128xi32, #tpu.memory_space<vmem>>
      %dma_wait3A_142 = arith.constant 0 : i32
      %dma_wait3A_143 = arith.constant 0 : i32
      %dma_wait3A_144 = tpu.memref_slice %arg2[%dma_wait3A_142, %dma_wait3A_143] : memref<20000x128xf32, #tpu.memory_space<hbm>> -> memref<20000x128xf32, #tpu.memory_space<hbm>>
      tpu.wait_indirect_dma semaphore(%arg14 : memref<!tpu.dma_semaphore, #tpu.memory_space<semaphore_mem>>) src(%dma_wait3A_144 : memref<20000x128xf32, #tpu.memory_space<hbm>>) dst(%arg10 : memref<128x128xf32, #tpu.memory_space<vmem>>)
      %dma_wait3A_145 = arith.constant 0 : i32
      %dma_wait3A_146 = tpu.memref_slice %arg7[%add3A_138, %dma_wait3A_145] : memref<26x128xi32, #tpu.memory_space<vmem>> -> memref<1x128xi32, #tpu.memory_space<vmem>>
      %dma_wait3A_147 = tpu.memref_squeeze %dma_wait3A_146 : memref<1x128xi32, #tpu.memory_space<vmem>> -> memref<128xi32, #tpu.memory_space<vmem>>
      %dma_wait3A_148 = arith.constant 0 : i32
      %dma_wait3A_149 = arith.constant 0 : i32
      %dma_wait3A_150 = tpu.memref_slice %arg2[%dma_wait3A_148, %dma_wait3A_149] : memref<20000x128xf32, #tpu.memory_space<hbm>> -> memref<20000x128xf32, #tpu.memory_space<hbm>>
      tpu.wait_indirect_dma semaphore(%arg16 : memref<!tpu.dma_semaphore, #tpu.memory_space<semaphore_mem>>) src(%dma_wait3A_150 : memref<20000x128xf32, #tpu.memory_space<hbm>>) dst(%arg12 : memref<128x128xf32, #tpu.memory_space<vmem>>)
      %broadcast_in_dim3A_151 = arith.constant 0.000000e+00 : f32
      %broadcast_in_dim3A_152 = vector.broadcast %broadcast_in_dim3A_151 : f32 to vector<16xf32>
      %broadcast_in_dim3A_153 = arith.constant 0.000000e+00 : f32
      %broadcast_in_dim3A_154 = vector.broadcast %broadcast_in_dim3A_153 : f32 to vector<16xf32>
      %broadcast_in_dim3A_155 = arith.constant 0.000000e+00 : f32
      %broadcast_in_dim3A_156 = vector.broadcast %broadcast_in_dim3A_155 : f32 to vector<16xf32>
      %broadcast_in_dim3A_157 = arith.constant 0.000000e+00 : f32
      %broadcast_in_dim3A_158 = vector.broadcast %broadcast_in_dim3A_157 : f32 to vector<16xf32>
      %broadcast_in_dim3A_159 = arith.constant 0.000000e+00 : f32
      %broadcast_in_dim3A_160 = vector.broadcast %broadcast_in_dim3A_159 : f32 to vector<16xf32>
      %broadcast_in_dim3A_161 = arith.constant 0.000000e+00 : f32
      %broadcast_in_dim3A_162 = vector.broadcast %broadcast_in_dim3A_161 : f32 to vector<16xf32>
      %broadcast_in_dim3A_163 = arith.constant 0.000000e+00 : f32
      %broadcast_in_dim3A_164 = vector.broadcast %broadcast_in_dim3A_163 : f32 to vector<16xf32>
      %broadcast_in_dim3A_165 = arith.constant 0.000000e+00 : f32
      %broadcast_in_dim3A_166 = vector.broadcast %broadcast_in_dim3A_165 : f32 to vector<16xf32>
      %scan3A_167 = arith.constant 0 : i32
      %scan3A_168 = arith.constant 16 : i32
      %scan3A_169 = arith.addi %scan3A_167, %scan3A_168 : i32
      %scan3A_170 = arith.constant 1 : i32
      %scan3A_171:8 = scf.for %scan3A_205 = %scan3A_167 to %scan3A_169 step %scan3A_170 iter_args(%scan3A_206 = %broadcast_in_dim3A_152, %scan3A_207 = %broadcast_in_dim3A_154, %scan3A_208 = %broadcast_in_dim3A_156, %scan3A_209 = %broadcast_in_dim3A_158, %scan3A_210 = %broadcast_in_dim3A_160, %scan3A_211 = %broadcast_in_dim3A_162, %scan3A_212 = %broadcast_in_dim3A_164, %scan3A_213 = %broadcast_in_dim3A_166) -> (vector<16xf32>, vector<16xf32>, vector<16xf32>, vector<16xf32>, vector<16xf32>, vector<16xf32>, vector<16xf32>, vector<16xf32>)  : i32 {
        %mul3A_214 = arith.constant 8 : i32
        %mul3A_215 = arith.muli %scan3A_205, %mul3A_214 : i32
        %add3A_216 = arith.constant 0 : i32
        %add3A_217 = arith.addi %mul3A_215, %add3A_216 : i32
        %add3A_218 = vector.broadcast %add3A_217 : i32 to vector<16xi32>
        %add3A_219 = arith.addi %iota3A, %add3A_218 : vector<16xi32>
        %and3A = arith.constant 127 : i32
        %and3A_220 = vector.broadcast %and3A : i32 to vector<16xi32>
        %and3A_221 = arith.andi %add3A_219, %and3A_220 : vector<16xi32>
        %gather3A = tpu.vector_load_idx %arg10[%add3A_40, %and3A_221] : memref<128x128xf32, #tpu.memory_space<vmem>>[vector<16xi32>, vector<16xi32>], vector<16xf32>,
        %gather3A_222 = tpu.vector_load_idx %arg12[%add3A_40, %and3A_221] : memref<128x128xf32, #tpu.memory_space<vmem>>[vector<16xi32>, vector<16xi32>], vector<16xf32>,
        %mul3A_223 = arith.mulf %gather3A, %gather3A_222 : vector<16xf32>
        %add3A_224 = arith.addf %scan3A_206, %mul3A_223 : vector<16xf32>
        %gather3A_225 = tpu.vector_load_idx %arg10[%add3A_43, %and3A_221] : memref<128x128xf32, #tpu.memory_space<vmem>>[vector<16xi32>, vector<16xi32>], vector<16xf32>,
        %gather3A_226 = tpu.vector_load_idx %arg12[%add3A_43, %and3A_221] : memref<128x128xf32, #tpu.memory_space<vmem>>[vector<16xi32>, vector<16xi32>], vector<16xf32>,
        %mul3A_227 = arith.mulf %gather3A_225, %gather3A_226 : vector<16xf32>
        %add3A_228 = arith.addf %scan3A_207, %mul3A_227 : vector<16xf32>
        %gather3A_229 = tpu.vector_load_idx %arg10[%add3A_46, %and3A_221] : memref<128x128xf32, #tpu.memory_space<vmem>>[vector<16xi32>, vector<16xi32>], vector<16xf32>,
        %gather3A_230 = tpu.vector_load_idx %arg12[%add3A_46, %and3A_221] : memref<128x128xf32, #tpu.memory_space<vmem>>[vector<16xi32>, vector<16xi32>], vector<16xf32>,
        %mul3A_231 = arith.mulf %gather3A_229, %gather3A_230 : vector<16xf32>
        %add3A_232 = arith.addf %scan3A_208, %mul3A_231 : vector<16xf32>
        %gather3A_233 = tpu.vector_load_idx %arg10[%add3A_49, %and3A_221] : memref<128x128xf32, #tpu.memory_space<vmem>>[vector<16xi32>, vector<16xi32>], vector<16xf32>,
        %gather3A_234 = tpu.vector_load_idx %arg12[%add3A_49, %and3A_221] : memref<128x128xf32, #tpu.memory_space<vmem>>[vector<16xi32>, vector<16xi32>], vector<16xf32>,
        %mul3A_235 = arith.mulf %gather3A_233, %gather3A_234 : vector<16xf32>
        %add3A_236 = arith.addf %scan3A_209, %mul3A_235 : vector<16xf32>
        %gather3A_237 = tpu.vector_load_idx %arg10[%add3A_52, %and3A_221] : memref<128x128xf32, #tpu.memory_space<vmem>>[vector<16xi32>, vector<16xi32>], vector<16xf32>,
        %gather3A_238 = tpu.vector_load_idx %arg12[%add3A_52, %and3A_221] : memref<128x128xf32, #tpu.memory_space<vmem>>[vector<16xi32>, vector<16xi32>], vector<16xf32>,
        %mul3A_239 = arith.mulf %gather3A_237, %gather3A_238 : vector<16xf32>
        %add3A_240 = arith.addf %scan3A_210, %mul3A_239 : vector<16xf32>
        %gather3A_241 = tpu.vector_load_idx %arg10[%add3A_55, %and3A_221] : memref<128x128xf32, #tpu.memory_space<vmem>>[vector<16xi32>, vector<16xi32>], vector<16xf32>,
        %gather3A_242 = tpu.vector_load_idx %arg12[%add3A_55, %and3A_221] : memref<128x128xf32, #tpu.memory_space<vmem>>[vector<16xi32>, vector<16xi32>], vector<16xf32>,
        %mul3A_243 = arith.mulf %gather3A_241, %gather3A_242 : vector<16xf32>
        %add3A_244 = arith.addf %scan3A_211, %mul3A_243 : vector<16xf32>
        %gather3A_245 = tpu.vector_load_idx %arg10[%add3A_58, %and3A_221] : memref<128x128xf32, #tpu.memory_space<vmem>>[vector<16xi32>, vector<16xi32>], vector<16xf32>,
        %gather3A_246 = tpu.vector_load_idx %arg12[%add3A_58, %and3A_221] : memref<128x128xf32, #tpu.memory_space<vmem>>[vector<16xi32>, vector<16xi32>], vector<16xf32>,
        %mul3A_247 = arith.mulf %gather3A_245, %gather3A_246 : vector<16xf32>
        %add3A_248 = arith.addf %scan3A_212, %mul3A_247 : vector<16xf32>
        %gather3A_249 = tpu.vector_load_idx %arg10[%add3A_61, %and3A_221] : memref<128x128xf32, #tpu.memory_space<vmem>>[vector<16xi32>, vector<16xi32>], vector<16xf32>,
        %gather3A_250 = tpu.vector_load_idx %arg12[%add3A_61, %and3A_221] : memref<128x128xf32, #tpu.memory_space<vmem>>[vector<16xi32>, vector<16xi32>], vector<16xf32>,
        %mul3A_251 = arith.mulf %gather3A_249, %gather3A_250 : vector<16xf32>
        %add3A_252 = arith.addf %scan3A_213, %mul3A_251 : vector<16xf32>
        %mul3A_253 = arith.constant 8 : i32
        %mul3A_254 = arith.muli %scan3A_205, %mul3A_253 : i32
        %add3A_255 = arith.constant 1 : i32
        %add3A_256 = arith.addi %mul3A_254, %add3A_255 : i32
        %add3A_257 = vector.broadcast %add3A_256 : i32 to vector<16xi32>
        %add3A_258 = arith.addi %iota3A, %add3A_257 : vector<16xi32>
        %and3A_259 = arith.constant 127 : i32
        %and3A_260 = vector.broadcast %and3A_259 : i32 to vector<16xi32>
        %and3A_261 = arith.andi %add3A_258, %and3A_260 : vector<16xi32>
        %gather3A_262 = tpu.vector_load_idx %arg10[%add3A_40, %and3A_261] : memref<128x128xf32, #tpu.memory_space<vmem>>[vector<16xi32>, vector<16xi32>], vector<16xf32>,
        %gather3A_263 = tpu.vector_load_idx %arg12[%add3A_40, %and3A_261] : memref<128x128xf32, #tpu.memory_space<vmem>>[vector<16xi32>, vector<16xi32>], vector<16xf32>,
        %mul3A_264 = arith.mulf %gather3A_262, %gather3A_263 : vector<16xf32>
        %add3A_265 = arith.addf %add3A_224, %mul3A_264 : vector<16xf32>
        %gather3A_266 = tpu.vector_load_idx %arg10[%add3A_43, %and3A_261] : memref<128x128xf32, #tpu.memory_space<vmem>>[vector<16xi32>, vector<16xi32>], vector<16xf32>,
        %gather3A_267 = tpu.vector_load_idx %arg12[%add3A_43, %and3A_261] : memref<128x128xf32, #tpu.memory_space<vmem>>[vector<16xi32>, vector<16xi32>], vector<16xf32>,
        %mul3A_268 = arith.mulf %gather3A_266, %gather3A_267 : vector<16xf32>
        %add3A_269 = arith.addf %add3A_228, %mul3A_268 : vector<16xf32>
        %gather3A_270 = tpu.vector_load_idx %arg10[%add3A_46, %and3A_261] : memref<128x128xf32, #tpu.memory_space<vmem>>[vector<16xi32>, vector<16xi32>], vector<16xf32>,
        %gather3A_271 = tpu.vector_load_idx %arg12[%add3A_46, %and3A_261] : memref<128x128xf32, #tpu.memory_space<vmem>>[vector<16xi32>, vector<16xi32>], vector<16xf32>,
        %mul3A_272 = arith.mulf %gather3A_270, %gather3A_271 : vector<16xf32>
        %add3A_273 = arith.addf %add3A_232, %mul3A_272 : vector<16xf32>
        %gather3A_274 = tpu.vector_load_idx %arg10[%add3A_49, %and3A_261] : memref<128x128xf32, #tpu.memory_space<vmem>>[vector<16xi32>, vector<16xi32>], vector<16xf32>,
        %gather3A_275 = tpu.vector_load_idx %arg12[%add3A_49, %and3A_261] : memref<128x128xf32, #tpu.memory_space<vmem>>[vector<16xi32>, vector<16xi32>], vector<16xf32>,
        %mul3A_276 = arith.mulf %gather3A_274, %gather3A_275 : vector<16xf32>
        %add3A_277 = arith.addf %add3A_236, %mul3A_276 : vector<16xf32>
        %gather3A_278 = tpu.vector_load_idx %arg10[%add3A_52, %and3A_261] : memref<128x128xf32, #tpu.memory_space<vmem>>[vector<16xi32>, vector<16xi32>], vector<16xf32>,
        %gather3A_279 = tpu.vector_load_idx %arg12[%add3A_52, %and3A_261] : memref<128x128xf32, #tpu.memory_space<vmem>>[vector<16xi32>, vector<16xi32>], vector<16xf32>,
        %mul3A_280 = arith.mulf %gather3A_278, %gather3A_279 : vector<16xf32>
        %add3A_281 = arith.addf %add3A_240, %mul3A_280 : vector<16xf32>
        %gather3A_282 = tpu.vector_load_idx %arg10[%add3A_55, %and3A_261] : memref<128x128xf32, #tpu.memory_space<vmem>>[vector<16xi32>, vector<16xi32>], vector<16xf32>,
        %gather3A_283 = tpu.vector_load_idx %arg12[%add3A_55, %and3A_261] : memref<128x128xf32, #tpu.memory_space<vmem>>[vector<16xi32>, vector<16xi32>], vector<16xf32>,
        %mul3A_284 = arith.mulf %gather3A_282, %gather3A_283 : vector<16xf32>
        %add3A_285 = arith.addf %add3A_244, %mul3A_284 : vector<16xf32>
        %gather3A_286 = tpu.vector_load_idx %arg10[%add3A_58, %and3A_261] : memref<128x128xf32, #tpu.memory_space<vmem>>[vector<16xi32>, vector<16xi32>], vector<16xf32>,
        %gather3A_287 = tpu.vector_load_idx %arg12[%add3A_58, %and3A_261] : memref<128x128xf32, #tpu.memory_space<vmem>>[vector<16xi32>, vector<16xi32>], vector<16xf32>,
        %mul3A_288 = arith.mulf %gather3A_286, %gather3A_287 : vector<16xf32>
        %add3A_289 = arith.addf %add3A_248, %mul3A_288 : vector<16xf32>
        %gather3A_290 = tpu.vector_load_idx %arg10[%add3A_61, %and3A_261] : memref<128x128xf32, #tpu.memory_space<vmem>>[vector<16xi32>, vector<16xi32>], vector<16xf32>,
        %gather3A_291 = tpu.vector_load_idx %arg12[%add3A_61, %and3A_261] : memref<128x128xf32, #tpu.memory_space<vmem>>[vector<16xi32>, vector<16xi32>], vector<16xf32>,
        %mul3A_292 = arith.mulf %gather3A_290, %gather3A_291 : vector<16xf32>
        %add3A_293 = arith.addf %add3A_252, %mul3A_292 : vector<16xf32>
        %mul3A_294 = arith.constant 8 : i32
        %mul3A_295 = arith.muli %scan3A_205, %mul3A_294 : i32
        %add3A_296 = arith.constant 2 : i32
        %add3A_297 = arith.addi %mul3A_295, %add3A_296 : i32
        %add3A_298 = vector.broadcast %add3A_297 : i32 to vector<16xi32>
        %add3A_299 = arith.addi %iota3A, %add3A_298 : vector<16xi32>
        %and3A_300 = arith.constant 127 : i32
        %and3A_301 = vector.broadcast %and3A_300 : i32 to vector<16xi32>
        %and3A_302 = arith.andi %add3A_299, %and3A_301 : vector<16xi32>
        %gather3A_303 = tpu.vector_load_idx %arg10[%add3A_40, %and3A_302] : memref<128x128xf32, #tpu.memory_space<vmem>>[vector<16xi32>, vector<16xi32>], vector<16xf32>,
        %gather3A_304 = tpu.vector_load_idx %arg12[%add3A_40, %and3A_302] : memref<128x128xf32, #tpu.memory_space<vmem>>[vector<16xi32>, vector<16xi32>], vector<16xf32>,
        %mul3A_305 = arith.mulf %gather3A_303, %gather3A_304 : vector<16xf32>
        %add3A_306 = arith.addf %add3A_265, %mul3A_305 : vector<16xf32>
        %gather3A_307 = tpu.vector_load_idx %arg10[%add3A_43, %and3A_302] : memref<128x128xf32, #tpu.memory_space<vmem>>[vector<16xi32>, vector<16xi32>], vector<16xf32>,
        %gather3A_308 = tpu.vector_load_idx %arg12[%add3A_43, %and3A_302] : memref<128x128xf32, #tpu.memory_space<vmem>>[vector<16xi32>, vector<16xi32>], vector<16xf32>,
        %mul3A_309 = arith.mulf %gather3A_307, %gather3A_308 : vector<16xf32>
        %add3A_310 = arith.addf %add3A_269, %mul3A_309 : vector<16xf32>
        %gather3A_311 = tpu.vector_load_idx %arg10[%add3A_46, %and3A_302] : memref<128x128xf32, #tpu.memory_space<vmem>>[vector<16xi32>, vector<16xi32>], vector<16xf32>,
        %gather3A_312 = tpu.vector_load_idx %arg12[%add3A_46, %and3A_302] : memref<128x128xf32, #tpu.memory_space<vmem>>[vector<16xi32>, vector<16xi32>], vector<16xf32>,
        %mul3A_313 = arith.mulf %gather3A_311, %gather3A_312 : vector<16xf32>
        %add3A_314 = arith.addf %add3A_273, %mul3A_313 : vector<16xf32>
        %gather3A_315 = tpu.vector_load_idx %arg10[%add3A_49, %and3A_302] : memref<128x128xf32, #tpu.memory_space<vmem>>[vector<16xi32>, vector<16xi32>], vector<16xf32>,
        %gather3A_316 = tpu.vector_load_idx %arg12[%add3A_49, %and3A_302] : memref<128x128xf32, #tpu.memory_space<vmem>>[vector<16xi32>, vector<16xi32>], vector<16xf32>,
        %mul3A_317 = arith.mulf %gather3A_315, %gather3A_316 : vector<16xf32>
        %add3A_318 = arith.addf %add3A_277, %mul3A_317 : vector<16xf32>
        %gather3A_319 = tpu.vector_load_idx %arg10[%add3A_52, %and3A_302] : memref<128x128xf32, #tpu.memory_space<vmem>>[vector<16xi32>, vector<16xi32>], vector<16xf32>,
        %gather3A_320 = tpu.vector_load_idx %arg12[%add3A_52, %and3A_302] : memref<128x128xf32, #tpu.memory_space<vmem>>[vector<16xi32>, vector<16xi32>], vector<16xf32>,
        %mul3A_321 = arith.mulf %gather3A_319, %gather3A_320 : vector<16xf32>
        %add3A_322 = arith.addf %add3A_281, %mul3A_321 : vector<16xf32>
        %gather3A_323 = tpu.vector_load_idx %arg10[%add3A_55, %and3A_302] : memref<128x128xf32, #tpu.memory_space<vmem>>[vector<16xi32>, vector<16xi32>], vector<16xf32>,
        %gather3A_324 = tpu.vector_load_idx %arg12[%add3A_55, %and3A_302] : memref<128x128xf32, #tpu.memory_space<vmem>>[vector<16xi32>, vector<16xi32>], vector<16xf32>,
        %mul3A_325 = arith.mulf %gather3A_323, %gather3A_324 : vector<16xf32>
        %add3A_326 = arith.addf %add3A_285, %mul3A_325 : vector<16xf32>
        %gather3A_327 = tpu.vector_load_idx %arg10[%add3A_58, %and3A_302] : memref<128x128xf32, #tpu.memory_space<vmem>>[vector<16xi32>, vector<16xi32>], vector<16xf32>,
        %gather3A_328 = tpu.vector_load_idx %arg12[%add3A_58, %and3A_302] : memref<128x128xf32, #tpu.memory_space<vmem>>[vector<16xi32>, vector<16xi32>], vector<16xf32>,
        %mul3A_329 = arith.mulf %gather3A_327, %gather3A_328 : vector<16xf32>
        %add3A_330 = arith.addf %add3A_289, %mul3A_329 : vector<16xf32>
        %gather3A_331 = tpu.vector_load_idx %arg10[%add3A_61, %and3A_302] : memref<128x128xf32, #tpu.memory_space<vmem>>[vector<16xi32>, vector<16xi32>], vector<16xf32>,
        %gather3A_332 = tpu.vector_load_idx %arg12[%add3A_61, %and3A_302] : memref<128x128xf32, #tpu.memory_space<vmem>>[vector<16xi32>, vector<16xi32>], vector<16xf32>,
        %mul3A_333 = arith.mulf %gather3A_331, %gather3A_332 : vector<16xf32>
        %add3A_334 = arith.addf %add3A_293, %mul3A_333 : vector<16xf32>
        %mul3A_335 = arith.constant 8 : i32
        %mul3A_336 = arith.muli %scan3A_205, %mul3A_335 : i32
        %add3A_337 = arith.constant 3 : i32
        %add3A_338 = arith.addi %mul3A_336, %add3A_337 : i32
        %add3A_339 = vector.broadcast %add3A_338 : i32 to vector<16xi32>
        %add3A_340 = arith.addi %iota3A, %add3A_339 : vector<16xi32>
        %and3A_341 = arith.constant 127 : i32
        %and3A_342 = vector.broadcast %and3A_341 : i32 to vector<16xi32>
        %and3A_343 = arith.andi %add3A_340, %and3A_342 : vector<16xi32>
        %gather3A_344 = tpu.vector_load_idx %arg10[%add3A_40, %and3A_343] : memref<128x128xf32, #tpu.memory_space<vmem>>[vector<16xi32>, vector<16xi32>], vector<16xf32>,
        %gather3A_345 = tpu.vector_load_idx %arg12[%add3A_40, %and3A_343] : memref<128x128xf32, #tpu.memory_space<vmem>>[vector<16xi32>, vector<16xi32>], vector<16xf32>,
        %mul3A_346 = arith.mulf %gather3A_344, %gather3A_345 : vector<16xf32>
        %add3A_347 = arith.addf %add3A_306, %mul3A_346 : vector<16xf32>
        %gather3A_348 = tpu.vector_load_idx %arg10[%add3A_43, %and3A_343] : memref<128x128xf32, #tpu.memory_space<vmem>>[vector<16xi32>, vector<16xi32>], vector<16xf32>,
        %gather3A_349 = tpu.vector_load_idx %arg12[%add3A_43, %and3A_343] : memref<128x128xf32, #tpu.memory_space<vmem>>[vector<16xi32>, vector<16xi32>], vector<16xf32>,
        %mul3A_350 = arith.mulf %gather3A_348, %gather3A_349 : vector<16xf32>
        %add3A_351 = arith.addf %add3A_310, %mul3A_350 : vector<16xf32>
        %gather3A_352 = tpu.vector_load_idx %arg10[%add3A_46, %and3A_343] : memref<128x128xf32, #tpu.memory_space<vmem>>[vector<16xi32>, vector<16xi32>], vector<16xf32>,
        %gather3A_353 = tpu.vector_load_idx %arg12[%add3A_46, %and3A_343] : memref<128x128xf32, #tpu.memory_space<vmem>>[vector<16xi32>, vector<16xi32>], vector<16xf32>,
        %mul3A_354 = arith.mulf %gather3A_352, %gather3A_353 : vector<16xf32>
        %add3A_355 = arith.addf %add3A_314, %mul3A_354 : vector<16xf32>
        %gather3A_356 = tpu.vector_load_idx %arg10[%add3A_49, %and3A_343] : memref<128x128xf32, #tpu.memory_space<vmem>>[vector<16xi32>, vector<16xi32>], vector<16xf32>,
        %gather3A_357 = tpu.vector_load_idx %arg12[%add3A_49, %and3A_343] : memref<128x128xf32, #tpu.memory_space<vmem>>[vector<16xi32>, vector<16xi32>], vector<16xf32>,
        %mul3A_358 = arith.mulf %gather3A_356, %gather3A_357 : vector<16xf32>
        %add3A_359 = arith.addf %add3A_318, %mul3A_358 : vector<16xf32>
        %gather3A_360 = tpu.vector_load_idx %arg10[%add3A_52, %and3A_343] : memref<128x128xf32, #tpu.memory_space<vmem>>[vector<16xi32>, vector<16xi32>], vector<16xf32>,
        %gather3A_361 = tpu.vector_load_idx %arg12[%add3A_52, %and3A_343] : memref<128x128xf32, #tpu.memory_space<vmem>>[vector<16xi32>, vector<16xi32>], vector<16xf32>,
        %mul3A_362 = arith.mulf %gather3A_360, %gather3A_361 : vector<16xf32>
        %add3A_363 = arith.addf %add3A_322, %mul3A_362 : vector<16xf32>
        %gather3A_364 = tpu.vector_load_idx %arg10[%add3A_55, %and3A_343] : memref<128x128xf32, #tpu.memory_space<vmem>>[vector<16xi32>, vector<16xi32>], vector<16xf32>,
        %gather3A_365 = tpu.vector_load_idx %arg12[%add3A_55, %and3A_343] : memref<128x128xf32, #tpu.memory_space<vmem>>[vector<16xi32>, vector<16xi32>], vector<16xf32>,
        %mul3A_366 = arith.mulf %gather3A_364, %gather3A_365 : vector<16xf32>
        %add3A_367 = arith.addf %add3A_326, %mul3A_366 : vector<16xf32>
        %gather3A_368 = tpu.vector_load_idx %arg10[%add3A_58, %and3A_343] : memref<128x128xf32, #tpu.memory_space<vmem>>[vector<16xi32>, vector<16xi32>], vector<16xf32>,
        %gather3A_369 = tpu.vector_load_idx %arg12[%add3A_58, %and3A_343] : memref<128x128xf32, #tpu.memory_space<vmem>>[vector<16xi32>, vector<16xi32>], vector<16xf32>,
        %mul3A_370 = arith.mulf %gather3A_368, %gather3A_369 : vector<16xf32>
        %add3A_371 = arith.addf %add3A_330, %mul3A_370 : vector<16xf32>
        %gather3A_372 = tpu.vector_load_idx %arg10[%add3A_61, %and3A_343] : memref<128x128xf32, #tpu.memory_space<vmem>>[vector<16xi32>, vector<16xi32>], vector<16xf32>,
        %gather3A_373 = tpu.vector_load_idx %arg12[%add3A_61, %and3A_343] : memref<128x128xf32, #tpu.memory_space<vmem>>[vector<16xi32>, vector<16xi32>], vector<16xf32>,
        %mul3A_374 = arith.mulf %gather3A_372, %gather3A_373 : vector<16xf32>
        %add3A_375 = arith.addf %add3A_334, %mul3A_374 : vector<16xf32>
        %mul3A_376 = arith.constant 8 : i32
        %mul3A_377 = arith.muli %scan3A_205, %mul3A_376 : i32
        %add3A_378 = arith.constant 4 : i32
        %add3A_379 = arith.addi %mul3A_377, %add3A_378 : i32
        %add3A_380 = vector.broadcast %add3A_379 : i32 to vector<16xi32>
        %add3A_381 = arith.addi %iota3A, %add3A_380 : vector<16xi32>
        %and3A_382 = arith.constant 127 : i32
        %and3A_383 = vector.broadcast %and3A_382 : i32 to vector<16xi32>
        %and3A_384 = arith.andi %add3A_381, %and3A_383 : vector<16xi32>
        %gather3A_385 = tpu.vector_load_idx %arg10[%add3A_40, %and3A_384] : memref<128x128xf32, #tpu.memory_space<vmem>>[vector<16xi32>, vector<16xi32>], vector<16xf32>,
        %gather3A_386 = tpu.vector_load_idx %arg12[%add3A_40, %and3A_384] : memref<128x128xf32, #tpu.memory_space<vmem>>[vector<16xi32>, vector<16xi32>], vector<16xf32>,
        %mul3A_387 = arith.mulf %gather3A_385, %gather3A_386 : vector<16xf32>
        %add3A_388 = arith.addf %add3A_347, %mul3A_387 : vector<16xf32>
        %gather3A_389 = tpu.vector_load_idx %arg10[%add3A_43, %and3A_384] : memref<128x128xf32, #tpu.memory_space<vmem>>[vector<16xi32>, vector<16xi32>], vector<16xf32>,
        %gather3A_390 = tpu.vector_load_idx %arg12[%add3A_43, %and3A_384] : memref<128x128xf32, #tpu.memory_space<vmem>>[vector<16xi32>, vector<16xi32>], vector<16xf32>,
        %mul3A_391 = arith.mulf %gather3A_389, %gather3A_390 : vector<16xf32>
        %add3A_392 = arith.addf %add3A_351, %mul3A_391 : vector<16xf32>
        %gather3A_393 = tpu.vector_load_idx %arg10[%add3A_46, %and3A_384] : memref<128x128xf32, #tpu.memory_space<vmem>>[vector<16xi32>, vector<16xi32>], vector<16xf32>,
        %gather3A_394 = tpu.vector_load_idx %arg12[%add3A_46, %and3A_384] : memref<128x128xf32, #tpu.memory_space<vmem>>[vector<16xi32>, vector<16xi32>], vector<16xf32>,
        %mul3A_395 = arith.mulf %gather3A_393, %gather3A_394 : vector<16xf32>
        %add3A_396 = arith.addf %add3A_355, %mul3A_395 : vector<16xf32>
        %gather3A_397 = tpu.vector_load_idx %arg10[%add3A_49, %and3A_384] : memref<128x128xf32, #tpu.memory_space<vmem>>[vector<16xi32>, vector<16xi32>], vector<16xf32>,
        %gather3A_398 = tpu.vector_load_idx %arg12[%add3A_49, %and3A_384] : memref<128x128xf32, #tpu.memory_space<vmem>>[vector<16xi32>, vector<16xi32>], vector<16xf32>,
        %mul3A_399 = arith.mulf %gather3A_397, %gather3A_398 : vector<16xf32>
        %add3A_400 = arith.addf %add3A_359, %mul3A_399 : vector<16xf32>
        %gather3A_401 = tpu.vector_load_idx %arg10[%add3A_52, %and3A_384] : memref<128x128xf32, #tpu.memory_space<vmem>>[vector<16xi32>, vector<16xi32>], vector<16xf32>,
        %gather3A_402 = tpu.vector_load_idx %arg12[%add3A_52, %and3A_384] : memref<128x128xf32, #tpu.memory_space<vmem>>[vector<16xi32>, vector<16xi32>], vector<16xf32>,
        %mul3A_403 = arith.mulf %gather3A_401, %gather3A_402 : vector<16xf32>
        %add3A_404 = arith.addf %add3A_363, %mul3A_403 : vector<16xf32>
        %gather3A_405 = tpu.vector_load_idx %arg10[%add3A_55, %and3A_384] : memref<128x128xf32, #tpu.memory_space<vmem>>[vector<16xi32>, vector<16xi32>], vector<16xf32>,
        %gather3A_406 = tpu.vector_load_idx %arg12[%add3A_55, %and3A_384] : memref<128x128xf32, #tpu.memory_space<vmem>>[vector<16xi32>, vector<16xi32>], vector<16xf32>,
        %mul3A_407 = arith.mulf %gather3A_405, %gather3A_406 : vector<16xf32>
        %add3A_408 = arith.addf %add3A_367, %mul3A_407 : vector<16xf32>
        %gather3A_409 = tpu.vector_load_idx %arg10[%add3A_58, %and3A_384] : memref<128x128xf32, #tpu.memory_space<vmem>>[vector<16xi32>, vector<16xi32>], vector<16xf32>,
        %gather3A_410 = tpu.vector_load_idx %arg12[%add3A_58, %and3A_384] : memref<128x128xf32, #tpu.memory_space<vmem>>[vector<16xi32>, vector<16xi32>], vector<16xf32>,
        %mul3A_411 = arith.mulf %gather3A_409, %gather3A_410 : vector<16xf32>
        %add3A_412 = arith.addf %add3A_371, %mul3A_411 : vector<16xf32>
        %gather3A_413 = tpu.vector_load_idx %arg10[%add3A_61, %and3A_384] : memref<128x128xf32, #tpu.memory_space<vmem>>[vector<16xi32>, vector<16xi32>], vector<16xf32>,
        %gather3A_414 = tpu.vector_load_idx %arg12[%add3A_61, %and3A_384] : memref<128x128xf32, #tpu.memory_space<vmem>>[vector<16xi32>, vector<16xi32>], vector<16xf32>,
        %mul3A_415 = arith.mulf %gather3A_413, %gather3A_414 : vector<16xf32>
        %add3A_416 = arith.addf %add3A_375, %mul3A_415 : vector<16xf32>
        %mul3A_417 = arith.constant 8 : i32
        %mul3A_418 = arith.muli %scan3A_205, %mul3A_417 : i32
        %add3A_419 = arith.constant 5 : i32
        %add3A_420 = arith.addi %mul3A_418, %add3A_419 : i32
        %add3A_421 = vector.broadcast %add3A_420 : i32 to vector<16xi32>
        %add3A_422 = arith.addi %iota3A, %add3A_421 : vector<16xi32>
        %and3A_423 = arith.constant 127 : i32
        %and3A_424 = vector.broadcast %and3A_423 : i32 to vector<16xi32>
        %and3A_425 = arith.andi %add3A_422, %and3A_424 : vector<16xi32>
        %gather3A_426 = tpu.vector_load_idx %arg10[%add3A_40, %and3A_425] : memref<128x128xf32, #tpu.memory_space<vmem>>[vector<16xi32>, vector<16xi32>], vector<16xf32>,
        %gather3A_427 = tpu.vector_load_idx %arg12[%add3A_40, %and3A_425] : memref<128x128xf32, #tpu.memory_space<vmem>>[vector<16xi32>, vector<16xi32>], vector<16xf32>,
        %mul3A_428 = arith.mulf %gather3A_426, %gather3A_427 : vector<16xf32>
        %add3A_429 = arith.addf %add3A_388, %mul3A_428 : vector<16xf32>
        %gather3A_430 = tpu.vector_load_idx %arg10[%add3A_43, %and3A_425] : memref<128x128xf32, #tpu.memory_space<vmem>>[vector<16xi32>, vector<16xi32>], vector<16xf32>,
        %gather3A_431 = tpu.vector_load_idx %arg12[%add3A_43, %and3A_425] : memref<128x128xf32, #tpu.memory_space<vmem>>[vector<16xi32>, vector<16xi32>], vector<16xf32>,
        %mul3A_432 = arith.mulf %gather3A_430, %gather3A_431 : vector<16xf32>
        %add3A_433 = arith.addf %add3A_392, %mul3A_432 : vector<16xf32>
        %gather3A_434 = tpu.vector_load_idx %arg10[%add3A_46, %and3A_425] : memref<128x128xf32, #tpu.memory_space<vmem>>[vector<16xi32>, vector<16xi32>], vector<16xf32>,
        %gather3A_435 = tpu.vector_load_idx %arg12[%add3A_46, %and3A_425] : memref<128x128xf32, #tpu.memory_space<vmem>>[vector<16xi32>, vector<16xi32>], vector<16xf32>,
        %mul3A_436 = arith.mulf %gather3A_434, %gather3A_435 : vector<16xf32>
        %add3A_437 = arith.addf %add3A_396, %mul3A_436 : vector<16xf32>
        %gather3A_438 = tpu.vector_load_idx %arg10[%add3A_49, %and3A_425] : memref<128x128xf32, #tpu.memory_space<vmem>>[vector<16xi32>, vector<16xi32>], vector<16xf32>,
        %gather3A_439 = tpu.vector_load_idx %arg12[%add3A_49, %and3A_425] : memref<128x128xf32, #tpu.memory_space<vmem>>[vector<16xi32>, vector<16xi32>], vector<16xf32>,
        %mul3A_440 = arith.mulf %gather3A_438, %gather3A_439 : vector<16xf32>
        %add3A_441 = arith.addf %add3A_400, %mul3A_440 : vector<16xf32>
        %gather3A_442 = tpu.vector_load_idx %arg10[%add3A_52, %and3A_425] : memref<128x128xf32, #tpu.memory_space<vmem>>[vector<16xi32>, vector<16xi32>], vector<16xf32>,
        %gather3A_443 = tpu.vector_load_idx %arg12[%add3A_52, %and3A_425] : memref<128x128xf32, #tpu.memory_space<vmem>>[vector<16xi32>, vector<16xi32>], vector<16xf32>,
        %mul3A_444 = arith.mulf %gather3A_442, %gather3A_443 : vector<16xf32>
        %add3A_445 = arith.addf %add3A_404, %mul3A_444 : vector<16xf32>
        %gather3A_446 = tpu.vector_load_idx %arg10[%add3A_55, %and3A_425] : memref<128x128xf32, #tpu.memory_space<vmem>>[vector<16xi32>, vector<16xi32>], vector<16xf32>,
        %gather3A_447 = tpu.vector_load_idx %arg12[%add3A_55, %and3A_425] : memref<128x128xf32, #tpu.memory_space<vmem>>[vector<16xi32>, vector<16xi32>], vector<16xf32>,
        %mul3A_448 = arith.mulf %gather3A_446, %gather3A_447 : vector<16xf32>
        %add3A_449 = arith.addf %add3A_408, %mul3A_448 : vector<16xf32>
        %gather3A_450 = tpu.vector_load_idx %arg10[%add3A_58, %and3A_425] : memref<128x128xf32, #tpu.memory_space<vmem>>[vector<16xi32>, vector<16xi32>], vector<16xf32>,
        %gather3A_451 = tpu.vector_load_idx %arg12[%add3A_58, %and3A_425] : memref<128x128xf32, #tpu.memory_space<vmem>>[vector<16xi32>, vector<16xi32>], vector<16xf32>,
        %mul3A_452 = arith.mulf %gather3A_450, %gather3A_451 : vector<16xf32>
        %add3A_453 = arith.addf %add3A_412, %mul3A_452 : vector<16xf32>
        %gather3A_454 = tpu.vector_load_idx %arg10[%add3A_61, %and3A_425] : memref<128x128xf32, #tpu.memory_space<vmem>>[vector<16xi32>, vector<16xi32>], vector<16xf32>,
        %gather3A_455 = tpu.vector_load_idx %arg12[%add3A_61, %and3A_425] : memref<128x128xf32, #tpu.memory_space<vmem>>[vector<16xi32>, vector<16xi32>], vector<16xf32>,
        %mul3A_456 = arith.mulf %gather3A_454, %gather3A_455 : vector<16xf32>
        %add3A_457 = arith.addf %add3A_416, %mul3A_456 : vector<16xf32>
        %mul3A_458 = arith.constant 8 : i32
        %mul3A_459 = arith.muli %scan3A_205, %mul3A_458 : i32
        %add3A_460 = arith.constant 6 : i32
        %add3A_461 = arith.addi %mul3A_459, %add3A_460 : i32
        %add3A_462 = vector.broadcast %add3A_461 : i32 to vector<16xi32>
        %add3A_463 = arith.addi %iota3A, %add3A_462 : vector<16xi32>
        %and3A_464 = arith.constant 127 : i32
        %and3A_465 = vector.broadcast %and3A_464 : i32 to vector<16xi32>
        %and3A_466 = arith.andi %add3A_463, %and3A_465 : vector<16xi32>
        %gather3A_467 = tpu.vector_load_idx %arg10[%add3A_40, %and3A_466] : memref<128x128xf32, #tpu.memory_space<vmem>>[vector<16xi32>, vector<16xi32>], vector<16xf32>,
        %gather3A_468 = tpu.vector_load_idx %arg12[%add3A_40, %and3A_466] : memref<128x128xf32, #tpu.memory_space<vmem>>[vector<16xi32>, vector<16xi32>], vector<16xf32>,
        %mul3A_469 = arith.mulf %gather3A_467, %gather3A_468 : vector<16xf32>
        %add3A_470 = arith.addf %add3A_429, %mul3A_469 : vector<16xf32>
        %gather3A_471 = tpu.vector_load_idx %arg10[%add3A_43, %and3A_466] : memref<128x128xf32, #tpu.memory_space<vmem>>[vector<16xi32>, vector<16xi32>], vector<16xf32>,
        %gather3A_472 = tpu.vector_load_idx %arg12[%add3A_43, %and3A_466] : memref<128x128xf32, #tpu.memory_space<vmem>>[vector<16xi32>, vector<16xi32>], vector<16xf32>,
        %mul3A_473 = arith.mulf %gather3A_471, %gather3A_472 : vector<16xf32>
        %add3A_474 = arith.addf %add3A_433, %mul3A_473 : vector<16xf32>
        %gather3A_475 = tpu.vector_load_idx %arg10[%add3A_46, %and3A_466] : memref<128x128xf32, #tpu.memory_space<vmem>>[vector<16xi32>, vector<16xi32>], vector<16xf32>,
        %gather3A_476 = tpu.vector_load_idx %arg12[%add3A_46, %and3A_466] : memref<128x128xf32, #tpu.memory_space<vmem>>[vector<16xi32>, vector<16xi32>], vector<16xf32>,
        %mul3A_477 = arith.mulf %gather3A_475, %gather3A_476 : vector<16xf32>
        %add3A_478 = arith.addf %add3A_437, %mul3A_477 : vector<16xf32>
        %gather3A_479 = tpu.vector_load_idx %arg10[%add3A_49, %and3A_466] : memref<128x128xf32, #tpu.memory_space<vmem>>[vector<16xi32>, vector<16xi32>], vector<16xf32>,
        %gather3A_480 = tpu.vector_load_idx %arg12[%add3A_49, %and3A_466] : memref<128x128xf32, #tpu.memory_space<vmem>>[vector<16xi32>, vector<16xi32>], vector<16xf32>,
        %mul3A_481 = arith.mulf %gather3A_479, %gather3A_480 : vector<16xf32>
        %add3A_482 = arith.addf %add3A_441, %mul3A_481 : vector<16xf32>
        %gather3A_483 = tpu.vector_load_idx %arg10[%add3A_52, %and3A_466] : memref<128x128xf32, #tpu.memory_space<vmem>>[vector<16xi32>, vector<16xi32>], vector<16xf32>,
        %gather3A_484 = tpu.vector_load_idx %arg12[%add3A_52, %and3A_466] : memref<128x128xf32, #tpu.memory_space<vmem>>[vector<16xi32>, vector<16xi32>], vector<16xf32>,
        %mul3A_485 = arith.mulf %gather3A_483, %gather3A_484 : vector<16xf32>
        %add3A_486 = arith.addf %add3A_445, %mul3A_485 : vector<16xf32>
        %gather3A_487 = tpu.vector_load_idx %arg10[%add3A_55, %and3A_466] : memref<128x128xf32, #tpu.memory_space<vmem>>[vector<16xi32>, vector<16xi32>], vector<16xf32>,
        %gather3A_488 = tpu.vector_load_idx %arg12[%add3A_55, %and3A_466] : memref<128x128xf32, #tpu.memory_space<vmem>>[vector<16xi32>, vector<16xi32>], vector<16xf32>,
        %mul3A_489 = arith.mulf %gather3A_487, %gather3A_488 : vector<16xf32>
        %add3A_490 = arith.addf %add3A_449, %mul3A_489 : vector<16xf32>
        %gather3A_491 = tpu.vector_load_idx %arg10[%add3A_58, %and3A_466] : memref<128x128xf32, #tpu.memory_space<vmem>>[vector<16xi32>, vector<16xi32>], vector<16xf32>,
        %gather3A_492 = tpu.vector_load_idx %arg12[%add3A_58, %and3A_466] : memref<128x128xf32, #tpu.memory_space<vmem>>[vector<16xi32>, vector<16xi32>], vector<16xf32>,
        %mul3A_493 = arith.mulf %gather3A_491, %gather3A_492 : vector<16xf32>
        %add3A_494 = arith.addf %add3A_453, %mul3A_493 : vector<16xf32>
        %gather3A_495 = tpu.vector_load_idx %arg10[%add3A_61, %and3A_466] : memref<128x128xf32, #tpu.memory_space<vmem>>[vector<16xi32>, vector<16xi32>], vector<16xf32>,
        %gather3A_496 = tpu.vector_load_idx %arg12[%add3A_61, %and3A_466] : memref<128x128xf32, #tpu.memory_space<vmem>>[vector<16xi32>, vector<16xi32>], vector<16xf32>,
        %mul3A_497 = arith.mulf %gather3A_495, %gather3A_496 : vector<16xf32>
        %add3A_498 = arith.addf %add3A_457, %mul3A_497 : vector<16xf32>
        %mul3A_499 = arith.constant 8 : i32
        %mul3A_500 = arith.muli %scan3A_205, %mul3A_499 : i32
        %add3A_501 = arith.constant 7 : i32
        %add3A_502 = arith.addi %mul3A_500, %add3A_501 : i32
        %add3A_503 = vector.broadcast %add3A_502 : i32 to vector<16xi32>
        %add3A_504 = arith.addi %iota3A, %add3A_503 : vector<16xi32>
        %and3A_505 = arith.constant 127 : i32
        %and3A_506 = vector.broadcast %and3A_505 : i32 to vector<16xi32>
        %and3A_507 = arith.andi %add3A_504, %and3A_506 : vector<16xi32>
        %gather3A_508 = tpu.vector_load_idx %arg10[%add3A_40, %and3A_507] : memref<128x128xf32, #tpu.memory_space<vmem>>[vector<16xi32>, vector<16xi32>], vector<16xf32>,
        %gather3A_509 = tpu.vector_load_idx %arg12[%add3A_40, %and3A_507] : memref<128x128xf32, #tpu.memory_space<vmem>>[vector<16xi32>, vector<16xi32>], vector<16xf32>,
        %mul3A_510 = arith.mulf %gather3A_508, %gather3A_509 : vector<16xf32>
        %add3A_511 = arith.addf %add3A_470, %mul3A_510 : vector<16xf32>
        %gather3A_512 = tpu.vector_load_idx %arg10[%add3A_43, %and3A_507] : memref<128x128xf32, #tpu.memory_space<vmem>>[vector<16xi32>, vector<16xi32>], vector<16xf32>,
        %gather3A_513 = tpu.vector_load_idx %arg12[%add3A_43, %and3A_507] : memref<128x128xf32, #tpu.memory_space<vmem>>[vector<16xi32>, vector<16xi32>], vector<16xf32>,
        %mul3A_514 = arith.mulf %gather3A_512, %gather3A_513 : vector<16xf32>
        %add3A_515 = arith.addf %add3A_474, %mul3A_514 : vector<16xf32>
        %gather3A_516 = tpu.vector_load_idx %arg10[%add3A_46, %and3A_507] : memref<128x128xf32, #tpu.memory_space<vmem>>[vector<16xi32>, vector<16xi32>], vector<16xf32>,
        %gather3A_517 = tpu.vector_load_idx %arg12[%add3A_46, %and3A_507] : memref<128x128xf32, #tpu.memory_space<vmem>>[vector<16xi32>, vector<16xi32>], vector<16xf32>,
        %mul3A_518 = arith.mulf %gather3A_516, %gather3A_517 : vector<16xf32>
        %add3A_519 = arith.addf %add3A_478, %mul3A_518 : vector<16xf32>
        %gather3A_520 = tpu.vector_load_idx %arg10[%add3A_49, %and3A_507] : memref<128x128xf32, #tpu.memory_space<vmem>>[vector<16xi32>, vector<16xi32>], vector<16xf32>,
        %gather3A_521 = tpu.vector_load_idx %arg12[%add3A_49, %and3A_507] : memref<128x128xf32, #tpu.memory_space<vmem>>[vector<16xi32>, vector<16xi32>], vector<16xf32>,
        %mul3A_522 = arith.mulf %gather3A_520, %gather3A_521 : vector<16xf32>
        %add3A_523 = arith.addf %add3A_482, %mul3A_522 : vector<16xf32>
        %gather3A_524 = tpu.vector_load_idx %arg10[%add3A_52, %and3A_507] : memref<128x128xf32, #tpu.memory_space<vmem>>[vector<16xi32>, vector<16xi32>], vector<16xf32>,
        %gather3A_525 = tpu.vector_load_idx %arg12[%add3A_52, %and3A_507] : memref<128x128xf32, #tpu.memory_space<vmem>>[vector<16xi32>, vector<16xi32>], vector<16xf32>,
        %mul3A_526 = arith.mulf %gather3A_524, %gather3A_525 : vector<16xf32>
        %add3A_527 = arith.addf %add3A_486, %mul3A_526 : vector<16xf32>
        %gather3A_528 = tpu.vector_load_idx %arg10[%add3A_55, %and3A_507] : memref<128x128xf32, #tpu.memory_space<vmem>>[vector<16xi32>, vector<16xi32>], vector<16xf32>,
        %gather3A_529 = tpu.vector_load_idx %arg12[%add3A_55, %and3A_507] : memref<128x128xf32, #tpu.memory_space<vmem>>[vector<16xi32>, vector<16xi32>], vector<16xf32>,
        %mul3A_530 = arith.mulf %gather3A_528, %gather3A_529 : vector<16xf32>
        %add3A_531 = arith.addf %add3A_490, %mul3A_530 : vector<16xf32>
        %gather3A_532 = tpu.vector_load_idx %arg10[%add3A_58, %and3A_507] : memref<128x128xf32, #tpu.memory_space<vmem>>[vector<16xi32>, vector<16xi32>], vector<16xf32>,
        %gather3A_533 = tpu.vector_load_idx %arg12[%add3A_58, %and3A_507] : memref<128x128xf32, #tpu.memory_space<vmem>>[vector<16xi32>, vector<16xi32>], vector<16xf32>,
        %mul3A_534 = arith.mulf %gather3A_532, %gather3A_533 : vector<16xf32>
        %add3A_535 = arith.addf %add3A_494, %mul3A_534 : vector<16xf32>
        %gather3A_536 = tpu.vector_load_idx %arg10[%add3A_61, %and3A_507] : memref<128x128xf32, #tpu.memory_space<vmem>>[vector<16xi32>, vector<16xi32>], vector<16xf32>,
        %gather3A_537 = tpu.vector_load_idx %arg12[%add3A_61, %and3A_507] : memref<128x128xf32, #tpu.memory_space<vmem>>[vector<16xi32>, vector<16xi32>], vector<16xf32>,
        %mul3A_538 = arith.mulf %gather3A_536, %gather3A_537 : vector<16xf32>
        %add3A_539 = arith.addf %add3A_498, %mul3A_538 : vector<16xf32>
        scf.yield %add3A_511, %add3A_515, %add3A_519, %add3A_523, %add3A_527, %add3A_531, %add3A_535, %add3A_539 : vector<16xf32>, vector<16xf32>, vector<16xf32>, vector<16xf32>, vector<16xf32>, vector<16xf32>, vector<16xf32>, vector<16xf32>
      }
      %scan3A_172 = arith.constant 16 : i32
      %swap3A_173 = arith.index_cast %add3A_138 : i32 to index
      %swap3A_174 = arith.constant 0 : index
      %swap3A_175 = tpu.vector_load %arg8[%swap3A_173, %swap3A_174] {strides = array<i32>} : memref<26x128xf32, #tpu.memory_space<vmem>>, vector<16xf32>,
      tpu.vector_store %arg8[%swap3A_173, %swap3A_174], %scan3A_171#0 {strides = array<i32>} : memref<26x128xf32, #tpu.memory_space<vmem>>, vector<16xf32>,
      %swap3A_176 = arith.index_cast %add3A_138 : i32 to index
      %swap3A_177 = arith.constant 16 : index
      %swap3A_178 = tpu.vector_load %arg8[%swap3A_176, %swap3A_177] {strides = array<i32>} : memref<26x128xf32, #tpu.memory_space<vmem>>, vector<16xf32>,
      tpu.vector_store %arg8[%swap3A_176, %swap3A_177], %scan3A_171#1 {strides = array<i32>} : memref<26x128xf32, #tpu.memory_space<vmem>>, vector<16xf32>,
      %swap3A_179 = arith.index_cast %add3A_138 : i32 to index
      %swap3A_180 = arith.constant 32 : index
      %swap3A_181 = tpu.vector_load %arg8[%swap3A_179, %swap3A_180] {strides = array<i32>} : memref<26x128xf32, #tpu.memory_space<vmem>>, vector<16xf32>,
      tpu.vector_store %arg8[%swap3A_179, %swap3A_180], %scan3A_171#2 {strides = array<i32>} : memref<26x128xf32, #tpu.memory_space<vmem>>, vector<16xf32>,
      %swap3A_182 = arith.index_cast %add3A_138 : i32 to index
      %swap3A_183 = arith.constant 48 : index
      %swap3A_184 = tpu.vector_load %arg8[%swap3A_182, %swap3A_183] {strides = array<i32>} : memref<26x128xf32, #tpu.memory_space<vmem>>, vector<16xf32>,
      tpu.vector_store %arg8[%swap3A_182, %swap3A_183], %scan3A_171#3 {strides = array<i32>} : memref<26x128xf32, #tpu.memory_space<vmem>>, vector<16xf32>,
      %swap3A_185 = arith.index_cast %add3A_138 : i32 to index
      %swap3A_186 = arith.constant 64 : index
      %swap3A_187 = tpu.vector_load %arg8[%swap3A_185, %swap3A_186] {strides = array<i32>} : memref<26x128xf32, #tpu.memory_space<vmem>>, vector<16xf32>,
      tpu.vector_store %arg8[%swap3A_185, %swap3A_186], %scan3A_171#4 {strides = array<i32>} : memref<26x128xf32, #tpu.memory_space<vmem>>, vector<16xf32>,
      %swap3A_188 = arith.index_cast %add3A_138 : i32 to index
      %swap3A_189 = arith.constant 80 : index
      %swap3A_190 = tpu.vector_load %arg8[%swap3A_188, %swap3A_189] {strides = array<i32>} : memref<26x128xf32, #tpu.memory_space<vmem>>, vector<16xf32>,
      tpu.vector_store %arg8[%swap3A_188, %swap3A_189], %scan3A_171#5 {strides = array<i32>} : memref<26x128xf32, #tpu.memory_space<vmem>>, vector<16xf32>,
      %swap3A_191 = arith.index_cast %add3A_138 : i32 to index
      %swap3A_192 = arith.constant 96 : index
      %swap3A_193 = tpu.vector_load %arg8[%swap3A_191, %swap3A_192] {strides = array<i32>} : memref<26x128xf32, #tpu.memory_space<vmem>>, vector<16xf32>,
      tpu.vector_store %arg8[%swap3A_191, %swap3A_192], %scan3A_171#6 {strides = array<i32>} : memref<26x128xf32, #tpu.memory_space<vmem>>, vector<16xf32>,
      %swap3A_194 = arith.index_cast %add3A_138 : i32 to index
      %swap3A_195 = arith.constant 112 : index
      %swap3A_196 = tpu.vector_load %arg8[%swap3A_194, %swap3A_195] {strides = array<i32>} : memref<26x128xf32, #tpu.memory_space<vmem>>, vector<16xf32>,
      tpu.vector_store %arg8[%swap3A_194, %swap3A_195], %scan3A_171#7 {strides = array<i32>} : memref<26x128xf32, #tpu.memory_space<vmem>>, vector<16xf32>,
      %add3A_197 = arith.constant 2 : i32
      %add3A_198 = arith.addi %add3A_138, %add3A_197 : i32
      %lt3A_199 = arith.constant 26 : i32
      %lt3A_200 = arith.cmpi slt, %add3A_198, %lt3A_199 : i32
      %convert_element_type3A_201 = arith.extui %lt3A_200 : i1 to i32
      %cond3A_202 = arith.constant 0 : i32
      %cond3A_203 = arith.cmpi ne, %convert_element_type3A_201, %cond3A_202 : i32
      scf.if %cond3A_203 {
        %add3A_205 = arith.constant 2 : i32
        %add3A_206 = arith.addi %add3A_138, %add3A_205 : i32
        %dma_start3A_207 = arith.constant 0 : i32
        %dma_start3A_208 = tpu.memref_slice %arg6[%add3A_206, %dma_start3A_207] : memref<26x128xi32, #tpu.memory_space<vmem>> -> memref<1x128xi32, #tpu.memory_space<vmem>>
        %dma_start3A_209 = tpu.memref_squeeze %dma_start3A_208 : memref<1x128xi32, #tpu.memory_space<vmem>> -> memref<128xi32, #tpu.memory_space<vmem>>
        %dma_start3A_210 = arith.constant 0 : i32
        %dma_start3A_211 = arith.constant 0 : i32
        %dma_start3A_212 = tpu.memref_slice %arg2[%dma_start3A_210, %dma_start3A_211] : memref<20000x128xf32, #tpu.memory_space<hbm>> -> memref<20000x128xf32, #tpu.memory_space<hbm>>
        tpu.enqueue_indirect_dma source(%dma_start3A_212 : memref<20000x128xf32, #tpu.memory_space<hbm>>) target(%arg10 : memref<128x128xf32, #tpu.memory_space<vmem>>) offsets(%dma_start3A_209 : memref<128xi32, #tpu.memory_space<vmem>>) semaphore(%arg14 : memref<!tpu.dma_semaphore, #tpu.memory_space<semaphore_mem>>)
        %add3A_213 = arith.constant 2 : i32
        %add3A_214 = arith.addi %add3A_138, %add3A_213 : i32
        %dma_start3A_215 = arith.constant 0 : i32
        %dma_start3A_216 = tpu.memref_slice %arg7[%add3A_214, %dma_start3A_215] : memref<26x128xi32, #tpu.memory_space<vmem>> -> memref<1x128xi32, #tpu.memory_space<vmem>>
        %dma_start3A_217 = tpu.memref_squeeze %dma_start3A_216 : memref<1x128xi32, #tpu.memory_space<vmem>> -> memref<128xi32, #tpu.memory_space<vmem>>
        %dma_start3A_218 = arith.constant 0 : i32
        %dma_start3A_219 = arith.constant 0 : i32
        %dma_start3A_220 = tpu.memref_slice %arg2[%dma_start3A_218, %dma_start3A_219] : memref<20000x128xf32, #tpu.memory_space<hbm>> -> memref<20000x128xf32, #tpu.memory_space<hbm>>
        tpu.enqueue_indirect_dma source(%dma_start3A_220 : memref<20000x128xf32, #tpu.memory_space<hbm>>) target(%arg12 : memref<128x128xf32, #tpu.memory_space<vmem>>) offsets(%dma_start3A_217 : memref<128xi32, #tpu.memory_space<vmem>>) semaphore(%arg16 : memref<!tpu.dma_semaphore, #tpu.memory_space<semaphore_mem>>)
      } else {
      }
      %scan3A_204 = arith.constant 0 : i32
      scf.yield %scan3A_204 : i32
    }
    %scan3A_68 = arith.constant 13 : i32
    "tpu.region"() ({
      %run_scoped3A = tpu.sem_alloc : memref<!tpu.dma_semaphore, #tpu.memory_space<semaphore_mem>>
      %dma_start3A_69 = arith.constant 0 : i32
      %dma_start3A_70 = arith.constant 0 : i32
      %dma_start3A_71 = tpu.memref_slice %arg5[%add3A, %dma_start3A_69, %dma_start3A_70] : memref<32x26x128xf32, #tpu.memory_space<hbm>> -> memref<1x26x128xf32, #tpu.memory_space<hbm>>
      %dma_start3A_72 = tpu.memref_squeeze %dma_start3A_71 : memref<1x26x128xf32, #tpu.memory_space<hbm>> -> memref<26x128xf32, #tpu.memory_space<hbm>>
      %dma_start3A_73 = arith.constant 0 : i32
      %dma_start3A_74 = arith.constant 0 : i32
      %dma_start3A_75 = tpu.memref_slice %arg5[%add3A, %dma_start3A_73, %dma_start3A_74] : memref<32x26x128xf32, #tpu.memory_space<hbm>> -> memref<1x26x128xf32, #tpu.memory_space<hbm>>
      %dma_start3A_76 = tpu.memref_squeeze %dma_start3A_75 : memref<1x26x128xf32, #tpu.memory_space<hbm>> -> memref<26x128xf32, #tpu.memory_space<hbm>>
      tpu.enqueue_dma source(%arg8 : memref<26x128xf32, #tpu.memory_space<vmem>>) target(%dma_start3A_76 : memref<26x128xf32, #tpu.memory_space<hbm>>) target_semaphore(%run_scoped3A : memref<!tpu.dma_semaphore, #tpu.memory_space<semaphore_mem>>)
      %dma_wait3A = arith.constant 0 : i32
      %dma_wait3A_77 = arith.constant 0 : i32
      %dma_wait3A_78 = tpu.memref_slice %arg5[%add3A, %dma_wait3A, %dma_wait3A_77] : memref<32x26x128xf32, #tpu.memory_space<hbm>> -> memref<1x26x128xf32, #tpu.memory_space<hbm>>
      %dma_wait3A_79 = tpu.memref_squeeze %dma_wait3A_78 : memref<1x26x128xf32, #tpu.memory_space<hbm>> -> memref<26x128xf32, #tpu.memory_space<hbm>>
      %dma_wait3A_80 = arith.constant 0 : i32
      %dma_wait3A_81 = arith.constant 0 : i32
      %dma_wait3A_82 = tpu.memref_slice %arg5[%add3A, %dma_wait3A_80, %dma_wait3A_81] : memref<32x26x128xf32, #tpu.memory_space<hbm>> -> memref<1x26x128xf32, #tpu.memory_space<hbm>>
      %dma_wait3A_83 = tpu.memref_squeeze %dma_wait3A_82 : memref<1x26x128xf32, #tpu.memory_space<hbm>> -> memref<26x128xf32, #tpu.memory_space<hbm>>
      tpu.wait_dma2 semaphore(%run_scoped3A : memref<!tpu.dma_semaphore, #tpu.memory_space<semaphore_mem>>) src(%arg8 : memref<26x128xf32, #tpu.memory_space<vmem>>) dst(%dma_wait3A_83 : memref<26x128xf32, #tpu.memory_space<hbm>>)
      tpu.yield
    }) : () -> ()
    return
  }
}

module attributes {stable_mosaic.version = 14 : i64} {
  func.func @body(%arg0: i32, %arg1: memref<1000x512xf32, #tpu.memory_space<vmem>>, %arg2: memref<1000x64xf32, #tpu.memory_space<vmem>>, %arg3: memref<1000x128xf32, #tpu.memory_space<vmem>>, %arg4: memref<1000x128xf32, #tpu.memory_space<vmem>>, %arg5: memref<512x128xf32, #tpu.memory_space<vmem>>, %arg6: memref<64x128xf32, #tpu.memory_space<vmem>>, %arg7: memref<1x1x128xf32, #tpu.memory_space<vmem>>, %arg8: memref<1x128x128xf32, #tpu.memory_space<vmem>>, %arg9: memref<1x128x128xf32, #tpu.memory_space<vmem>>, %arg10: memref<1000x128xbf16, #tpu.memory_space<vmem>>, %arg11: memref<1000x128xf32, #tpu.memory_space<vmem>>) attributes {dimension_semantics = [#tpu.dimension_semantics<arbitrary>], iteration_bounds = array<i64: 20>, scalar_prefetch = 0 : i64, scratch_operands = 0 : i64, tpu.core_type = #tpu.core_type<tc>, window_params = [{transform_indices = @transform_0, window_bounds = array<i64: 1000, 512>}, {transform_indices = @transform_1, window_bounds = array<i64: 1000, 64>}, {transform_indices = @transform_2, window_bounds = array<i64: 1000, 128>}, {transform_indices = @transform_3, window_bounds = array<i64: 1000, 128>}, {pipeline_mode = #tpu.pipeline_mode<synchronous>, transform_indices = @transform_4, window_bounds = array<i64: 512, 128>}, {pipeline_mode = #tpu.pipeline_mode<synchronous>, transform_indices = @transform_5, window_bounds = array<i64: 64, 128>}, {transform_indices = @transform_6, window_bounds = array<i64: 1, 1, 128>}, {transform_indices = @transform_7, window_bounds = array<i64: 1, 128, 128>}, {transform_indices = @transform_8, window_bounds = array<i64: 1, 128, 128>}, {transform_indices = @transform_9, window_bounds = array<i64: 1000, 128>}, {transform_indices = @transform_10, window_bounds = array<i64: 1000, 128>}]} {
    %lt3A = arith.constant 10 : i32
    %lt3A_0 = arith.cmpi slt, %arg0, %lt3A : i32
    %convert_element_type3A = arith.extui %lt3A_0 : i1 to i32
    %cond3A = arith.constant 0 : i32
    %cond3A_1 = arith.cmpi ne, %convert_element_type3A, %cond3A : i32
    scf.if %cond3A_1 {
      %get3A = arith.constant 0 : index
      %get3A_6 = arith.constant 0 : index
      %get3A_7 = vector.load %arg1[%get3A, %get3A_6] : memref<1000x512xf32, #tpu.memory_space<vmem>>, vector<1000x512xf32>
      %get3A_8 = arith.constant 0 : index
      %get3A_9 = arith.constant 0 : index
      %get3A_10 = vector.load %arg5[%get3A_8, %get3A_9] : memref<512x128xf32, #tpu.memory_space<vmem>>, vector<512x128xf32>
      %dot_general3A = arith.constant dense<0.000000e+00> : vector<1000x128xf32>
      %dot_general3A_11 = tpu.matmul %get3A_7, %get3A_10, %dot_general3A {dimension_numbers = #tpu.dot_dimension_numbers<[1], [0], [0], [1], [0, 0, 1, 1], [], []>, transpose_lhs_hint = false} : vector<1000x512xf32>, vector<512x128xf32>, vector<1000x128xf32> -> vector<1000x128xf32>
      %get3A_12 = arith.constant 0 : index
      %get3A_13 = arith.constant 0 : index
      %get3A_14 = arith.constant 0 : index
      %get3A_15 = vector.load %arg7[%get3A_12, %get3A_13, %get3A_14] : memref<1x1x128xf32, #tpu.memory_space<vmem>>, vector<1x1x128xf32>
      %get3A_16 = vector.shape_cast %get3A_15 : vector<1x1x128xf32> to vector<1x128xf32>
      %add3A = vector.broadcast %get3A_16 : vector<1x128xf32> to vector<1000x128xf32>
      %add3A_17 = arith.addf %dot_general3A_11, %add3A : vector<1000x128xf32>
      %get3A_18 = arith.constant 0 : index
      %get3A_19 = arith.constant 0 : index
      %get3A_20 = vector.load %arg3[%get3A_18, %get3A_19] : memref<1000x128xf32, #tpu.memory_space<vmem>>, vector<1000x128xf32>
      %add3A_21 = arith.addf %add3A_17, %get3A_20 : vector<1000x128xf32>
      %get3A_22 = arith.constant 0 : index
      %get3A_23 = arith.constant 0 : index
      %get3A_24 = arith.constant 0 : index
      %get3A_25 = vector.load %arg8[%get3A_22, %get3A_23, %get3A_24] : memref<1x128x128xf32, #tpu.memory_space<vmem>>, vector<1x128x128xf32>
      %get3A_26 = vector.shape_cast %get3A_25 : vector<1x128x128xf32> to vector<128x128xf32>
      %dot_general3A_27 = arith.constant dense<0.000000e+00> : vector<1000x128xf32>
      %dot_general3A_28 = tpu.matmul %add3A_21, %get3A_26, %dot_general3A_27 {dimension_numbers = #tpu.dot_dimension_numbers<[1], [0], [0], [1], [0, 0, 1, 1], [], []>, transpose_lhs_hint = false} : vector<1000x128xf32>, vector<128x128xf32>, vector<1000x128xf32> -> vector<1000x128xf32>
      %convert_element_type3A_29 = arith.truncf %dot_general3A_28 : vector<1000x128xf32> to vector<1000x128xbf16>
      %swap3A = arith.constant 0 : index
      %swap3A_30 = arith.constant 0 : index
      %swap3A_31 = vector.load %arg10[%swap3A, %swap3A_30] : memref<1000x128xbf16, #tpu.memory_space<vmem>>, vector<1000x128xbf16>
      tpu.vector_store %arg10[%swap3A, %swap3A_30], %convert_element_type3A_29 {strides = array<i32>} : memref<1000x128xbf16, #tpu.memory_space<vmem>>, vector<1000x128xbf16>,
      %get3A_32 = arith.constant 0 : index
      %get3A_33 = arith.constant 0 : index
      %get3A_34 = arith.constant 0 : index
      %get3A_35 = vector.load %arg9[%get3A_32, %get3A_33, %get3A_34] : memref<1x128x128xf32, #tpu.memory_space<vmem>>, vector<1x128x128xf32>
      %get3A_36 = vector.shape_cast %get3A_35 : vector<1x128x128xf32> to vector<128x128xf32>
      %dot_general3A_37 = arith.constant dense<0.000000e+00> : vector<1000x128xf32>
      %dot_general3A_38 = tpu.matmul %add3A_21, %get3A_36, %dot_general3A_37 {dimension_numbers = #tpu.dot_dimension_numbers<[1], [0], [0], [1], [0, 0, 1, 1], [], []>, transpose_lhs_hint = false} : vector<1000x128xf32>, vector<128x128xf32>, vector<1000x128xf32> -> vector<1000x128xf32>
      %swap3A_39 = arith.constant 0 : index
      %swap3A_40 = arith.constant 0 : index
      %swap3A_41 = vector.load %arg11[%swap3A_39, %swap3A_40] : memref<1000x128xf32, #tpu.memory_space<vmem>>, vector<1000x128xf32>
      tpu.vector_store %arg11[%swap3A_39, %swap3A_40], %dot_general3A_38 {strides = array<i32>} : memref<1000x128xf32, #tpu.memory_space<vmem>>, vector<1000x128xf32>,
    } else {
    }
    %ge3A = arith.constant 10 : i32
    %ge3A_2 = arith.cmpi sge, %arg0, %ge3A : i32
    %convert_element_type3A_3 = arith.extui %ge3A_2 : i1 to i32
    %cond3A_4 = arith.constant 0 : i32
    %cond3A_5 = arith.cmpi ne, %convert_element_type3A_3, %cond3A_4 : i32
    scf.if %cond3A_5 {
      %get3A = arith.constant 0 : index
      %get3A_6 = arith.constant 0 : index
      %get3A_7 = vector.load %arg2[%get3A, %get3A_6] : memref<1000x64xf32, #tpu.memory_space<vmem>>, vector<1000x64xf32>
      %get3A_8 = arith.constant 0 : index
      %get3A_9 = arith.constant 0 : index
      %get3A_10 = vector.load %arg6[%get3A_8, %get3A_9] : memref<64x128xf32, #tpu.memory_space<vmem>>, vector<64x128xf32>
      %dot_general3A = arith.constant dense<0.000000e+00> : vector<1000x128xf32>
      %dot_general3A_11 = tpu.matmul %get3A_7, %get3A_10, %dot_general3A {dimension_numbers = #tpu.dot_dimension_numbers<[1], [0], [0], [1], [0, 0, 1, 1], [], []>, transpose_lhs_hint = false} : vector<1000x64xf32>, vector<64x128xf32>, vector<1000x128xf32> -> vector<1000x128xf32>
      %get3A_12 = arith.constant 0 : index
      %get3A_13 = arith.constant 0 : index
      %get3A_14 = arith.constant 0 : index
      %get3A_15 = vector.load %arg7[%get3A_12, %get3A_13, %get3A_14] : memref<1x1x128xf32, #tpu.memory_space<vmem>>, vector<1x1x128xf32>
      %get3A_16 = vector.shape_cast %get3A_15 : vector<1x1x128xf32> to vector<1x128xf32>
      %add3A = vector.broadcast %get3A_16 : vector<1x128xf32> to vector<1000x128xf32>
      %add3A_17 = arith.addf %dot_general3A_11, %add3A : vector<1000x128xf32>
      %get3A_18 = arith.constant 0 : index
      %get3A_19 = arith.constant 0 : index
      %get3A_20 = vector.load %arg4[%get3A_18, %get3A_19] : memref<1000x128xf32, #tpu.memory_space<vmem>>, vector<1000x128xf32>
      %add3A_21 = arith.addf %add3A_17, %get3A_20 : vector<1000x128xf32>
      %get3A_22 = arith.constant 0 : index
      %get3A_23 = arith.constant 0 : index
      %get3A_24 = arith.constant 0 : index
      %get3A_25 = vector.load %arg8[%get3A_22, %get3A_23, %get3A_24] : memref<1x128x128xf32, #tpu.memory_space<vmem>>, vector<1x128x128xf32>
      %get3A_26 = vector.shape_cast %get3A_25 : vector<1x128x128xf32> to vector<128x128xf32>
      %dot_general3A_27 = arith.constant dense<0.000000e+00> : vector<1000x128xf32>
      %dot_general3A_28 = tpu.matmul %add3A_21, %get3A_26, %dot_general3A_27 {dimension_numbers = #tpu.dot_dimension_numbers<[1], [0], [0], [1], [0, 0, 1, 1], [], []>, transpose_lhs_hint = false} : vector<1000x128xf32>, vector<128x128xf32>, vector<1000x128xf32> -> vector<1000x128xf32>
      %convert_element_type3A_29 = arith.truncf %dot_general3A_28 : vector<1000x128xf32> to vector<1000x128xbf16>
      %swap3A = arith.constant 0 : index
      %swap3A_30 = arith.constant 0 : index
      %swap3A_31 = vector.load %arg10[%swap3A, %swap3A_30] : memref<1000x128xbf16, #tpu.memory_space<vmem>>, vector<1000x128xbf16>
      tpu.vector_store %arg10[%swap3A, %swap3A_30], %convert_element_type3A_29 {strides = array<i32>} : memref<1000x128xbf16, #tpu.memory_space<vmem>>, vector<1000x128xbf16>,
      %get3A_32 = arith.constant 0 : index
      %get3A_33 = arith.constant 0 : index
      %get3A_34 = arith.constant 0 : index
      %get3A_35 = vector.load %arg9[%get3A_32, %get3A_33, %get3A_34] : memref<1x128x128xf32, #tpu.memory_space<vmem>>, vector<1x128x128xf32>
      %get3A_36 = vector.shape_cast %get3A_35 : vector<1x128x128xf32> to vector<128x128xf32>
      %dot_general3A_37 = arith.constant dense<0.000000e+00> : vector<1000x128xf32>
      %dot_general3A_38 = tpu.matmul %add3A_21, %get3A_36, %dot_general3A_37 {dimension_numbers = #tpu.dot_dimension_numbers<[1], [0], [0], [1], [0, 0, 1, 1], [], []>, transpose_lhs_hint = false} : vector<1000x128xf32>, vector<128x128xf32>, vector<1000x128xf32> -> vector<1000x128xf32>
      %swap3A_39 = arith.constant 0 : index
      %swap3A_40 = arith.constant 0 : index
      %swap3A_41 = vector.load %arg11[%swap3A_39, %swap3A_40] : memref<1000x128xf32, #tpu.memory_space<vmem>>, vector<1000x128xf32>
      tpu.vector_store %arg11[%swap3A_39, %swap3A_40], %dot_general3A_38 {strides = array<i32>} : memref<1000x128xf32, #tpu.memory_space<vmem>>, vector<1000x128xf32>,
    } else {
    }
    return
  }
  func.func @transform_0(%arg0: i32) -> (i32, i32) {
    %min3A = arith.constant 9 : i32
    %min3A_0 = arith.minsi %arg0, %min3A : i32
    %c0_i32 = arith.constant 0 : i32
    %c0_i32_1 = arith.constant 0 : i32
    return %min3A_0, %c0_i32 : i32, i32
  }
  func.func @transform_1(%arg0: i32) -> (i32, i32) {
    %max3A = arith.constant 10 : i32
    %max3A_0 = arith.maxsi %arg0, %max3A : i32
    %sub3A = arith.constant 10 : i32
    %sub3A_1 = arith.subi %max3A_0, %sub3A : i32
    %c0_i32 = arith.constant 0 : i32
    %c0_i32_2 = arith.constant 0 : i32
    return %sub3A_1, %c0_i32 : i32, i32
  }
  func.func @transform_2(%arg0: i32) -> (i32, i32) {
    %min3A = arith.constant 9 : i32
    %min3A_0 = arith.minsi %arg0, %min3A : i32
    %c0_i32 = arith.constant 0 : i32
    %c0_i32_1 = arith.constant 0 : i32
    return %min3A_0, %c0_i32 : i32, i32
  }
  func.func @transform_3(%arg0: i32) -> (i32, i32) {
    %max3A = arith.constant 10 : i32
    %max3A_0 = arith.maxsi %arg0, %max3A : i32
    %sub3A = arith.constant 10 : i32
    %sub3A_1 = arith.subi %max3A_0, %sub3A : i32
    %c0_i32 = arith.constant 0 : i32
    %c0_i32_2 = arith.constant 0 : i32
    return %sub3A_1, %c0_i32 : i32, i32
  }
  func.func @transform_4(%arg0: i32) -> (i32, i32) {
    %c0_i32 = arith.constant 0 : i32
    %c0_i32_0 = arith.constant 0 : i32
    %c0_i32_1 = arith.constant 0 : i32
    return %c0_i32, %c0_i32_0 : i32, i32
  }
  func.func @transform_5(%arg0: i32) -> (i32, i32) {
    %c0_i32 = arith.constant 0 : i32
    %c0_i32_0 = arith.constant 0 : i32
    %c0_i32_1 = arith.constant 0 : i32
    return %c0_i32, %c0_i32_0 : i32, i32
  }
  func.func @transform_6(%arg0: i32) -> (i32, i32, i32) {
    %jit3A = arith.constant 10 : i32
    %div3A = arith.divsi %arg0, %jit3A : i32
    %sign3A = arith.constant 0 : i32
    %sign3A_0 = arith.cmpi sgt, %arg0, %sign3A : i32
    %sign3A_1 = arith.extui %sign3A_0 : i1 to i32
    %sign3A_2 = arith.constant 0 : i32
    %sign3A_3 = arith.cmpi slt, %arg0, %sign3A_2 : i32
    %sign3A_4 = arith.extui %sign3A_3 : i1 to i32
    %sign3A_5 = arith.subi %sign3A_1, %sign3A_4 : i32
    %sign3A_6 = arith.constant 0 : i32
    %sign3A_7 = arith.cmpi sgt, %jit3A, %sign3A_6 : i32
    %sign3A_8 = arith.extui %sign3A_7 : i1 to i32
    %sign3A_9 = arith.constant 0 : i32
    %sign3A_10 = arith.cmpi slt, %jit3A, %sign3A_9 : i32
    %sign3A_11 = arith.extui %sign3A_10 : i1 to i32
    %sign3A_12 = arith.subi %sign3A_8, %sign3A_11 : i32
    %ne3A = arith.cmpi ne, %sign3A_5, %sign3A_12 : i32
    %rem3A = arith.remsi %arg0, %jit3A : i32
    %ne3A_13 = arith.constant 0 : i32
    %ne3A_14 = arith.cmpi ne, %rem3A, %ne3A_13 : i32
    %and3A = arith.andi %ne3A, %ne3A_14 : i1
    %sub3A = arith.constant 1 : i32
    %sub3A_15 = arith.subi %div3A, %sub3A : i32
    %select_n3A = arith.select %and3A, %sub3A_15, %div3A : i32
    %c0_i32 = arith.constant 0 : i32
    %c0_i32_16 = arith.constant 0 : i32
    %c0_i32_17 = arith.constant 0 : i32
    return %select_n3A, %c0_i32, %c0_i32_16 : i32, i32, i32
  }
  func.func @transform_7(%arg0: i32) -> (i32, i32, i32) {
    %jit3A = arith.constant 10 : i32
    %div3A = arith.divsi %arg0, %jit3A : i32
    %sign3A = arith.constant 0 : i32
    %sign3A_0 = arith.cmpi sgt, %arg0, %sign3A : i32
    %sign3A_1 = arith.extui %sign3A_0 : i1 to i32
    %sign3A_2 = arith.constant 0 : i32
    %sign3A_3 = arith.cmpi slt, %arg0, %sign3A_2 : i32
    %sign3A_4 = arith.extui %sign3A_3 : i1 to i32
    %sign3A_5 = arith.subi %sign3A_1, %sign3A_4 : i32
    %sign3A_6 = arith.constant 0 : i32
    %sign3A_7 = arith.cmpi sgt, %jit3A, %sign3A_6 : i32
    %sign3A_8 = arith.extui %sign3A_7 : i1 to i32
    %sign3A_9 = arith.constant 0 : i32
    %sign3A_10 = arith.cmpi slt, %jit3A, %sign3A_9 : i32
    %sign3A_11 = arith.extui %sign3A_10 : i1 to i32
    %sign3A_12 = arith.subi %sign3A_8, %sign3A_11 : i32
    %ne3A = arith.cmpi ne, %sign3A_5, %sign3A_12 : i32
    %rem3A = arith.remsi %arg0, %jit3A : i32
    %ne3A_13 = arith.constant 0 : i32
    %ne3A_14 = arith.cmpi ne, %rem3A, %ne3A_13 : i32
    %and3A = arith.andi %ne3A, %ne3A_14 : i1
    %sub3A = arith.constant 1 : i32
    %sub3A_15 = arith.subi %div3A, %sub3A : i32
    %select_n3A = arith.select %and3A, %sub3A_15, %div3A : i32
    %c0_i32 = arith.constant 0 : i32
    %c0_i32_16 = arith.constant 0 : i32
    %c0_i32_17 = arith.constant 0 : i32
    return %select_n3A, %c0_i32, %c0_i32_16 : i32, i32, i32
  }
  func.func @transform_8(%arg0: i32) -> (i32, i32, i32) {
    %jit3A = arith.constant 10 : i32
    %div3A = arith.divsi %arg0, %jit3A : i32
    %sign3A = arith.constant 0 : i32
    %sign3A_0 = arith.cmpi sgt, %arg0, %sign3A : i32
    %sign3A_1 = arith.extui %sign3A_0 : i1 to i32
    %sign3A_2 = arith.constant 0 : i32
    %sign3A_3 = arith.cmpi slt, %arg0, %sign3A_2 : i32
    %sign3A_4 = arith.extui %sign3A_3 : i1 to i32
    %sign3A_5 = arith.subi %sign3A_1, %sign3A_4 : i32
    %sign3A_6 = arith.constant 0 : i32
    %sign3A_7 = arith.cmpi sgt, %jit3A, %sign3A_6 : i32
    %sign3A_8 = arith.extui %sign3A_7 : i1 to i32
    %sign3A_9 = arith.constant 0 : i32
    %sign3A_10 = arith.cmpi slt, %jit3A, %sign3A_9 : i32
    %sign3A_11 = arith.extui %sign3A_10 : i1 to i32
    %sign3A_12 = arith.subi %sign3A_8, %sign3A_11 : i32
    %ne3A = arith.cmpi ne, %sign3A_5, %sign3A_12 : i32
    %rem3A = arith.remsi %arg0, %jit3A : i32
    %ne3A_13 = arith.constant 0 : i32
    %ne3A_14 = arith.cmpi ne, %rem3A, %ne3A_13 : i32
    %and3A = arith.andi %ne3A, %ne3A_14 : i1
    %sub3A = arith.constant 1 : i32
    %sub3A_15 = arith.subi %div3A, %sub3A : i32
    %select_n3A = arith.select %and3A, %sub3A_15, %div3A : i32
    %c0_i32 = arith.constant 0 : i32
    %c0_i32_16 = arith.constant 0 : i32
    %c0_i32_17 = arith.constant 0 : i32
    return %select_n3A, %c0_i32, %c0_i32_16 : i32, i32, i32
  }
  func.func @transform_9(%arg0: i32) -> (i32, i32) {
    %c0_i32 = arith.constant 0 : i32
    %c0_i32_0 = arith.constant 0 : i32
    return %arg0, %c0_i32 : i32, i32
  }
  func.func @transform_10(%arg0: i32) -> (i32, i32) {
    %c0_i32 = arith.constant 0 : i32
    %c0_i32_0 = arith.constant 0 : i32
    return %arg0, %c0_i32 : i32, i32
  }
}

module attributes {stable_mosaic.version = 14 : i64} {
  func.func @body(%arg0: i32, %arg1: memref<1000x128xbf16, #tpu.memory_space<vmem>>, %arg2: memref<1000x16xf32, #tpu.memory_space<vmem>>, %arg3: memref<1000x128xf32, #tpu.memory_space<vmem>>, %arg4: memref<1x1x128xf32, #tpu.memory_space<vmem>>, %arg5: memref<1x128x128xf32, #tpu.memory_space<vmem>>, %arg6: memref<1x128x128xf32, #tpu.memory_space<vmem>>, %arg7: memref<1000x128xbf16, #tpu.memory_space<vmem>>, %arg8: memref<1000x128xf32, #tpu.memory_space<vmem>>) attributes {dimension_semantics = [#tpu.dimension_semantics<arbitrary>], iteration_bounds = array<i64: 20>, scalar_prefetch = 0 : i64, scratch_operands = 0 : i64, tpu.core_type = #tpu.core_type<tc>, window_params = [{transform_indices = @transform_0, window_bounds = array<i64: 1000, 128>}, {transform_indices = @transform_1, window_bounds = array<i64: 1000, 16>}, {transform_indices = @transform_2, window_bounds = array<i64: 1000, 128>}, {transform_indices = @transform_3, window_bounds = array<i64: 1, 1, 128>}, {transform_indices = @transform_4, window_bounds = array<i64: 1, 128, 128>}, {transform_indices = @transform_5, window_bounds = array<i64: 1, 128, 128>}, {transform_indices = @transform_6, window_bounds = array<i64: 1000, 128>}, {transform_indices = @transform_7, window_bounds = array<i64: 1000, 128>}]} {
    %get3A = arith.constant 0 : index
    %get3A_0 = arith.constant 0 : index
    %get3A_1 = vector.load %arg2[%get3A, %get3A_0] : memref<1000x16xf32, #tpu.memory_space<vmem>>, vector<1000x16xf32>
    %slice3A = vector.extract_strided_slice %get3A_1 {offsets = [0, 0], sizes = [1000, 1], strides = [1, 1]} : vector<1000x16xf32> to vector<1000x1xf32>
    %max3A = arith.constant 1.000000e+00 : f32
    %max3A_2 = vector.broadcast %max3A : f32 to vector<1000x1xf32>
    %max3A_3 = arith.maximumf %slice3A, %max3A_2 : vector<1000x1xf32>
    %div3A = arith.constant 1.000000e+00 : f32
    %div3A_4 = vector.broadcast %div3A : f32 to vector<1000x1xf32>
    %div3A_5 = arith.divf %div3A_4, %max3A_3 : vector<1000x1xf32>
    %get3A_6 = arith.constant 0 : index
    %get3A_7 = arith.constant 0 : index
    %get3A_8 = vector.load %arg1[%get3A_6, %get3A_7] : memref<1000x128xbf16, #tpu.memory_space<vmem>>, vector<1000x128xbf16>
    %convert_element_type3A = arith.extf %get3A_8 : vector<1000x128xbf16> to vector<1000x128xf32>
    %mul3A = vector.broadcast %div3A_5 : vector<1000x1xf32> to vector<1000x128xf32>
    %mul3A_9 = arith.mulf %convert_element_type3A, %mul3A : vector<1000x128xf32>
    %get3A_10 = arith.constant 0 : index
    %get3A_11 = arith.constant 0 : index
    %get3A_12 = arith.constant 0 : index
    %get3A_13 = vector.load %arg4[%get3A_10, %get3A_11, %get3A_12] : memref<1x1x128xf32, #tpu.memory_space<vmem>>, vector<1x1x128xf32>
    %get3A_14 = vector.shape_cast %get3A_13 : vector<1x1x128xf32> to vector<1x128xf32>
    %add3A = vector.broadcast %get3A_14 : vector<1x128xf32> to vector<1000x128xf32>
    %add3A_15 = arith.addf %mul3A_9, %add3A : vector<1000x128xf32>
    %get3A_16 = arith.constant 0 : index
    %get3A_17 = arith.constant 0 : index
    %get3A_18 = vector.load %arg3[%get3A_16, %get3A_17] : memref<1000x128xf32, #tpu.memory_space<vmem>>, vector<1000x128xf32>
    %add3A_19 = arith.addf %add3A_15, %get3A_18 : vector<1000x128xf32>
    %max3A_20 = arith.constant 0.000000e+00 : f32
    %max3A_21 = vector.broadcast %max3A_20 : f32 to vector<1000x128xf32>
    %max3A_22 = arith.maximumf %add3A_19, %max3A_21 : vector<1000x128xf32>
    %get3A_23 = arith.constant 0 : index
    %get3A_24 = arith.constant 0 : index
    %get3A_25 = arith.constant 0 : index
    %get3A_26 = vector.load %arg5[%get3A_23, %get3A_24, %get3A_25] : memref<1x128x128xf32, #tpu.memory_space<vmem>>, vector<1x128x128xf32>
    %get3A_27 = vector.shape_cast %get3A_26 : vector<1x128x128xf32> to vector<128x128xf32>
    %dot_general3A = arith.constant dense<0.000000e+00> : vector<1000x128xf32>
    %dot_general3A_28 = tpu.matmul %max3A_22, %get3A_27, %dot_general3A {dimension_numbers = #tpu.dot_dimension_numbers<[1], [0], [0], [1], [0, 0, 1, 1], [], []>, transpose_lhs_hint = false} : vector<1000x128xf32>, vector<128x128xf32>, vector<1000x128xf32> -> vector<1000x128xf32>
    %convert_element_type3A_29 = arith.truncf %dot_general3A_28 : vector<1000x128xf32> to vector<1000x128xbf16>
    %swap3A = arith.constant 0 : index
    %swap3A_30 = arith.constant 0 : index
    %swap3A_31 = vector.load %arg7[%swap3A, %swap3A_30] : memref<1000x128xbf16, #tpu.memory_space<vmem>>, vector<1000x128xbf16>
    tpu.vector_store %arg7[%swap3A, %swap3A_30], %convert_element_type3A_29 {strides = array<i32>} : memref<1000x128xbf16, #tpu.memory_space<vmem>>, vector<1000x128xbf16>,
    %get3A_32 = arith.constant 0 : index
    %get3A_33 = arith.constant 0 : index
    %get3A_34 = arith.constant 0 : index
    %get3A_35 = vector.load %arg6[%get3A_32, %get3A_33, %get3A_34] : memref<1x128x128xf32, #tpu.memory_space<vmem>>, vector<1x128x128xf32>
    %get3A_36 = vector.shape_cast %get3A_35 : vector<1x128x128xf32> to vector<128x128xf32>
    %dot_general3A_37 = arith.constant dense<0.000000e+00> : vector<1000x128xf32>
    %dot_general3A_38 = tpu.matmul %max3A_22, %get3A_36, %dot_general3A_37 {dimension_numbers = #tpu.dot_dimension_numbers<[1], [0], [0], [1], [0, 0, 1, 1], [], []>, transpose_lhs_hint = false} : vector<1000x128xf32>, vector<128x128xf32>, vector<1000x128xf32> -> vector<1000x128xf32>
    %swap3A_39 = arith.constant 0 : index
    %swap3A_40 = arith.constant 0 : index
    %swap3A_41 = vector.load %arg8[%swap3A_39, %swap3A_40] : memref<1000x128xf32, #tpu.memory_space<vmem>>, vector<1000x128xf32>
    tpu.vector_store %arg8[%swap3A_39, %swap3A_40], %dot_general3A_38 {strides = array<i32>} : memref<1000x128xf32, #tpu.memory_space<vmem>>, vector<1000x128xf32>,
    return
  }
  func.func @transform_0(%arg0: i32) -> (i32, i32) {
    %lt3A = arith.constant 10 : i32
    %lt3A_0 = arith.cmpi slt, %arg0, %lt3A : i32
    %add3A = arith.constant 10 : i32
    %add3A_1 = arith.addi %arg0, %add3A : i32
    %sub3A = arith.constant 10 : i32
    %sub3A_2 = arith.subi %arg0, %sub3A : i32
    %select_n3A = arith.select %lt3A_0, %add3A_1, %sub3A_2 : i32
    %c0_i32 = arith.constant 0 : i32
    %c0_i32_3 = arith.constant 0 : i32
    return %select_n3A, %c0_i32 : i32, i32
  }
  func.func @transform_1(%arg0: i32) -> (i32, i32) {
    %lt3A = arith.constant 10 : i32
    %lt3A_0 = arith.cmpi slt, %arg0, %lt3A : i32
    %add3A = arith.constant 10 : i32
    %add3A_1 = arith.addi %arg0, %add3A : i32
    %sub3A = arith.constant 10 : i32
    %sub3A_2 = arith.subi %arg0, %sub3A : i32
    %select_n3A = arith.select %lt3A_0, %add3A_1, %sub3A_2 : i32
    %c0_i32 = arith.constant 0 : i32
    %c0_i32_3 = arith.constant 0 : i32
    return %select_n3A, %c0_i32 : i32, i32
  }
  func.func @transform_2(%arg0: i32) -> (i32, i32) {
    %c0_i32 = arith.constant 0 : i32
    %c0_i32_0 = arith.constant 0 : i32
    return %arg0, %c0_i32 : i32, i32
  }
  func.func @transform_3(%arg0: i32) -> (i32, i32, i32) {
    %jit3A = arith.constant 10 : i32
    %div3A = arith.divsi %arg0, %jit3A : i32
    %sign3A = arith.constant 0 : i32
    %sign3A_0 = arith.cmpi sgt, %arg0, %sign3A : i32
    %sign3A_1 = arith.extui %sign3A_0 : i1 to i32
    %sign3A_2 = arith.constant 0 : i32
    %sign3A_3 = arith.cmpi slt, %arg0, %sign3A_2 : i32
    %sign3A_4 = arith.extui %sign3A_3 : i1 to i32
    %sign3A_5 = arith.subi %sign3A_1, %sign3A_4 : i32
    %sign3A_6 = arith.constant 0 : i32
    %sign3A_7 = arith.cmpi sgt, %jit3A, %sign3A_6 : i32
    %sign3A_8 = arith.extui %sign3A_7 : i1 to i32
    %sign3A_9 = arith.constant 0 : i32
    %sign3A_10 = arith.cmpi slt, %jit3A, %sign3A_9 : i32
    %sign3A_11 = arith.extui %sign3A_10 : i1 to i32
    %sign3A_12 = arith.subi %sign3A_8, %sign3A_11 : i32
    %ne3A = arith.cmpi ne, %sign3A_5, %sign3A_12 : i32
    %rem3A = arith.remsi %arg0, %jit3A : i32
    %ne3A_13 = arith.constant 0 : i32
    %ne3A_14 = arith.cmpi ne, %rem3A, %ne3A_13 : i32
    %and3A = arith.andi %ne3A, %ne3A_14 : i1
    %sub3A = arith.constant 1 : i32
    %sub3A_15 = arith.subi %div3A, %sub3A : i32
    %select_n3A = arith.select %and3A, %sub3A_15, %div3A : i32
    %c0_i32 = arith.constant 0 : i32
    %c0_i32_16 = arith.constant 0 : i32
    %c0_i32_17 = arith.constant 0 : i32
    return %select_n3A, %c0_i32, %c0_i32_16 : i32, i32, i32
  }
  func.func @transform_4(%arg0: i32) -> (i32, i32, i32) {
    %jit3A = arith.constant 10 : i32
    %div3A = arith.divsi %arg0, %jit3A : i32
    %sign3A = arith.constant 0 : i32
    %sign3A_0 = arith.cmpi sgt, %arg0, %sign3A : i32
    %sign3A_1 = arith.extui %sign3A_0 : i1 to i32
    %sign3A_2 = arith.constant 0 : i32
    %sign3A_3 = arith.cmpi slt, %arg0, %sign3A_2 : i32
    %sign3A_4 = arith.extui %sign3A_3 : i1 to i32
    %sign3A_5 = arith.subi %sign3A_1, %sign3A_4 : i32
    %sign3A_6 = arith.constant 0 : i32
    %sign3A_7 = arith.cmpi sgt, %jit3A, %sign3A_6 : i32
    %sign3A_8 = arith.extui %sign3A_7 : i1 to i32
    %sign3A_9 = arith.constant 0 : i32
    %sign3A_10 = arith.cmpi slt, %jit3A, %sign3A_9 : i32
    %sign3A_11 = arith.extui %sign3A_10 : i1 to i32
    %sign3A_12 = arith.subi %sign3A_8, %sign3A_11 : i32
    %ne3A = arith.cmpi ne, %sign3A_5, %sign3A_12 : i32
    %rem3A = arith.remsi %arg0, %jit3A : i32
    %ne3A_13 = arith.constant 0 : i32
    %ne3A_14 = arith.cmpi ne, %rem3A, %ne3A_13 : i32
    %and3A = arith.andi %ne3A, %ne3A_14 : i1
    %sub3A = arith.constant 1 : i32
    %sub3A_15 = arith.subi %div3A, %sub3A : i32
    %select_n3A = arith.select %and3A, %sub3A_15, %div3A : i32
    %c0_i32 = arith.constant 0 : i32
    %c0_i32_16 = arith.constant 0 : i32
    %c0_i32_17 = arith.constant 0 : i32
    return %select_n3A, %c0_i32, %c0_i32_16 : i32, i32, i32
  }
  func.func @transform_5(%arg0: i32) -> (i32, i32, i32) {
    %jit3A = arith.constant 10 : i32
    %div3A = arith.divsi %arg0, %jit3A : i32
    %sign3A = arith.constant 0 : i32
    %sign3A_0 = arith.cmpi sgt, %arg0, %sign3A : i32
    %sign3A_1 = arith.extui %sign3A_0 : i1 to i32
    %sign3A_2 = arith.constant 0 : i32
    %sign3A_3 = arith.cmpi slt, %arg0, %sign3A_2 : i32
    %sign3A_4 = arith.extui %sign3A_3 : i1 to i32
    %sign3A_5 = arith.subi %sign3A_1, %sign3A_4 : i32
    %sign3A_6 = arith.constant 0 : i32
    %sign3A_7 = arith.cmpi sgt, %jit3A, %sign3A_6 : i32
    %sign3A_8 = arith.extui %sign3A_7 : i1 to i32
    %sign3A_9 = arith.constant 0 : i32
    %sign3A_10 = arith.cmpi slt, %jit3A, %sign3A_9 : i32
    %sign3A_11 = arith.extui %sign3A_10 : i1 to i32
    %sign3A_12 = arith.subi %sign3A_8, %sign3A_11 : i32
    %ne3A = arith.cmpi ne, %sign3A_5, %sign3A_12 : i32
    %rem3A = arith.remsi %arg0, %jit3A : i32
    %ne3A_13 = arith.constant 0 : i32
    %ne3A_14 = arith.cmpi ne, %rem3A, %ne3A_13 : i32
    %and3A = arith.andi %ne3A, %ne3A_14 : i1
    %sub3A = arith.constant 1 : i32
    %sub3A_15 = arith.subi %div3A, %sub3A : i32
    %select_n3A = arith.select %and3A, %sub3A_15, %div3A : i32
    %c0_i32 = arith.constant 0 : i32
    %c0_i32_16 = arith.constant 0 : i32
    %c0_i32_17 = arith.constant 0 : i32
    return %select_n3A, %c0_i32, %c0_i32_16 : i32, i32, i32
  }
  func.func @transform_6(%arg0: i32) -> (i32, i32) {
    %c0_i32 = arith.constant 0 : i32
    %c0_i32_0 = arith.constant 0 : i32
    return %arg0, %c0_i32 : i32, i32
  }
  func.func @transform_7(%arg0: i32) -> (i32, i32) {
    %c0_i32 = arith.constant 0 : i32
    %c0_i32_0 = arith.constant 0 : i32
    return %arg0, %c0_i32 : i32, i32
  }
}

module attributes {stable_mosaic.version = 14 : i64} {
  func.func @body(%arg0: i32, %arg1: memref<1000x128xbf16, #tpu.memory_space<vmem>>, %arg2: memref<1000x16xf32, #tpu.memory_space<vmem>>, %arg3: memref<1000x128xf32, #tpu.memory_space<vmem>>, %arg4: memref<1x1x128xf32, #tpu.memory_space<vmem>>, %arg5: memref<1000x128xf32, #tpu.memory_space<vmem>>) attributes {dimension_semantics = [#tpu.dimension_semantics<arbitrary>], iteration_bounds = array<i64: 20>, scalar_prefetch = 0 : i64, scratch_operands = 0 : i64, tpu.core_type = #tpu.core_type<tc>, window_params = [{transform_indices = @transform_0, window_bounds = array<i64: 1000, 128>}, {transform_indices = @transform_1, window_bounds = array<i64: 1000, 16>}, {transform_indices = @transform_2, window_bounds = array<i64: 1000, 128>}, {transform_indices = @transform_3, window_bounds = array<i64: 1, 1, 128>}, {transform_indices = @transform_4, window_bounds = array<i64: 1000, 128>}]} {
    %get3A = arith.constant 0 : index
    %get3A_0 = arith.constant 0 : index
    %get3A_1 = vector.load %arg2[%get3A, %get3A_0] : memref<1000x16xf32, #tpu.memory_space<vmem>>, vector<1000x16xf32>
    %slice3A = vector.extract_strided_slice %get3A_1 {offsets = [0, 0], sizes = [1000, 1], strides = [1, 1]} : vector<1000x16xf32> to vector<1000x1xf32>
    %max3A = arith.constant 1.000000e+00 : f32
    %max3A_2 = vector.broadcast %max3A : f32 to vector<1000x1xf32>
    %max3A_3 = arith.maximumf %slice3A, %max3A_2 : vector<1000x1xf32>
    %div3A = arith.constant 1.000000e+00 : f32
    %div3A_4 = vector.broadcast %div3A : f32 to vector<1000x1xf32>
    %div3A_5 = arith.divf %div3A_4, %max3A_3 : vector<1000x1xf32>
    %get3A_6 = arith.constant 0 : index
    %get3A_7 = arith.constant 0 : index
    %get3A_8 = vector.load %arg1[%get3A_6, %get3A_7] : memref<1000x128xbf16, #tpu.memory_space<vmem>>, vector<1000x128xbf16>
    %convert_element_type3A = arith.extf %get3A_8 : vector<1000x128xbf16> to vector<1000x128xf32>
    %mul3A = vector.broadcast %div3A_5 : vector<1000x1xf32> to vector<1000x128xf32>
    %mul3A_9 = arith.mulf %convert_element_type3A, %mul3A : vector<1000x128xf32>
    %get3A_10 = arith.constant 0 : index
    %get3A_11 = arith.constant 0 : index
    %get3A_12 = arith.constant 0 : index
    %get3A_13 = vector.load %arg4[%get3A_10, %get3A_11, %get3A_12] : memref<1x1x128xf32, #tpu.memory_space<vmem>>, vector<1x1x128xf32>
    %get3A_14 = vector.shape_cast %get3A_13 : vector<1x1x128xf32> to vector<1x128xf32>
    %add3A = vector.broadcast %get3A_14 : vector<1x128xf32> to vector<1000x128xf32>
    %add3A_15 = arith.addf %mul3A_9, %add3A : vector<1000x128xf32>
    %get3A_16 = arith.constant 0 : index
    %get3A_17 = arith.constant 0 : index
    %get3A_18 = vector.load %arg3[%get3A_16, %get3A_17] : memref<1000x128xf32, #tpu.memory_space<vmem>>, vector<1000x128xf32>
    %add3A_19 = arith.addf %add3A_15, %get3A_18 : vector<1000x128xf32>
    %swap3A = arith.constant 0 : index
    %swap3A_20 = arith.constant 0 : index
    %swap3A_21 = vector.load %arg5[%swap3A, %swap3A_20] : memref<1000x128xf32, #tpu.memory_space<vmem>>, vector<1000x128xf32>
    tpu.vector_store %arg5[%swap3A, %swap3A_20], %add3A_19 {strides = array<i32>} : memref<1000x128xf32, #tpu.memory_space<vmem>>, vector<1000x128xf32>,
    return
  }
  func.func @transform_0(%arg0: i32) -> (i32, i32) {
    %lt3A = arith.constant 10 : i32
    %lt3A_0 = arith.cmpi slt, %arg0, %lt3A : i32
    %add3A = arith.constant 10 : i32
    %add3A_1 = arith.addi %arg0, %add3A : i32
    %sub3A = arith.constant 10 : i32
    %sub3A_2 = arith.subi %arg0, %sub3A : i32
    %select_n3A = arith.select %lt3A_0, %add3A_1, %sub3A_2 : i32
    %c0_i32 = arith.constant 0 : i32
    %c0_i32_3 = arith.constant 0 : i32
    return %select_n3A, %c0_i32 : i32, i32
  }
  func.func @transform_1(%arg0: i32) -> (i32, i32) {
    %lt3A = arith.constant 10 : i32
    %lt3A_0 = arith.cmpi slt, %arg0, %lt3A : i32
    %add3A = arith.constant 10 : i32
    %add3A_1 = arith.addi %arg0, %add3A : i32
    %sub3A = arith.constant 10 : i32
    %sub3A_2 = arith.subi %arg0, %sub3A : i32
    %select_n3A = arith.select %lt3A_0, %add3A_1, %sub3A_2 : i32
    %c0_i32 = arith.constant 0 : i32
    %c0_i32_3 = arith.constant 0 : i32
    return %select_n3A, %c0_i32 : i32, i32
  }
  func.func @transform_2(%arg0: i32) -> (i32, i32) {
    %c0_i32 = arith.constant 0 : i32
    %c0_i32_0 = arith.constant 0 : i32
    return %arg0, %c0_i32 : i32, i32
  }
  func.func @transform_3(%arg0: i32) -> (i32, i32, i32) {
    %jit3A = arith.constant 10 : i32
    %div3A = arith.divsi %arg0, %jit3A : i32
    %sign3A = arith.constant 0 : i32
    %sign3A_0 = arith.cmpi sgt, %arg0, %sign3A : i32
    %sign3A_1 = arith.extui %sign3A_0 : i1 to i32
    %sign3A_2 = arith.constant 0 : i32
    %sign3A_3 = arith.cmpi slt, %arg0, %sign3A_2 : i32
    %sign3A_4 = arith.extui %sign3A_3 : i1 to i32
    %sign3A_5 = arith.subi %sign3A_1, %sign3A_4 : i32
    %sign3A_6 = arith.constant 0 : i32
    %sign3A_7 = arith.cmpi sgt, %jit3A, %sign3A_6 : i32
    %sign3A_8 = arith.extui %sign3A_7 : i1 to i32
    %sign3A_9 = arith.constant 0 : i32
    %sign3A_10 = arith.cmpi slt, %jit3A, %sign3A_9 : i32
    %sign3A_11 = arith.extui %sign3A_10 : i1 to i32
    %sign3A_12 = arith.subi %sign3A_8, %sign3A_11 : i32
    %ne3A = arith.cmpi ne, %sign3A_5, %sign3A_12 : i32
    %rem3A = arith.remsi %arg0, %jit3A : i32
    %ne3A_13 = arith.constant 0 : i32
    %ne3A_14 = arith.cmpi ne, %rem3A, %ne3A_13 : i32
    %and3A = arith.andi %ne3A, %ne3A_14 : i1
    %sub3A = arith.constant 1 : i32
    %sub3A_15 = arith.subi %div3A, %sub3A : i32
    %select_n3A = arith.select %and3A, %sub3A_15, %div3A : i32
    %c0_i32 = arith.constant 0 : i32
    %c0_i32_16 = arith.constant 0 : i32
    %c0_i32_17 = arith.constant 0 : i32
    return %select_n3A, %c0_i32, %c0_i32_16 : i32, i32, i32
  }
  func.func @transform_4(%arg0: i32) -> (i32, i32) {
    %c0_i32 = arith.constant 0 : i32
    %c0_i32_0 = arith.constant 0 : i32
    return %arg0, %c0_i32 : i32, i32
  }
}

</mosaic_0001>

<sc_bundles>
// kernel: kernel.11.cloned.1.call-start
scs
__scs_entry_jumppad:
0x0: {  	(pc) =	sbr.rel $0x88, $3  }
0x1: {  	(tag) =	ssettag $0x0;
	lr =	simm.s32 $0x1  }
0x2: {  	[smem:$0x3F8A] =	sst lr;
	_ =	strace $0xD0000000  }
0x3: {  	_ = 	snop  }
0x4: {  	_ = 	snop  }
0x5: {  	_ = 	snop  }
0x6: {  	_ = 	snop  }
0x7: {  	_ = 	snop  }
__scs_overlays_trampoline_lowered:
0x8: {  	[smem:$0x3F99] =	sst s0  }
0x9: {  	[smem:$0x3F9A] =	sst s1  }
0xa: {  	[smem:$0x3F9B] =	sst s2  }
0xb: {  	[smem:$0x3F9C] =	sst s3  }
0xc: {  	[smem:$0x3F9D] =	sst s4  }
0xd: {  	[smem:$0x3F9E] =	sst s5  }
0xe: {  	[smem:$0x3F9F] =	sst s6  }
0xf: {  	[smem:$0x3FA0] =	sst s7  }
0x10: {  	[smem:$0x3FA1] =	sst s8  }
0x11: {  	[smem:$0x3FA2] =	sst s9;
	s0 =	simm.s32 @!p0 $0x0  }
0x12: {  	s1 =	sld [smem:$0x3F88];
	s0 =	simm.s32 @p0 $0x1  }
0x13: {  	[smem:$0x3FA3] =	sst s0;
	s0 =	simm.s32 @!p1 $0x0  }
0x14: {  	s2 =	sld [smem:$0x3F87];
	s0 =	simm.s32 @p1 $0x1  }
0x15: {  	[smem:$0x3FA4] =	sst s0;
	s0 =	simm.s32 @!p2 $0x0  }
0x16: {  	s3 =	sld [smem:$0x3FDB];
	s0 =	simm.s32 @p2 $0x1  }
0x17: {  	s4 =	simm.s32 $0x1BF5;
	[smem:$0x3FA6] =	sst s0  }
0x18: {  	s0 =	sld [smem:$0x3F89];
	_ =	swait.ge [sflag:s4], $0x0  }
0x19: {  	s7 =	sld [smem:$0x3F8A]  }
0x1a: {  	s8 =	sadd.s32 $0xFFFFE003, lr  }
0x1b: {  	s9 =	sadd.s32 $0xFFFFFEF7, lr;
	s5 =	simm.s32 $0xFFFFFFFF;
	p2 =	slt.u32 s8, $0xFFFFF086  }
0x1c: {  	p1 =	slt.u32 s9, $0xF7A;
	s5 =	simm.s32 @!p2 $0x0  }
0x1d: {  	s5 =	simm.s32 @p1 $0x1;
	p0 =	seq.s32 s7, s2  }
0x1e: {  	s7 =	smul.u32 @!p0 $0xF7A, s2;
	p2 =	seq.s32 @!p0 s5, $0x0  }
0x1f: {  	s9 =	smul.u32 $0xF7A, s1;
	s8 =	simm.s32 @!p0 $0x1BF5;
	p2 =	por !p2, p0  }
0x20: {  	[sflag:s8] =	ssyncset.s32 @!p0 $0xFFFFF086;
	s6 =	sadd.s32 @!p0 s3, s7;
	s7 =	simm.s32 @!p0 $0x108  }
0x21: {  	s3 =	sadd.s32 s3, s9;
	s6 =	sadd.s32 @!p0 $0x88, s6;
	s7 =	simm.s32 @p2 $0x1082  }
0x22: {  	[simem:s7], [sflag:s8] =	dma.local @!p0 [hbm:s6], $0xF7A  }
0x23: {  	s9 =	sor.u32 $0xD0000000, s2;
	s6 =	simm.s32 $0x108;
	_ =	swait.ge @!p0 [sflag:s8], $0x0  }
0x24: {  	s3 =	sadd.s32 $0x88, s3;
	s6 =	simm.s32 @!p1 $0x1082;
	[sflag:s4] =	ssyncset.s32 $0xFFFFF086  }
0x25: {  	[simem:s6], [sflag:s4] =	dma.local [hbm:s3], $0xF7A  }
0x26: {  	[smem:$0x3F8A] =	sst s1;
	(tag) =	ssettag s2;
	_ =	strace s9  }
0x27: {  	s1 =	sld [smem:$0x3F9A]  }
0x28: {  	s2 =	sld [smem:$0x3F9B]  }
0x29: {  	s4 =	sld [smem:$0x3F9D]  }
0x2a: {  	p0 =	seq.s32 s5, $0x0;
	s5 =	sld [smem:$0x3F9E]  }
0x2b: {  	s6 =	sld [smem:$0x3F9F]  }
0x2c: {  	s7 =	sld [smem:$0x3FA0]  }
0x2d: {  	s3 =	simm.s32 $0x108;
	s8 =	sld [smem:$0x3FA1]  }
0x2e: {  	s3 =	simm.s32 @!p0 $0x1082;
	s9 =	sld [smem:$0x3FA2]  }
0x2f: {  	lr =	sadd.s32 s0, s3;
	s0 =	sld [smem:$0x3F99]  }
0x30: {  	s3 =	sld [smem:$0x3F9C]  }
0x31: {  	[smem:$0x3FA5] =	sst s10  }
0x32: {  	s10 =	sld [smem:$0x3FA3];
	_ =	sdelay $0x3  }
0x33: {  	p0 =	seq.s32 s10, $0x1;
	s10 =	sld [smem:$0x3FA5];
	_ =	sdelay $0x3  }
0x34: {  	[smem:$0x3FA5] =	sst s10  }
0x35: {  	s10 =	sld [smem:$0x3FA4];
	_ =	sdelay $0x3  }
0x36: {  	p1 =	seq.s32 s10, $0x1;
	s10 =	sld [smem:$0x3FA5];
	_ =	sdelay $0x3  }
0x37: {  	[smem:$0x3FA5] =	sst s10  }
0x38: {  	s10 =	sld [smem:$0x3FA6]  }
0x39: {  	_ = 	snop;
	(pc) =	sbr.ind lr, $3  }
0x3a: {  	_ = 	snop  }
0x3b: {  	_ = 	snop  }
0x3c: {  	p2 =	seq.s32 s10, $0x1;
	s10 =	sld [smem:$0x3FA5]  }
0x3d: {  	_ =	shalt  }
0x3e: {  	_ =	shalt  }
0x3f: {  	_ =	shalt  }
0x40: {  	_ =	shalt  }
0x41: {  	_ =	shalt  }
0x42: {  	_ =	shalt  }
0x43: {  	_ =	shalt  }
0x44: {  	_ =	shalt  }
0x45: {  	_ =	shalt  }
0x46: {  	_ =	shalt  }
0x47: {  	_ =	shalt  }
0x48: {  	_ =	shalt  }
0x49: {  	_ =	shalt  }
0x4a: {  	_ =	shalt  }
0x4b: {  	_ =	shalt  }
0x4c: {  	_ =	shalt  }
0x4d: {  	_ =	shalt  }
0x4e: {  	_ =	shalt  }
0x4f: {  	_ =	shalt  }
0x50: {  	_ =	shalt  }
0x51: {  	_ =	shalt  }
0x52: {  	_ =	shalt  }
0x53: {  	_ =	shalt  }
0x54: {  	_ =	shalt  }
0x55: {  	_ =	shalt  }
0x56: {  	_ =	shalt  }
0x57: {  	_ =	shalt  }
0x58: {  	_ =	shalt  }
0x59: {  	_ =	shalt  }
0x5a: {  	_ =	shalt  }
0x5b: {  	_ =	shalt  }
0x5c: {  	_ =	shalt  }
0x5d: {  	_ =	shalt  }
0x5e: {  	_ =	shalt  }
0x5f: {  	_ =	shalt  }
0x60: {  	_ =	shalt  }
0x61: {  	_ =	shalt  }
0x62: {  	_ =	shalt  }
0x63: {  	_ =	shalt  }
0x64: {  	_ =	shalt  }
0x65: {  	_ =	shalt  }
0x66: {  	_ =	shalt  }
0x67: {  	_ =	shalt  }
0x68: {  	_ =	shalt  }
0x69: {  	_ =	shalt  }
0x6a: {  	_ =	shalt  }
0x6b: {  	_ =	shalt  }
0x6c: {  	_ =	shalt  }
0x6d: {  	_ =	shalt  }
0x6e: {  	_ =	shalt  }
0x6f: {  	_ =	shalt  }
0x70: {  	_ =	shalt  }
0x71: {  	_ =	shalt  }
0x72: {  	_ =	shalt  }
0x73: {  	_ =	shalt  }
0x74: {  	_ =	shalt  }
0x75: {  	_ =	shalt  }
0x76: {  	_ =	shalt  }
0x77: {  	_ =	shalt  }
0x78: {  	_ =	shalt  }
0x79: {  	_ =	shalt  }
0x7a: {  	_ =	shalt  }
0x7b: {  	_ =	shalt  }
0x7c: {  	_ =	shalt  }
0x7d: {  	_ =	shalt  }
0x7e: {  	_ =	shalt  }
0x7f: {  	_ =	shalt  }
0x80: {  	_ =	shalt  }
0x81: {  	_ =	shalt  }
0x82: {  	_ =	shalt  }
0x83: {  	_ =	shalt  }
0x84: {  	_ =	shalt  }
0x85: {  	_ =	shalt  }
0x86: {  	_ =	shalt  }
0x87: {  	_ =	shalt  }
.Lfunc_end0:
.L_simem_size_0:
called_computation.1_lowered:
.L_overlay_start_0:
0x88: {  	s2 =	sld [smem:$0x3FD9]  }
0x89: {  	s3 =	sld [smem:$0x3FFE];
	_ =	sdelay $0x1  }
0x8a: {  	s1 =	srdreg.scid  }
0x8b: {  	s0 =	sand.u32 $0x1, s1  }
0x8c: {  	s16 =	sshll.u32 s0, $0xA;
	s2 =	sadd.s32 s3, s2  }
0x8d: {  	s2 =	sadd.s32 s2, s16  }
0x8e: {  	[smem:$0x3FB1] =	sst s2  }
0x8f: {  	_ = 	snop  }
0x90: {  	(tm) =	ssettm $0x1  }
0x91: {  	s17 =	sld [smem:$0x3FFB];
	_ =	sdelay $0x3  }
0x92: {  	_ =	strace s17  }
0x93: {  	s2 =	sld [smem:$0x3FFC];
	_ =	sdelay $0x3  }
0x94: {  	_ =	strace s2  }
0x95: {  	s2 =	sld [smem:$0x3FFD];
	_ =	sdelay $0x3  }
0x96: {  	_ =	strace s2  }
0x97: {  	_ =	strace $0x8FFFFFFF  }
0x98: {  	s18 =	sld [smem:$0x3FDB];
	_ =	sdelay $0x1  }
0x99: {  	s19 =	simm.s32 $_scs_section_size  }
0x9a: {  	s4 =	simm.s32 $_size__tile_overlayer_lowered;
	s5 =	simm.s32 $_tile_overlayer_lowered  }
0x9b: {  	s22 =	simm.s32 $0x1BFF;
	s21 =	sshll.u32 s5, $0x1;
	s2 =	sadd.s32 s19, s18  }
0x9c: {  	s6 =	simm.s32 $0x0;
	s20 =	sshll.u32 s4, $0x1;
	s4 =	sadd.s32 s21, s2  }
0x9d: {  	[timem:s6], [sflag:s22] =	dma.local [hbm:s4], s20  }
0x9e: {  	_ =	swait.ge [sflag:s22], s20  }
0x9f: {  	s3 =	ssub.s32 $0x0, s20;
	[sflag:s22] =	ssyncset.done $0x0  }
0xa0: {  	[sflag:s22] =	ssyncadd.s32 s3;
	_ =	sdelay $0x1  }
0xa1: {  	s23 =	simm.s32 $0x1B8B  }
0xa2: {  	_ =	swait.ge [sflag:s23], $0x1  }
0xa3: {  	[sflag:s23] =	ssyncset.done $0x0  }
0xa4: {  	s25 =	simm.s32 $0x1B8E;
	s24 =	sld [smem:$0x3FFE];
	[sflag:s23] =	ssyncadd.s32 $0xFFFFFFFF  }
0xa5: {  	s26 =	simm.s32 $execute0_lowered;
	[smem:$0x3FD2] =	sst s25  }
0xa6: {  	s4 =	sshll.u32 s26, $0x1;
	_ =	strace $0x80000049;
	[dreg:$0x1] =	wrdreg $0xFFFFFFFF  }
0xa7: {  	s28 =	simm.s32 $_size_execute0_lowered;
	s2 =	sadd.s32 s2, s4;
	[dreg:$0x0] =	wrdreg $0x0  }
0xa8: {  	s4 =	sshll.u32 s28, $0x1;
	[dreg:$0x2] =	wrdreg s2  }
0xa9: {  	[dreg:$0x3] =	wrdreg s4  }
0xaa: {  	[dreg:$0x4] =	wrdreg $0xC0  }
0xab: {  	_ =	task [dreg:s6], $0x5FFFF  }
0xac: {  	[dreg:$0x1] =	wrdreg $0xFFFFFFFF  }
0xad: {  	[dreg:$0x0] =	wrdreg $0x60  }
0xae: {  	[dreg:$0x2] =	wrdreg s24  }
0xaf: {  	[dreg:$0x3] =	wrdreg $0xBB800  }
0xb0: {  	[dreg:$0x4] =	wrdreg $0x9  }
0xb1: {  	_ =	task.clear_ibuf [dreg:s6], $0x5FFFF;
	_ =	strace $0x90000049  }
0xb2: {  	s29 =	simm.s32 $0x9;
	_ =	strace $0x8000004B  }
0xb3: {  	_ =	swait.ge [sflag:s29], $0x1  }
0xb4: {  	[sflag:s29] =	ssyncadd.s32 $0xFFFFFFFF  }
0xb5: {  	_ =	strace $0x9000004B  }
0xb6: {  	_ =	sfence  }
0xb7: {  	s30 =	sld [smem:$0x0];
	_ =	sdelay $0x2  }
0xb8: {  	s31 =	sshll.u32 s1, $0xD;
	s1 =	sshrl.u32 s1, $0x2  }
0xb9: {  	s3 =	sand.u32 $0x4000, s31;
	s1 =	sadd.s32 s1, s30  }
0xba: {  	s0 =	sor.u32 s3, s0;
	s1 =	sshll.u32 s1, $0x11  }
0xbb: {  	s0 =	sor.u32 s1, s0  }
0xbc: {  	s0 =	sadd.s32 $0x8F2B, s0  }
0xbd: {  	[sflag:s0] =	ssyncadd.remote.s32 $0x1  }
0xbe: {  	_ =	sfence.sel $0xFFFF  }
0xbf: {  	[dreg:$0x0] =	wrdreg $0xFFFFFFFF;
	(pc) =	sbr.abs _section_cstart, $3  }
0xc0: {  	[dreg:$0x1] =	wrdreg $0xFFFFFFFF  }
0xc1: {  	_ =	task.clear_ibuf [dreg:s6], $0x2FFFF;
	_ =	strace $0x9FFFFFFF  }
0xc2: {  	(tm) =	ssettm $0x7FFFFFFF  }
0xc3: {  	_ =	shalt  }
tec
execute0_lowered:
.L_overlay_start_1:
0x0: {  	(tag) =	ssettag $0x1  }
0x1: {  	s0 =	srdreg.scid;
	s1 =	rddreg [dreg:$0x0]  }
0x2: {  	s7 =	stileid.u32;
	s2 =	rddreg [dreg:$0x1]  }
0x3: {  	s14 =	simm.s32 $0x6;
	s16 =	simm.s32 $0x9C40;
	s17 =	simm.s32 $0x50  }
0x4: {  	s18 =	simm.s32 $0x157C0;
	s19 =	simm.s32 $0x16BC0;
	s21 =	simm.s32 $0x17FC0  }
0x5: {  	s23 =	simm.s32 $0x193C0;
	s28 =	simm.s32 $0x2;
	s29 =	simm.s32 $0x3  }
0x6: {  	s30 =	simm.s32 $0x4;
	s31 =	simm.s32 $0x5;
	s0 =	sand.u32 $0x1, s0  }
0x7: {  	s20 =	simm.s32 $0x9BA0;
	s3 =	sshll.u32 s0, $0x4;
	s15 =	smul.u32 $0x2710, s0  }
0x8: {  	s22 =	simm.s32 $0x9BF0;
	s4 =	sor.u32 s7, s3;
	s7 =	smul.u32 $0x27100, s7  }
0x9: {  	s25 =	ssub.s32 $0x2, s0;
	s3 =	simm.s32 $0x0;
	s5 =	smul.u32 $0x9C4, s4  }
0xa: {  	s26 =	sshrl.u32 s25, $0x1;
	[smem:$0x7FF] =	sst s3;
	s6 =	smul.u32 $0x1388, s4  }
0xb: {  	s4 =	sadd.s32 $0x51A00, s1;
	s13 =	ssub.s32 s25, s26;
	s25 =	simm.s32 $0x1A7C0  }
0xc: {  	s26 =	simm.s32 $0x1;
	v0 =	vmov s15;
	s15 =	simm.s32 $0x9B50;
	_ =	strace $0x8000004A  }
0xd: {  	s7 =	sshrl.u32 s7, $0x2;
	s13 =	smax.u32 s13, $0x1;
	s8 =	sadd.s32 s5, s1  }
0xe: {  	s1 =	sadd.s32 s6, s1;
	s6 =	sadd.s32 s7, s2;
	s5 =	sadd.s32 $0x8C600, s8  }
0xf: {  	s7 =	sadd.s32 $0x78C00, s8;
	s8 =	sadd.s32 $0x1F40, s6;
	s9 =	sadd.s32 $0x3E80, s6  }
0x10: {  	v1 =	vimm.bf16 $0.0e+00;
	s10 =	sadd.s32 $0x5DC0, s6;
	s11 =	sadd.s32 $0x7D00, s6;
	s12 =	sadd.s32 $0xA0000, s1  }
.LBB2_1:
0x11: {  	s24 =	simm.s32 $0x100;
	s1 =	simm.s32 $0x0  }
.LBB2_2:
0x12: {  	p0 =	sne.s32 s24, $0x7C00;
	[tilespmem:s1+$0x9C70] =	vst v1;
	s0 =	smov.u32 s24;
	s24 =	sadd.s32 $0x100, s24  }
.Ltmp0:
0x13: {  	[tilespmem:s1+$0x9C60] =	vst v1;
	(pc) =	sbr.rel @p0 .LBB2_2-.Ltmp0, $3  }
0x14: {  	[tilespmem:s1+$0x9C40] =	vst v1  }
0x15: {  	[tilespmem:s1+$0x9C50] =	vst v1;
	_ =	sdelay $0x1  }
0x16: {  	s1 =	sshra.s32 s0, $0x2  }
0x17: {  	[tilespmem:s1+$0x9C70] =	vst v1  }
0x18: {  	[tilespmem:s1+$0x9C60] =	vst v1  }
0x19: {  	[tilespmem:s1+$0x9C40] =	vst v1  }
0x1a: {  	[tilespmem:s1+$0x9C50] =	vst v1;
	s0 =	simm.s32 $0x0  }
0x1b: {  	[tilespmem:s0], [sflag:$0x6] =	stream.linear.gather [hbm4b:s5+s0], $0x4E20, $0x38;
	[tilespmem:$0x1BBC0] =	vst v63  }
0x1c: {  	_ =	swait.ge [sflag:s14], $0x4E20  }
0x1d: {  	[sflag:s14] =	ssyncset.done $0x0  }
0x1e: {  	s24 =	simm.s32 $0x4E20;
	[sflag:s14] =	ssyncadd.s32 $0xFFFFB1E0  }
0x1f: {  	[tilespmem:s24], [sflag:$0x6] =	stream.linear.gather [hbm4b:s7+s0], $0x4E20, $0x38;
	[tilespmem:$0x1BBC0] =	vst v63  }
0x20: {  	_ =	swait.ge [sflag:s14], $0x4E20  }
0x21: {  	[sflag:s14] =	ssyncset.done $0x0  }
0x22: {  	s1 =	simm.s32 $0x0;
	[sflag:s14] =	ssyncadd.s32 $0xFFFFB1E0  }
0x23: {  	v5 =	vld [tilespmem:s1+$0x0]  }
0x24: {  	v4 =	vld [tilespmem:s1+$0x10]  }
0x25: {  	v3 =	vld [tilespmem:s1+$0x20]  }
0x26: {  	s24 =	simm.s32 $0x140;
	v2 =	vld [tilespmem:s1+$0x30]  }
.LBB2_4:
0x27: {  	p0 =	sne.s32 s24, $0x13740;
	v6 =	vld [tilespmem:s1+$0x40]  }
0x28: {  	v5 =	vadd.s32 v0, v5  }
.Ltmp1:
0x29: {  	s0 =	sshra.s32 s24, $0x2;
	[tilespmem:s1+$0x0] =	vst v5;
	v4 =	vadd.s32 v0, v4;
	(pc) =	sbr.rel @p0 .LBB2_4-.Ltmp1, $4  }
0x2a: {  	v5 =	vld [tilespmem:s0+$0x0];
	[tilespmem:s1+$0x10] =	vst v4;
	v3 =	vadd.s32 v0, v3  }
0x2b: {  	v4 =	vld [tilespmem:s0+$0x10];
	[tilespmem:s1+$0x20] =	vst v3;
	v2 =	vadd.s32 v0, v2  }
0x2c: {  	v3 =	vld [tilespmem:s0+$0x20];
	[tilespmem:s1+$0x30] =	vst v2;
	v6 =	vadd.s32 v0, v6  }
0x2d: {  	s24 =	sadd.s32 $0x140, s24;
	v2 =	vld [tilespmem:s0+$0x30];
	[tilespmem:s1+$0x40] =	vst v6;
	s1 =	smov.u32 s0  }
0x2e: {  	v6 =	vld [tilespmem:s1+$0x40]  }
0x2f: {  	v5 =	vadd.s32 v0, v5  }
0x30: {  	[tilespmem:s1+$0x0] =	vst v5;
	v4 =	vadd.s32 v0, v4  }
0x31: {  	[tilespmem:s1+$0x10] =	vst v4;
	v3 =	vadd.s32 v0, v3  }
0x32: {  	[tilespmem:s1+$0x20] =	vst v3;
	v2 =	vadd.s32 v0, v2  }
0x33: {  	[tilespmem:s1+$0x30] =	vst v2;
	v2 =	vadd.s32 v0, v6  }
0x34: {  	[tilespmem:s1+$0x40] =	vst v2  }
0x35: {  	[spmem:s6] =	stream.linear.scatter [tilespmem:s16], [sflag:$0x6], $0x1F40, $0x38;
	[tilespmem:$0x1BBC0] =	vst v63  }
0x36: {  	_ =	swait.ge [sflag:s14], $0x1F40  }
0x37: {  	[sflag:s14] =	ssyncset.done $0x0  }
0x38: {  	[sflag:s14] =	ssyncadd.s32 $0xFFFFE0C0  }
0x39: {  	[spmem:s8] =	stream.linear.scatter [tilespmem:s16], [sflag:$0x6], $0x1F40, $0x38;
	[tilespmem:$0x1BBC0] =	vst v63  }
0x3a: {  	_ =	swait.ge [sflag:s14], $0x1F40  }
0x3b: {  	[sflag:s14] =	ssyncset.done $0x0  }
0x3c: {  	[sflag:s14] =	ssyncadd.s32 $0xFFFFE0C0  }
0x3d: {  	[spmem:s9] =	stream.linear.scatter [tilespmem:s16], [sflag:$0x6], $0x1F40, $0x38;
	[tilespmem:$0x1BBC0] =	vst v63  }
0x3e: {  	_ =	swait.ge [sflag:s14], $0x1F40  }
0x3f: {  	[sflag:s14] =	ssyncset.done $0x0  }
0x40: {  	[sflag:s14] =	ssyncadd.s32 $0xFFFFE0C0  }
0x41: {  	[spmem:s10] =	stream.linear.scatter [tilespmem:s16], [sflag:$0x6], $0x1F40, $0x38;
	[tilespmem:$0x1BBC0] =	vst v63  }
0x42: {  	_ =	swait.ge [sflag:s14], $0x1F40  }
0x43: {  	[sflag:s14] =	ssyncset.done $0x0  }
0x44: {  	[sflag:s14] =	ssyncadd.s32 $0xFFFFE0C0  }
0x45: {  	[spmem:s11] =	stream.linear.scatter [tilespmem:s16], [sflag:$0x6], $0x1F40, $0x38;
	[tilespmem:$0x1BBC0] =	vst v63  }
0x46: {  	_ =	swait.ge [sflag:s14], $0x1F40  }
0x47: {  	[sflag:s14] =	ssyncset.done $0x0  }
0x48: {  	[sflag:s14] =	ssyncadd.s32 $0xFFFFE0C0  }
0x49: {  	s0 =	simm.s32 $0x0;
	[bflag:$0x0] =	sbarrier.arrive $0xFFFF  }
0x4a: {  	[tilespmem:s18], [sflag:$0x1] =	stream.indirect.gather [hbm4b:s4+s17], $0x40, s0, s17, $0xb8;
	[tilespmem:$0x1BBC0] =	vst v63  }
0x4b: {  	_ = 	snop  }
0x4c: {  	[tilespmem:s19], [sflag:$0x2] =	stream.indirect.gather [hbm4b:s4+s17], $0x40, s17, s17, $0xb8;
	[tilespmem:$0x1BBC0] =	vst v63  }
0x4d: {  	s1 =	simm.s32 $0xA0  }
0x4e: {  	[tilespmem:s21], [sflag:$0x3] =	stream.indirect.gather [hbm4b:s4+s17], $0x40, s1, s17, $0xb8;
	[tilespmem:$0x1BBC0] =	vst v63  }
0x4f: {  	s24 =	simm.s32 $0xF0  }
0x50: {  	[tilespmem:s23], [sflag:$0x4] =	stream.indirect.gather [hbm4b:s4+s17], $0x40, s24, s17, $0xb8;
	[tilespmem:$0x1BBC0] =	vst v63  }
0x51: {  	s1 =	simm.s32 $0x140  }
0x52: {  	[tilespmem:s25], [sflag:$0x5] =	stream.indirect.gather [hbm4b:s4+s17], $0x40, s1, s17, $0xb8;
	[tilespmem:$0x1BBC0] =	vst v63  }
0x53: {  	_ =	swait.ge [sflag:s26], $0x1400  }
0x54: {  	[sflag:s26] =	ssyncset.done $0x0  }
0x55: {  	s24 =	simm.s32 $0x4E20;
	[sflag:s26] =	ssyncadd.s32 $0xFFFFEC00  }
0x56: {  	[spmem:s2] =	stream.indirect.scatter.add.bf16 [tilespmem:s18], [sflag:$0x6], $0x40, s24, s17, $0xb8;
	[tilespmem:$0x1BBC0] =	vst v63  }
0x57: {  	_ =	swait.ge [sflag:s14], $0x1400  }
0x58: {  	[sflag:s14] =	ssyncset.done $0x0  }
0x59: {  	s1 =	simm.s32 $0x190;
	[sflag:s14] =	ssyncadd.s32 $0xFFFFEC00  }
0x5a: {  	[tilespmem:s18], [sflag:$0x1] =	stream.indirect.gather [hbm4b:s4+s17], $0x40, s1, s17, $0xb8;
	[tilespmem:$0x1BBC0] =	vst v63  }
0x5b: {  	_ =	swait.ge [sflag:s28], $0x1400  }
0x5c: {  	[sflag:s28] =	ssyncset.done $0x0  }
0x5d: {  	s24 =	simm.s32 $0x4E70;
	[sflag:s28] =	ssyncadd.s32 $0xFFFFEC00  }
0x5e: {  	[spmem:s2] =	stream.indirect.scatter.add.bf16 [tilespmem:s19], [sflag:$0x6], $0x40, s24, s17, $0xb8;
	[tilespmem:$0x1BBC0] =	vst v63  }
0x5f: {  	_ =	swait.ge [sflag:s14], $0x1400  }
0x60: {  	[sflag:s14] =	ssyncset.done $0x0  }
0x61: {  	s1 =	simm.s32 $0x1E0;
	[sflag:s14] =	ssyncadd.s32 $0xFFFFEC00  }
0x62: {  	[tilespmem:s19], [sflag:$0x2] =	stream.indirect.gather [hbm4b:s4+s17], $0x40, s1, s17, $0xb8;
	[tilespmem:$0x1BBC0] =	vst v63  }
0x63: {  	_ =	swait.ge [sflag:s29], $0x1400  }
0x64: {  	[sflag:s29] =	ssyncset.done $0x0  }
0x65: {  	s24 =	simm.s32 $0x4EC0;
	[sflag:s29] =	ssyncadd.s32 $0xFFFFEC00  }
0x66: {  	[spmem:s2] =	stream.indirect.scatter.add.bf16 [tilespmem:s21], [sflag:$0x6], $0x40, s24, s17, $0xb8;
	[tilespmem:$0x1BBC0] =	vst v63  }
0x67: {  	_ =	swait.ge [sflag:s14], $0x1400  }
0x68: {  	[sflag:s14] =	ssyncset.done $0x0  }
0x69: {  	s1 =	simm.s32 $0x230;
	[sflag:s14] =	ssyncadd.s32 $0xFFFFEC00  }
0x6a: {  	[tilespmem:s21], [sflag:$0x3] =	stream.indirect.gather [hbm4b:s4+s17], $0x40, s1, s17, $0xb8;
	[tilespmem:$0x1BBC0] =	vst v63  }
0x6b: {  	_ =	swait.ge [sflag:s30], $0x1400  }
0x6c: {  	[sflag:s30] =	ssyncset.done $0x0  }
0x6d: {  	s24 =	simm.s32 $0x4F10;
	[sflag:s30] =	ssyncadd.s32 $0xFFFFEC00  }
0x6e: {  	[spmem:s2] =	stream.indirect.scatter.add.bf16 [tilespmem:s23], [sflag:$0x6], $0x40, s24, s17, $0xb8;
	[tilespmem:$0x1BBC0] =	vst v63  }
0x6f: {  	_ =	swait.ge [sflag:s14], $0x1400  }
0x70: {  	[sflag:s14] =	ssyncset.done $0x0  }
0x71: {  	s1 =	simm.s32 $0x280;
	[sflag:s14] =	ssyncadd.s32 $0xFFFFEC00  }
0x72: {  	[tilespmem:s23], [sflag:$0x4] =	stream.indirect.gather [hbm4b:s4+s17], $0x40, s1, s17, $0xb8;
	[tilespmem:$0x1BBC0] =	vst v63  }
0x73: {  	_ =	swait.ge [sflag:s31], $0x1400  }
0x74: {  	[sflag:s31] =	ssyncset.done $0x0  }
0x75: {  	s24 =	simm.s32 $0x4F60;
	[sflag:s31] =	ssyncadd.s32 $0xFFFFEC00  }
0x76: {  	[spmem:s2] =	stream.indirect.scatter.add.bf16 [tilespmem:s25], [sflag:$0x6], $0x40, s24, s17, $0xb8;
	[tilespmem:$0x1BBC0] =	vst v63  }
0x77: {  	_ =	swait.ge [sflag:s14], $0x1400  }
0x78: {  	[sflag:s14] =	ssyncset.done $0x0  }
0x79: {  	s1 =	simm.s32 $0x2D0;
	s24 =	simm.s32 $0x640;
	[sflag:s14] =	ssyncadd.s32 $0xFFFFEC00  }
.LBB2_6:
0x7a: {  	[tilespmem:s25], [sflag:$0x5] =	stream.indirect.gather [hbm4b:s4+s17], $0x40, s1, s17, $0xb8;
	[tilespmem:$0x1BBC0] =	vst v63  }
0x7b: {  	s0 =	smov.u32 s24  }
0x7c: {  	p0 =	sne.s32 s24, $0x12C00;
	s24 =	sadd.s32 $0x640, s24;
	_ =	swait.ge [sflag:s26], $0x1400  }
0x7d: {  	s1 =	sshra.s32 s0, $0x2;
	[sflag:s26] =	ssyncset.done $0x0  }
0x7e: {  	s0 =	sadd.s32 $0x4E20, s1;
	[sflag:s26] =	ssyncadd.s32 $0xFFFFEC00  }
0x7f: {  	[spmem:s2] =	stream.indirect.scatter.add.bf16 [tilespmem:s18], [sflag:$0x6], $0x40, s0, s17, $0xb8;
	[tilespmem:$0x1BBC0] =	vst v63  }
0x80: {  	_ =	swait.ge [sflag:s14], $0x1400  }
0x81: {  	[sflag:s14] =	ssyncset.done $0x0  }
0x82: {  	s0 =	sadd.s32 $0x190, s1;
	[sflag:s14] =	ssyncadd.s32 $0xFFFFEC00  }
0x83: {  	[tilespmem:s18], [sflag:$0x1] =	stream.indirect.gather [hbm4b:s4+s17], $0x40, s0, s17, $0xb8;
	[tilespmem:$0x1BBC0] =	vst v63  }
0x84: {  	_ =	swait.ge [sflag:s28], $0x1400  }
0x85: {  	[sflag:s28] =	ssyncset.done $0x0  }
0x86: {  	s0 =	sadd.s32 $0x4E70, s1;
	[sflag:s28] =	ssyncadd.s32 $0xFFFFEC00  }
0x87: {  	[spmem:s2] =	stream.indirect.scatter.add.bf16 [tilespmem:s19], [sflag:$0x6], $0x40, s0, s17, $0xb8;
	[tilespmem:$0x1BBC0] =	vst v63  }
0x88: {  	_ =	swait.ge [sflag:s14], $0x1400  }
0x89: {  	[sflag:s14] =	ssyncset.done $0x0  }
0x8a: {  	s0 =	sadd.s32 $0x1E0, s1;
	[sflag:s14] =	ssyncadd.s32 $0xFFFFEC00  }
0x8b: {  	[tilespmem:s19], [sflag:$0x2] =	stream.indirect.gather [hbm4b:s4+s17], $0x40, s0, s17, $0xb8;
	[tilespmem:$0x1BBC0] =	vst v63  }
0x8c: {  	_ =	swait.ge [sflag:s29], $0x1400  }
0x8d: {  	[sflag:s29] =	ssyncset.done $0x0  }
0x8e: {  	s0 =	sadd.s32 $0x4EC0, s1;
	[sflag:s29] =	ssyncadd.s32 $0xFFFFEC00  }
0x8f: {  	[spmem:s2] =	stream.indirect.scatter.add.bf16 [tilespmem:s21], [sflag:$0x6], $0x40, s0, s17, $0xb8;
	[tilespmem:$0x1BBC0] =	vst v63  }
0x90: {  	_ =	swait.ge [sflag:s14], $0x1400  }
0x91: {  	[sflag:s14] =	ssyncset.done $0x0  }
0x92: {  	s0 =	sadd.s32 $0x230, s1;
	[sflag:s14] =	ssyncadd.s32 $0xFFFFEC00  }
0x93: {  	[tilespmem:s21], [sflag:$0x3] =	stream.indirect.gather [hbm4b:s4+s17], $0x40, s0, s17, $0xb8;
	[tilespmem:$0x1BBC0] =	vst v63  }
0x94: {  	_ =	swait.ge [sflag:s30], $0x1400  }
0x95: {  	[sflag:s30] =	ssyncset.done $0x0  }
0x96: {  	s0 =	sadd.s32 $0x4F10, s1;
	[sflag:s30] =	ssyncadd.s32 $0xFFFFEC00  }
0x97: {  	[spmem:s2] =	stream.indirect.scatter.add.bf16 [tilespmem:s23], [sflag:$0x6], $0x40, s0, s17, $0xb8;
	[tilespmem:$0x1BBC0] =	vst v63  }
0x98: {  	_ =	swait.ge [sflag:s14], $0x1400  }
0x99: {  	[sflag:s14] =	ssyncset.done $0x0  }
0x9a: {  	s0 =	sadd.s32 $0x280, s1;
	[sflag:s14] =	ssyncadd.s32 $0xFFFFEC00  }
0x9b: {  	[tilespmem:s23], [sflag:$0x4] =	stream.indirect.gather [hbm4b:s4+s17], $0x40, s0, s17, $0xb8;
	[tilespmem:$0x1BBC0] =	vst v63  }
0x9c: {  	_ =	swait.ge [sflag:s31], $0x1400  }
0x9d: {  	[sflag:s31] =	ssyncset.done $0x0  }
.Ltmp2:
0x9e: {  	s0 =	sadd.s32 $0x4F60, s1;
	[sflag:s31] =	ssyncadd.s32 $0xFFFFEC00;
	(pc) =	sbr.rel @p0 .LBB2_6-.Ltmp2, $4  }
0x9f: {  	[spmem:s2] =	stream.indirect.scatter.add.bf16 [tilespmem:s25], [sflag:$0x6], $0x40, s0, s17, $0xb8;
	[tilespmem:$0x1BBC0] =	vst v63  }
0xa0: {  	_ =	swait.ge [sflag:s14], $0x1400  }
0xa1: {  	[sflag:s14] =	ssyncset.done $0x0  }
0xa2: {  	s1 =	sadd.s32 $0x2D0, s1;
	[sflag:s14] =	ssyncadd.s32 $0xFFFFEC00  }
0xa3: {  	[tilespmem:s25], [sflag:$0x5] =	stream.indirect.gather [hbm4b:s4+s17], $0x40, s1, s17, $0xb8;
	[tilespmem:$0x1BBC0] =	vst v63  }
0xa4: {  	_ =	swait.ge [sflag:s26], $0x1400  }
0xa5: {  	[sflag:s26] =	ssyncset.done $0x0  }
0xa6: {  	s0 =	simm.s32 $0x9AB0;
	[sflag:s26] =	ssyncadd.s32 $0xFFFFEC00  }
0xa7: {  	[spmem:s2] =	stream.indirect.scatter.add.bf16 [tilespmem:s18], [sflag:$0x6], $0x40, s0, s17, $0xb8;
	[tilespmem:$0x1BBC0] =	vst v63  }
0xa8: {  	_ =	swait.ge [sflag:s14], $0x1400  }
0xa9: {  	[sflag:s14] =	ssyncset.done $0x0  }
0xaa: {  	[sflag:s14] =	ssyncadd.s32 $0xFFFFEC00  }
0xab: {  	_ =	swait.ge [sflag:s28], $0x1400  }
0xac: {  	[sflag:s28] =	ssyncset.done $0x0  }
0xad: {  	s24 =	simm.s32 $0x9B00;
	[sflag:s28] =	ssyncadd.s32 $0xFFFFEC00  }
0xae: {  	[spmem:s2] =	stream.indirect.scatter.add.bf16 [tilespmem:s19], [sflag:$0x6], $0x40, s24, s17, $0xb8;
	[tilespmem:$0x1BBC0] =	vst v63  }
0xaf: {  	_ =	swait.ge [sflag:s14], $0x1400  }
0xb0: {  	[sflag:s14] =	ssyncset.done $0x0  }
0xb1: {  	[sflag:s14] =	ssyncadd.s32 $0xFFFFEC00  }
0xb2: {  	_ =	swait.ge [sflag:s29], $0x1400  }
0xb3: {  	[sflag:s29] =	ssyncset.done $0x0  }
0xb4: {  	[sflag:s29] =	ssyncadd.s32 $0xFFFFEC00  }
0xb5: {  	[spmem:s2] =	stream.indirect.scatter.add.bf16 [tilespmem:s21], [sflag:$0x6], $0x40, s15, s17, $0xb8;
	[tilespmem:$0x1BBC0] =	vst v63  }
0xb6: {  	_ =	swait.ge [sflag:s14], $0x1400  }
0xb7: {  	[sflag:s14] =	ssyncset.done $0x0  }
0xb8: {  	[sflag:s14] =	ssyncadd.s32 $0xFFFFEC00  }
0xb9: {  	_ =	swait.ge [sflag:s30], $0x1400  }
0xba: {  	[sflag:s30] =	ssyncset.done $0x0  }
0xbb: {  	[sflag:s30] =	ssyncadd.s32 $0xFFFFEC00  }
0xbc: {  	[spmem:s2] =	stream.indirect.scatter.add.bf16 [tilespmem:s23], [sflag:$0x6], $0x40, s20, s17, $0xb8;
	[tilespmem:$0x1BBC0] =	vst v63  }
0xbd: {  	_ =	swait.ge [sflag:s14], $0x1400  }
0xbe: {  	[sflag:s14] =	ssyncset.done $0x0  }
0xbf: {  	[sflag:s14] =	ssyncadd.s32 $0xFFFFEC00  }
0xc0: {  	_ =	swait.ge [sflag:s31], $0x1400  }
0xc1: {  	[sflag:s31] =	ssyncset.done $0x0  }
0xc2: {  	[sflag:s31] =	ssyncadd.s32 $0xFFFFEC00  }
0xc3: {  	[spmem:s2] =	stream.indirect.scatter.add.bf16 [tilespmem:s25], [sflag:$0x6], $0x40, s22, s17, $0xb8;
	[tilespmem:$0x1BBC0] =	vst v63  }
0xc4: {  	s1 =	stileid.u32;
	_ =	swait.ge [sflag:s14], $0x1400  }
0xc5: {  	s3 =	sadd.s32 $0x1, s3;
	s0 =	sshll.u32 s1, $0x6;
	[sflag:s14] =	ssyncset.done $0x0  }
0xc6: {  	p0 =	sne.s32 s3, s13;
	s0 =	sor.u32 $0x1C06, s0;
	[sflag:s14] =	ssyncadd.s32 $0xFFFFEC00  }
.Ltmp3:
0xc7: {  	s24 =	sshrl.u32 s6, $0x3;
	[bflag:$0x0] =	sbarrier.arrive $0xFFFF;
	(pc) =	sbr.rel @p0 .LBB2_1-.Ltmp3, $4  }
0xc8: {  	[hbm:s12], [sflag:s0] =	dma.local [spmem:s24], $0x1388  }
0xc9: {  	_ =	swait.ge [sflag:s14], $0x1388  }
0xca: {  	[sflag:s14] =	ssyncset.done $0x0  }
0xcb: {  	[sflag:s14] =	ssyncadd.s32 $0xFFFFEC78  }
0xcc: {  	_ =	sfence.sel $0x180000  }
0xcd: {  	[bflag:$0x0] =	sbarrier.arrive $0xFFFF  }
0xce: {  	_ =	strace $0x9000004A  }
0xcf: {  	s0 =	stileid.u32;
	[bflag:$0x2] =	sbarrier.arrive $0xFFFF  }
0xd0: {  	p0 =	sne.s32 s0, $0x0;
	s0 =	rddreg [dreg:$0x2]  }
0xd1: {  	s0 =	sadd.s32 @!p0 $0x100000, s0  }
0xd2: {  	[sflag:s0] =	ssyncadd.tile.s32 @!p0 $0x1;
	_ =	shalt  }
.Lfunc_end2:
_tile_overlayer_lowered:
.L_overlay_start_2:
0xd3: {  	(tag) =	ssettag $0x2  }
0xd4: {  	s0 =	rddreg [dreg:$0x0];
	s2 =	stileid.u32  }
0xd5: {  	s1 =	rddreg [dreg:$0x1];
	p0 =	sne.s32 s2, $0x0  }
0xd6: {  	s3 =	rddreg [dreg:$0x2];
	[bflag:$0x3] =	sbarrier.arrive $0xFFFF;
	s2 =	simm.s32 @!p0 $0x1C06  }
0xd7: {  	[timem:s3], [sflag:s2] =	dma.local @!p0 [hbm:s0], s1  }
0xd8: {  	s0 =	simm.s32 @!p0 $0x6  }
0xd9: {  	_ =	swait.ge @!p0 [sflag:s0], s1  }
0xda: {  	s1 =	ssub.s32 @!p0 $0x0, s1;
	[sflag:s0] =	ssyncset.done @!p0 $0x0  }
0xdb: {  	[sflag:s0] =	ssyncadd.s32 @!p0 s1  }
0xdc: {  	[bflag:$0x3] =	sbarrier.arrive $0xFFFF  }
0xdd: {  	_ =	shalt  }

// kernel: kernel.14.cloned.1.call-start
scs
__scs_entry_jumppad:
0x0: {  	(pc) =	sbr.rel $0x88, $3  }
0x1: {  	(tag) =	ssettag $0x0;
	lr =	simm.s32 $0x1  }
0x2: {  	[smem:$0x3F8A] =	sst lr;
	_ =	strace $0xD0000000  }
0x3: {  	_ = 	snop  }
0x4: {  	_ = 	snop  }
0x5: {  	_ = 	snop  }
0x6: {  	_ = 	snop  }
0x7: {  	_ = 	snop  }
__scs_overlays_trampoline_lowered:
0x8: {  	[smem:$0x3F99] =	sst s0  }
0x9: {  	[smem:$0x3F9A] =	sst s1  }
0xa: {  	[smem:$0x3F9B] =	sst s2  }
0xb: {  	[smem:$0x3F9C] =	sst s3  }
0xc: {  	[smem:$0x3F9D] =	sst s4  }
0xd: {  	[smem:$0x3F9E] =	sst s5  }
0xe: {  	[smem:$0x3F9F] =	sst s6  }
0xf: {  	[smem:$0x3FA0] =	sst s7  }
0x10: {  	[smem:$0x3FA1] =	sst s8  }
0x11: {  	[smem:$0x3FA2] =	sst s9;
	s0 =	simm.s32 @!p0 $0x0  }
0x12: {  	s1 =	sld [smem:$0x3F88];
	s0 =	simm.s32 @p0 $0x1  }
0x13: {  	[smem:$0x3FA3] =	sst s0;
	s0 =	simm.s32 @!p1 $0x0  }
0x14: {  	s2 =	sld [smem:$0x3F87];
	s0 =	simm.s32 @p1 $0x1  }
0x15: {  	[smem:$0x3FA4] =	sst s0;
	s0 =	simm.s32 @!p2 $0x0  }
0x16: {  	s3 =	sld [smem:$0x3FDB];
	s0 =	simm.s32 @p2 $0x1  }
0x17: {  	s4 =	simm.s32 $0x1BF5;
	[smem:$0x3FA6] =	sst s0  }
0x18: {  	s0 =	sld [smem:$0x3F89];
	_ =	swait.ge [sflag:s4], $0x0  }
0x19: {  	s7 =	sld [smem:$0x3F8A]  }
0x1a: {  	s8 =	sadd.s32 $0xFFFFE003, lr  }
0x1b: {  	s9 =	sadd.s32 $0xFFFFFEF7, lr;
	s5 =	simm.s32 $0xFFFFFFFF;
	p2 =	slt.u32 s8, $0xFFFFF086  }
0x1c: {  	p1 =	slt.u32 s9, $0xF7A;
	s5 =	simm.s32 @!p2 $0x0  }
0x1d: {  	s5 =	simm.s32 @p1 $0x1;
	p0 =	seq.s32 s7, s2  }
0x1e: {  	s7 =	smul.u32 @!p0 $0xF7A, s2;
	p2 =	seq.s32 @!p0 s5, $0x0  }
0x1f: {  	s9 =	smul.u32 $0xF7A, s1;
	s8 =	simm.s32 @!p0 $0x1BF5;
	p2 =	por !p2, p0  }
0x20: {  	[sflag:s8] =	ssyncset.s32 @!p0 $0xFFFFF086;
	s6 =	sadd.s32 @!p0 s3, s7;
	s7 =	simm.s32 @!p0 $0x108  }
0x21: {  	s3 =	sadd.s32 s3, s9;
	s6 =	sadd.s32 @!p0 $0x88, s6;
	s7 =	simm.s32 @p2 $0x1082  }
0x22: {  	[simem:s7], [sflag:s8] =	dma.local @!p0 [hbm:s6], $0xF7A  }
0x23: {  	s9 =	sor.u32 $0xD0000000, s2;
	s6 =	simm.s32 $0x108;
	_ =	swait.ge @!p0 [sflag:s8], $0x0  }
0x24: {  	s3 =	sadd.s32 $0x88, s3;
	s6 =	simm.s32 @!p1 $0x1082;
	[sflag:s4] =	ssyncset.s32 $0xFFFFF086  }
0x25: {  	[simem:s6], [sflag:s4] =	dma.local [hbm:s3], $0xF7A  }
0x26: {  	[smem:$0x3F8A] =	sst s1;
	(tag) =	ssettag s2;
	_ =	strace s9  }
0x27: {  	s1 =	sld [smem:$0x3F9A]  }
0x28: {  	s2 =	sld [smem:$0x3F9B]  }
0x29: {  	s4 =	sld [smem:$0x3F9D]  }
0x2a: {  	p0 =	seq.s32 s5, $0x0;
	s5 =	sld [smem:$0x3F9E]  }
0x2b: {  	s6 =	sld [smem:$0x3F9F]  }
0x2c: {  	s7 =	sld [smem:$0x3FA0]  }
0x2d: {  	s3 =	simm.s32 $0x108;
	s8 =	sld [smem:$0x3FA1]  }
0x2e: {  	s3 =	simm.s32 @!p0 $0x1082;
	s9 =	sld [smem:$0x3FA2]  }
0x2f: {  	lr =	sadd.s32 s0, s3;
	s0 =	sld [smem:$0x3F99]  }
0x30: {  	s3 =	sld [smem:$0x3F9C]  }
0x31: {  	[smem:$0x3FA5] =	sst s10  }
0x32: {  	s10 =	sld [smem:$0x3FA3];
	_ =	sdelay $0x3  }
0x33: {  	p0 =	seq.s32 s10, $0x1;
	s10 =	sld [smem:$0x3FA5];
	_ =	sdelay $0x3  }
0x34: {  	[smem:$0x3FA5] =	sst s10  }
0x35: {  	s10 =	sld [smem:$0x3FA4];
	_ =	sdelay $0x3  }
0x36: {  	p1 =	seq.s32 s10, $0x1;
	s10 =	sld [smem:$0x3FA5];
	_ =	sdelay $0x3  }
0x37: {  	[smem:$0x3FA5] =	sst s10  }
0x38: {  	s10 =	sld [smem:$0x3FA6]  }
0x39: {  	_ = 	snop;
	(pc) =	sbr.ind lr, $3  }
0x3a: {  	_ = 	snop  }
0x3b: {  	_ = 	snop  }
0x3c: {  	p2 =	seq.s32 s10, $0x1;
	s10 =	sld [smem:$0x3FA5]  }
0x3d: {  	_ =	shalt  }
0x3e: {  	_ =	shalt  }
0x3f: {  	_ =	shalt  }
0x40: {  	_ =	shalt  }
0x41: {  	_ =	shalt  }
0x42: {  	_ =	shalt  }
0x43: {  	_ =	shalt  }
0x44: {  	_ =	shalt  }
0x45: {  	_ =	shalt  }
0x46: {  	_ =	shalt  }
0x47: {  	_ =	shalt  }
0x48: {  	_ =	shalt  }
0x49: {  	_ =	shalt  }
0x4a: {  	_ =	shalt  }
0x4b: {  	_ =	shalt  }
0x4c: {  	_ =	shalt  }
0x4d: {  	_ =	shalt  }
0x4e: {  	_ =	shalt  }
0x4f: {  	_ =	shalt  }
0x50: {  	_ =	shalt  }
0x51: {  	_ =	shalt  }
0x52: {  	_ =	shalt  }
0x53: {  	_ =	shalt  }
0x54: {  	_ =	shalt  }
0x55: {  	_ =	shalt  }
0x56: {  	_ =	shalt  }
0x57: {  	_ =	shalt  }
0x58: {  	_ =	shalt  }
0x59: {  	_ =	shalt  }
0x5a: {  	_ =	shalt  }
0x5b: {  	_ =	shalt  }
0x5c: {  	_ =	shalt  }
0x5d: {  	_ =	shalt  }
0x5e: {  	_ =	shalt  }
0x5f: {  	_ =	shalt  }
0x60: {  	_ =	shalt  }
0x61: {  	_ =	shalt  }
0x62: {  	_ =	shalt  }
0x63: {  	_ =	shalt  }
0x64: {  	_ =	shalt  }
0x65: {  	_ =	shalt  }
0x66: {  	_ =	shalt  }
0x67: {  	_ =	shalt  }
0x68: {  	_ =	shalt  }
0x69: {  	_ =	shalt  }
0x6a: {  	_ =	shalt  }
0x6b: {  	_ =	shalt  }
0x6c: {  	_ =	shalt  }
0x6d: {  	_ =	shalt  }
0x6e: {  	_ =	shalt  }
0x6f: {  	_ =	shalt  }
0x70: {  	_ =	shalt  }
0x71: {  	_ =	shalt  }
0x72: {  	_ =	shalt  }
0x73: {  	_ =	shalt  }
0x74: {  	_ =	shalt  }
0x75: {  	_ =	shalt  }
0x76: {  	_ =	shalt  }
0x77: {  	_ =	shalt  }
0x78: {  	_ =	shalt  }
0x79: {  	_ =	shalt  }
0x7a: {  	_ =	shalt  }
0x7b: {  	_ =	shalt  }
0x7c: {  	_ =	shalt  }
0x7d: {  	_ =	shalt  }
0x7e: {  	_ =	shalt  }
0x7f: {  	_ =	shalt  }
0x80: {  	_ =	shalt  }
0x81: {  	_ =	shalt  }
0x82: {  	_ =	shalt  }
0x83: {  	_ =	shalt  }
0x84: {  	_ =	shalt  }
0x85: {  	_ =	shalt  }
0x86: {  	_ =	shalt  }
0x87: {  	_ =	shalt  }
.Lfunc_end0:
.L_simem_size_0:
called_computation.2_lowered:
.L_overlay_start_0:
0x88: {  	s2 =	sld [smem:$0x3FD9]  }
0x89: {  	s3 =	sld [smem:$0x3FFE];
	_ =	sdelay $0x1  }
0x8a: {  	s1 =	srdreg.scid  }
0x8b: {  	s0 =	sand.u32 $0x1, s1  }
0x8c: {  	s16 =	sshll.u32 s0, $0xA;
	s2 =	sadd.s32 s3, s2  }
0x8d: {  	s2 =	sadd.s32 s2, s16  }
0x8e: {  	[smem:$0x3FB1] =	sst s2  }
0x8f: {  	_ = 	snop  }
0x90: {  	(tm) =	ssettm $0x1  }
0x91: {  	s17 =	sld [smem:$0x3FFB];
	_ =	sdelay $0x3  }
0x92: {  	_ =	strace s17  }
0x93: {  	s2 =	sld [smem:$0x3FFC];
	_ =	sdelay $0x3  }
0x94: {  	_ =	strace s2  }
0x95: {  	s2 =	sld [smem:$0x3FFD];
	_ =	sdelay $0x3  }
0x96: {  	_ =	strace s2  }
0x97: {  	_ =	strace $0x8FFFFFFF  }
0x98: {  	s18 =	sld [smem:$0x3FDB];
	_ =	sdelay $0x1  }
0x99: {  	s19 =	simm.s32 $_scs_section_size  }
0x9a: {  	s4 =	simm.s32 $_size__tile_overlayer_lowered;
	s5 =	simm.s32 $_tile_overlayer_lowered  }
0x9b: {  	s22 =	simm.s32 $0x1BFF;
	s21 =	sshll.u32 s5, $0x1;
	s2 =	sadd.s32 s19, s18  }
0x9c: {  	s6 =	simm.s32 $0x0;
	s20 =	sshll.u32 s4, $0x1;
	s4 =	sadd.s32 s21, s2  }
0x9d: {  	[timem:s6], [sflag:s22] =	dma.local [hbm:s4], s20  }
0x9e: {  	_ =	swait.ge [sflag:s22], s20  }
0x9f: {  	s3 =	ssub.s32 $0x0, s20;
	[sflag:s22] =	ssyncset.done $0x0  }
0xa0: {  	[sflag:s22] =	ssyncadd.s32 s3;
	_ =	sdelay $0x1  }
0xa1: {  	s23 =	simm.s32 $0x1B8B  }
0xa2: {  	_ =	swait.ge [sflag:s23], $0x1  }
0xa3: {  	[sflag:s23] =	ssyncset.done $0x0  }
0xa4: {  	s25 =	simm.s32 $0x1B8E;
	s24 =	sld [smem:$0x3FFE];
	[sflag:s23] =	ssyncadd.s32 $0xFFFFFFFF  }
0xa5: {  	s26 =	simm.s32 $execute0_lowered;
	[smem:$0x3FD2] =	sst s25  }
0xa6: {  	s4 =	sshll.u32 s26, $0x1;
	_ =	strace $0x8000004C;
	[dreg:$0x1] =	wrdreg $0xFFFFFFFF  }
0xa7: {  	s28 =	simm.s32 $_size_execute0_lowered;
	s2 =	sadd.s32 s2, s4;
	[dreg:$0x0] =	wrdreg $0x0  }
0xa8: {  	s4 =	sshll.u32 s28, $0x1;
	[dreg:$0x2] =	wrdreg s2  }
0xa9: {  	[dreg:$0x3] =	wrdreg s4  }
0xaa: {  	[dreg:$0x4] =	wrdreg $0xC0  }
0xab: {  	_ =	task [dreg:s6], $0x5FFFF  }
0xac: {  	[dreg:$0x1] =	wrdreg $0xFFFFFFFF  }
0xad: {  	[dreg:$0x0] =	wrdreg $0x60  }
0xae: {  	[dreg:$0x2] =	wrdreg s24  }
0xaf: {  	[dreg:$0x3] =	wrdreg $0x9  }
0xb0: {  	_ =	task.clear_ibuf [dreg:s6], $0x4FFFF;
	_ =	strace $0x9000004C  }
0xb1: {  	s29 =	simm.s32 $0x9;
	_ =	strace $0x8000004E  }
0xb2: {  	_ =	swait.ge [sflag:s29], $0x1  }
0xb3: {  	[sflag:s29] =	ssyncadd.s32 $0xFFFFFFFF  }
0xb4: {  	_ =	strace $0x9000004E  }
0xb5: {  	_ =	sfence  }
0xb6: {  	s30 =	sld [smem:$0x0];
	_ =	sdelay $0x2  }
0xb7: {  	s31 =	sshll.u32 s1, $0xD;
	s1 =	sshrl.u32 s1, $0x2  }
0xb8: {  	s3 =	sand.u32 $0x4000, s31;
	s1 =	sadd.s32 s1, s30  }
0xb9: {  	s0 =	sor.u32 s3, s0;
	s1 =	sshll.u32 s1, $0x11  }
0xba: {  	s0 =	sor.u32 s1, s0  }
0xbb: {  	s0 =	sadd.s32 $0x8F2B, s0  }
0xbc: {  	[sflag:s0] =	ssyncadd.remote.s32 $0x1  }
0xbd: {  	_ =	sfence.sel $0xFFFF  }
0xbe: {  	[dreg:$0x0] =	wrdreg $0xFFFFFFFF;
	(pc) =	sbr.abs _section_cstart, $3  }
0xbf: {  	[dreg:$0x1] =	wrdreg $0xFFFFFFFF  }
0xc0: {  	_ =	task.clear_ibuf [dreg:s6], $0x2FFFF;
	_ =	strace $0x9FFFFFFF  }
0xc1: {  	(tm) =	ssettm $0x7FFFFFFF  }
tec
execute0_lowered:
.L_overlay_start_1:
0x0: {  	(tag) =	ssettag $0x1  }
0x1: {  	s4 =	rddreg [dreg:$0x0]  }
0x2: {  	s0 =	rddreg [dreg:$0x1];
	s2 =	simm.s32 $0x0  }
0x3: {  	s3 =	srdreg.scid;
	s1 =	stileid.u32;
	v10 =	vlaneseq.u32;
	s9 =	simm.s32 $0x1000  }
0x4: {  	s10 =	simm.s32 $0x80;
	s11 =	simm.s32 $0x3000;
	s12 =	simm.s32 $0xB000;
	v15 =	vmul.u32 $0x80, v10  }
0x5: {  	s13 =	simm.s32 $0x7000;
	s14 =	simm.s32 $0x1080;
	[smem:$0x7FF] =	sst s2  }
0x6: {  	s15 =	simm.s32 $0xF000;
	s16 =	simm.s32 $0x1;
	_ =	strace $0x8000004D;
	v39 =	vor.u32 $0x3000, v15;
	[tilespmem:$0x1FFE0] =	vst v15  }
0x7: {  	s17 =	simm.s32 $0x3;
	s18 =	simm.s32 $0x2;
	s19 =	simm.s32 $0x4;
	v40 =	vor.u32 $0x3800, v15;
	[tilespmem:$0x1FF80] =	vst v39  }
0x8: {  	s20 =	simm.s32 $0x2000;
	s21 =	simm.s32 $0x0;
	s3 =	sand.u32 $0x1, s3;
	v9 =	vor.u32 $0x2000, v15;
	[tilespmem:$0x1FF90] =	vst v40  }
.Ltmp0:
0x9: {  	s6 =	sshll.u32 s1, $0x9;
	s5 =	sshll.u32 s3, $0xD;
	v43 =	vor.u32 $0x2800, v15;
	[tilespmem:$0x1FFA0] =	vst v9;
	(pc) =	sbr.rel .LBB2_1-.Ltmp0, $4  }
0xa: {  	s28 =	simm.s32 $0x7;
	s7 =	ssub.s32 $0x2, s3;
	s5 =	sor.u32 s6, s5;
	v8 =	vor.u32 $0x1800, v15;
	[tilespmem:$0x1FFB0] =	vst v43  }
0xb: {  	s3 =	sadd.s32 $0x3800, s4;
	s31 =	sshrl.u32 s7, $0x1;
	v32 =	vor.u32 $0x1000, v15;
	s8 =	sadd.s32 s5, s4;
	[tilespmem:$0x1FFC0] =	vst v8  }
0xc: {  	v23 =	vor.u32 $0x800, v15;
	s7 =	ssub.s32 s7, s31;
	[tilespmem:$0x1FFD0] =	vst v32;
	s4 =	sadd.s32 $0xC7200, s8;
	s5 =	sadd.s32 $0xCB200, s8  }
0xd: {  	[tilespmem:$0x1FFF0] =	vst v23;
	s6 =	sadd.s32 $0x51A00, s8;
	s7 =	smax.u32 s7, $0x1;
	s8 =	simm.s32 $0x5  }
.LBB2_10:
0xe: {  	s21 =	sadd.s32 $0x1, s21  }
0xf: {  	p0 =	sne.s32 s21, s7  }
.Ltmp1:
0x10: {  	_ = 	snop;
	(pc) =	sbr.rel @!p0 .LBB2_11-.Ltmp1, $4  }
0x11: {  	[hbm4b:s6+s2] =	stream.linear.scatter [tilespmem:s20], [sflag:$0x5], $0xD00, $0x38;
	[tilespmem:$0x13000] =	vst v63  }
0x12: {  	_ =	swait.ge [sflag:s8], $0xD00  }
0x13: {  	v10 =	vlaneseq.u32;
	v15 =	vmov v34;
	[sflag:s8] =	ssyncset.done $0x0  }
0x14: {  	v23 =	vmovc v35;
	v32 =	vmovc v41;
	v8 =	vmov v47;
	v9 =	vmov v49;
	v43 =	vmov v39;
	v39 =	vld [tilespmem:$0x1FF80];
	[sflag:s8] =	ssyncadd.s32 $0xFFFFF300  }
.LBB2_1:
0x15: {  	[tilespmem:s2], [sflag:$0x5] =	stream.linear.gather [hbm4b:s4+s2], $0xD00, $0x38;
	[tilespmem:$0x13000] =	vst v63  }
0x16: {  	_ =	swait.ge [sflag:s8], $0xD00  }
0x17: {  	[sflag:s8] =	ssyncset.done $0x0  }
0x18: {  	[sflag:s8] =	ssyncadd.s32 $0xFFFFF300  }
0x19: {  	[tilespmem:s9], [sflag:$0x5] =	stream.linear.gather [hbm4b:s5+s2], $0xD00, $0x38;
	[tilespmem:$0x13000] =	vst v63  }
0x1a: {  	_ =	swait.ge [sflag:s8], $0xD00  }
0x1b: {  	[sflag:s8] =	ssyncset.done $0x0  }
0x1c: {  	s22 =	simm.s32 $0x0;
	[sflag:s8] =	ssyncadd.s32 $0xFFFFF300  }
0x1d: {  	v2 =	vld [tilespmem:s22+$0x0]  }
0x1e: {  	v4 =	vld [tilespmem:s22+$0x10]  }
0x1f: {  	v3 =	vld [tilespmem:s22+$0x20]  }
0x20: {  	v1 =	vld [tilespmem:s22+$0x30]  }
0x21: {  	v0 =	vld [tilespmem:s22+$0x40]  }
0x22: {  	v5 =	vadd.s32 $0x2710, v2;
	v2 =	vld [tilespmem:s22+$0x50]  }
0x23: {  	s23 =	simm.s32 $0x200;
	[tilespmem:s22+$0x0] =	vst v5;
	v5 =	vadd.s32 $0x2710, v4;
	v4 =	vld [tilespmem:s22+$0x60]  }
.LBB2_2:
0x24: {  	s24 =	sshra.s32 s23, $0x2;
	p0 =	sne.s32 s23, $0x3200;
	[tilespmem:s22+$0x10] =	vst v5;
	v3 =	vadd.s32 $0x2710, v3;
	v5 =	vld [tilespmem:s22+$0x70]  }
0x25: {  	v6 =	vld [tilespmem:s24+$0x0];
	[tilespmem:s22+$0x20] =	vst v3;
	v1 =	vadd.s32 $0x2710, v1  }
0x26: {  	v7 =	vld [tilespmem:s24+$0x10];
	[tilespmem:s22+$0x30] =	vst v1;
	v0 =	vadd.s32 $0x2710, v0  }
.Ltmp2:
0x27: {  	v3 =	vld [tilespmem:s24+$0x20];
	[tilespmem:s22+$0x40] =	vst v0;
	v0 =	vadd.s32 $0x2710, v2;
	(pc) =	sbr.rel @p0 .LBB2_2-.Ltmp2, $4  }
0x28: {  	v1 =	vld [tilespmem:s24+$0x30];
	[tilespmem:s22+$0x50] =	vst v0;
	v2 =	vadd.s32 $0x2710, v4  }
0x29: {  	v0 =	vld [tilespmem:s24+$0x40];
	[tilespmem:s22+$0x60] =	vst v2;
	v4 =	vadd.s32 $0x2710, v5  }
0x2a: {  	v5 =	vadd.s32 $0x2710, v6;
	v2 =	vld [tilespmem:s24+$0x50];
	[tilespmem:s22+$0x70] =	vst v4;
	s22 =	smov.u32 s24  }
0x2b: {  	s23 =	sadd.s32 $0x200, s23;
	[tilespmem:s22+$0x0] =	vst v5;
	v5 =	vadd.s32 $0x2710, v7;
	v4 =	vld [tilespmem:s22+$0x60]  }
0x2c: {  	[tilespmem:s22+$0x10] =	vst v5;
	v3 =	vadd.s32 $0x2710, v3;
	v60 =	vld [tilespmem:s22+$0x70]  }
0x2d: {  	[tilespmem:s22+$0x20] =	vst v3;
	v1 =	vadd.s32 $0x2710, v1  }
0x2e: {  	[tilespmem:s22+$0x30] =	vst v1;
	v0 =	vadd.s32 $0x2710, v0  }
0x2f: {  	[tilespmem:s22+$0x40] =	vst v0;
	v61 =	vadd.s32 $0x2710, v2  }
0x30: {  	[tilespmem:s22+$0x50] =	vst v61;
	v62 =	vadd.s32 $0x2710, v4  }
0x31: {  	[tilespmem:s22+$0x60] =	vst v62;
	v63 =	vadd.s32 $0x2710, v60  }
0x32: {  	[tilespmem:s22+$0x70] =	vst v63;
	s22 =	simm.s32 $0x0  }
0x33: {  	[tilespmem:s11], [sflag:$0x1] =	stream.indirect.gather [hbm4b:s3+s10], $0x80, s22, s10, $0xb8;
	[tilespmem:$0x13000] =	vst v63  }
0x34: {  	_ = 	snop  }
0x35: {  	[tilespmem:s12], [sflag:$0x3] =	stream.indirect.gather [hbm4b:s3+s10], $0x80, s9, s10, $0xb8;
	[tilespmem:$0x13000] =	vst v63  }
0x36: {  	_ = 	snop  }
0x37: {  	[tilespmem:s13], [sflag:$0x2] =	stream.indirect.gather [hbm4b:s3+s10], $0x80, s10, s10, $0xb8;
	[tilespmem:$0x13000] =	vst v63  }
0x38: {  	_ = 	snop  }
0x39: {  	[tilespmem:s15], [sflag:$0x4] =	stream.indirect.gather [hbm4b:s3+s10], $0x80, s14, s10, $0xb8;
	[tilespmem:$0x13000] =	vst v63  }
.LBB2_4:
0x3a: {  	s23 =	simm.s32 $0x7  }
0x3b: {  	v0 =	vadd.s32 s23, v10  }
0x3c: {  	_ =	swait.ge [sflag:s16], $0x4000;
	v30 =	vand.u32 $0x7F, v0  }
0x3d: {  	[sflag:s16] =	ssyncset.done $0x0;
	v1 =	vor.u32 v15, v30  }
0x3e: {  	[sflag:s16] =	ssyncadd.s32 $0xFFFFC000  }
0x3f: {  	_ =	swait.ge [sflag:s17], $0x4000;
	v7 =	vor.u32 v32, v30  }
0x40: {  	[sflag:s17] =	ssyncset.done $0x0  }
0x41: {  	[sflag:s17] =	ssyncadd.s32 $0xFFFFC000  }
0x42: {  	v45 =	vld.idx.msk [tilespmem:v1+s11+$0x0], $0xffff  }
0x43: {  	v38 =	vld.idx.msk [tilespmem:v1+s12+$0x0], $0xffff  }
0x44: {  	v1 =	vor.u32 v8, v30;
	v0 =	vld.idx.msk [tilespmem:v7+s11+$0x0], $0xffff;
	_ =	sdelay $0x4  }
0x45: {  	v13 =	vor.u32 v9, v30;
	[tilespmem:$0x1FD30] =	vst v0;
	v0 =	vld.idx.msk [tilespmem:v1+s11+$0x0], $0xffff;
	_ =	sdelay $0x4  }
0x46: {  	[tilespmem:$0x1FD40] =	vst v0;
	v0 =	vld.idx.msk [tilespmem:v13+s11+$0x0], $0xffff;
	_ =	sdelay $0x3  }
0x47: {  	v44 =	vld.idx.msk [tilespmem:v7+s12+$0x0], $0xffff  }
0x48: {  	v7 =	vor.u32 v43, v30;
	[tilespmem:$0x1FD50] =	vst v0;
	v0 =	vld.idx.msk [tilespmem:v13+s12+$0x0], $0xffff;
	_ =	sdelay $0x4  }
0x49: {  	[tilespmem:$0x1FD60] =	vst v0;
	v0 =	vld.idx.msk [tilespmem:v7+s11+$0x0], $0xffff;
	_ =	sdelay $0x3  }
0x4a: {  	v42 =	vld.idx.msk [tilespmem:v1+s12+$0x0], $0xffff  }
0x4b: {  	v1 =	vor.u32 v39, v30;
	[tilespmem:$0x1FD70] =	vst v0;
	v0 =	vld.idx.msk [tilespmem:v7+s12+$0x0], $0xffff;
	_ =	sdelay $0x1  }
0x4c: {  	v3 =	vor.u32 v23, v30;
	_ =	sdelay $0x2  }
0x4d: {  	[tilespmem:$0x1FD80] =	vst v0;
	v0 =	vld.idx.msk [tilespmem:v1+s11+$0x0], $0xffff;
	_ =	sdelay $0x1  }
0x4e: {  	s31 =	simm.s32 $0x6;
	v50 =	vld.idx.msk [tilespmem:v3+s11+$0x0], $0xffff  }
0x4f: {  	v46 =	vld.idx.msk [tilespmem:v3+s12+$0x0], $0xffff;
	v3 =	vadd.s32 s31, v10  }
0x50: {  	v21 =	vand.u32 $0x7F, v3  }
0x51: {  	v17 =	vor.u32 v15, v21;
	[tilespmem:$0x1FBF0] =	vst v0;
	v0 =	vld.idx.msk [tilespmem:v1+s12+$0x0], $0xffff;
	_ =	sdelay $0x4  }
0x52: {  	v18 =	vor.u32 v23, v21;
	[tilespmem:$0x1FC00] =	vst v0;
	v0 =	vld.idx.msk [tilespmem:v17+s11+$0x0], $0xffff;
	_ =	sdelay $0x4  }
0x53: {  	v7 =	vor.u32 v32, v21;
	[tilespmem:$0x1FD90] =	vst v0;
	v0 =	vld.idx.msk [tilespmem:v18+s11+$0x0], $0xffff;
	_ =	sdelay $0x4  }
0x54: {  	v1 =	vor.u32 v8, v21;
	[tilespmem:$0x1FDB0] =	vst v0;
	v0 =	vld.idx.msk [tilespmem:v7+s11+$0x0], $0xffff;
	_ =	sdelay $0x4  }
0x55: {  	v20 =	vor.u32 v9, v21;
	[tilespmem:$0x1FDD0] =	vst v0;
	v0 =	vld.idx.msk [tilespmem:v1+s11+$0x0], $0xffff;
	_ =	sdelay $0x4  }
0x56: {  	[tilespmem:$0x1FDF0] =	vst v0;
	v0 =	vld.idx.msk [tilespmem:v20+s11+$0x0], $0xffff;
	_ =	sdelay $0x3  }
0x57: {  	v52 =	vld.idx.msk [tilespmem:v7+s12+$0x0], $0xffff  }
0x58: {  	v7 =	vor.u32 v43, v21;
	[tilespmem:$0x1FE10] =	vst v0;
	v0 =	vld.idx.msk [tilespmem:v20+s12+$0x0], $0xffff;
	_ =	sdelay $0x4  }
0x59: {  	[tilespmem:$0x1FE20] =	vst v0;
	v0 =	vld.idx.msk [tilespmem:v7+s11+$0x0], $0xffff;
	_ =	sdelay $0x4  }
0x5a: {  	v26 =	vor.u32 v39, v21;
	[tilespmem:$0x1FE30] =	vst v0;
	v0 =	vld.idx.msk [tilespmem:v7+s12+$0x0], $0xffff;
	_ =	sdelay $0x4  }
0x5b: {  	[tilespmem:$0x1FE40] =	vst v0;
	v0 =	vld.idx.msk [tilespmem:v26+s11+$0x0], $0xffff;
	_ =	sdelay $0x1  }
0x5c: {  	s24 =	simm.s32 $0x5  }
0x5d: {  	v24 =	vadd.s32 s24, v10  }
0x5e: {  	v51 =	vand.u32 $0x7F, v24  }
0x5f: {  	v29 =	vor.u32 v23, v51;
	[tilespmem:$0x1FC10] =	vst v0;
	v0 =	vld.idx.msk [tilespmem:v26+s12+$0x0], $0xffff;
	_ =	sdelay $0x4  }
0x60: {  	v7 =	vor.u32 v32, v51;
	[tilespmem:$0x1FC20] =	vst v0;
	v0 =	vld.idx.msk [tilespmem:v29+s11+$0x0], $0xffff;
	_ =	sdelay $0x4  }
0x61: {  	v31 =	vor.u32 v8, v51;
	[tilespmem:$0x1FE60] =	vst v0;
	v0 =	vld.idx.msk [tilespmem:v7+s11+$0x0], $0xffff;
	_ =	sdelay $0x4  }
0x62: {  	v33 =	vor.u32 v9, v51;
	[tilespmem:$0x1FE70] =	vst v0;
	v0 =	vld.idx.msk [tilespmem:v31+s11+$0x0], $0xffff;
	_ =	sdelay $0x4  }
0x63: {  	[tilespmem:$0x1FE90] =	vst v0;
	v0 =	vld.idx.msk [tilespmem:v33+s11+$0x0], $0xffff;
	_ =	sdelay $0x4  }
0x64: {  	v34 =	vor.u32 v43, v51;
	[tilespmem:$0x1FEA0] =	vst v0;
	v0 =	vld.idx.msk [tilespmem:v33+s12+$0x0], $0xffff;
	_ =	sdelay $0x4  }
0x65: {  	[tilespmem:$0x1FEB0] =	vst v0;
	v0 =	vld.idx.msk [tilespmem:v34+s11+$0x0], $0xffff;
	_ =	sdelay $0x4  }
0x66: {  	v35 =	vor.u32 v39, v51;
	[tilespmem:$0x1FEC0] =	vst v0;
	v0 =	vld.idx.msk [tilespmem:v34+s12+$0x0], $0xffff;
	_ =	sdelay $0x4  }
0x67: {  	[tilespmem:$0x1FED0] =	vst v0;
	v0 =	vld.idx.msk [tilespmem:v35+s11+$0x0], $0xffff;
	_ =	sdelay $0x1  }
0x68: {  	s25 =	simm.s32 $0x4  }
0x69: {  	v41 =	vmov v9;
	v9 =	vld.idx.msk [tilespmem:v7+s12+$0x0], $0xffff;
	v7 =	vadd.s32 s25, v10  }
0x6a: {  	v13 =	vld.idx.msk [tilespmem:v17+s12+$0x0], $0xffff;
	v17 =	vand.u32 $0x7F, v7  }
0x6b: {  	v36 =	vor.u32 v15, v17;
	[tilespmem:$0x1FC30] =	vst v0;
	v0 =	vld.idx.msk [tilespmem:v35+s12+$0x0], $0xffff;
	_ =	sdelay $0x4  }
0x6c: {  	[tilespmem:$0x1FC40] =	vst v0;
	v0 =	vld.idx.msk [tilespmem:v36+s11+$0x0], $0xffff;
	_ =	sdelay $0x4  }
0x6d: {  	v37 =	vor.u32 v23, v17;
	[tilespmem:$0x1FEE0] =	vst v0;
	v0 =	vld.idx.msk [tilespmem:v36+s12+$0x0], $0xffff;
	_ =	sdelay $0x4  }
0x6e: {  	v47 =	vor.u32 v32, v17;
	[tilespmem:$0x1FEF0] =	vst v0;
	v0 =	vld.idx.msk [tilespmem:v37+s11+$0x0], $0xffff;
	_ =	sdelay $0x4  }
0x6f: {  	v48 =	vor.u32 v8, v17;
	[tilespmem:$0x1FF00] =	vst v0;
	v0 =	vld.idx.msk [tilespmem:v47+s11+$0x0], $0xffff;
	_ =	sdelay $0x4  }
0x70: {  	v49 =	vor.u32 v41, v17;
	[tilespmem:$0x1FF10] =	vst v0;
	v0 =	vld.idx.msk [tilespmem:v48+s11+$0x0], $0xffff;
	_ =	sdelay $0x4  }
0x71: {  	v55 =	vor.u32 v43, v17;
	[tilespmem:$0x1FF20] =	vst v0;
	v0 =	vld.idx.msk [tilespmem:v49+s11+$0x0], $0xffff;
	_ =	sdelay $0x4  }
0x72: {  	v57 =	vor.u32 v39, v17;
	[tilespmem:$0x1FF30] =	vst v0;
	v0 =	vld.idx.msk [tilespmem:v55+s11+$0x0], $0xffff;
	_ =	sdelay $0x4  }
0x73: {  	[tilespmem:$0x1FF50] =	vst v0;
	v0 =	vld.idx.msk [tilespmem:v57+s11+$0x0], $0xffff;
	_ =	sdelay $0x1  }
0x74: {  	s26 =	simm.s32 $0x3  }
0x75: {  	v56 =	vadd.s32 s26, v10  }
0x76: {  	v28 =	vand.u32 $0x7F, v56  }
0x77: {  	s29 =	simm.s32 $0x2;
	v59 =	vor.u32 v32, v28;
	[tilespmem:$0x1FC50] =	vst v0;
	v0 =	vld.idx.msk [tilespmem:v57+s12+$0x0], $0xffff  }
0x78: {  	v63 =	vadd.s32 s29, v10;
	v53 =	vld.idx.msk [tilespmem:v18+s12+$0x0], $0xffff  }
0x79: {  	v20 =	vmov v8;
	v18 =	vld.idx.msk [tilespmem:v47+s12+$0x0], $0xffff;
	v47 =	vor.u32 v8, v28;
	v8 =	vand.u32 $0x7F, v63  }
0x7a: {  	v34 =	vor.u32 v32, v8;
	_ =	sdelay $0x1  }
0x7b: {  	[tilespmem:$0x1FC60] =	vst v0;
	v0 =	vld.idx.msk [tilespmem:v59+s12+$0x0], $0xffff;
	_ =	sdelay $0x1  }
0x7c: {  	v54 =	vld.idx.msk [tilespmem:v1+s12+$0x0], $0xffff  }
0x7d: {  	v1 =	vld.idx.msk [tilespmem:v34+s11+$0x0], $0xffff;
	_ =	sdelay $0x1  }
0x7e: {  	[tilespmem:$0x1FC70] =	vst v0;
	v0 =	vld.idx.msk [tilespmem:v47+s11+$0x0], $0xffff;
	_ =	sdelay $0x2  }
0x7f: {  	[tilespmem:$0x1FCF0] =	vst v1;
	v1 =	vld.idx.msk [tilespmem:v34+s12+$0x0], $0xffff;
	_ =	sdelay $0x1  }
0x80: {  	s30 =	simm.s32 $0x1;
	v40 =	vor.u32 v41, v28;
	[tilespmem:$0x1FC80] =	vst v0;
	v0 =	vld.idx.msk [tilespmem:v47+s12+$0x0], $0xffff  }
0x81: {  	v58 =	vor.u32 v23, v28;
	v35 =	vadd.s32 s30, v10  }
0x82: {  	v7 =	vand.u32 $0x7F, v35  }
0x83: {  	[tilespmem:$0x1FD00] =	vst v1;
	v1 =	vor.u32 v23, v7;
	_ =	sdelay $0x1  }
0x84: {  	[tilespmem:$0x1FC90] =	vst v0;
	v0 =	vld.idx.msk [tilespmem:v40+s11+$0x0], $0xffff  }
0x85: {  	v62 =	vld.idx.msk [tilespmem:v58+s11+$0x0], $0xffff  }
0x86: {  	v12 =	vld.idx.msk [tilespmem:v58+s12+$0x0], $0xffff  }
0x87: {  	v58 =	vor.u32 v15, v8;
	v24 =	vld.idx.msk [tilespmem:v1+s12+$0x0], $0xffff  }
0x88: {  	v47 =	vld.idx.msk [tilespmem:v1+s11+$0x0], $0xffff  }
0x89: {  	v56 =	vor.u32 v43, v28;
	[tilespmem:$0x1FCA0] =	vst v0;
	v0 =	vld.idx.msk [tilespmem:v40+s12+$0x0], $0xffff  }
0x8a: {  	v1 =	vld [tilespmem:$0x1FD30];
	_ =	sdelay $0x1  }
0x8b: {  	v61 =	vld.idx.msk [tilespmem:v58+s11+$0x0], $0xffff  }
0x8c: {  	v16 =	vld.idx.msk [tilespmem:v58+s12+$0x0], $0xffff  }
0x8d: {  	[tilespmem:$0x1FCB0] =	vst v0;
	v0 =	vld.idx.msk [tilespmem:v56+s11+$0x0], $0xffff  }
0x8e: {  	v58 =	vmul.f32 v44, v1;
	v1 =	vld [tilespmem:$0x1FD40];
	_ =	sdelay $0x1  }
0x8f: {  	s31 =	simm.s32 $0x0  }
0x90: {  	v4 =	vadd.s32 s31, v10;
	v10 =	vld [tilespmem:$0x1FD60]  }
0x91: {  	[tilespmem:$0x1FCC0] =	vst v0;
	v0 =	vld.idx.msk [tilespmem:v56+s12+$0x0], $0xffff  }
0x92: {  	v56 =	vmul.f32 v42, v1;
	v1 =	vld [tilespmem:$0x1FD50];
	_ =	sdelay $0x4  }
0x93: {  	v33 =	vor.u32 v23, v8;
	v44 =	vmul.f32 v10, v1;
	v1 =	vld [tilespmem:$0x1FD70]  }
0x94: {  	v10 =	vld [tilespmem:$0x1FD80]  }
0x95: {  	v3 =	vand.u32 $0x7F, v4  }
0x96: {  	v4 =	vor.u32 v15, v3  }
0x97: {  	v57 =	vor.u32 v39, v28  }
0x98: {  	v14 =	vld.idx.msk [tilespmem:v33+s11+$0x0], $0xffff  }
0x99: {  	v42 =	vmul.f32 v10, v1;
	v1 =	vld [tilespmem:$0x1FD90]  }
0x9a: {  	v19 =	vld.idx.msk [tilespmem:v33+s12+$0x0], $0xffff  }
0x9b: {  	v33 =	vld.idx.msk [tilespmem:v4+s12+$0x0], $0xffff  }
0x9c: {  	v40 =	vld.idx.msk [tilespmem:v57+s11+$0x0], $0xffff  }
0x9d: {  	[tilespmem:$0x1FCD0] =	vst v0;
	v0 =	vld.idx.msk [tilespmem:v57+s12+$0x0], $0xffff  }
0x9e: {  	v57 =	vmul.f32 v38, v45;
	v38 =	vld.idx.msk [tilespmem:v4+s11+$0x0], $0xffff;
	v1 =	vmul.f32 v13, v1  }
0x9f: {  	v4 =	vld [tilespmem:$0x1FDF0]  }
0xa0: {  	[tilespmem:$0x1FDA0] =	vst v1;
	v1 =	vld [tilespmem:$0x1FDB0];
	_ =	sdelay $0x1  }
0xa1: {  	v6 =	vld.idx.msk [tilespmem:v48+s12+$0x0], $0xffff  }
0xa2: {  	v48 =	vld.idx.msk [tilespmem:v55+s12+$0x0], $0xffff  }
0xa3: {  	v55 =	vld.idx.msk [tilespmem:v59+s11+$0x0], $0xffff;
	v59 =	vor.u32 v20, v8;
	v4 =	vmul.f32 v54, v4  }
0xa4: {  	v27 =	vor.u32 v15, v51;
	v10 =	vld [tilespmem:$0x1FE20];
	v1 =	vmul.f32 v53, v1  }
0xa5: {  	[tilespmem:$0x1FE00] =	vst v4;
	v4 =	vld [tilespmem:$0x1FE10]  }
0xa6: {  	[tilespmem:$0x1FDC0] =	vst v1;
	v1 =	vld [tilespmem:$0x1FDD0];
	_ =	sdelay $0x1  }
0xa7: {  	v2 =	vld.idx.msk [tilespmem:v59+s11+$0x0], $0xffff  }
0xa8: {  	v25 =	vld.idx.msk [tilespmem:v27+s11+$0x0], $0xffff  }
0xa9: {  	v27 =	vld.idx.msk [tilespmem:v27+s12+$0x0], $0xffff  }
0xaa: {  	v1 =	vmul.f32 v52, v1;
	v52 =	vmul.f32 v10, v4;
	v4 =	vld [tilespmem:$0x1FE30]  }
0xab: {  	v10 =	vld [tilespmem:$0x1FE40]  }
0xac: {  	[tilespmem:$0x1FD10] =	vst v2;
	v2 =	vld.idx.msk [tilespmem:v59+s12+$0x0], $0xffff;
	_ =	sdelay $0x2  }
0xad: {  	v59 =	vmul.f32 v46, v50  }
0xae: {  	v46 =	vmul.f32 v10, v4;
	v4 =	vmul.f32 v27, v25  }
0xaf: {  	v29 =	vld.idx.msk [tilespmem:v29+s12+$0x0], $0xffff;
	[tilespmem:$0x1FD20] =	vst v2;
	v2 =	vor.u32 v32, v7  }
0xb0: {  	[tilespmem:$0x1FE50] =	vst v4;
	v4 =	vld [tilespmem:$0x1FE60];
	_ =	sdelay $0x1  }
0xb1: {  	[tilespmem:$0x1FCE0] =	vst v0;
	v0 =	vor.u32 v15, v7;
	_ =	sdelay $0x1  }
0xb2: {  	v50 =	vld.idx.msk [tilespmem:v2+s11+$0x0], $0xffff  }
0xb3: {  	v27 =	vmul.f32 v29, v4;
	v4 =	vld [tilespmem:$0x1FE70]  }
0xb4: {  	v45 =	vld.idx.msk [tilespmem:v2+s12+$0x0], $0xffff;
	v2 =	vor.u32 v32, v3  }
0xb5: {  	v63 =	vld.idx.msk [tilespmem:v0+s11+$0x0], $0xffff  }
0xb6: {  	v22 =	vld.idx.msk [tilespmem:v0+s12+$0x0], $0xffff;
	v0 =	vor.u32 v23, v3  }
0xb7: {  	v26 =	vld.idx.msk [tilespmem:v31+s12+$0x0], $0xffff  }
0xb8: {  	v5 =	vld.idx.msk [tilespmem:v37+s12+$0x0], $0xffff;
	[tilespmem:$0x1FDE0] =	vst v1;
	v1 =	vor.u32 v20, v3;
	v4 =	vmul.f32 v9, v4  }
0xb9: {  	v37 =	vor.u32 v15, v28;
	v15 =	vld.idx.msk [tilespmem:v2+s12+$0x0], $0xffff  }
0xba: {  	[tilespmem:$0x1FE80] =	vst v4;
	v4 =	vld [tilespmem:$0x1FE90]  }
0xbb: {  	v36 =	vld.idx.msk [tilespmem:v0+s11+$0x0], $0xffff  }
0xbc: {  	v31 =	vld.idx.msk [tilespmem:v0+s12+$0x0], $0xffff  }
0xbd: {  	v23 =	vld.idx.msk [tilespmem:v1+s11+$0x0], $0xffff  }
0xbe: {  	v9 =	vld [tilespmem:$0x1FEB0]  }
0xbf: {  	v26 =	vmul.f32 v26, v4;
	v4 =	vld [tilespmem:$0x1FEA0]  }
0xc0: {  	v0 =	vor.u32 v20, v7;
	v20 =	vld.idx.msk [tilespmem:v1+s12+$0x0], $0xffff  }
0xc1: {  	v1 =	vld [tilespmem:$0x1FF20]  }
0xc2: {  	v29 =	vld.idx.msk [tilespmem:v2+s11+$0x0], $0xffff  }
0xc3: {  	v2 =	vld [tilespmem:$0x1FEC0]  }
0xc4: {  	v53 =	vmul.f32 v9, v4;
	v4 =	vld [tilespmem:$0x1FED0];
	_ =	sdelay $0x2  }
0xc5: {  	v49 =	vld.idx.msk [tilespmem:v49+s12+$0x0], $0xffff  }
0xc6: {  	v6 =	vmul.f32 v6, v1;
	v1 =	vld [tilespmem:$0x1FF30]  }
0xc7: {  	v54 =	vmul.f32 v4, v2;
	v2 =	vld [tilespmem:$0x1FEE0]  }
0xc8: {  	v4 =	vld [tilespmem:$0x1FEF0];
	_ =	sdelay $0x3  }
0xc9: {  	v13 =	vor.u32 v43, v8;
	v1 =	vmul.f32 v49, v1  }
0xca: {  	v4 =	vmul.f32 v4, v2;
	v2 =	vld [tilespmem:$0x1FF00]  }
0xcb: {  	[tilespmem:$0x1FF40] =	vst v1;
	v1 =	vld [tilespmem:$0x1FF50]  }
0xcc: {  	v60 =	vld.idx.msk [tilespmem:v37+s11+$0x0], $0xffff;
	v10 =	vor.u32 v41, v8  }
0xcd: {  	v11 =	vld.idx.msk [tilespmem:v37+s12+$0x0], $0xffff  }
0xce: {  	v12 =	vmul.f32 v12, v62;
	v62 =	vld.idx.msk [tilespmem:v13+s11+$0x0], $0xffff  }
0xcf: {  	v5 =	vmul.f32 v5, v2;
	v2 =	vld [tilespmem:$0x1FF10]  }
0xd0: {  	v37 =	vld.idx.msk [tilespmem:v0+s12+$0x0], $0xffff;
	v1 =	vmul.f32 v48, v1  }
0xd1: {  	v16 =	vmul.f32 v16, v61;
	v19 =	vmul.f32 v19, v14;
	v14 =	vor.u32 v41, v7;
	v61 =	vld.idx.msk [tilespmem:v10+s11+$0x0], $0xffff  }
0xd2: {  	v22 =	vmul.f32 v22, v63;
	v63 =	vld.idx.msk [tilespmem:v10+s12+$0x0], $0xffff;
	[tilespmem:$0x1FF60] =	vst v1;
	v1 =	vor.u32 v39, v8  }
0xd3: {  	v33 =	vmul.f32 v33, v38;
	v48 =	vld [tilespmem:$0x1FF90]  }
0xd4: {  	v38 =	vmul.f32 v15, v29;
	v15 =	vor.u32 v43, v7;
	v2 =	vmul.f32 v18, v2;
	v18 =	vld.idx.msk [tilespmem:v0+s11+$0x0], $0xffff  }
0xd5: {  	v35 =	vimm.f32 $0.0e+00;
	v31 =	vmul.f32 v31, v36;
	v0 =	vld.idx.msk [tilespmem:v13+s12+$0x0], $0xffff  }
0xd6: {  	v11 =	vmul.f32 v11, v60;
	v24 =	vmul.f32 v24, v47;
	v36 =	vimm.f32 $0.0e+00;
	v10 =	vld.idx.msk [tilespmem:v14+s11+$0x0], $0xffff  }
0xd7: {  	v31 =	vadd.f32 v31, v35;
	v32 =	vadd.f32 v38, v35;
	v9 =	vor.u32 v39, v7;
	v49 =	vld.idx.msk [tilespmem:v1+s11+$0x0], $0xffff  }
0xd8: {  	v47 =	vor.u32 v48, v30;
	v25 =	vor.u32 v48, v51;
	v60 =	vor.u32 v48, v17;
	v13 =	vld.idx.msk [tilespmem:v14+s12+$0x0], $0xffff  }
0xd9: {  	v28 =	vor.u32 v48, v28;
	v7 =	vor.u32 v48, v7;
	v30 =	vadd.f32 v33, v35;
	v14 =	vld.idx.msk [tilespmem:v15+s11+$0x0], $0xffff  }
0xda: {  	v38 =	vimm.f32 $0.0e+00;
	v33 =	vor.u32 v41, v3;
	v15 =	vld.idx.msk [tilespmem:v15+s12+$0x0], $0xffff;
	[tilespmem:$0x1FF70] =	vst v0;
	v0 =	vmul.f32 v20, v23  }
0xdb: {  	v23 =	vmul.f32 v45, v50;
	v29 =	vmul.f32 v37, v18;
	v50 =	vld.idx.msk [tilespmem:v1+s12+$0x0], $0xffff;
	v45 =	vor.u32 v48, v21  }
0xdc: {  	v21 =	vor.u32 v43, v3;
	v20 =	vor.u32 v39, v3;
	v18 =	vor.u32 v48, v3;
	v3 =	vld.idx.msk [tilespmem:v9+s11+$0x0], $0xffff  }
0xdd: {  	s23 =	simm.s32 $0xF;
	v1 =	vor.u32 v48, v8;
	v8 =	vld.idx.msk [tilespmem:v9+s12+$0x0], $0xffff;
	v37 =	vimm.f32 $0.0e+00;
	v17 =	vadd.f32 v0, v35  }
.LBB2_5:
0xde: {  	v0 =	vld [tilespmem:$0x1FCF0]  }
0xdf: {  	v9 =	vld [tilespmem:$0x1FD00];
	_ =	sdelay $0x3  }
0xe0: {  	v34 =	vld.idx.msk [tilespmem:v33+s11+$0x0], $0xffff  }
0xe1: {  	v22 =	vadd.f32 v22, v30;
	v30 =	vmul.f32 v9, v0;
	v0 =	vld [tilespmem:$0x1FD10]  }
0xe2: {  	v9 =	vld [tilespmem:$0x1FD20]  }
0xe3: {  	v43 =	vld.idx.msk [tilespmem:v21+s11+$0x0], $0xffff;
	v24 =	vadd.f32 v24, v31  }
0xe4: {  	v16 =	vadd.f32 v16, v22;
	v22 =	vld [tilespmem:$0x1FC70]  }
0xe5: {  	v19 =	vadd.f32 v19, v24;
	v24 =	vld [tilespmem:$0x1FC80]  }
0xe6: {  	v11 =	vadd.f32 v11, v16;
	v16 =	vld [tilespmem:$0x1FCA0]  }
0xe7: {  	v17 =	vadd.f32 v29, v17;
	v12 =	vadd.f32 v12, v19;
	v19 =	vld [tilespmem:$0x1FCB0];
	v29 =	vmul.f32 v9, v0  }
0xe8: {  	v9 =	vld [tilespmem:$0x1FE50]  }
0xe9: {  	v17 =	vadd.f32 v29, v17;
	v29 =	vld [tilespmem:$0x1FC90]  }
0xea: {  	v21 =	vld.idx.msk [tilespmem:v21+s12+$0x0], $0xffff;
	v10 =	vmul.f32 v13, v10  }
0xeb: {  	v23 =	vadd.f32 v23, v32;
	v13 =	vmul.f32 v15, v14;
	v15 =	vld [tilespmem:$0x1FDA0];
	v4 =	vadd.f32 v4, v11  }
0xec: {  	v16 =	vmul.f32 v19, v16;
	v19 =	vld.idx.msk [tilespmem:v20+s12+$0x0], $0xffff  }
0xed: {  	v22 =	vmul.f32 v22, v55;
	v23 =	vadd.f32 v30, v23;
	v4 =	vadd.f32 v9, v4;
	v9 =	vld [tilespmem:$0x1FE80]  }
0xee: {  	v24 =	vmul.f32 v29, v24;
	v29 =	vld.idx.msk [tilespmem:v20+s11+$0x0], $0xffff  }
0xef: {  	v20 =	vadd.f32 v22, v23;
	v22 =	vld [tilespmem:$0x1FCC0]  }
0xf0: {  	v23 =	vld [tilespmem:$0x1FCD0];
	v17 =	vadd.f32 v24, v17  }
0xf1: {  	v4 =	vadd.f32 v15, v4;
	v15 =	vld [tilespmem:$0x1FDC0]  }
0xf2: {  	v6 =	vadd.f32 v6, v17;
	v17 =	vld [tilespmem:$0x1FDE0]  }
0xf3: {  	v31 =	vld.idx.msk [tilespmem:v33+s12+$0x0], $0xffff;
	v5 =	vadd.f32 v5, v12;
	v2 =	vadd.f32 v2, v20  }
0xf4: {  	v11 =	vld.idx.msk [tilespmem:v18+s12+$0x0], $0xffff  }
0xf5: {  	v12 =	vld.idx.msk [tilespmem:v7+s11+$0x0], $0xffff;
	v5 =	vadd.f32 v27, v5;
	v2 =	vadd.f32 v9, v2  }
0xf6: {  	v4 =	vadd.f32 v57, v4;
	v22 =	vmul.f32 v23, v22;
	v23 =	vld.idx.msk [tilespmem:v18+s11+$0x0], $0xffff  }
0xf7: {  	v5 =	vadd.f32 v15, v5;
	v2 =	vadd.f32 v17, v2;
	v17 =	vld [tilespmem:$0x1FE00]  }
0xf8: {  	v7 =	vld.idx.msk [tilespmem:v7+s12+$0x0], $0xffff  }
0xf9: {  	v14 =	vld.idx.msk [tilespmem:v1+s11+$0x0], $0xffff;
	[tilespmem:$0x1FB90] =	vst v4;
	v4 =	vadd.f32 v59, v5  }
0xfa: {  	v1 =	vld.idx.msk [tilespmem:v1+s12+$0x0], $0xffff;
	v6 =	vadd.f32 v26, v6  }
0xfb: {  	v18 =	vld.idx.msk [tilespmem:v28+s11+$0x0], $0xffff;
	[tilespmem:$0x1FBA0] =	vst v4;
	v4 =	vmul.f32 v11, v23  }
0xfc: {  	v5 =	vld.idx.msk [tilespmem:v28+s12+$0x0], $0xffff;
	v2 =	vadd.f32 v58, v2;
	v6 =	vadd.f32 v17, v6  }
0xfd: {  	v3 =	vmul.f32 v8, v3;
	v8 =	vld.idx.msk [tilespmem:v60+s11+$0x0], $0xffff;
	v7 =	vmul.f32 v7, v12;
	v4 =	vadd.f32 v4, v36  }
0xfe: {  	v9 =	vmul.f32 v31, v34;
	v11 =	vld.idx.msk [tilespmem:v60+s12+$0x0], $0xffff;
	[tilespmem:$0x1FBC0] =	vst v2;
	v2 =	vadd.f32 v56, v6  }
0xff: {  	v1 =	vmul.f32 v1, v14;
	v4 =	vadd.f32 v7, v4  }
0x100: {  	[tilespmem:$0x1FBD0] =	vst v2;
	v2 =	vadd.f32 v9, v35  }
0x101: {  	v1 =	vadd.f32 v1, v4;
	v4 =	vmul.f32 v5, v18  }
0x102: {  	v0 =	vld [tilespmem:$0x1FF70];
	v24 =	vmul.f32 v63, v61;
	v2 =	vadd.f32 v10, v2  }
0x103: {  	v15 =	vmul.f32 v21, v43;
	v1 =	vadd.f32 v4, v1;
	v4 =	vmul.f32 v11, v8;
	v8 =	vld [tilespmem:$0x1FF40]  }
0x104: {  	v2 =	vadd.f32 v24, v2  }
0x105: {  	v12 =	vld.idx.msk [tilespmem:v25+s11+$0x0], $0xffff;
	v17 =	vmul.f32 v19, v29;
	v6 =	vadd.f32 v15, v38  }
0x106: {  	v7 =	vld.idx.msk [tilespmem:v25+s12+$0x0], $0xffff;
	v2 =	vadd.f32 v16, v2  }
0x107: {  	v0 =	vmul.f32 v0, v62;
	v5 =	vld.idx.msk [tilespmem:v45+s12+$0x0], $0xffff;
	v9 =	vadd.f32 v17, v37;
	v6 =	vadd.f32 v13, v6  }
0x108: {  	v2 =	vadd.f32 v8, v2;
	v8 =	vld [tilespmem:$0x1FF60]  }
0x109: {  	v10 =	vmul.f32 v50, v49;
	v3 =	vadd.f32 v3, v9;
	v0 =	vadd.f32 v0, v6;
	v6 =	vld [tilespmem:$0x1FCE0]  }
0x10a: {  	v13 =	vld [tilespmem:$0x1FC60]  }
0x10b: {  	v3 =	vadd.f32 v10, v3;
	v0 =	vadd.f32 v22, v0;
	v10 =	vld [tilespmem:$0x1FC50]  }
0x10c: {  	v11 =	vld [tilespmem:$0x1FC40]  }
0x10d: {  	v0 =	vadd.f32 v8, v0;
	v8 =	vld [tilespmem:$0x1FC30]  }
0x10e: {  	v9 =	vld.idx.msk [tilespmem:v45+s11+$0x0], $0xffff;
	v6 =	vmul.f32 v6, v40;
	_ =	sdelay $0x1  }
0x10f: {  	v10 =	vmul.f32 v13, v10;
	v3 =	vadd.f32 v6, v3  }
0x110: {  	v1 =	vadd.f32 v4, v1;
	v4 =	vmul.f32 v7, v12;
	v7 =	vld [tilespmem:$0x1FC10]  }
0x111: {  	v3 =	vadd.f32 v10, v3;
	v10 =	vld [tilespmem:$0x1FC20];
	v8 =	vmul.f32 v11, v8  }
0x112: {  	v1 =	vadd.f32 v4, v1;
	v4 =	vmul.f32 v5, v9;
	v5 =	vld [tilespmem:$0x1FBF0]  }
0x113: {  	v3 =	vadd.f32 v8, v3;
	v8 =	vld [tilespmem:$0x1FC00]  }
0x114: {  	v13 =	vld.idx.msk [tilespmem:v47+s11+$0x0], $0xffff;
	v0 =	vadd.f32 v54, v0  }
0x115: {  	v6 =	vld.idx.msk [tilespmem:v47+s12+$0x0], $0xffff  }
0x116: {  	v7 =	vmul.f32 v10, v7;
	v0 =	vadd.f32 v46, v0;
	_ =	sdelay $0x1  }
0x117: {  	v0 =	vadd.f32 v42, v0;
	v3 =	vadd.f32 v7, v3;
	v5 =	vmul.f32 v8, v5  }
0x118: {  	v42 =	vld [tilespmem:$0x1FFE0]  }
0x119: {  	v1 =	vadd.f32 v4, v1;
	v4 =	vmul.f32 v6, v13;
	[tilespmem:$0x1FBE0] =	vst v0;
	v0 =	vadd.f32 v5, v3  }
0x11a: {  	v41 =	vlaneseq.u32  }
0x11b: {  	v6 =	vadd.s32 s23, v41;
	[tilespmem:$0x1FB50] =	vst v0;
	v0 =	vadd.f32 v4, v1  }
0x11c: {  	v23 =	vand.u32 $0x7F, v6  }
0x11d: {  	v46 =	vld [tilespmem:$0x1FFF0];
	[tilespmem:$0x1FB70] =	vst v0;
	v0 =	vor.u32 v42, v23  }
0x11e: {  	v4 =	vld [tilespmem:$0x1FFC0];
	_ =	sdelay $0x2  }
0x11f: {  	v2 =	vadd.f32 v53, v2;
	v53 =	vld [tilespmem:$0x1FFD0]  }
0x120: {  	v1 =	vor.u32 v46, v23;
	v45 =	vld.idx.msk [tilespmem:v0+s11+$0x0], $0xffff  }
0x121: {  	v2 =	vadd.f32 v52, v2;
	v55 =	vld.idx.msk [tilespmem:v0+s12+$0x0], $0xffff;
	v0 =	vor.u32 v4, v23  }
0x122: {  	v57 =	vld [tilespmem:$0x1FFA0]  }
0x123: {  	v2 =	vadd.f32 v44, v2  }
0x124: {  	v56 =	vld [tilespmem:$0x1FFB0]  }
0x125: {  	[tilespmem:$0x1FB60] =	vst v2;
	v2 =	vor.u32 v53, v23;
	v58 =	vld.idx.msk [tilespmem:v1+s11+$0x0], $0xffff  }
0x126: {  	v3 =	vld.idx.msk [tilespmem:v0+s11+$0x0], $0xffff  }
0x127: {  	v9 =	vld.idx.msk [tilespmem:v1+s12+$0x0], $0xffff;
	v1 =	vor.u32 v57, v23;
	_ =	sdelay $0x1  }
0x128: {  	v0 =	vld.idx.msk [tilespmem:v0+s12+$0x0], $0xffff  }
0x129: {  	s24 =	sadd.s32 $0xFFFFFFFF, s23;
	v59 =	vld.idx.msk [tilespmem:v2+s11+$0x0], $0xffff  }
0x12a: {  	v61 =	vld.idx.msk [tilespmem:v2+s12+$0x0], $0xffff;
	[tilespmem:$0x1F9F0] =	vst v3;
	v3 =	vadd.s32 s24, v41  }
0x12b: {  	v2 =	vor.u32 v56, v23;
	v44 =	vand.u32 $0x7F, v3;
	v3 =	vld.idx.msk [tilespmem:v1+s11+$0x0], $0xffff  }
0x12c: {  	v1 =	vld.idx.msk [tilespmem:v1+s12+$0x0], $0xffff  }
0x12d: {  	[tilespmem:$0x1FA00] =	vst v0;
	v0 =	vor.u32 v39, v23;
	_ =	sdelay $0x2  }
0x12e: {  	v25 =	vld.idx.msk [tilespmem:v2+s12+$0x0], $0xffff  }
0x12f: {  	[tilespmem:$0x1FA20] =	vst v1;
	v1 =	vld.idx.msk [tilespmem:v2+s11+$0x0], $0xffff  }
0x130: {  	v2 =	vld.idx.msk [tilespmem:v0+s11+$0x0], $0xffff  }
0x131: {  	[tilespmem:$0x1FA10] =	vst v3;
	v3 =	vor.u32 v42, v44;
	v0 =	vld.idx.msk [tilespmem:v0+s12+$0x0], $0xffff;
	_ =	sdelay $0x4  }
0x132: {  	[tilespmem:$0x1FC00] =	vst v0;
	v0 =	vld.idx.msk [tilespmem:v3+s11+$0x0], $0xffff  }
0x133: {  	[tilespmem:$0x1FA30] =	vst v1;
	v1 =	vor.u32 v46, v44;
	_ =	sdelay $0x3  }
0x134: {  	[tilespmem:$0x1FA40] =	vst v0;
	v0 =	vld.idx.msk [tilespmem:v3+s12+$0x0], $0xffff  }
0x135: {  	[tilespmem:$0x1FBF0] =	vst v2;
	v2 =	vor.u32 v53, v44;
	v3 =	vld.idx.msk [tilespmem:v1+s11+$0x0], $0xffff  }
0x136: {  	v1 =	vld.idx.msk [tilespmem:v1+s12+$0x0], $0xffff;
	_ =	sdelay $0x3  }
0x137: {  	[tilespmem:$0x1FA60] =	vst v3;
	v3 =	vld.idx.msk [tilespmem:v2+s11+$0x0], $0xffff  }
0x138: {  	[tilespmem:$0x1FA70] =	vst v1;
	v1 =	vor.u32 v57, v44  }
0x139: {  	v2 =	vld.idx.msk [tilespmem:v2+s12+$0x0], $0xffff;
	_ =	sdelay $0x1  }
0x13a: {  	s31 =	sadd.s32 $0xFFFFFFFE, s23;
	[tilespmem:$0x1FA50] =	vst v0  }
0x13b: {  	v0 =	vor.u32 v4, v44;
	[tilespmem:$0x1FA80] =	vst v3;
	v3 =	vadd.s32 s31, v41  }
0x13c: {  	v15 =	vand.u32 $0x7F, v3;
	v3 =	vld.idx.msk [tilespmem:v1+s11+$0x0], $0xffff  }
0x13d: {  	[tilespmem:$0x1FA90] =	vst v2;
	v2 =	vor.u32 v56, v44;
	v1 =	vld.idx.msk [tilespmem:v1+s12+$0x0], $0xffff;
	_ =	sdelay $0x2  }
0x13e: {  	v60 =	vld.idx.msk [tilespmem:v0+s11+$0x0], $0xffff  }
0x13f: {  	v52 =	vld.idx.msk [tilespmem:v0+s12+$0x0], $0xffff  }
0x140: {  	[tilespmem:$0x1FAB0] =	vst v1;
	v1 =	vld.idx.msk [tilespmem:v2+s11+$0x0], $0xffff  }
0x141: {  	v0 =	vor.u32 v39, v44;
	v2 =	vld.idx.msk [tilespmem:v2+s12+$0x0], $0xffff;
	_ =	sdelay $0x4  }
0x142: {  	[tilespmem:$0x1FAD0] =	vst v2;
	v2 =	vld.idx.msk [tilespmem:v0+s11+$0x0], $0xffff  }
0x143: {  	[tilespmem:$0x1FAA0] =	vst v3;
	v3 =	vor.u32 v42, v15;
	v0 =	vld.idx.msk [tilespmem:v0+s12+$0x0], $0xffff;
	_ =	sdelay $0x3  }
0x144: {  	[tilespmem:$0x1FAC0] =	vst v1  }
0x145: {  	v1 =	vor.u32 v46, v15;
	[tilespmem:$0x1FC20] =	vst v0;
	v0 =	vld.idx.msk [tilespmem:v3+s11+$0x0], $0xffff  }
0x146: {  	[tilespmem:$0x1FC10] =	vst v2;
	v2 =	vor.u32 v53, v15;
	_ =	sdelay $0x2  }
0x147: {  	v49 =	vld.idx.msk [tilespmem:v3+s12+$0x0], $0xffff  }
0x148: {  	v28 =	vld.idx.msk [tilespmem:v1+s11+$0x0], $0xffff;
	[tilespmem:$0x1FAE0] =	vst v0;
	v0 =	vor.u32 v4, v15  }
0x149: {  	v3 =	vld.idx.msk [tilespmem:v2+s11+$0x0], $0xffff  }
0x14a: {  	v27 =	vld.idx.msk [tilespmem:v1+s12+$0x0], $0xffff;
	v1 =	vor.u32 v57, v15;
	_ =	sdelay $0x2  }
0x14b: {  	s25 =	sadd.s32 $0xFFFFFFFD, s23;
	v32 =	vld.idx.msk [tilespmem:v0+s11+$0x0], $0xffff  }
0x14c: {  	[tilespmem:$0x1FAF0] =	vst v3;
	v3 =	vadd.s32 s25, v41;
	v26 =	vld.idx.msk [tilespmem:v0+s12+$0x0], $0xffff  }
0x14d: {  	v29 =	vand.u32 $0x7F, v3;
	v3 =	vld.idx.msk [tilespmem:v1+s11+$0x0], $0xffff  }
0x14e: {  	v0 =	vor.u32 v39, v15;
	v1 =	vld.idx.msk [tilespmem:v1+s12+$0x0], $0xffff;
	_ =	sdelay $0x4  }
0x14f: {  	[tilespmem:$0x1FB10] =	vst v1;
	v1 =	vld.idx.msk [tilespmem:v0+s11+$0x0], $0xffff  }
0x150: {  	[tilespmem:$0x1FB00] =	vst v3;
	v3 =	vor.u32 v42, v29;
	v0 =	vld.idx.msk [tilespmem:v0+s12+$0x0], $0xffff;
	_ =	sdelay $0x4  }
0x151: {  	[tilespmem:$0x1FC40] =	vst v0;
	v0 =	vld.idx.msk [tilespmem:v3+s11+$0x0], $0xffff;
	_ =	sdelay $0x2  }
0x152: {  	v54 =	vld.idx.msk [tilespmem:v2+s12+$0x0], $0xffff;
	v2 =	vor.u32 v56, v15;
	_ =	sdelay $0x1  }
0x153: {  	[tilespmem:$0x1FB20] =	vst v0;
	v0 =	vld.idx.msk [tilespmem:v3+s12+$0x0], $0xffff;
	_ =	sdelay $0x2  }
0x154: {  	v30 =	vld.idx.msk [tilespmem:v2+s11+$0x0], $0xffff  }
0x155: {  	v16 =	vld.idx.msk [tilespmem:v2+s12+$0x0], $0xffff;
	v2 =	vor.u32 v53, v29  }
0x156: {  	[tilespmem:$0x1FB30] =	vst v0;
	v0 =	vor.u32 v4, v29;
	_ =	sdelay $0x3  }
0x157: {  	v17 =	vor.u32 v56, v29;
	[tilespmem:$0x1FC30] =	vst v1;
	v1 =	vld.idx.msk [tilespmem:v2+s11+$0x0], $0xffff  }
0x158: {  	v12 =	vld.idx.msk [tilespmem:v0+s11+$0x0], $0xffff  }
0x159: {  	v6 =	vld.idx.msk [tilespmem:v0+s12+$0x0], $0xffff;
	v0 =	vor.u32 v39, v29;
	_ =	sdelay $0x1  }
0x15a: {  	s26 =	sadd.s32 $0xFFFFFFFC, s23  }
0x15b: {  	v7 =	vadd.s32 s26, v41;
	v8 =	vld.idx.msk [tilespmem:v17+s11+$0x0], $0xffff  }
0x15c: {  	v18 =	vand.u32 $0x7F, v7;
	v7 =	vld.idx.msk [tilespmem:v17+s12+$0x0], $0xffff  }
0x15d: {  	v17 =	vor.u32 v53, v18;
	[tilespmem:$0x1FB40] =	vst v1;
	v1 =	vld.idx.msk [tilespmem:v0+s11+$0x0], $0xffff;
	_ =	sdelay $0x3  }
0x15e: {  	v0 =	vld.idx.msk [tilespmem:v0+s12+$0x0], $0xffff  }
0x15f: {  	[tilespmem:$0x1FC50] =	vst v1;
	v1 =	vld.idx.msk [tilespmem:v17+s11+$0x0], $0xffff;
	_ =	sdelay $0x1  }
0x160: {  	v3 =	vor.u32 v57, v29;
	_ =	sdelay $0x1  }
0x161: {  	v47 =	vor.u32 v57, v18;
	[tilespmem:$0x1FC60] =	vst v0  }
0x162: {  	v0 =	vor.u32 v4, v18;
	[tilespmem:$0x1FBB0] =	vst v1;
	v1 =	vld.idx.msk [tilespmem:v17+s12+$0x0], $0xffff;
	_ =	sdelay $0x1  }
0x163: {  	v11 =	vld.idx.msk [tilespmem:v3+s11+$0x0], $0xffff  }
0x164: {  	v10 =	vld.idx.msk [tilespmem:v3+s12+$0x0], $0xffff  }
0x165: {  	v3 =	vld.idx.msk [tilespmem:v47+s11+$0x0], $0xffff  }
0x166: {  	[tilespmem:$0x1FC70] =	vst v1;
	v1 =	vld.idx.msk [tilespmem:v0+s11+$0x0], $0xffff  }
0x167: {  	v0 =	vld.idx.msk [tilespmem:v0+s12+$0x0], $0xffff;
	_ =	sdelay $0x1  }
0x168: {  	v20 =	vor.u32 v46, v18;
	_ =	sdelay $0x1  }
0x169: {  	[tilespmem:$0x1FCA0] =	vst v3;
	v3 =	vld.idx.msk [tilespmem:v47+s12+$0x0], $0xffff;
	v17 =	vor.u32 v56, v18  }
0x16a: {  	[tilespmem:$0x1FC90] =	vst v0;
	v0 =	vor.u32 v39, v18;
	_ =	sdelay $0x1  }
0x16b: {  	v22 =	vld.idx.msk [tilespmem:v20+s11+$0x0], $0xffff  }
0x16c: {  	v21 =	vld.idx.msk [tilespmem:v20+s12+$0x0], $0xffff  }
0x16d: {  	[tilespmem:$0x1FCB0] =	vst v3;
	v3 =	vld.idx.msk [tilespmem:v17+s11+$0x0], $0xffff  }
0x16e: {  	v20 =	vld.idx.msk [tilespmem:v0+s11+$0x0], $0xffff  }
0x16f: {  	v0 =	vld.idx.msk [tilespmem:v0+s12+$0x0], $0xffff  }
0x170: {  	s29 =	sadd.s32 $0xFFFFFFFB, s23  }
0x171: {  	v50 =	vadd.s32 s29, v41;
	v19 =	vor.u32 v42, v18  }
0x172: {  	[tilespmem:$0x1FC80] =	vst v1;
	v1 =	vand.u32 $0x7F, v50  }
0x173: {  	[tilespmem:$0x1FCC0] =	vst v3;
	v3 =	vld.idx.msk [tilespmem:v17+s12+$0x0], $0xffff;
	v17 =	vor.u32 v53, v1  }
0x174: {  	[tilespmem:$0x1FCE0] =	vst v0;
	v0 =	vor.u32 v4, v1;
	_ =	sdelay $0x1  }
0x175: {  	v33 =	vld.idx.msk [tilespmem:v19+s11+$0x0], $0xffff  }
0x176: {  	v24 =	vld.idx.msk [tilespmem:v19+s12+$0x0], $0xffff;
	v51 =	vor.u32 v42, v1  }
0x177: {  	v37 =	vld.idx.msk [tilespmem:v17+s11+$0x0], $0xffff  }
0x178: {  	v63 =	vor.u32 v57, v1;
	v40 =	vld.idx.msk [tilespmem:v0+s11+$0x0], $0xffff  }
0x179: {  	v0 =	vld.idx.msk [tilespmem:v0+s12+$0x0], $0xffff  }
0x17a: {  	v9 =	vmul.f32 v9, v58;
	v58 =	vld [tilespmem:$0x1FA10]  }
0x17b: {  	s30 =	sadd.s32 $0xFFFFFFFA, s23;
	v50 =	vor.u32 v39, v1;
	v19 =	vld.idx.msk [tilespmem:v51+s11+$0x0], $0xffff  }
0x17c: {  	v43 =	vadd.s32 s30, v41;
	v17 =	vld.idx.msk [tilespmem:v17+s12+$0x0], $0xffff  }
0x17d: {  	v13 =	vld.idx.msk [tilespmem:v63+s11+$0x0], $0xffff;
	[tilespmem:$0x1FCF0] =	vst v37;
	v37 =	vand.u32 $0x7F, v43  }
0x17e: {  	[tilespmem:$0x1FD20] =	vst v0;
	v0 =	vld.idx.msk [tilespmem:v63+s12+$0x0], $0xffff;
	v63 =	vor.u32 v46, v37  }
0x17f: {  	v35 =	vld.idx.msk [tilespmem:v51+s12+$0x0], $0xffff  }
0x180: {  	v34 =	vld.idx.msk [tilespmem:v50+s11+$0x0], $0xffff  }
0x181: {  	v62 =	vor.u32 v46, v1;
	v51 =	vld.idx.msk [tilespmem:v50+s12+$0x0], $0xffff  }
0x182: {  	v50 =	vld [tilespmem:$0x1FA00]  }
0x183: {  	[tilespmem:$0x1FD00] =	vst v17;
	v17 =	vor.u32 v56, v1;
	v43 =	vld.idx.msk [tilespmem:v63+s11+$0x0], $0xffff  }
0x184: {  	[tilespmem:$0x1FD10] =	vst v40;
	v40 =	vld.idx.msk [tilespmem:v63+s12+$0x0], $0xffff  }
0x185: {  	v63 =	vmul.f32 v61, v59;
	v61 =	vld [tilespmem:$0x1F9F0]  }
0x186: {  	v36 =	vld.idx.msk [tilespmem:v62+s11+$0x0], $0xffff  }
0x187: {  	v14 =	vld.idx.msk [tilespmem:v62+s12+$0x0], $0xffff;
	v62 =	vor.u32 v42, v37  }
0x188: {  	[tilespmem:$0x1FB80] =	vst v0;
	v0 =	vld.idx.msk [tilespmem:v17+s12+$0x0], $0xffff  }
0x189: {  	v59 =	vld [tilespmem:$0x1FA20]  }
0x18a: {  	v61 =	vmul.f32 v50, v61;
	v50 =	vld [tilespmem:$0x1FA30]  }
0x18b: {  	s31 =	sadd.s32 $0xFFFFFFF9, s23;
	[tilespmem:$0x1FCD0] =	vst v3;
	v3 =	vld.idx.msk [tilespmem:v17+s11+$0x0], $0xffff  }
0x18c: {  	v39 =	vld.idx.msk [tilespmem:v62+s12+$0x0], $0xffff;
	v17 =	vadd.s32 s31, v41  }
0x18d: {  	v41 =	vor.u32 v53, v37;
	v17 =	vand.u32 $0x7F, v17;
	[tilespmem:$0x1FF70] =	vst v0;
	v0 =	vld.idx.msk [tilespmem:v62+s11+$0x0], $0xffff  }
0x18e: {  	v62 =	vmul.f32 v55, v45;
	v45 =	vor.u32 v48, v44;
	v44 =	vor.u32 v53, v17;
	v53 =	vld [tilespmem:$0x1FA50]  }
0x18f: {  	v59 =	vmul.f32 v59, v58;
	v58 =	vmul.f32 v25, v50;
	v25 =	vor.u32 v48, v15;
	v15 =	vld [tilespmem:$0x1FA40];
	_ =	sdelay $0x4  }
0x190: {  	v15 =	vmul.f32 v53, v15  }
0x191: {  	v5 =	vor.u32 v46, v29;
	v47 =	vor.u32 v48, v23;
	v23 =	vor.u32 v46, v17;
	v46 =	vld [tilespmem:$0x1FA70]  }
0x192: {  	[tilespmem:$0x1FDA0] =	vst v15;
	v15 =	vld [tilespmem:$0x1FA60];
	_ =	sdelay $0x4  }
0x193: {  	v15 =	vmul.f32 v46, v15;
	v46 =	vld [tilespmem:$0x1FF90];
	_ =	sdelay $0x1  }
0x194: {  	v60 =	vmul.f32 v52, v60;
	v52 =	vld [tilespmem:$0x1FAB0]  }
0x195: {  	v48 =	vld [tilespmem:$0x1FA80]  }
0x196: {  	v53 =	vld [tilespmem:$0x1FA90]  }
0x197: {  	[tilespmem:$0x1FE00] =	vst v60;
	v60 =	vor.u32 v46, v29;
	v29 =	vld [tilespmem:$0x1FAA0];
	_ =	sdelay $0x1  }
0x198: {  	v27 =	vmul.f32 v27, v28;
	v28 =	vld [tilespmem:$0x1FF90]  }
0x199: {  	v31 =	vld.idx.msk [tilespmem:v5+s11+$0x0], $0xffff;
	v42 =	vor.u32 v42, v17  }
0x19a: {  	v38 =	vmul.f32 v53, v48;
	v53 =	vld [tilespmem:$0x1FAD0]  }
0x19b: {  	v52 =	vmul.f32 v52, v29;
	v29 =	vld [tilespmem:$0x1FAC0]  }
0x19c: {  	v5 =	vld.idx.msk [tilespmem:v5+s12+$0x0], $0xffff  }
0x19d: {  	v2 =	vld.idx.msk [tilespmem:v2+s12+$0x0], $0xffff  }
0x19e: {  	v26 =	vmul.f32 v26, v32;
	v32 =	vor.u32 v57, v37;
	v50 =	vld.idx.msk [tilespmem:v42+s11+$0x0], $0xffff  }
0x19f: {  	v7 =	vmul.f32 v7, v8;
	[tilespmem:$0x1FDC0] =	vst v15;
	v15 =	vld.idx.msk [tilespmem:v42+s12+$0x0], $0xffff  }
0x1a0: {  	v42 =	vor.u32 v4, v17;
	v46 =	vmul.f32 v53, v29;
	v29 =	vor.u32 v4, v37;
	v4 =	vld [tilespmem:$0x1FAE0]  }
0x1a1: {  	[tilespmem:$0x1FF60] =	vst v7;
	v7 =	vld [tilespmem:$0x1FF90];
	v10 =	vmul.f32 v10, v11  }
0x1a2: {  	v6 =	vmul.f32 v6, v12;
	v12 =	vld [tilespmem:$0x1FF80]  }
0x1a3: {  	[tilespmem:$0x1FF40] =	vst v10;
	v10 =	vld.idx.msk [tilespmem:v32+s11+$0x0], $0xffff  }
0x1a4: {  	v55 =	vld.idx.msk [tilespmem:v41+s11+$0x0], $0xffff  }
0x1a5: {  	v41 =	vld.idx.msk [tilespmem:v41+s12+$0x0], $0xffff;
	v4 =	vmul.f32 v49, v4  }
0x1a6: {  	v28 =	vor.u32 v28, v18;
	v18 =	vld.idx.msk [tilespmem:v44+s12+$0x0], $0xffff  }
0x1a7: {  	[tilespmem:$0x1FE50] =	vst v4;
	v4 =	vld [tilespmem:$0x1FAF0]  }
0x1a8: {  	v48 =	vld.idx.msk [tilespmem:v23+s11+$0x0], $0xffff  }
0x1a9: {  	v23 =	vld.idx.msk [tilespmem:v23+s12+$0x0], $0xffff  }
0x1aa: {  	[tilespmem:$0x1FDE0] =	vst v38;
	v38 =	vor.u32 v12, v37;
	v12 =	vmul.f32 v21, v22;
	v22 =	vmul.f32 v39, v0;
	v39 =	vld [tilespmem:$0x1FF80]  }
0x1ab: {  	v49 =	vld.idx.msk [tilespmem:v44+s11+$0x0], $0xffff  }
0x1ac: {  	v44 =	vld [tilespmem:$0x1FB10];
	v4 =	vmul.f32 v54, v4  }
0x1ad: {  	v54 =	vmul.f32 v16, v30;
	v16 =	vld [tilespmem:$0x1FF90]  }
0x1ae: {  	[tilespmem:$0x1FE80] =	vst v4;
	v4 =	vld [tilespmem:$0x1FB00]  }
0x1af: {  	v23 =	vmul.f32 v23, v48;
	v48 =	vld [tilespmem:$0x1FF90]  }
0x1b0: {  	v5 =	vmul.f32 v5, v31;
	v31 =	vld.idx.msk [tilespmem:v42+s12+$0x0], $0xffff  }
0x1b1: {  	v8 =	vld.idx.msk [tilespmem:v29+s12+$0x0], $0xffff  }
0x1b2: {  	v1 =	vor.u32 v16, v1;
	v16 =	vld [tilespmem:$0x1FB30]  }
0x1b3: {  	v53 =	vmul.f32 v44, v4;
	v4 =	vld [tilespmem:$0x1FB20]  }
0x1b4: {  	v11 =	vmul.f32 v24, v33;
	v33 =	vor.u32 v57, v17;
	v30 =	vld.idx.msk [tilespmem:v42+s11+$0x0], $0xffff  }
0x1b5: {  	v24 =	vmul.f32 v40, v43;
	v21 =	vor.u32 v56, v17;
	v42 =	vor.u32 v56, v37;
	v44 =	vld.idx.msk [tilespmem:v29+s11+$0x0], $0xffff  }
0x1b6: {  	v40 =	vmovc v20;
	v20 =	vor.u32 v39, v17;
	v29 =	vmul.f32 v18, v49;
	v18 =	vor.u32 v48, v17;
	v17 =	vld [tilespmem:$0x1FB90]  }
0x1b7: {  	v7 =	vor.u32 v7, v37;
	v37 =	vld [tilespmem:$0x1FB50]  }
0x1b8: {  	v4 =	vmul.f32 v16, v4;
	v16 =	vld [tilespmem:$0x1FB40]  }
0x1b9: {  	v57 =	vmovc v62;
	v62 =	vmovc v3;
	v3 =	vmul.f32 v15, v50;
	v56 =	vmov v61;
	v61 =	vmov v13;
	v13 =	vld.idx.msk [tilespmem:v32+s12+$0x0], $0xffff  }
0x1ba: {  	v15 =	vld.idx.msk [tilespmem:v42+s12+$0x0], $0xffff  }
0x1bb: {  	v50 =	vmov v51;
	v51 =	vmul.f32 v31, v30;
	v30 =	vadd.f32 v3, v17;
	v17 =	vld [tilespmem:$0x1FBC0]  }
0x1bc: {  	v3 =	vld [tilespmem:$0x1FBA0]  }
0x1bd: {  	v2 =	vmul.f32 v2, v16;
	v16 =	vmul.f32 v35, v19;
	v35 =	vld [tilespmem:$0x1FB60]  }
0x1be: {  	v19 =	vmul.f32 v14, v36;
	v36 =	vld [tilespmem:$0x1FB70]  }
0x1bf: {  	v14 =	vld.idx.msk [tilespmem:v42+s11+$0x0], $0xffff  }
0x1c0: {  	p0 =	sne.s32 s23, $0x7F;
	v32 =	vadd.f32 v29, v17;
	v17 =	vld [tilespmem:$0x1FBD0]  }
.Ltmp3:
0x1c1: {  	v42 =	vmov v58;
	v58 =	vmov v63;
	v63 =	vld [tilespmem:$0x1FB80];
	(pc) =	sbr.rel @p0 .LBB2_5-.Ltmp3, $4  }
0x1c2: {  	v31 =	vadd.f32 v23, v3;
	v23 =	vmul.f32 v41, v55;
	v55 =	vld [tilespmem:$0x1FBB0]  }
0x1c3: {  	v3 =	vld.idx.msk [tilespmem:v38+s11+$0x0], $0xffff  }
0x1c4: {  	v29 =	vmul.f32 v8, v44;
	v8 =	vld.idx.msk [tilespmem:v38+s12+$0x0], $0xffff  }
0x1c5: {  	s23 =	sadd.s32 $0x8, s23;
	v49 =	vmovc v34;
	v44 =	vmov v59;
	v59 =	vmov v9;
	v38 =	vld [tilespmem:$0x1FBE0];
	v17 =	vadd.f32 v51, v17  }
0x1c6: {  	v0 =	vld [tilespmem:$0x1FCF0]  }
0x1c7: {  	v9 =	vld [tilespmem:$0x1FD00];
	_ =	sdelay $0x1  }
0x1c8: {  	v24 =	vadd.f32 v24, v31;
	v31 =	vld [tilespmem:$0x1FCB0]  }
0x1c9: {  	v10 =	vmul.f32 v13, v10;
	v13 =	vmul.f32 v15, v14;
	v14 =	vld [tilespmem:$0x1FDA0]  }
0x1ca: {  	v15 =	vld [tilespmem:$0x1FDE0]  }
0x1cb: {  	v22 =	vadd.f32 v22, v30;
	v30 =	vmul.f32 v9, v0;
	v0 =	vld [tilespmem:$0x1FD10]  }
0x1cc: {  	v9 =	vld [tilespmem:$0x1FD20]  }
0x1cd: {  	v16 =	vadd.f32 v16, v22;
	v22 =	vld [tilespmem:$0x1FC70]  }
0x1ce: {  	v19 =	vadd.f32 v19, v24;
	v24 =	vld.idx.msk [tilespmem:v33+s11+$0x0], $0xffff  }
0x1cf: {  	v11 =	vadd.f32 v11, v16;
	v16 =	vld.idx.msk [tilespmem:v21+s11+$0x0], $0xffff  }
0x1d0: {  	v12 =	vadd.f32 v12, v19;
	v19 =	vld [tilespmem:$0x1FCA0]  }
0x1d1: {  	v23 =	vadd.f32 v23, v32;
	v17 =	vadd.f32 v29, v17;
	v29 =	vmul.f32 v9, v0;
	v9 =	vld [tilespmem:$0x1FE50]  }
0x1d2: {  	v21 =	vld.idx.msk [tilespmem:v21+s12+$0x0], $0xffff  }
0x1d3: {  	v23 =	vadd.f32 v30, v23;
	v30 =	vld [tilespmem:$0x1FC90]  }
0x1d4: {  	v4 =	vadd.f32 v4, v11;
	v17 =	vadd.f32 v29, v17;
	v29 =	vld [tilespmem:$0x1FC80]  }
0x1d5: {  	v11 =	vld.idx.msk [tilespmem:v20+s11+$0x0], $0xffff;
	v22 =	vmul.f32 v22, v55  }
0x1d6: {  	v4 =	vadd.f32 v9, v4;
	v9 =	vld [tilespmem:$0x1FE80]  }
0x1d7: {  	v22 =	vadd.f32 v22, v23;
	v23 =	vld [tilespmem:$0x1FCC0]  }
0x1d8: {  	v0 =	vld [tilespmem:$0x1FF70]  }
0x1d9: {  	v2 =	vadd.f32 v2, v22;
	v29 =	vmul.f32 v30, v29;
	v30 =	vld.idx.msk [tilespmem:v33+s12+$0x0], $0xffff  }
0x1da: {  	v4 =	vadd.f32 v14, v4;
	v14 =	vld [tilespmem:$0x1FDC0]  }
0x1db: {  	v17 =	vadd.f32 v29, v17;
	v2 =	vadd.f32 v9, v2;
	v9 =	vld.idx.msk [tilespmem:v7+s11+$0x0], $0xffff  }
0x1dc: {  	v7 =	vld.idx.msk [tilespmem:v7+s12+$0x0], $0xffff  }
0x1dd: {  	v5 =	vadd.f32 v5, v12;
	v6 =	vadd.f32 v6, v17;
	v17 =	vld.idx.msk [tilespmem:v20+s12+$0x0], $0xffff  }
0x1de: {  	v16 =	vmul.f32 v21, v16;
	v20 =	vld.idx.msk [tilespmem:v18+s11+$0x0], $0xffff  }
0x1df: {  	v5 =	vadd.f32 v27, v5;
	v18 =	vld.idx.msk [tilespmem:v18+s12+$0x0], $0xffff  }
0x1e0: {  	v16 =	vadd.f32 v16, v38;
	v2 =	vadd.f32 v15, v2;
	v15 =	vld [tilespmem:$0x1FE00]  }
0x1e1: {  	v29 =	vld [tilespmem:$0x1FCD0];
	v5 =	vadd.f32 v14, v5  }
0x1e2: {  	v14 =	vmul.f32 v30, v24;
	v7 =	vmul.f32 v7, v9;
	v9 =	vadd.f32 v13, v16;
	v13 =	vld.idx.msk [tilespmem:v60+s12+$0x0], $0xffff  }
0x1e3: {  	v6 =	vadd.f32 v26, v6;
	v11 =	vmul.f32 v17, v11;
	v17 =	vld.idx.msk [tilespmem:v28+s11+$0x0], $0xffff  }
0x1e4: {  	v14 =	vadd.f32 v14, v35;
	v18 =	vmul.f32 v18, v20;
	v20 =	vld.idx.msk [tilespmem:v28+s12+$0x0], $0xffff  }
0x1e5: {  	v0 =	vmul.f32 v0, v62;
	v6 =	vadd.f32 v15, v6;
	v15 =	vld.idx.msk [tilespmem:v1+s11+$0x0], $0xffff  }
0x1e6: {  	v3 =	vmul.f32 v8, v3;
	v10 =	vadd.f32 v10, v14;
	v1 =	vld.idx.msk [tilespmem:v1+s12+$0x0], $0xffff  }
0x1e7: {  	v12 =	vmul.f32 v63, v61;
	v0 =	vadd.f32 v0, v9;
	v9 =	vld.idx.msk [tilespmem:v25+s12+$0x0], $0xffff;
	v8 =	vadd.f32 v11, v37  }
0x1e8: {  	v11 =	vld.idx.msk [tilespmem:v60+s11+$0x0], $0xffff;
	v14 =	vadd.f32 v18, v36  }
0x1e9: {  	v3 =	vadd.f32 v3, v8;
	v8 =	vadd.f32 v12, v10;
	v10 =	vld.idx.msk [tilespmem:v25+s11+$0x0], $0xffff  }
0x1ea: {  	v12 =	vld [tilespmem:$0x1FCE0]  }
0x1eb: {  	v16 =	vmul.f32 v50, v49;
	v7 =	vadd.f32 v7, v14;
	v14 =	vld.idx.msk [tilespmem:v45+s11+$0x0], $0xffff;
	v1 =	vmul.f32 v1, v15  }
0x1ec: {  	v15 =	vld.idx.msk [tilespmem:v45+s12+$0x0], $0xffff  }
0x1ed: {  	v3 =	vadd.f32 v16, v3;
	v16 =	vld [tilespmem:$0x1FC50];
	v1 =	vadd.f32 v1, v7;
	v7 =	vmul.f32 v20, v17  }
0x1ee: {  	v17 =	vld [tilespmem:$0x1FC60]  }
0x1ef: {  	v12 =	vmul.f32 v12, v40;
	v1 =	vadd.f32 v7, v1;
	v7 =	vmul.f32 v13, v11;
	v11 =	vld [tilespmem:$0x1FF60]  }
0x1f0: {  	v13 =	vld [tilespmem:$0x1FC30]  }
0x1f1: {  	v3 =	vadd.f32 v12, v3;
	v12 =	vld [tilespmem:$0x1FF40]  }
0x1f2: {  	v23 =	vmul.f32 v29, v23;
	v1 =	vadd.f32 v7, v1;
	v7 =	vmul.f32 v9, v10;
	v9 =	vld [tilespmem:$0x1FC10]  }
0x1f3: {  	v19 =	vmul.f32 v31, v19;
	v10 =	vld [tilespmem:$0x1FC20]  }
0x1f4: {  	v0 =	vadd.f32 v23, v0;
	v16 =	vmul.f32 v17, v16;
	v17 =	vld [tilespmem:$0x1FC40]  }
0x1f5: {  	v8 =	vadd.f32 v19, v8;
	v1 =	vadd.f32 v7, v1;
	v7 =	vld [tilespmem:$0x1FC00]  }
0x1f6: {  	v5 =	vadd.f32 v59, v5;
	v0 =	vadd.f32 v11, v0;
	v11 =	vld.idx.msk [tilespmem:v47+s12+$0x0], $0xffff  }
0x1f7: {  	s23 =	sshll.u32 s22, $0x8;
	v4 =	vadd.f32 v57, v4;
	v8 =	vadd.f32 v12, v8;
	v12 =	vld.idx.msk [tilespmem:v47+s11+$0x0], $0xffff  }
0x1f8: {  	v2 =	vadd.f32 v58, v2;
	[tilespmem:s23+$0x2010] =	vst v5;
	v5 =	vld [tilespmem:$0x1FBF0];
	v0 =	vadd.f32 v54, v0  }
0x1f9: {  	v3 =	vadd.f32 v16, v3;
	v13 =	vmul.f32 v17, v13;
	v8 =	vadd.f32 v53, v8  }
0x1fa: {  	v6 =	vadd.f32 v56, v6;
	[tilespmem:s23+$0x2000] =	vst v4;
	v4 =	vmul.f32 v15, v14;
	v0 =	vadd.f32 v46, v0  }
0x1fb: {  	v9 =	vmul.f32 v10, v9;
	v3 =	vadd.f32 v13, v3;
	v8 =	vadd.f32 v52, v8  }
0x1fc: {  	[tilespmem:s23+$0x2020] =	vst v2;
	v1 =	vadd.f32 v4, v1;
	v2 =	vmul.f32 v11, v12;
	v0 =	vadd.f32 v42, v0  }
0x1fd: {  	[tilespmem:s23+$0x2030] =	vst v6;
	v5 =	vmul.f32 v7, v5;
	v3 =	vadd.f32 v9, v3;
	v7 =	vadd.f32 v44, v8  }
0x1fe: {  	v1 =	vadd.f32 v2, v1;
	[tilespmem:s23+$0x2050] =	vst v0  }
0x1ff: {  	v3 =	vadd.f32 v5, v3;
	[tilespmem:s23+$0x2040] =	vst v7  }
0x200: {  	p0 =	seq.s32 s22, $0xC;
	[tilespmem:s23+$0x2070] =	vst v1  }
0x201: {  	s24 =	sadd.s32 @!p0 $0x100, s23;
	s25 =	simm.s32 @!p0 $0x80;
	s26 =	simm.s32 @!p0 $0x3000;
	[tilespmem:s23+$0x2060] =	vst v3  }
0x202: {  	[tilespmem:s26], [sflag:$0x1] =	stream.indirect.gather @!p0 [hbm4b:s3+s25], $0x80, s24, s25, $0xb8;
	[tilespmem:$0x13000] =	vst v63  }
0x203: {  	s24 =	sadd.s32 @!p0 $0x1100, s23;
	s26 =	simm.s32 @!p0 $0xB000  }
0x204: {  	[tilespmem:s26], [sflag:$0x3] =	stream.indirect.gather @!p0 [hbm4b:s3+s25], $0x80, s24, s25, $0xb8;
	[tilespmem:$0x13000] =	vst v63  }
0x205: {  	_ =	swait.ge [sflag:s18], $0x4000  }
0x206: {  	v34 =	vld [tilespmem:$0x1FFE0];
	_ =	sdelay $0x1  }
0x207: {  	v2 =	vlaneseq.u32  }
0x208: {  	v0 =	vadd.s32 s28, v2;
	[sflag:s18] =	ssyncset.done $0x0  }
0x209: {  	v30 =	vand.u32 $0x7F, v0;
	[sflag:s18] =	ssyncadd.s32 $0xFFFFC000  }
0x20a: {  	_ =	swait.ge [sflag:s19], $0x4000;
	v1 =	vor.u32 v34, v30  }
0x20b: {  	v23 =	vld [tilespmem:$0x1FFC0];
	_ =	sdelay $0x1  }
0x20c: {  	[sflag:s19] =	ssyncset.done $0x0  }
0x20d: {  	v41 =	vld [tilespmem:$0x1FFA0];
	[sflag:s19] =	ssyncadd.s32 $0xFFFFC000  }
0x20e: {  	v51 =	vld.idx.msk [tilespmem:v1+s13+$0x0], $0xffff  }
0x20f: {  	v47 =	vld.idx.msk [tilespmem:v1+s15+$0x0], $0xffff;
	v1 =	vor.u32 v23, v30;
	_ =	sdelay $0x2  }
0x210: {  	v32 =	vld [tilespmem:$0x1FFD0];
	_ =	sdelay $0x1  }
0x211: {  	v13 =	vor.u32 v41, v30;
	v0 =	vld.idx.msk [tilespmem:v1+s13+$0x0], $0xffff;
	_ =	sdelay $0x2  }
0x212: {  	v6 =	vor.u32 v32, v30  }
0x213: {  	v50 =	vld [tilespmem:$0x1FFB0]  }
0x214: {  	[tilespmem:$0x1F7C0] =	vst v0;
	v0 =	vld.idx.msk [tilespmem:v13+s13+$0x0], $0xffff;
	_ =	sdelay $0x2  }
0x215: {  	v54 =	vld.idx.msk [tilespmem:v6+s13+$0x0], $0xffff  }
0x216: {  	v45 =	vld.idx.msk [tilespmem:v6+s15+$0x0], $0xffff  }
0x217: {  	v6 =	vor.u32 v50, v30;
	[tilespmem:$0x1F7D0] =	vst v0;
	v0 =	vld.idx.msk [tilespmem:v13+s15+$0x0], $0xffff;
	_ =	sdelay $0x4  }
0x218: {  	[tilespmem:$0x1F7E0] =	vst v0;
	v0 =	vld.idx.msk [tilespmem:v6+s13+$0x0], $0xffff;
	_ =	sdelay $0x3  }
0x219: {  	v43 =	vld.idx.msk [tilespmem:v1+s15+$0x0], $0xffff  }
0x21a: {  	v1 =	vor.u32 v39, v30;
	[tilespmem:$0x1F7F0] =	vst v0;
	v0 =	vld.idx.msk [tilespmem:v6+s15+$0x0], $0xffff;
	_ =	sdelay $0x4  }
0x21b: {  	[tilespmem:$0x1F800] =	vst v0;
	v0 =	vld.idx.msk [tilespmem:v1+s13+$0x0], $0xffff;
	_ =	sdelay $0x1  }
0x21c: {  	s30 =	simm.s32 $0x6  }
0x21d: {  	v9 =	vadd.s32 s30, v2  }
0x21e: {  	v21 =	vand.u32 $0x7F, v9;
	v42 =	vld [tilespmem:$0x1FFF0]  }
0x21f: {  	v16 =	vor.u32 v34, v21;
	[tilespmem:$0x1F670] =	vst v0;
	v0 =	vld.idx.msk [tilespmem:v1+s15+$0x0], $0xffff;
	_ =	sdelay $0x4  }
0x220: {  	v18 =	vor.u32 v42, v21;
	[tilespmem:$0x1F680] =	vst v0;
	v0 =	vld.idx.msk [tilespmem:v16+s13+$0x0], $0xffff;
	_ =	sdelay $0x4  }
0x221: {  	v6 =	vor.u32 v32, v21;
	[tilespmem:$0x1F810] =	vst v0;
	v0 =	vld.idx.msk [tilespmem:v18+s13+$0x0], $0xffff;
	_ =	sdelay $0x4  }
0x222: {  	v1 =	vor.u32 v23, v21;
	[tilespmem:$0x1F830] =	vst v0;
	v0 =	vld.idx.msk [tilespmem:v6+s13+$0x0], $0xffff;
	_ =	sdelay $0x4  }
0x223: {  	v20 =	vor.u32 v41, v21;
	[tilespmem:$0x1F850] =	vst v0;
	v0 =	vld.idx.msk [tilespmem:v1+s13+$0x0], $0xffff;
	_ =	sdelay $0x4  }
0x224: {  	[tilespmem:$0x1F870] =	vst v0;
	v0 =	vld.idx.msk [tilespmem:v20+s13+$0x0], $0xffff;
	_ =	sdelay $0x3  }
0x225: {  	v52 =	vld.idx.msk [tilespmem:v6+s15+$0x0], $0xffff  }
0x226: {  	v6 =	vor.u32 v50, v21;
	[tilespmem:$0x1F890] =	vst v0;
	v0 =	vld.idx.msk [tilespmem:v20+s15+$0x0], $0xffff;
	_ =	sdelay $0x4  }
0x227: {  	[tilespmem:$0x1F8A0] =	vst v0;
	v0 =	vld.idx.msk [tilespmem:v6+s13+$0x0], $0xffff;
	_ =	sdelay $0x4  }
0x228: {  	v26 =	vor.u32 v39, v21;
	[tilespmem:$0x1F8B0] =	vst v0;
	v0 =	vld.idx.msk [tilespmem:v6+s15+$0x0], $0xffff;
	_ =	sdelay $0x4  }
0x229: {  	[tilespmem:$0x1F8C0] =	vst v0;
	v0 =	vld.idx.msk [tilespmem:v26+s13+$0x0], $0xffff;
	_ =	sdelay $0x1  }
0x22a: {  	s31 =	simm.s32 $0x5  }
0x22b: {  	v24 =	vadd.s32 s31, v2  }
0x22c: {  	v15 =	vand.u32 $0x7F, v24  }
0x22d: {  	v27 =	vor.u32 v34, v15;
	[tilespmem:$0x1F690] =	vst v0;
	v0 =	vld.idx.msk [tilespmem:v26+s15+$0x0], $0xffff;
	_ =	sdelay $0x4  }
0x22e: {  	v29 =	vor.u32 v42, v15;
	[tilespmem:$0x1F6A0] =	vst v0;
	v0 =	vld.idx.msk [tilespmem:v27+s13+$0x0], $0xffff;
	_ =	sdelay $0x4  }
0x22f: {  	v6 =	vor.u32 v32, v15;
	[tilespmem:$0x1F8D0] =	vst v0;
	v0 =	vld.idx.msk [tilespmem:v29+s13+$0x0], $0xffff;
	_ =	sdelay $0x4  }
0x230: {  	v31 =	vor.u32 v23, v15;
	[tilespmem:$0x1F8E0] =	vst v0;
	v0 =	vld.idx.msk [tilespmem:v6+s13+$0x0], $0xffff;
	_ =	sdelay $0x4  }
0x231: {  	v40 =	vor.u32 v41, v15;
	[tilespmem:$0x1F8F0] =	vst v0;
	v0 =	vld.idx.msk [tilespmem:v31+s13+$0x0], $0xffff;
	_ =	sdelay $0x4  }
0x232: {  	[tilespmem:$0x1F900] =	vst v0;
	v0 =	vld.idx.msk [tilespmem:v40+s13+$0x0], $0xffff;
	_ =	sdelay $0x4  }
0x233: {  	v48 =	vor.u32 v50, v15;
	[tilespmem:$0x1F910] =	vst v0;
	v0 =	vld.idx.msk [tilespmem:v40+s15+$0x0], $0xffff;
	_ =	sdelay $0x4  }
0x234: {  	[tilespmem:$0x1F920] =	vst v0;
	v0 =	vld.idx.msk [tilespmem:v48+s13+$0x0], $0xffff;
	_ =	sdelay $0x4  }
0x235: {  	v49 =	vor.u32 v39, v15;
	[tilespmem:$0x1F930] =	vst v0;
	v0 =	vld.idx.msk [tilespmem:v48+s15+$0x0], $0xffff;
	_ =	sdelay $0x4  }
0x236: {  	[tilespmem:$0x1F940] =	vst v0;
	v0 =	vld.idx.msk [tilespmem:v49+s13+$0x0], $0xffff;
	_ =	sdelay $0x1  }
0x237: {  	s25 =	simm.s32 $0x4  }
0x238: {  	v26 =	vld.idx.msk [tilespmem:v6+s15+$0x0], $0xffff;
	v6 =	vadd.s32 s25, v2  }
0x239: {  	v59 =	vand.u32 $0x7F, v6  }
0x23a: {  	v58 =	vor.u32 v34, v59;
	[tilespmem:$0x1F6B0] =	vst v0;
	v0 =	vld.idx.msk [tilespmem:v49+s15+$0x0], $0xffff;
	_ =	sdelay $0x4  }
0x23b: {  	[tilespmem:$0x1F6C0] =	vst v0;
	v0 =	vld.idx.msk [tilespmem:v58+s13+$0x0], $0xffff;
	_ =	sdelay $0x4  }
0x23c: {  	v60 =	vor.u32 v42, v59;
	[tilespmem:$0x1F950] =	vst v0;
	v0 =	vld.idx.msk [tilespmem:v58+s15+$0x0], $0xffff;
	_ =	sdelay $0x4  }
0x23d: {  	v61 =	vor.u32 v32, v59;
	[tilespmem:$0x1F960] =	vst v0;
	v0 =	vld.idx.msk [tilespmem:v60+s13+$0x0], $0xffff;
	_ =	sdelay $0x4  }
0x23e: {  	v62 =	vor.u32 v23, v59;
	[tilespmem:$0x1F970] =	vst v0;
	v0 =	vld.idx.msk [tilespmem:v61+s13+$0x0], $0xffff;
	_ =	sdelay $0x4  }
0x23f: {  	v40 =	vor.u32 v50, v59;
	[tilespmem:$0x1F980] =	vst v0;
	v0 =	vld.idx.msk [tilespmem:v62+s13+$0x0], $0xffff;
	_ =	sdelay $0x4  }
0x240: {  	v56 =	vor.u32 v39, v59;
	[tilespmem:$0x1F990] =	vst v0;
	v0 =	vld.idx.msk [tilespmem:v40+s13+$0x0], $0xffff;
	_ =	sdelay $0x4  }
0x241: {  	[tilespmem:$0x1F9B0] =	vst v0;
	v0 =	vld.idx.msk [tilespmem:v56+s13+$0x0], $0xffff;
	_ =	sdelay $0x1  }
0x242: {  	s26 =	simm.s32 $0x3  }
0x243: {  	v49 =	vadd.s32 s26, v2  }
0x244: {  	v14 =	vand.u32 $0x7F, v49  }
0x245: {  	v58 =	vor.u32 v32, v14;
	[tilespmem:$0x1F6D0] =	vst v0;
	v0 =	vld.idx.msk [tilespmem:v56+s15+$0x0], $0xffff;
	_ =	sdelay $0x4  }
0x246: {  	v36 =	vor.u32 v23, v14;
	[tilespmem:$0x1F6E0] =	vst v0;
	v0 =	vld.idx.msk [tilespmem:v58+s15+$0x0], $0xffff;
	_ =	sdelay $0x4  }
0x247: {  	[tilespmem:$0x1F6F0] =	vst v0;
	v0 =	vld.idx.msk [tilespmem:v36+s13+$0x0], $0xffff;
	_ =	sdelay $0x2  }
0x248: {  	s29 =	simm.s32 $0x2;
	v4 =	vor.u32 v42, v30  }
0x249: {  	v10 =	vld.idx.msk [tilespmem:v61+s15+$0x0], $0xffff;
	v61 =	vadd.s32 s29, v2  }
0x24a: {  	v33 =	vor.u32 v41, v14;
	v8 =	vand.u32 $0x7F, v61;
	[tilespmem:$0x1F700] =	vst v0;
	v0 =	vld.idx.msk [tilespmem:v36+s15+$0x0], $0xffff  }
0x24b: {  	v36 =	vor.u32 v32, v8  }
0x24c: {  	v9 =	vld.idx.msk [tilespmem:v16+s15+$0x0], $0xffff  }
0x24d: {  	v53 =	vld.idx.msk [tilespmem:v4+s13+$0x0], $0xffff  }
0x24e: {  	v55 =	vld.idx.msk [tilespmem:v1+s15+$0x0], $0xffff  }
0x24f: {  	[tilespmem:$0x1F710] =	vst v0;
	v0 =	vld.idx.msk [tilespmem:v33+s13+$0x0], $0xffff  }
0x250: {  	v1 =	vld.idx.msk [tilespmem:v36+s13+$0x0], $0xffff  }
0x251: {  	v46 =	vld.idx.msk [tilespmem:v4+s15+$0x0], $0xffff  }
0x252: {  	v28 =	vld.idx.msk [tilespmem:v29+s15+$0x0], $0xffff  }
0x253: {  	v4 =	vld.idx.msk [tilespmem:v60+s15+$0x0], $0xffff  }
0x254: {  	v60 =	vor.u32 v50, v14;
	[tilespmem:$0x1F720] =	vst v0;
	v0 =	vld.idx.msk [tilespmem:v33+s15+$0x0], $0xffff  }
0x255: {  	v63 =	vor.u32 v41, v59;
	[tilespmem:$0x1F780] =	vst v1;
	v1 =	vld.idx.msk [tilespmem:v36+s15+$0x0], $0xffff  }
0x256: {  	v29 =	vld [tilespmem:$0x1F7E0]  }
0x257: {  	s30 =	simm.s32 $0x1;
	v5 =	vld.idx.msk [tilespmem:v62+s15+$0x0], $0xffff;
	v38 =	vor.u32 v34, v14  }
0x258: {  	v48 =	vld.idx.msk [tilespmem:v40+s15+$0x0], $0xffff;
	v40 =	vadd.s32 s30, v2  }
0x259: {  	v7 =	vand.u32 $0x7F, v40;
	[tilespmem:$0x1F730] =	vst v0;
	v0 =	vld.idx.msk [tilespmem:v60+s13+$0x0], $0xffff  }
0x25a: {  	v17 =	vld.idx.msk [tilespmem:v63+s13+$0x0], $0xffff;
	[tilespmem:$0x1F790] =	vst v1;
	v1 =	vor.u32 v42, v7  }
0x25b: {  	v49 =	vld.idx.msk [tilespmem:v63+s15+$0x0], $0xffff  }
0x25c: {  	v16 =	vld.idx.msk [tilespmem:v38+s13+$0x0], $0xffff  }
0x25d: {  	v11 =	vld.idx.msk [tilespmem:v38+s15+$0x0], $0xffff;
	v38 =	vor.u32 v23, v8  }
0x25e: {  	v57 =	vor.u32 v42, v14;
	[tilespmem:$0x1F740] =	vst v0;
	v0 =	vld.idx.msk [tilespmem:v60+s15+$0x0], $0xffff  }
0x25f: {  	v20 =	vld.idx.msk [tilespmem:v1+s13+$0x0], $0xffff  }
0x260: {  	v63 =	vor.u32 v39, v14;
	v24 =	vld.idx.msk [tilespmem:v1+s15+$0x0], $0xffff  }
0x261: {  	v1 =	vld [tilespmem:$0x1F7C0]  }
0x262: {  	v3 =	vld.idx.msk [tilespmem:v38+s13+$0x0], $0xffff  }
0x263: {  	v12 =	vld.idx.msk [tilespmem:v57+s15+$0x0], $0xffff  }
0x264: {  	v62 =	vld.idx.msk [tilespmem:v57+s13+$0x0], $0xffff  }
0x265: {  	[tilespmem:$0x1F750] =	vst v0;
	v0 =	vld.idx.msk [tilespmem:v63+s13+$0x0], $0xffff  }
0x266: {  	v57 =	vmul.f32 v43, v1;
	v1 =	vld [tilespmem:$0x1F7D0]  }
0x267: {  	[tilespmem:$0x1F7A0] =	vst v3;
	v3 =	vld.idx.msk [tilespmem:v38+s15+$0x0], $0xffff;
	_ =	sdelay $0x2  }
0x268: {  	[tilespmem:$0x1F760] =	vst v0;
	v0 =	vld.idx.msk [tilespmem:v63+s15+$0x0], $0xffff  }
0x269: {  	s31 =	simm.s32 $0x0;
	v38 =	vmul.f32 v46, v53;
	v53 =	vmul.f32 v29, v1;
	v1 =	vld [tilespmem:$0x1F7F0]  }
0x26a: {  	[tilespmem:$0x1F7B0] =	vst v3;
	v3 =	vadd.s32 s31, v2;
	v29 =	vld [tilespmem:$0x1F800]  }
0x26b: {  	v6 =	vand.u32 $0x7F, v3  }
0x26c: {  	v3 =	vor.u32 v34, v6  }
0x26d: {  	[tilespmem:$0x1F770] =	vst v0;
	v0 =	vor.u32 v34, v7;
	_ =	sdelay $0x1  }
0x26e: {  	v56 =	vmul.f32 v29, v1;
	v1 =	vld [tilespmem:$0x1F810]  }
0x26f: {  	v44 =	vld.idx.msk [tilespmem:v18+s15+$0x0], $0xffff  }
0x270: {  	v33 =	vor.u32 v34, v8;
	v34 =	vld.idx.msk [tilespmem:v3+s15+$0x0], $0xffff  }
0x271: {  	v63 =	vld.idx.msk [tilespmem:v0+s13+$0x0], $0xffff  }
0x272: {  	v22 =	vld.idx.msk [tilespmem:v0+s15+$0x0], $0xffff  }
0x273: {  	v35 =	vor.u32 v42, v8;
	v0 =	vor.u32 v42, v6;
	v1 =	vmul.f32 v9, v1;
	v42 =	vld.idx.msk [tilespmem:v3+s13+$0x0], $0xffff  }
0x274: {  	v3 =	vld [tilespmem:$0x1F870]  }
0x275: {  	[tilespmem:$0x1F820] =	vst v1;
	v1 =	vld [tilespmem:$0x1F830];
	_ =	sdelay $0x3  }
0x276: {  	v3 =	vmul.f32 v55, v3  }
0x277: {  	v9 =	vld [tilespmem:$0x1F8A0];
	v1 =	vmul.f32 v44, v1  }
0x278: {  	[tilespmem:$0x1F880] =	vst v3;
	v3 =	vld [tilespmem:$0x1F890]  }
0x279: {  	[tilespmem:$0x1F840] =	vst v1;
	v1 =	vld [tilespmem:$0x1F850];
	_ =	sdelay $0x4  }
0x27a: {  	v1 =	vmul.f32 v52, v1;
	v52 =	vmul.f32 v9, v3;
	v3 =	vld [tilespmem:$0x1F8B0]  }
0x27b: {  	v9 =	vld [tilespmem:$0x1F8C0];
	_ =	sdelay $0x3  }
0x27c: {  	v25 =	vld.idx.msk [tilespmem:v27+s15+$0x0], $0xffff  }
0x27d: {  	v36 =	vmul.f32 v9, v3;
	v3 =	vld [tilespmem:$0x1F8D0];
	_ =	sdelay $0x3  }
0x27e: {  	v2 =	vor.u32 v32, v7  }
0x27f: {  	v25 =	vmul.f32 v25, v3;
	v3 =	vld [tilespmem:$0x1F8E0];
	_ =	sdelay $0x2  }
0x280: {  	v37 =	vld.idx.msk [tilespmem:v58+s13+$0x0], $0xffff  }
0x281: {  	v58 =	vmul.f32 v47, v51;
	v51 =	vld.idx.msk [tilespmem:v2+s13+$0x0], $0xffff  }
0x282: {  	v28 =	vmul.f32 v28, v3;
	v3 =	vld [tilespmem:$0x1F8F0]  }
0x283: {  	v47 =	vld.idx.msk [tilespmem:v2+s15+$0x0], $0xffff;
	v2 =	vor.u32 v32, v6;
	_ =	sdelay $0x2  }
0x284: {  	v27 =	vld.idx.msk [tilespmem:v31+s15+$0x0], $0xffff  }
0x285: {  	v26 =	vmul.f32 v26, v3;
	v3 =	vld [tilespmem:$0x1F900]  }
0x286: {  	v31 =	vld.idx.msk [tilespmem:v2+s13+$0x0], $0xffff  }
0x287: {  	v29 =	vld.idx.msk [tilespmem:v2+s15+$0x0], $0xffff  }
0x288: {  	v2 =	vld [tilespmem:$0x1F930];
	[tilespmem:$0x1F860] =	vst v1;
	v1 =	vor.u32 v23, v6  }
0x289: {  	v9 =	vld [tilespmem:$0x1F920]  }
0x28a: {  	v27 =	vmul.f32 v27, v3;
	v3 =	vld [tilespmem:$0x1F910]  }
0x28b: {  	v60 =	vmul.f32 v45, v54;
	v45 =	vld.idx.msk [tilespmem:v0+s15+$0x0], $0xffff  }
0x28c: {  	v44 =	vld.idx.msk [tilespmem:v0+s13+$0x0], $0xffff  }
0x28d: {  	v0 =	vor.u32 v23, v7;
	v23 =	vld.idx.msk [tilespmem:v1+s13+$0x0], $0xffff  }
0x28e: {  	v46 =	vld.idx.msk [tilespmem:v1+s15+$0x0], $0xffff  }
0x28f: {  	v54 =	vmul.f32 v9, v3;
	v3 =	vld [tilespmem:$0x1F940]  }
0x290: {  	v1 =	vld [tilespmem:$0x1F990];
	_ =	sdelay $0x3  }
0x291: {  	v55 =	vmul.f32 v3, v2;
	v2 =	vld [tilespmem:$0x1F950]  }
0x292: {  	v5 =	vmul.f32 v5, v1;
	v1 =	vmul.f32 v49, v17;
	v3 =	vld [tilespmem:$0x1F960]  }
0x293: {  	v13 =	vld.idx.msk [tilespmem:v35+s13+$0x0], $0xffff  }
0x294: {  	[tilespmem:$0x1F9A0] =	vst v1;
	v1 =	vld [tilespmem:$0x1F9B0]  }
0x295: {  	v19 =	vld.idx.msk [tilespmem:v35+s15+$0x0], $0xffff  }
0x296: {  	v61 =	vld.idx.msk [tilespmem:v33+s13+$0x0], $0xffff  }
0x297: {  	v3 =	vmul.f32 v3, v2;
	v2 =	vld [tilespmem:$0x1F970]  }
0x298: {  	v18 =	vld.idx.msk [tilespmem:v33+s15+$0x0], $0xffff;
	v9 =	vor.u32 v41, v8  }
0x299: {  	v40 =	vld [tilespmem:$0x1FF90];
	v1 =	vmul.f32 v48, v1  }
0x29a: {  	v11 =	vmul.f32 v11, v16;
	v33 =	vor.u32 v50, v7;
	v16 =	vld.idx.msk [tilespmem:v0+s15+$0x0], $0xffff  }
0x29b: {  	v17 =	vld.idx.msk [tilespmem:v0+s13+$0x0], $0xffff;
	[tilespmem:$0x1F9C0] =	vst v1;
	v1 =	vor.u32 v39, v8  }
0x29c: {  	v12 =	vmul.f32 v12, v62;
	v4 =	vmul.f32 v4, v2;
	v2 =	vld [tilespmem:$0x1F980]  }
0x29d: {  	v19 =	vmul.f32 v19, v13;
	v18 =	vmul.f32 v18, v61;
	v0 =	vld.idx.msk [tilespmem:v9+s13+$0x0], $0xffff  }
0x29e: {  	v24 =	vmul.f32 v24, v20;
	v32 =	vmul.f32 v45, v44;
	v44 =	vor.u32 v39, v7  }
0x29f: {  	v35 =	vmul.f32 v46, v23;
	v23 =	vmul.f32 v47, v51;
	v51 =	vor.u32 v40, v15;
	v15 =	vld.idx.msk [tilespmem:v33+s15+$0x0], $0xffff  }
0x2a0: {  	v13 =	vor.u32 v41, v7;
	v20 =	vmul.f32 v34, v42;
	v34 =	vmul.f32 v29, v31;
	v61 =	vld.idx.msk [tilespmem:v1+s13+$0x0], $0xffff  }
0x2a1: {  	v42 =	vor.u32 v40, v21;
	v62 =	vld.idx.msk [tilespmem:v1+s15+$0x0], $0xffff;
	v2 =	vmul.f32 v10, v2;
	v10 =	vor.u32 v50, v8  }
0x2a2: {  	v43 =	vimm.f32 $0.0e+00;
	v21 =	vor.u32 v50, v6;
	v29 =	vmul.f32 v16, v17;
	[tilespmem:$0x1F9D0] =	vst v0;
	v0 =	vld.idx.msk [tilespmem:v9+s15+$0x0], $0xffff  }
0x2a3: {  	v17 =	vor.u32 v40, v6;
	v48 =	vor.u32 v40, v30;
	v9 =	vor.u32 v40, v14;
	v14 =	vld.idx.msk [tilespmem:v33+s13+$0x0], $0xffff  }
0x2a4: {  	v30 =	vadd.f32 v20, v43;
	v20 =	vor.u32 v39, v6;
	v33 =	vor.u32 v41, v6;
	v6 =	vld.idx.msk [tilespmem:v44+s13+$0x0], $0xffff  }
0x2a5: {  	v1 =	vor.u32 v40, v8;
	v8 =	vld.idx.msk [tilespmem:v44+s15+$0x0], $0xffff  }
0x2a6: {  	v22 =	vmul.f32 v22, v63;
	v63 =	vld.idx.msk [tilespmem:v10+s13+$0x0], $0xffff  }
0x2a7: {  	v59 =	vor.u32 v40, v59;
	v7 =	vor.u32 v40, v7;
	[tilespmem:$0x1F9E0] =	vst v0;
	v0 =	vld.idx.msk [tilespmem:v10+s15+$0x0], $0xffff  }
0x2a8: {  	v45 =	vimm.f32 $0.0e+00;
	v31 =	vadd.f32 v32, v43;
	v32 =	vadd.f32 v34, v43;
	v10 =	vld.idx.msk [tilespmem:v13+s13+$0x0], $0xffff  }
0x2a9: {  	s24 =	simm.s32 $0xF;
	v46 =	vimm.f32 $0.0e+00;
	v16 =	vadd.f32 v35, v43;
	v44 =	vimm.f32 $0.0e+00;
	v13 =	vld.idx.msk [tilespmem:v13+s15+$0x0], $0xffff  }
.LBB2_7:
0x2aa: {  	v49 =	vld [tilespmem:$0x1F7B0]  }
0x2ab: {  	v16 =	vadd.f32 v29, v16;
	v29 =	vld [tilespmem:$0x1F7A0]  }
0x2ac: {  	v22 =	vadd.f32 v22, v30;
	v30 =	vld [tilespmem:$0x1F780]  }
0x2ad: {  	v24 =	vadd.f32 v24, v31;
	v31 =	vld [tilespmem:$0x1F790]  }
0x2ae: {  	v18 =	vadd.f32 v18, v22;
	v22 =	vld [tilespmem:$0x1F6F0]  }
0x2af: {  	v19 =	vadd.f32 v19, v24;
	v24 =	vld [tilespmem:$0x1F700]  }
0x2b0: {  	v11 =	vadd.f32 v11, v18;
	v18 =	vld [tilespmem:$0x1F720];
	v29 =	vmul.f32 v49, v29  }
0x2b1: {  	v12 =	vadd.f32 v12, v19;
	v19 =	vld [tilespmem:$0x1F730]  }
0x2b2: {  	v16 =	vadd.f32 v29, v16;
	v29 =	vld [tilespmem:$0x1F710];
	_ =	sdelay $0x1  }
0x2b3: {  	v23 =	vadd.f32 v23, v32;
	v30 =	vmul.f32 v31, v30;
	_ =	sdelay $0x1  }
0x2b4: {  	v22 =	vmul.f32 v22, v37;
	v23 =	vadd.f32 v30, v23;
	v18 =	vmul.f32 v19, v18;
	v19 =	vld.idx.msk [tilespmem:v20+s15+$0x0], $0xffff  }
0x2b5: {  	v24 =	vmul.f32 v29, v24;
	v29 =	vld.idx.msk [tilespmem:v20+s13+$0x0], $0xffff  }
0x2b6: {  	v20 =	vadd.f32 v22, v23;
	v22 =	vld [tilespmem:$0x1F740]  }
0x2b7: {  	v23 =	vld [tilespmem:$0x1F750]  }
0x2b8: {  	v35 =	vld.idx.msk [tilespmem:v33+s13+$0x0], $0xffff;
	v16 =	vadd.f32 v24, v16  }
0x2b9: {  	v50 =	vld.idx.msk [tilespmem:v21+s13+$0x0], $0xffff  }
0x2ba: {  	v5 =	vadd.f32 v5, v16;
	v16 =	vld [tilespmem:$0x1F820]  }
0x2bb: {  	v3 =	vadd.f32 v3, v11;
	v11 =	vld.idx.msk [tilespmem:v17+s15+$0x0], $0xffff  }
0x2bc: {  	v22 =	vmul.f32 v23, v22;
	v23 =	vld.idx.msk [tilespmem:v17+s13+$0x0], $0xffff  }
0x2bd: {  	v3 =	vadd.f32 v25, v3;
	v17 =	vld [tilespmem:$0x1F860]  }
0x2be: {  	v21 =	vld.idx.msk [tilespmem:v21+s15+$0x0], $0xffff;
	v2 =	vadd.f32 v2, v20  }
0x2bf: {  	v10 =	vmul.f32 v13, v10;
	v3 =	vadd.f32 v16, v3;
	v16 =	vld [tilespmem:$0x1F840]  }
0x2c0: {  	v13 =	vmul.f32 v15, v14;
	v15 =	vld.idx.msk [tilespmem:v1+s13+$0x0], $0xffff;
	v4 =	vadd.f32 v4, v12;
	v2 =	vadd.f32 v26, v2  }
0x2c1: {  	v1 =	vld.idx.msk [tilespmem:v1+s15+$0x0], $0xffff  }
0x2c2: {  	v4 =	vadd.f32 v28, v4;
	v2 =	vadd.f32 v17, v2;
	v17 =	vld [tilespmem:$0x1F880]  }
0x2c3: {  	v6 =	vmul.f32 v8, v6;
	v8 =	vld.idx.msk [tilespmem:v59+s13+$0x0], $0xffff  }
0x2c4: {  	v12 =	vld.idx.msk [tilespmem:v7+s13+$0x0], $0xffff;
	v3 =	vadd.f32 v58, v3;
	v4 =	vadd.f32 v16, v4  }
0x2c5: {  	v7 =	vld.idx.msk [tilespmem:v7+s15+$0x0], $0xffff;
	v5 =	vadd.f32 v27, v5  }
0x2c6: {  	v31 =	vld.idx.msk [tilespmem:v33+s15+$0x0], $0xffff;
	[tilespmem:$0x1F610] =	vst v3;
	v3 =	vadd.f32 v38, v4  }
0x2c7: {  	v30 =	vld [tilespmem:$0x1F9E0];
	v5 =	vadd.f32 v17, v5  }
0x2c8: {  	v17 =	vmul.f32 v19, v29;
	v19 =	vld.idx.msk [tilespmem:v9+s13+$0x0], $0xffff;
	[tilespmem:$0x1F620] =	vst v3;
	v3 =	vmul.f32 v11, v23  }
0x2c9: {  	v2 =	vadd.f32 v60, v2;
	v4 =	vld.idx.msk [tilespmem:v9+s15+$0x0], $0xffff  }
0x2ca: {  	v7 =	vmul.f32 v7, v12;
	v24 =	vld [tilespmem:$0x1F9D0];
	v3 =	vadd.f32 v3, v44  }
0x2cb: {  	v14 =	vmul.f32 v31, v35;
	[tilespmem:$0x1F640] =	vst v2;
	v2 =	vadd.f32 v57, v5;
	v11 =	vld.idx.msk [tilespmem:v59+s15+$0x0], $0xffff  }
0x2cc: {  	v1 =	vmul.f32 v1, v15;
	v3 =	vadd.f32 v7, v3  }
0x2cd: {  	v16 =	vmul.f32 v21, v50;
	[tilespmem:$0x1F650] =	vst v2;
	v2 =	vadd.f32 v14, v43  }
0x2ce: {  	v1 =	vadd.f32 v1, v3;
	v3 =	vmul.f32 v4, v19  }
0x2cf: {  	v24 =	vmul.f32 v30, v24;
	v5 =	vadd.f32 v16, v46;
	v2 =	vadd.f32 v10, v2  }
0x2d0: {  	v9 =	vadd.f32 v17, v45;
	v1 =	vadd.f32 v3, v1;
	v3 =	vmul.f32 v11, v8;
	v8 =	vld [tilespmem:$0x1F9A0]  }
0x2d1: {  	v12 =	vld.idx.msk [tilespmem:v51+s13+$0x0], $0xffff;
	v2 =	vadd.f32 v24, v2  }
0x2d2: {  	v0 =	vmul.f32 v0, v63;
	v5 =	vadd.f32 v13, v5;
	v6 =	vadd.f32 v6, v9;
	v9 =	vld [tilespmem:$0x1F770]  }
0x2d3: {  	v13 =	vld [tilespmem:$0x1F6E0];
	v2 =	vadd.f32 v18, v2  }
0x2d4: {  	v0 =	vadd.f32 v0, v5;
	v5 =	vld [tilespmem:$0x1F760]  }
0x2d5: {  	v10 =	vmul.f32 v62, v61;
	v2 =	vadd.f32 v8, v2;
	v8 =	vld [tilespmem:$0x1F9C0]  }
0x2d6: {  	v7 =	vld.idx.msk [tilespmem:v51+s15+$0x0], $0xffff  }
0x2d7: {  	v6 =	vadd.f32 v10, v6;
	v10 =	vld [tilespmem:$0x1F6D0]  }
0x2d8: {  	v0 =	vadd.f32 v22, v0;
	v4 =	vld.idx.msk [tilespmem:v42+s15+$0x0], $0xffff  }
0x2d9: {  	v11 =	vld [tilespmem:$0x1F6B0]  }
0x2da: {  	v0 =	vadd.f32 v8, v0;
	v8 =	vld [tilespmem:$0x1F6C0]  }
0x2db: {  	v5 =	vmul.f32 v9, v5;
	v9 =	vld.idx.msk [tilespmem:v42+s13+$0x0], $0xffff;
	_ =	sdelay $0x1  }
0x2dc: {  	v10 =	vmul.f32 v13, v10;
	v5 =	vadd.f32 v5, v6  }
0x2dd: {  	v1 =	vadd.f32 v3, v1;
	v3 =	vmul.f32 v7, v12;
	v7 =	vld [tilespmem:$0x1F690]  }
0x2de: {  	v5 =	vadd.f32 v10, v5;
	v10 =	vld [tilespmem:$0x1F6A0];
	v8 =	vmul.f32 v8, v11  }
0x2df: {  	v1 =	vadd.f32 v3, v1;
	v3 =	vmul.f32 v4, v9;
	v4 =	vld [tilespmem:$0x1F670]  }
0x2e0: {  	v5 =	vadd.f32 v8, v5;
	v8 =	vld [tilespmem:$0x1F680]  }
0x2e1: {  	v13 =	vld.idx.msk [tilespmem:v48+s13+$0x0], $0xffff;
	v0 =	vadd.f32 v55, v0  }
0x2e2: {  	v6 =	vld.idx.msk [tilespmem:v48+s15+$0x0], $0xffff  }
0x2e3: {  	v7 =	vmul.f32 v10, v7;
	v0 =	vadd.f32 v36, v0;
	_ =	sdelay $0x1  }
0x2e4: {  	v0 =	vadd.f32 v56, v0;
	v5 =	vadd.f32 v7, v5;
	v4 =	vmul.f32 v8, v4  }
0x2e5: {  	v44 =	vld [tilespmem:$0x1FFE0]  }
0x2e6: {  	v1 =	vadd.f32 v3, v1;
	v3 =	vmul.f32 v6, v13;
	[tilespmem:$0x1F630] =	vst v0;
	v0 =	vadd.f32 v4, v5  }
0x2e7: {  	v43 =	vlaneseq.u32  }
0x2e8: {  	v6 =	vadd.s32 s24, v43;
	[tilespmem:$0x1F600] =	vst v0;
	v0 =	vadd.f32 v3, v1  }
0x2e9: {  	v23 =	vand.u32 $0x7F, v6  }
0x2ea: {  	v46 =	vld [tilespmem:$0x1FFF0];
	[tilespmem:$0x1F660] =	vst v0;
	v0 =	vor.u32 v44, v23  }
0x2eb: {  	v4 =	vld [tilespmem:$0x1FFC0];
	_ =	sdelay $0x2  }
0x2ec: {  	v48 =	vld [tilespmem:$0x1FFD0];
	v2 =	vadd.f32 v54, v2  }
0x2ed: {  	v1 =	vor.u32 v46, v23;
	v37 =	vld.idx.msk [tilespmem:v0+s13+$0x0], $0xffff  }
0x2ee: {  	v2 =	vadd.f32 v52, v2;
	v38 =	vld.idx.msk [tilespmem:v0+s15+$0x0], $0xffff;
	v0 =	vor.u32 v4, v23  }
0x2ef: {  	v10 =	vld [tilespmem:$0x1FFA0]  }
0x2f0: {  	v2 =	vadd.f32 v53, v2  }
0x2f1: {  	v56 =	vld [tilespmem:$0x1FFB0]  }
0x2f2: {  	[tilespmem:$0x1F5F0] =	vst v2;
	v2 =	vor.u32 v48, v23;
	v52 =	vld.idx.msk [tilespmem:v1+s13+$0x0], $0xffff  }
0x2f3: {  	v3 =	vld.idx.msk [tilespmem:v0+s13+$0x0], $0xffff  }
0x2f4: {  	v55 =	vld.idx.msk [tilespmem:v1+s15+$0x0], $0xffff;
	v1 =	vor.u32 v10, v23;
	_ =	sdelay $0x1  }
0x2f5: {  	v0 =	vld.idx.msk [tilespmem:v0+s15+$0x0], $0xffff  }
0x2f6: {  	s25 =	sadd.s32 $0xFFFFFFFF, s24;
	v54 =	vld.idx.msk [tilespmem:v2+s13+$0x0], $0xffff  }
0x2f7: {  	v57 =	vld.idx.msk [tilespmem:v2+s15+$0x0], $0xffff;
	[tilespmem:$0x1F480] =	vst v3;
	v3 =	vadd.s32 s25, v43  }
0x2f8: {  	v2 =	vor.u32 v56, v23;
	v42 =	vand.u32 $0x7F, v3;
	v3 =	vld.idx.msk [tilespmem:v1+s13+$0x0], $0xffff  }
0x2f9: {  	v1 =	vld.idx.msk [tilespmem:v1+s15+$0x0], $0xffff  }
0x2fa: {  	[tilespmem:$0x1F490] =	vst v0;
	v0 =	vor.u32 v39, v23;
	_ =	sdelay $0x2  }
0x2fb: {  	v51 =	vld.idx.msk [tilespmem:v2+s15+$0x0], $0xffff  }
0x2fc: {  	[tilespmem:$0x1F4B0] =	vst v1;
	v1 =	vld.idx.msk [tilespmem:v2+s13+$0x0], $0xffff  }
0x2fd: {  	v2 =	vld.idx.msk [tilespmem:v0+s13+$0x0], $0xffff  }
0x2fe: {  	[tilespmem:$0x1F4A0] =	vst v3;
	v3 =	vor.u32 v44, v42;
	v0 =	vld.idx.msk [tilespmem:v0+s15+$0x0], $0xffff;
	_ =	sdelay $0x4  }
0x2ff: {  	[tilespmem:$0x1F680] =	vst v0;
	v0 =	vld.idx.msk [tilespmem:v3+s13+$0x0], $0xffff  }
0x300: {  	[tilespmem:$0x1F4C0] =	vst v1;
	v1 =	vor.u32 v46, v42;
	_ =	sdelay $0x3  }
0x301: {  	[tilespmem:$0x1F4D0] =	vst v0;
	v0 =	vld.idx.msk [tilespmem:v3+s15+$0x0], $0xffff  }
0x302: {  	[tilespmem:$0x1F670] =	vst v2;
	v2 =	vor.u32 v48, v42;
	v3 =	vld.idx.msk [tilespmem:v1+s13+$0x0], $0xffff  }
0x303: {  	v1 =	vld.idx.msk [tilespmem:v1+s15+$0x0], $0xffff;
	_ =	sdelay $0x3  }
0x304: {  	[tilespmem:$0x1F4F0] =	vst v3;
	v3 =	vld.idx.msk [tilespmem:v2+s13+$0x0], $0xffff  }
0x305: {  	[tilespmem:$0x1F500] =	vst v1;
	v1 =	vor.u32 v10, v42;
	_ =	sdelay $0x2  }
0x306: {  	s30 =	sadd.s32 $0xFFFFFFFE, s24;
	[tilespmem:$0x1F4E0] =	vst v0  }
0x307: {  	v49 =	vld.idx.msk [tilespmem:v2+s15+$0x0], $0xffff;
	v0 =	vor.u32 v4, v42;
	[tilespmem:$0x1F510] =	vst v3;
	v3 =	vadd.s32 s30, v43  }
0x308: {  	v15 =	vand.u32 $0x7F, v3;
	v3 =	vld.idx.msk [tilespmem:v1+s13+$0x0], $0xffff  }
0x309: {  	v2 =	vor.u32 v56, v42;
	v1 =	vld.idx.msk [tilespmem:v1+s15+$0x0], $0xffff;
	_ =	sdelay $0x2  }
0x30a: {  	v59 =	vld.idx.msk [tilespmem:v0+s13+$0x0], $0xffff  }
0x30b: {  	v36 =	vld.idx.msk [tilespmem:v0+s15+$0x0], $0xffff  }
0x30c: {  	[tilespmem:$0x1F530] =	vst v1;
	v1 =	vld.idx.msk [tilespmem:v2+s13+$0x0], $0xffff  }
0x30d: {  	v0 =	vor.u32 v39, v42;
	v2 =	vld.idx.msk [tilespmem:v2+s15+$0x0], $0xffff;
	_ =	sdelay $0x4  }
0x30e: {  	[tilespmem:$0x1F550] =	vst v2;
	v2 =	vld.idx.msk [tilespmem:v0+s13+$0x0], $0xffff;
	_ =	sdelay $0x1  }
0x30f: {  	[tilespmem:$0x1F520] =	vst v3;
	v3 =	vor.u32 v44, v15  }
0x310: {  	v0 =	vld.idx.msk [tilespmem:v0+s15+$0x0], $0xffff  }
0x311: {  	[tilespmem:$0x1F540] =	vst v1;
	v1 =	vor.u32 v46, v15  }
0x312: {  	[tilespmem:$0x1F690] =	vst v2;
	v2 =	vor.u32 v48, v15;
	_ =	sdelay $0x1  }
0x313: {  	v25 =	vld.idx.msk [tilespmem:v3+s15+$0x0], $0xffff  }
0x314: {  	[tilespmem:$0x1F6A0] =	vst v0;
	v0 =	vld.idx.msk [tilespmem:v3+s13+$0x0], $0xffff  }
0x315: {  	v28 =	vld.idx.msk [tilespmem:v1+s13+$0x0], $0xffff  }
0x316: {  	v3 =	vld.idx.msk [tilespmem:v2+s13+$0x0], $0xffff  }
0x317: {  	v9 =	vld.idx.msk [tilespmem:v1+s15+$0x0], $0xffff;
	v1 =	vor.u32 v10, v15;
	_ =	sdelay $0x2  }
0x318: {  	s31 =	sadd.s32 $0xFFFFFFFD, s24;
	[tilespmem:$0x1F560] =	vst v0  }
0x319: {  	v0 =	vor.u32 v4, v15;
	v26 =	vld.idx.msk [tilespmem:v2+s15+$0x0], $0xffff;
	[tilespmem:$0x1F570] =	vst v3;
	v3 =	vadd.s32 s31, v43  }
0x31a: {  	v29 =	vand.u32 $0x7F, v3;
	v3 =	vld.idx.msk [tilespmem:v1+s13+$0x0], $0xffff  }
0x31b: {  	v2 =	vor.u32 v56, v15;
	v1 =	vld.idx.msk [tilespmem:v1+s15+$0x0], $0xffff;
	_ =	sdelay $0x2  }
0x31c: {  	v31 =	vld.idx.msk [tilespmem:v0+s13+$0x0], $0xffff  }
0x31d: {  	v27 =	vld.idx.msk [tilespmem:v0+s15+$0x0], $0xffff  }
0x31e: {  	v0 =	vor.u32 v39, v15;
	[tilespmem:$0x1F590] =	vst v1;
	v1 =	vld.idx.msk [tilespmem:v2+s13+$0x0], $0xffff;
	_ =	sdelay $0x4  }
0x31f: {  	[tilespmem:$0x1F5A0] =	vst v1;
	v1 =	vld.idx.msk [tilespmem:v0+s13+$0x0], $0xffff  }
0x320: {  	[tilespmem:$0x1F580] =	vst v3;
	v3 =	vor.u32 v44, v29;
	v0 =	vld.idx.msk [tilespmem:v0+s15+$0x0], $0xffff;
	_ =	sdelay $0x3  }
0x321: {  	v5 =	vor.u32 v46, v29  }
0x322: {  	[tilespmem:$0x1F6C0] =	vst v0;
	v0 =	vld.idx.msk [tilespmem:v3+s13+$0x0], $0xffff;
	_ =	sdelay $0x2  }
0x323: {  	v30 =	vld.idx.msk [tilespmem:v2+s15+$0x0], $0xffff  }
0x324: {  	v2 =	vor.u32 v48, v29;
	[tilespmem:$0x1F6B0] =	vst v1;
	v1 =	vld.idx.msk [tilespmem:v5+s13+$0x0], $0xffff  }
0x325: {  	[tilespmem:$0x1F5B0] =	vst v0;
	v0 =	vor.u32 v4, v29;
	_ =	sdelay $0x1  }
0x326: {  	v6 =	vor.u32 v10, v29  }
0x327: {  	v16 =	vor.u32 v56, v29;
	v32 =	vld.idx.msk [tilespmem:v5+s15+$0x0], $0xffff  }
0x328: {  	[tilespmem:$0x1F5C0] =	vst v1;
	v1 =	vld.idx.msk [tilespmem:v2+s13+$0x0], $0xffff  }
0x329: {  	v12 =	vld.idx.msk [tilespmem:v0+s13+$0x0], $0xffff  }
0x32a: {  	v5 =	vld.idx.msk [tilespmem:v0+s15+$0x0], $0xffff;
	v0 =	vor.u32 v39, v29  }
0x32b: {  	s26 =	sadd.s32 $0xFFFFFFFC, s24;
	v11 =	vld.idx.msk [tilespmem:v6+s15+$0x0], $0xffff  }
0x32c: {  	v7 =	vadd.s32 s26, v43;
	v8 =	vld.idx.msk [tilespmem:v16+s13+$0x0], $0xffff  }
0x32d: {  	v17 =	vand.u32 $0x7F, v7;
	v7 =	vld.idx.msk [tilespmem:v16+s15+$0x0], $0xffff  }
0x32e: {  	[tilespmem:$0x1F5D0] =	vst v1;
	v1 =	vld.idx.msk [tilespmem:v6+s13+$0x0], $0xffff  }
0x32f: {  	v6 =	vld.idx.msk [tilespmem:v0+s13+$0x0], $0xffff  }
0x330: {  	v16 =	vor.u32 v48, v17;
	v0 =	vld.idx.msk [tilespmem:v0+s15+$0x0], $0xffff;
	_ =	sdelay $0x3  }
0x331: {  	[tilespmem:$0x1F5E0] =	vst v1  }
0x332: {  	v1 =	vld.idx.msk [tilespmem:v16+s15+$0x0], $0xffff;
	[tilespmem:$0x1F6E0] =	vst v0;
	v0 =	vor.u32 v4, v17;
	_ =	sdelay $0x4  }
0x333: {  	v34 =	vor.u32 v10, v17;
	[tilespmem:$0x1F6F0] =	vst v1;
	v1 =	vld.idx.msk [tilespmem:v0+s13+$0x0], $0xffff;
	_ =	sdelay $0x4  }
0x334: {  	[tilespmem:$0x1F700] =	vst v1;
	v1 =	vld.idx.msk [tilespmem:v34+s13+$0x0], $0xffff;
	_ =	sdelay $0x3  }
0x335: {  	v22 =	vld.idx.msk [tilespmem:v16+s13+$0x0], $0xffff  }
0x336: {  	v16 =	vor.u32 v56, v17;
	[tilespmem:$0x1F720] =	vst v1;
	v1 =	vld.idx.msk [tilespmem:v34+s15+$0x0], $0xffff;
	_ =	sdelay $0x2  }
0x337: {  	v0 =	vld.idx.msk [tilespmem:v0+s15+$0x0], $0xffff;
	_ =	sdelay $0x1  }
0x338: {  	[tilespmem:$0x1F730] =	vst v1;
	v1 =	vld.idx.msk [tilespmem:v16+s13+$0x0], $0xffff;
	_ =	sdelay $0x1  }
0x339: {  	s29 =	sadd.s32 $0xFFFFFFFB, s24  }
0x33a: {  	v61 =	vadd.s32 s29, v43;
	[tilespmem:$0x1F710] =	vst v0;
	v0 =	vor.u32 v39, v17  }
0x33b: {  	v35 =	vand.u32 $0x7F, v61  }
0x33c: {  	[tilespmem:$0x1F740] =	vst v1;
	v1 =	vld.idx.msk [tilespmem:v16+s15+$0x0], $0xffff;
	v16 =	vor.u32 v48, v35;
	_ =	sdelay $0x2  }
0x33d: {  	[tilespmem:$0x1F6D0] =	vst v6;
	v6 =	vld.idx.msk [tilespmem:v0+s13+$0x0], $0xffff  }
0x33e: {  	v0 =	vld.idx.msk [tilespmem:v0+s15+$0x0], $0xffff  }
0x33f: {  	[tilespmem:$0x1F750] =	vst v1;
	v1 =	vld.idx.msk [tilespmem:v16+s13+$0x0], $0xffff;
	_ =	sdelay $0x3  }
0x340: {  	[tilespmem:$0x1F770] =	vst v0  }
0x341: {  	v0 =	vor.u32 v4, v35;
	[tilespmem:$0x1F780] =	vst v1;
	v1 =	vld.idx.msk [tilespmem:v16+s15+$0x0], $0xffff;
	_ =	sdelay $0x4  }
0x342: {  	[tilespmem:$0x1F790] =	vst v1;
	v1 =	vld.idx.msk [tilespmem:v0+s13+$0x0], $0xffff  }
0x343: {  	v63 =	vor.u32 v10, v35;
	v0 =	vld.idx.msk [tilespmem:v0+s15+$0x0], $0xffff  }
0x344: {  	s30 =	sadd.s32 $0xFFFFFFFA, s24  }
0x345: {  	v53 =	vadd.s32 s30, v43;
	_ =	sdelay $0x2  }
0x346: {  	v50 =	vor.u32 v39, v35;
	v39 =	vand.u32 $0x7F, v53;
	v53 =	vmov v40;
	[tilespmem:$0x1F7B0] =	vst v0;
	v0 =	vld.idx.msk [tilespmem:v63+s13+$0x0], $0xffff  }
0x347: {  	v61 =	vor.u32 v53, v23;
	v42 =	vor.u32 v53, v42;
	v53 =	vld [tilespmem:$0x1F490]  }
0x348: {  	[tilespmem:$0x1F7A0] =	vst v1;
	v1 =	vld [tilespmem:$0x1F480]  }
0x349: {  	v58 =	vor.u32 v44, v39  }
0x34a: {  	v16 =	vor.u32 v56, v35  }
0x34b: {  	[tilespmem:$0x1F9D0] =	vst v0;
	v0 =	vld.idx.msk [tilespmem:v63+s15+$0x0], $0xffff  }
0x34c: {  	v60 =	vmul.f32 v57, v54;
	v54 =	vld [tilespmem:$0x1F4B0]  }
0x34d: {  	v57 =	vmul.f32 v53, v1;
	v1 =	vld [tilespmem:$0x1F4A0]  }
0x34e: {  	v40 =	vld.idx.msk [tilespmem:v58+s15+$0x0], $0xffff  }
0x34f: {  	v14 =	vld.idx.msk [tilespmem:v16+s13+$0x0], $0xffff  }
0x350: {  	s31 =	sadd.s32 $0xFFFFFFF9, s24;
	[tilespmem:$0x1F9E0] =	vst v0;
	v0 =	vld.idx.msk [tilespmem:v16+s15+$0x0], $0xffff  }
0x351: {  	v16 =	vadd.s32 s31, v43;
	v43 =	vld.idx.msk [tilespmem:v58+s13+$0x0], $0xffff  }
0x352: {  	v58 =	vmul.f32 v38, v37;
	v37 =	vmul.f32 v54, v1;
	v1 =	vld [tilespmem:$0x1F4C0]  }
0x353: {  	v38 =	vmul.f32 v55, v52;
	v55 =	vld [tilespmem:$0x1FF90];
	_ =	sdelay $0x3  }
0x354: {  	v53 =	vmul.f32 v51, v1;
	v1 =	vld [tilespmem:$0x1F4D0]  }
0x355: {  	v51 =	vor.u32 v55, v15;
	v15 =	vld [tilespmem:$0x1F4E0];
	_ =	sdelay $0x4  }
0x356: {  	v1 =	vmul.f32 v15, v1  }
0x357: {  	v15 =	vld [tilespmem:$0x1F500]  }
0x358: {  	[tilespmem:$0x1F820] =	vst v1;
	v1 =	vld [tilespmem:$0x1F4F0];
	_ =	sdelay $0x4  }
0x359: {  	v1 =	vmul.f32 v15, v1;
	_ =	sdelay $0x1  }
0x35a: {  	[tilespmem:$0x1F840] =	vst v1;
	v1 =	vld [tilespmem:$0x1F510];
	_ =	sdelay $0x4  }
0x35b: {  	v1 =	vmul.f32 v49, v1;
	_ =	sdelay $0x1  }
0x35c: {  	[tilespmem:$0x1F860] =	vst v1;
	v1 =	vmul.f32 v36, v59;
	v36 =	vld [tilespmem:$0x1FF90]  }
0x35d: {  	v62 =	vor.u32 v46, v35  }
0x35e: {  	v18 =	vor.u32 v44, v17;
	_ =	sdelay $0x1  }
0x35f: {  	v19 =	vor.u32 v46, v17;
	[tilespmem:$0x1F880] =	vst v1;
	v1 =	vld [tilespmem:$0x1F520]  }
0x360: {  	v59 =	vor.u32 v36, v29;
	v29 =	vld [tilespmem:$0x1F530]  }
0x361: {  	v13 =	vld.idx.msk [tilespmem:v62+s13+$0x0], $0xffff  }
0x362: {  	v33 =	vld.idx.msk [tilespmem:v18+s13+$0x0], $0xffff  }
0x363: {  	v47 =	vor.u32 v44, v35;
	v24 =	vld.idx.msk [tilespmem:v18+s15+$0x0], $0xffff  }
0x364: {  	v21 =	vld.idx.msk [tilespmem:v19+s13+$0x0], $0xffff  }
0x365: {  	v52 =	vmul.f32 v29, v1;
	v1 =	vld [tilespmem:$0x1F540]  }
0x366: {  	v29 =	vld [tilespmem:$0x1F550]  }
0x367: {  	v20 =	vld.idx.msk [tilespmem:v19+s15+$0x0], $0xffff  }
0x368: {  	v19 =	vld.idx.msk [tilespmem:v47+s13+$0x0], $0xffff  }
0x369: {  	v18 =	vld.idx.msk [tilespmem:v47+s15+$0x0], $0xffff  }
0x36a: {  	v28 =	vmul.f32 v9, v28;
	v9 =	vld [tilespmem:$0x1FF90]  }
0x36b: {  	v36 =	vmul.f32 v29, v1;
	v1 =	vld [tilespmem:$0x1F560]  }
0x36c: {  	v2 =	vld.idx.msk [tilespmem:v2+s15+$0x0], $0xffff;
	v16 =	vand.u32 $0x7F, v16  }
0x36d: {  	v5 =	vmul.f32 v5, v12;
	v12 =	vld [tilespmem:$0x1FF80];
	v44 =	vor.u32 v44, v16  }
0x36e: {  	[tilespmem:$0x1F760] =	vst v6;
	v6 =	vld.idx.msk [tilespmem:v62+s15+$0x0], $0xffff  }
0x36f: {  	v62 =	vld.idx.msk [tilespmem:v50+s15+$0x0], $0xffff  }
0x370: {  	v25 =	vmul.f32 v25, v1;
	v1 =	vld [tilespmem:$0x1F570]  }
0x371: {  	v63 =	vld.idx.msk [tilespmem:v50+s13+$0x0], $0xffff;
	v50 =	vor.u32 v48, v16  }
0x372: {  	v47 =	vor.u32 v48, v39;
	v48 =	vld.idx.msk [tilespmem:v44+s13+$0x0], $0xffff  }
0x373: {  	v15 =	vld.idx.msk [tilespmem:v44+s15+$0x0], $0xffff  }
0x374: {  	v44 =	vor.u32 v4, v16;
	v29 =	vor.u32 v4, v39;
	v4 =	vld [tilespmem:$0x1F590]  }
0x375: {  	v26 =	vmul.f32 v26, v1;
	v1 =	vld [tilespmem:$0x1F580]  }
0x376: {  	v34 =	vld.idx.msk [tilespmem:v50+s13+$0x0], $0xffff  }
0x377: {  	v9 =	vor.u32 v9, v17;
	v7 =	vmul.f32 v7, v8;
	v41 =	vor.u32 v46, v39;
	v17 =	vld.idx.msk [tilespmem:v50+s15+$0x0], $0xffff  }
0x378: {  	v50 =	vld [tilespmem:$0x1F5D0]  }
0x379: {  	[tilespmem:$0x1F9C0] =	vst v7;
	v7 =	vld [tilespmem:$0x1FF90]  }
0x37a: {  	v54 =	vmul.f32 v4, v1;
	v1 =	vld [tilespmem:$0x1F5A0]  }
0x37b: {  	v3 =	vld.idx.msk [tilespmem:v3+s15+$0x0], $0xffff  }
0x37c: {  	v45 =	vld.idx.msk [tilespmem:v41+s13+$0x0], $0xffff;
	v23 =	vor.u32 v46, v16  }
0x37d: {  	v2 =	vmul.f32 v2, v50;
	v50 =	vor.u32 v12, v39;
	v12 =	vld [tilespmem:$0x1F5E0]  }
0x37e: {  	v4 =	vld [tilespmem:$0x1F5B0]  }
0x37f: {  	v55 =	vmul.f32 v30, v1;
	v1 =	vld [tilespmem:$0x1FF90]  }
0x380: {  	v41 =	vld.idx.msk [tilespmem:v41+s15+$0x0], $0xffff  }
0x381: {  	v49 =	vld.idx.msk [tilespmem:v23+s13+$0x0], $0xffff  }
0x382: {  	v27 =	vmul.f32 v27, v31;
	v31 =	vor.u32 v10, v39;
	v23 =	vld.idx.msk [tilespmem:v23+s15+$0x0], $0xffff  }
0x383: {  	v7 =	vor.u32 v7, v39;
	v11 =	vmul.f32 v11, v12;
	v3 =	vmul.f32 v3, v4;
	v4 =	vld [tilespmem:$0x1F5C0]  }
0x384: {  	v12 =	vmul.f32 v20, v21;
	v1 =	vor.u32 v1, v35;
	v35 =	vor.u32 v56, v39;
	v39 =	vld [tilespmem:$0x1FF80]  }
0x385: {  	v21 =	vor.u32 v56, v16;
	v56 =	vmovc v53;
	v53 =	vmovc v37;
	v37 =	vmov v22;
	v22 =	vmul.f32 v40, v43;
	v40 =	vld [tilespmem:$0x1FF90]  }
0x386: {  	v8 =	vld.idx.msk [tilespmem:v29+s15+$0x0], $0xffff  }
0x387: {  	v30 =	vld.idx.msk [tilespmem:v44+s13+$0x0], $0xffff  }
0x388: {  	v4 =	vmul.f32 v32, v4;
	v32 =	vld.idx.msk [tilespmem:v44+s15+$0x0], $0xffff  }
0x389: {  	[tilespmem:$0x1F9A0] =	vst v11;
	v11 =	vmul.f32 v24, v33;
	v33 =	vor.u32 v10, v16;
	v44 =	vld.idx.msk [tilespmem:v29+s13+$0x0], $0xffff  }
0x38a: {  	v29 =	vmul.f32 v17, v34;
	v20 =	vor.u32 v39, v16;
	v17 =	vor.u32 v40, v16;
	v16 =	vld [tilespmem:$0x1F610]  }
0x38b: {  	v18 =	vmul.f32 v18, v19;
	v19 =	vmul.f32 v6, v13;
	v13 =	vld.idx.msk [tilespmem:v31+s15+$0x0], $0xffff  }
0x38c: {  	v46 =	vld.idx.msk [tilespmem:v47+s13+$0x0], $0xffff  }
0x38d: {  	v47 =	vld.idx.msk [tilespmem:v47+s15+$0x0], $0xffff;
	v6 =	vmul.f32 v15, v48  }
0x38e: {  	v10 =	vld.idx.msk [tilespmem:v31+s13+$0x0], $0xffff  }
0x38f: {  	v23 =	vmul.f32 v23, v49;
	v49 =	vmul.f32 v32, v30;
	v30 =	vadd.f32 v6, v16;
	v16 =	vld [tilespmem:$0x1F640]  }
0x390: {  	v24 =	vmul.f32 v41, v45;
	v45 =	vld [tilespmem:$0x1F600]  }
0x391: {  	v6 =	vld [tilespmem:$0x1F620]  }
0x392: {  	v43 =	vld [tilespmem:$0x1F5F0]  }
0x393: {  	v48 =	vmov v61;
	v61 =	vmov v63;
	v63 =	vmov v14;
	v14 =	vld.idx.msk [tilespmem:v35+s13+$0x0], $0xffff  }
0x394: {  	p1 =	sne.s32 s24, $0x7F;
	v32 =	vadd.f32 v29, v16;
	v16 =	vld [tilespmem:$0x1F650]  }
.Ltmp4:
0x395: {  	v15 =	vld.idx.msk [tilespmem:v35+s15+$0x0], $0xffff;
	(pc) =	sbr.rel @p1 .LBB2_7-.Ltmp4, $4  }
0x396: {  	v31 =	vadd.f32 v23, v6;
	v23 =	vmul.f32 v47, v46;
	v46 =	vld [tilespmem:$0x1F630]  }
0x397: {  	v6 =	vld.idx.msk [tilespmem:v50+s13+$0x0], $0xffff  }
0x398: {  	v29 =	vmul.f32 v8, v44;
	v44 =	vld [tilespmem:$0x1F660]  }
0x399: {  	s24 =	sadd.s32 $0x8, s24;
	v8 =	vld.idx.msk [tilespmem:v50+s15+$0x0], $0xffff;
	v16 =	vadd.f32 v49, v16  }
0x39a: {  	_ = 	snop  }
0x39b: {  	v40 =	vld [tilespmem:$0x1F780]  }
0x39c: {  	v22 =	vadd.f32 v22, v30;
	v50 =	vld [tilespmem:$0x1F790]  }
0x39d: {  	v24 =	vadd.f32 v24, v31;
	v23 =	vadd.f32 v23, v32;
	v32 =	vld [tilespmem:$0x1F740]  }
0x39e: {  	v0 =	vmul.f32 v0, v63;
	v63 =	vld.idx.msk [tilespmem:v9+s15+$0x0], $0xffff;
	v18 =	vadd.f32 v18, v22  }
0x39f: {  	v19 =	vadd.f32 v19, v24;
	v24 =	vld.idx.msk [tilespmem:v33+s13+$0x0], $0xffff  }
0x3a0: {  	v11 =	vadd.f32 v11, v18;
	v18 =	vld.idx.msk [tilespmem:v21+s13+$0x0], $0xffff  }
0x3a1: {  	v21 =	vld.idx.msk [tilespmem:v21+s15+$0x0], $0xffff  }
0x3a2: {  	v30 =	vmul.f32 v50, v40;
	v40 =	vld [tilespmem:$0x1F7A0]  }
0x3a3: {  	v50 =	vld [tilespmem:$0x1F7B0]  }
0x3a4: {  	v12 =	vadd.f32 v12, v19;
	v3 =	vadd.f32 v3, v11;
	v11 =	vld.idx.msk [tilespmem:v20+s13+$0x0], $0xffff  }
0x3a5: {  	v23 =	vadd.f32 v30, v23;
	v30 =	vld.idx.msk [tilespmem:v33+s15+$0x0], $0xffff  }
0x3a6: {  	v4 =	vadd.f32 v4, v12;
	v33 =	vld [tilespmem:$0x1F750]  }
0x3a7: {  	v3 =	vadd.f32 v25, v3;
	v25 =	vld.idx.msk [tilespmem:v17+s13+$0x0], $0xffff  }
0x3a8: {  	v4 =	vadd.f32 v28, v4;
	v28 =	vld [tilespmem:$0x1F840]  }
0x3a9: {  	v16 =	vadd.f32 v29, v16;
	v29 =	vmul.f32 v50, v40;
	v40 =	vld [tilespmem:$0x1F6F0]  }
0x3aa: {  	v50 =	vld [tilespmem:$0x1F700]  }
0x3ab: {  	v31 =	vmul.f32 v30, v24;
	v24 =	vld.idx.msk [tilespmem:v59+s13+$0x0], $0xffff  }
0x3ac: {  	v30 =	vld [tilespmem:$0x1F770]  }
0x3ad: {  	v4 =	vadd.f32 v28, v4;
	v28 =	vld.idx.msk [tilespmem:v51+s13+$0x0], $0xffff  }
0x3ae: {  	v43 =	vadd.f32 v31, v43;
	v31 =	vld.idx.msk [tilespmem:v51+s15+$0x0], $0xffff  }
0x3af: {  	v22 =	vmul.f32 v40, v37;
	v37 =	vld [tilespmem:$0x1F710]  }
0x3b0: {  	v51 =	vld.idx.msk [tilespmem:v48+s15+$0x0], $0xffff  }
0x3b1: {  	v40 =	vld [tilespmem:$0x1F720]  }
0x3b2: {  	v4 =	vadd.f32 v38, v4;
	v38 =	vld [tilespmem:$0x1F6E0]  }
0x3b3: {  	v22 =	vadd.f32 v22, v23;
	v23 =	vmul.f32 v33, v32;
	v32 =	vld [tilespmem:$0x1F860]  }
0x3b4: {  	v16 =	vadd.f32 v29, v16;
	v29 =	vmul.f32 v37, v50;
	v50 =	vld [tilespmem:$0x1F730]  }
0x3b5: {  	v33 =	vld [tilespmem:$0x1F880];
	v2 =	vadd.f32 v2, v22  }
0x3b6: {  	v37 =	vld [tilespmem:$0x1F9D0];
	v16 =	vadd.f32 v29, v16  }
0x3b7: {  	v2 =	vadd.f32 v26, v2;
	v26 =	vld.idx.msk [tilespmem:v17+s15+$0x0], $0xffff  }
0x3b8: {  	v29 =	vld.idx.msk [tilespmem:v7+s13+$0x0], $0xffff;
	v5 =	vadd.f32 v5, v16  }
0x3b9: {  	v19 =	vmul.f32 v50, v40;
	v40 =	vld [tilespmem:$0x1F9E0]  }
0x3ba: {  	v50 =	vld.idx.msk [tilespmem:v20+s15+$0x0], $0xffff;
	v5 =	vadd.f32 v27, v5  }
0x3bb: {  	v27 =	vld [tilespmem:$0x1F820]  }
0x3bc: {  	v5 =	vadd.f32 v33, v5;
	v33 =	vld.idx.msk [tilespmem:v42+s13+$0x0], $0xffff  }
0x3bd: {  	v10 =	vmul.f32 v13, v10;
	v42 =	vld.idx.msk [tilespmem:v42+s15+$0x0], $0xffff  }
0x3be: {  	v13 =	vmul.f32 v26, v25;
	v12 =	vmul.f32 v40, v37;
	v37 =	vld.idx.msk [tilespmem:v7+s15+$0x0], $0xffff  }
0x3bf: {  	v18 =	vmul.f32 v21, v18;
	v40 =	vld.idx.msk [tilespmem:v1+s13+$0x0], $0xffff  }
0x3c0: {  	v20 =	vadd.f32 v13, v44;
	v11 =	vmul.f32 v50, v11;
	v50 =	vld.idx.msk [tilespmem:v1+s15+$0x0], $0xffff;
	v5 =	vadd.f32 v57, v5  }
0x3c1: {  	v14 =	vmul.f32 v15, v14;
	v44 =	vld [tilespmem:$0x1F9C0];
	v57 =	vadd.f32 v18, v46;
	v3 =	vadd.f32 v27, v3  }
0x3c2: {  	v2 =	vadd.f32 v32, v2;
	v46 =	vld [tilespmem:$0x1F6C0]  }
0x3c3: {  	v22 =	vadd.f32 v14, v57;
	v3 =	vadd.f32 v58, v3;
	v58 =	vld.idx.msk [tilespmem:v9+s13+$0x0], $0xffff  }
0x3c4: {  	v10 =	vadd.f32 v10, v43;
	v7 =	vmul.f32 v37, v29;
	v29 =	vld [tilespmem:$0x1F760]  }
0x3c5: {  	v2 =	vadd.f32 v60, v2;
	v0 =	vadd.f32 v0, v22;
	v1 =	vmul.f32 v50, v40;
	v40 =	vld [tilespmem:$0x1F9A0]  }
0x3c6: {  	v6 =	vmul.f32 v8, v6;
	v27 =	vld.idx.msk [tilespmem:v59+s15+$0x0], $0xffff;
	v60 =	vadd.f32 v11, v45;
	v26 =	vadd.f32 v12, v10  }
0x3c7: {  	v37 =	vld [tilespmem:$0x1F6D0];
	v0 =	vadd.f32 v23, v0;
	v7 =	vadd.f32 v7, v20  }
0x3c8: {  	v25 =	vmul.f32 v62, v61;
	v59 =	vld [tilespmem:$0x1F670];
	v6 =	vadd.f32 v6, v60;
	v8 =	vadd.f32 v19, v26  }
0x3c9: {  	v50 =	vld [tilespmem:$0x1F6B0];
	v32 =	vmul.f32 v63, v58;
	v0 =	vadd.f32 v44, v0;
	v1 =	vadd.f32 v1, v7  }
0x3ca: {  	v57 =	vld [tilespmem:$0x1F6A0];
	v6 =	vadd.f32 v25, v6;
	v12 =	vmul.f32 v30, v29;
	v8 =	vadd.f32 v40, v8  }
0x3cb: {  	v43 =	vmul.f32 v27, v24;
	v0 =	vadd.f32 v55, v0;
	v55 =	vld [tilespmem:$0x1F690];
	v1 =	vadd.f32 v32, v1  }
0x3cc: {  	v45 =	vld.idx.msk [tilespmem:v48+s13+$0x0], $0xffff;
	v15 =	vmul.f32 v38, v37;
	v6 =	vadd.f32 v12, v6  }
0x3cd: {  	v60 =	vld [tilespmem:$0x1F680];
	v8 =	vadd.f32 v54, v8;
	v54 =	vmul.f32 v31, v28;
	v1 =	vadd.f32 v43, v1  }
0x3ce: {  	v14 =	vmul.f32 v46, v50;
	v6 =	vadd.f32 v15, v6  }
0x3cf: {  	[tilespmem:s23+$0x2090] =	vst v4;
	v58 =	vmul.f32 v42, v33;
	v0 =	vadd.f32 v36, v0;
	v1 =	vadd.f32 v54, v1  }
0x3d0: {  	[tilespmem:s23+$0x20A0] =	vst v2;
	v8 =	vadd.f32 v52, v8;
	v11 =	vmul.f32 v57, v55;
	v6 =	vadd.f32 v14, v6  }
0x3d1: {  	v39 =	vld [tilespmem:$0x1FFB0];
	[tilespmem:s23+$0x20B0] =	vst v5;
	v62 =	vmul.f32 v51, v45;
	v0 =	vadd.f32 v56, v0;
	v1 =	vadd.f32 v58, v1  }
.Ltmp5:
0x3d2: {  	v49 =	vld [tilespmem:$0x1FFA0];
	[tilespmem:s23+$0x2080] =	vst v3;
	v4 =	vmul.f32 v60, v59;
	v61 =	vadd.f32 v53, v8;
	v6 =	vadd.f32 v11, v6;
	(pc) =	sbr.rel @p0 .LBB2_10-.Ltmp5, $4  }
0x3d3: {  	v47 =	vld [tilespmem:$0x1FFC0];
	[tilespmem:s23+$0x20D0] =	vst v0;
	v1 =	vadd.f32 v62, v1  }
0x3d4: {  	v41 =	vld [tilespmem:$0x1FFD0];
	[tilespmem:s23+$0x20C0] =	vst v61;
	v63 =	vadd.f32 v4, v6  }
0x3d5: {  	v35 =	vld [tilespmem:$0x1FFF0];
	[tilespmem:s23+$0x20F0] =	vst v1  }
0x3d6: {  	v34 =	vld [tilespmem:$0x1FFE0];
	[tilespmem:s23+$0x20E0] =	vst v63  }
.Ltmp6:
0x3d7: {  	_ = 	snop;
	(pc) =	sbr.rel .LBB2_4-.Ltmp6, $4  }
0x3d8: {  	s24 =	sadd.s32 $0x180, s23  }
0x3d9: {  	[tilespmem:s13], [sflag:$0x2] =	stream.indirect.gather [hbm4b:s3+s10], $0x80, s24, s10, $0xb8;
	[tilespmem:$0x13000] =	vst v63  }
0x3da: {  	s31 =	sadd.s32 $0x1180, s23;
	s22 =	sadd.s32 $0x1, s22;
	v10 =	vlaneseq.u32;
	v9 =	vmov v49  }
0x3db: {  	v43 =	vmovc v39;
	v39 =	vld [tilespmem:$0x1FF80];
	v8 =	vmovc v47;
	v32 =	vmov v41;
	[tilespmem:s15], [sflag:$0x4] =	stream.indirect.gather [hbm4b:s3+s10], $0x80, s31, s10, $0xb8;
	v23 =	vmov v35;
	v15 =	vmov v34  }
.LBB2_11:
0x3dc: {  	_ =	sfence.sel $0x180000  }
0x3dd: {  	[bflag:$0x0] =	sbarrier.arrive $0xFFFF  }
0x3de: {  	p0 =	sne.s32 s1, $0x0;
	_ =	strace $0x9000004D  }
0x3df: {  	s0 =	sadd.s32 @!p0 $0x100000, s0;
	[bflag:$0x2] =	sbarrier.arrive $0xFFFF  }
0x3e0: {  	[sflag:s0] =	ssyncadd.tile.s32 @!p0 $0x1;
	_ =	shalt  }
.Lfunc_end2:
_tile_overlayer_lowered:
.L_overlay_start_2:
0x3e1: {  	(tag) =	ssettag $0x2  }
0x3e2: {  	s0 =	rddreg [dreg:$0x0];
	s2 =	stileid.u32  }
0x3e3: {  	s1 =	rddreg [dreg:$0x1];
	p0 =	sne.s32 s2, $0x0  }
0x3e4: {  	s3 =	rddreg [dreg:$0x2];
	[bflag:$0x3] =	sbarrier.arrive $0xFFFF;
	s2 =	simm.s32 @!p0 $0x1C05  }
0x3e5: {  	[timem:s3], [sflag:s2] =	dma.local @!p0 [hbm:s0], s1  }
0x3e6: {  	s0 =	simm.s32 @!p0 $0x5  }
0x3e7: {  	_ =	swait.ge @!p0 [sflag:s0], s1  }
0x3e8: {  	s1 =	ssub.s32 @!p0 $0x0, s1;
	[sflag:s0] =	ssyncset.done @!p0 $0x0  }
0x3e9: {  	[sflag:s0] =	ssyncadd.s32 @!p0 s1  }
0x3ea: {  	[bflag:$0x3] =	sbarrier.arrive $0xFFFF  }
0x3eb: {  	_ =	shalt  }

// kernel: kernel.8.cloned.1.call-start
scs
__scs_entry_jumppad:
0x0: {  	(pc) =	sbr.rel $0x88, $3  }
0x1: {  	(tag) =	ssettag $0x0;
	lr =	simm.s32 $0x1  }
0x2: {  	[smem:$0x3F8A] =	sst lr;
	_ =	strace $0xD0000000  }
0x3: {  	_ = 	snop  }
0x4: {  	_ = 	snop  }
0x5: {  	_ = 	snop  }
0x6: {  	_ = 	snop  }
0x7: {  	_ = 	snop  }
__scs_overlays_trampoline_lowered:
0x8: {  	[smem:$0x3F99] =	sst s0  }
0x9: {  	[smem:$0x3F9A] =	sst s1  }
0xa: {  	[smem:$0x3F9B] =	sst s2  }
0xb: {  	[smem:$0x3F9C] =	sst s3  }
0xc: {  	[smem:$0x3F9D] =	sst s4  }
0xd: {  	[smem:$0x3F9E] =	sst s5  }
0xe: {  	[smem:$0x3F9F] =	sst s6  }
0xf: {  	[smem:$0x3FA0] =	sst s7  }
0x10: {  	[smem:$0x3FA1] =	sst s8  }
0x11: {  	[smem:$0x3FA2] =	sst s9;
	s0 =	simm.s32 @!p0 $0x0  }
0x12: {  	s1 =	sld [smem:$0x3F88];
	s0 =	simm.s32 @p0 $0x1  }
0x13: {  	[smem:$0x3FA3] =	sst s0;
	s0 =	simm.s32 @!p1 $0x0  }
0x14: {  	s2 =	sld [smem:$0x3F87];
	s0 =	simm.s32 @p1 $0x1  }
0x15: {  	[smem:$0x3FA4] =	sst s0;
	s0 =	simm.s32 @!p2 $0x0  }
0x16: {  	s3 =	sld [smem:$0x3FDB];
	s0 =	simm.s32 @p2 $0x1  }
0x17: {  	s4 =	simm.s32 $0x1BF5;
	[smem:$0x3FA6] =	sst s0  }
0x18: {  	s0 =	sld [smem:$0x3F89];
	_ =	swait.ge [sflag:s4], $0x0  }
0x19: {  	s7 =	sld [smem:$0x3F8A]  }
0x1a: {  	s8 =	sadd.s32 $0xFFFFE003, lr  }
0x1b: {  	s9 =	sadd.s32 $0xFFFFFEF7, lr;
	s5 =	simm.s32 $0xFFFFFFFF;
	p2 =	slt.u32 s8, $0xFFFFF086  }
0x1c: {  	p1 =	slt.u32 s9, $0xF7A;
	s5 =	simm.s32 @!p2 $0x0  }
0x1d: {  	s5 =	simm.s32 @p1 $0x1;
	p0 =	seq.s32 s7, s2  }
0x1e: {  	s7 =	smul.u32 @!p0 $0xF7A, s2;
	p2 =	seq.s32 @!p0 s5, $0x0  }
0x1f: {  	s9 =	smul.u32 $0xF7A, s1;
	s8 =	simm.s32 @!p0 $0x1BF5;
	p2 =	por !p2, p0  }
0x20: {  	[sflag:s8] =	ssyncset.s32 @!p0 $0xFFFFF086;
	s6 =	sadd.s32 @!p0 s3, s7;
	s7 =	simm.s32 @!p0 $0x108  }
0x21: {  	s3 =	sadd.s32 s3, s9;
	s6 =	sadd.s32 @!p0 $0x88, s6;
	s7 =	simm.s32 @p2 $0x1082  }
0x22: {  	[simem:s7], [sflag:s8] =	dma.local @!p0 [hbm:s6], $0xF7A  }
0x23: {  	s9 =	sor.u32 $0xD0000000, s2;
	s6 =	simm.s32 $0x108;
	_ =	swait.ge @!p0 [sflag:s8], $0x0  }
0x24: {  	s3 =	sadd.s32 $0x88, s3;
	s6 =	simm.s32 @!p1 $0x1082;
	[sflag:s4] =	ssyncset.s32 $0xFFFFF086  }
0x25: {  	[simem:s6], [sflag:s4] =	dma.local [hbm:s3], $0xF7A  }
0x26: {  	[smem:$0x3F8A] =	sst s1;
	(tag) =	ssettag s2;
	_ =	strace s9  }
0x27: {  	s1 =	sld [smem:$0x3F9A]  }
0x28: {  	s2 =	sld [smem:$0x3F9B]  }
0x29: {  	s4 =	sld [smem:$0x3F9D]  }
0x2a: {  	p0 =	seq.s32 s5, $0x0;
	s5 =	sld [smem:$0x3F9E]  }
0x2b: {  	s6 =	sld [smem:$0x3F9F]  }
0x2c: {  	s7 =	sld [smem:$0x3FA0]  }
0x2d: {  	s3 =	simm.s32 $0x108;
	s8 =	sld [smem:$0x3FA1]  }
0x2e: {  	s3 =	simm.s32 @!p0 $0x1082;
	s9 =	sld [smem:$0x3FA2]  }
0x2f: {  	lr =	sadd.s32 s0, s3;
	s0 =	sld [smem:$0x3F99]  }
0x30: {  	s3 =	sld [smem:$0x3F9C]  }
0x31: {  	[smem:$0x3FA5] =	sst s10  }
0x32: {  	s10 =	sld [smem:$0x3FA3];
	_ =	sdelay $0x3  }
0x33: {  	p0 =	seq.s32 s10, $0x1;
	s10 =	sld [smem:$0x3FA5];
	_ =	sdelay $0x3  }
0x34: {  	[smem:$0x3FA5] =	sst s10  }
0x35: {  	s10 =	sld [smem:$0x3FA4];
	_ =	sdelay $0x3  }
0x36: {  	p1 =	seq.s32 s10, $0x1;
	s10 =	sld [smem:$0x3FA5];
	_ =	sdelay $0x3  }
0x37: {  	[smem:$0x3FA5] =	sst s10  }
0x38: {  	s10 =	sld [smem:$0x3FA6]  }
0x39: {  	_ = 	snop;
	(pc) =	sbr.ind lr, $3  }
0x3a: {  	_ = 	snop  }
0x3b: {  	_ = 	snop  }
0x3c: {  	p2 =	seq.s32 s10, $0x1;
	s10 =	sld [smem:$0x3FA5]  }
0x3d: {  	_ =	shalt  }
0x3e: {  	_ =	shalt  }
0x3f: {  	_ =	shalt  }
0x40: {  	_ =	shalt  }
0x41: {  	_ =	shalt  }
0x42: {  	_ =	shalt  }
0x43: {  	_ =	shalt  }
0x44: {  	_ =	shalt  }
0x45: {  	_ =	shalt  }
0x46: {  	_ =	shalt  }
0x47: {  	_ =	shalt  }
0x48: {  	_ =	shalt  }
0x49: {  	_ =	shalt  }
0x4a: {  	_ =	shalt  }
0x4b: {  	_ =	shalt  }
0x4c: {  	_ =	shalt  }
0x4d: {  	_ =	shalt  }
0x4e: {  	_ =	shalt  }
0x4f: {  	_ =	shalt  }
0x50: {  	_ =	shalt  }
0x51: {  	_ =	shalt  }
0x52: {  	_ =	shalt  }
0x53: {  	_ =	shalt  }
0x54: {  	_ =	shalt  }
0x55: {  	_ =	shalt  }
0x56: {  	_ =	shalt  }
0x57: {  	_ =	shalt  }
0x58: {  	_ =	shalt  }
0x59: {  	_ =	shalt  }
0x5a: {  	_ =	shalt  }
0x5b: {  	_ =	shalt  }
0x5c: {  	_ =	shalt  }
0x5d: {  	_ =	shalt  }
0x5e: {  	_ =	shalt  }
0x5f: {  	_ =	shalt  }
0x60: {  	_ =	shalt  }
0x61: {  	_ =	shalt  }
0x62: {  	_ =	shalt  }
0x63: {  	_ =	shalt  }
0x64: {  	_ =	shalt  }
0x65: {  	_ =	shalt  }
0x66: {  	_ =	shalt  }
0x67: {  	_ =	shalt  }
0x68: {  	_ =	shalt  }
0x69: {  	_ =	shalt  }
0x6a: {  	_ =	shalt  }
0x6b: {  	_ =	shalt  }
0x6c: {  	_ =	shalt  }
0x6d: {  	_ =	shalt  }
0x6e: {  	_ =	shalt  }
0x6f: {  	_ =	shalt  }
0x70: {  	_ =	shalt  }
0x71: {  	_ =	shalt  }
0x72: {  	_ =	shalt  }
0x73: {  	_ =	shalt  }
0x74: {  	_ =	shalt  }
0x75: {  	_ =	shalt  }
0x76: {  	_ =	shalt  }
0x77: {  	_ =	shalt  }
0x78: {  	_ =	shalt  }
0x79: {  	_ =	shalt  }
0x7a: {  	_ =	shalt  }
0x7b: {  	_ =	shalt  }
0x7c: {  	_ =	shalt  }
0x7d: {  	_ =	shalt  }
0x7e: {  	_ =	shalt  }
0x7f: {  	_ =	shalt  }
0x80: {  	_ =	shalt  }
0x81: {  	_ =	shalt  }
0x82: {  	_ =	shalt  }
0x83: {  	_ =	shalt  }
0x84: {  	_ =	shalt  }
0x85: {  	_ =	shalt  }
0x86: {  	_ =	shalt  }
0x87: {  	_ =	shalt  }
.Lfunc_end0:
.L_simem_size_0:
called_computation_lowered:
.L_overlay_start_0:
0x88: {  	s2 =	sld [smem:$0x3FD9]  }
0x89: {  	s3 =	sld [smem:$0x3FFE];
	_ =	sdelay $0x1  }
0x8a: {  	s1 =	srdreg.scid  }
0x8b: {  	s0 =	sand.u32 $0x1, s1  }
0x8c: {  	s16 =	sshll.u32 s0, $0xA;
	s2 =	sadd.s32 s3, s2  }
0x8d: {  	s2 =	sadd.s32 s2, s16  }
0x8e: {  	[smem:$0x3FB1] =	sst s2  }
0x8f: {  	_ = 	snop  }
0x90: {  	(tm) =	ssettm $0x1  }
0x91: {  	s17 =	sld [smem:$0x3FFB];
	_ =	sdelay $0x3  }
0x92: {  	_ =	strace s17  }
0x93: {  	s2 =	sld [smem:$0x3FFC];
	_ =	sdelay $0x3  }
0x94: {  	_ =	strace s2  }
0x95: {  	s2 =	sld [smem:$0x3FFD];
	_ =	sdelay $0x3  }
0x96: {  	_ =	strace s2  }
0x97: {  	_ =	strace $0x8FFFFFFF  }
0x98: {  	s18 =	sld [smem:$0x3FDB];
	_ =	sdelay $0x1  }
0x99: {  	s19 =	simm.s32 $_scs_section_size  }
0x9a: {  	s4 =	simm.s32 $_size__tile_overlayer_lowered;
	s5 =	simm.s32 $_tile_overlayer_lowered  }
0x9b: {  	s22 =	simm.s32 $0x1BFF;
	s21 =	sshll.u32 s5, $0x1;
	s2 =	sadd.s32 s19, s18  }
0x9c: {  	s6 =	simm.s32 $0x0;
	s20 =	sshll.u32 s4, $0x1;
	s4 =	sadd.s32 s21, s2  }
0x9d: {  	[timem:s6], [sflag:s22] =	dma.local [hbm:s4], s20  }
0x9e: {  	_ =	swait.ge [sflag:s22], s20  }
0x9f: {  	s3 =	ssub.s32 $0x0, s20;
	[sflag:s22] =	ssyncset.done $0x0  }
0xa0: {  	[sflag:s22] =	ssyncadd.s32 s3;
	_ =	sdelay $0x1  }
0xa1: {  	s23 =	simm.s32 $0x1B8B  }
0xa2: {  	_ =	swait.ge [sflag:s23], $0x1  }
0xa3: {  	[sflag:s23] =	ssyncset.done $0x0  }
0xa4: {  	s25 =	simm.s32 $0x1B8E;
	s24 =	sld [smem:$0x3FFE];
	[sflag:s23] =	ssyncadd.s32 $0xFFFFFFFF  }
0xa5: {  	s26 =	simm.s32 $execute0_lowered;
	[smem:$0x3FD2] =	sst s25  }
0xa6: {  	s4 =	sshll.u32 s26, $0x1;
	_ =	strace $0x80000046;
	[dreg:$0x1] =	wrdreg $0xFFFFFFFF  }
0xa7: {  	s28 =	simm.s32 $_size_execute0_lowered;
	s2 =	sadd.s32 s2, s4;
	[dreg:$0x0] =	wrdreg $0x0  }
0xa8: {  	s4 =	sshll.u32 s28, $0x1;
	[dreg:$0x2] =	wrdreg s2  }
0xa9: {  	[dreg:$0x3] =	wrdreg s4  }
0xaa: {  	[dreg:$0x4] =	wrdreg $0xC0  }
0xab: {  	_ =	task [dreg:s6], $0x5FFFF  }
0xac: {  	[dreg:$0x1] =	wrdreg $0xFFFFFFFF  }
0xad: {  	[dreg:$0x0] =	wrdreg $0x60  }
0xae: {  	[dreg:$0x2] =	wrdreg s24  }
0xaf: {  	[dreg:$0x3] =	wrdreg $0xBB800  }
0xb0: {  	[dreg:$0x4] =	wrdreg $0x164900  }
0xb1: {  	[dreg:$0x5] =	wrdreg $0x9  }
0xb2: {  	_ =	task.clear_ibuf [dreg:s6], $0x6FFFF;
	_ =	strace $0x90000046  }
0xb3: {  	s29 =	simm.s32 $0x9;
	_ =	strace $0x80000048  }
0xb4: {  	_ =	swait.ge [sflag:s29], $0x1  }
0xb5: {  	[sflag:s29] =	ssyncadd.s32 $0xFFFFFFFF  }
0xb6: {  	_ =	strace $0x90000048  }
0xb7: {  	_ =	sfence  }
0xb8: {  	s30 =	sld [smem:$0x0];
	_ =	sdelay $0x2  }
0xb9: {  	s31 =	sshll.u32 s1, $0xD;
	s1 =	sshrl.u32 s1, $0x2  }
0xba: {  	s3 =	sand.u32 $0x4000, s31;
	s1 =	sadd.s32 s1, s30  }
0xbb: {  	s0 =	sor.u32 s3, s0;
	s1 =	sshll.u32 s1, $0x11  }
0xbc: {  	s0 =	sor.u32 s1, s0  }
0xbd: {  	s0 =	sadd.s32 $0x8F2B, s0  }
0xbe: {  	[sflag:s0] =	ssyncadd.remote.s32 $0x1  }
0xbf: {  	_ =	sfence.sel $0xFFFF  }
0xc0: {  	[dreg:$0x0] =	wrdreg $0xFFFFFFFF;
	(pc) =	sbr.abs _section_cstart, $3  }
0xc1: {  	[dreg:$0x1] =	wrdreg $0xFFFFFFFF  }
0xc2: {  	_ =	task.clear_ibuf [dreg:s6], $0x2FFFF;
	_ =	strace $0x9FFFFFFF  }
0xc3: {  	(tm) =	ssettm $0x7FFFFFFF  }
tec
execute0_lowered:
.L_overlay_start_1:
0x0: {  	(tag) =	ssettag $0x1  }
0x1: {  	s0 =	srdreg.scid;
	s1 =	rddreg [dreg:$0x0]  }
0x2: {  	s2 =	rddreg [dreg:$0x1];
	s15 =	stileid.u32  }
0x3: {  	s3 =	rddreg [dreg:$0x2];
	s28 =	simm.s32 $0x19FA0;
	s30 =	simm.s32 $0x1B3A0  }
0x4: {  	s29 =	simm.s32 $0x1DBA0;
	s31 =	simm.s32 $0x1;
	s10 =	smul.u32 $0x271, s15  }
0x5: {  	s0 =	sand.u32 $0x1, s0;
	s5 =	sadd.s32 $0x51A00, s1;
	s12 =	smul.u32 $0x27100, s15  }
0x6: {  	s4 =	sshll.u32 s0, $0x4;
	s9 =	ssub.s32 $0x2, s0;
	s16 =	smul.u32 $0x2710, s0  }
0x7: {  	s6 =	sor.u32 s15, s4;
	s4 =	simm.s32 $0x0;
	s15 =	smul.u32 $0x9C40, s15  }
0x8: {  	s25 =	sshrl.u32 s9, $0x1;
	s18 =	sadd.s32 $0xFA, s10;
	s7 =	smul.u32 $0x9C4, s6  }
0x9: {  	s19 =	sadd.s32 $0x177, s10;
	[smem:$0x7FF] =	sst s4;
	s8 =	smul.u32 $0x1388, s6  }
0xa: {  	s6 =	smul.u32 $0x4E2, s6;
	s13 =	sshll.u32 s18, $0x6;
	s14 =	sshll.u32 s19, $0x6  }
0xb: {  	_ =	strace $0x80000047;
	s13 =	sadd.s32 s13, s2;
	s20 =	sadd.s32 s14, s2  }
0xc: {  	s22 =	sshrl.u32 s15, $0x2;
	s14 =	simm.s32 $0x9BA0;
	s15 =	simm.s32 $0x9BF0  }
0xd: {  	s7 =	sadd.s32 s7, s1;
	s11 =	sadd.s32 s8, s1;
	s1 =	sadd.s32 s6, s1  }
0xe: {  	s6 =	ssub.s32 s9, s25;
	s9 =	sshrl.u32 s12, $0x2;
	[dreg:$0x7] =	wrdreg s13  }
0xf: {  	s12 =	sadd.s32 $0x7D, s10;
	[dreg:$0x8] =	wrdreg s20;
	s10 =	sadd.s32 $0x1F4, s10  }
0x10: {  	s26 =	sadd.s32 $0x8C600, s7;
	s7 =	sadd.s32 $0x78C00, s7;
	s8 =	sadd.s32 s9, s2  }
0x11: {  	s17 =	sshll.u32 s12, $0x6;
	s21 =	sshll.u32 s10, $0x6;
	s9 =	sshll.u32 s12, $0x4  }
0x12: {  	s23 =	sshll.u32 s10, $0x4;
	s20 =	smax.u32 s6, $0x1;
	s6 =	simm.s32 $0x3  }
0x13: {  	s10 =	simm.s32 $0x9AB0;
	s12 =	simm.s32 $0x9B50;
	[dreg:$0x4] =	wrdreg s26  }
0x14: {  	[dreg:$0x5] =	wrdreg s7;
	s0 =	sadd.s32 s17, s2;
	s13 =	sadd.s32 s21, s2  }
0x15: {  	s9 =	sadd.s32 s9, s3;
	s7 =	sshll.u32 s19, $0x4;
	s25 =	sadd.s32 s23, s3  }
0x16: {  	s26 =	sadd.s32 $0xA9E00, s11;
	s19 =	sadd.s32 $0xA0000, s1;
	[dreg:$0x6] =	wrdreg s0  }
0x17: {  	s21 =	simm.s32 $0x6;
	s23 =	simm.s32 $0x9C40;
	[dreg:$0x9] =	wrdreg s13  }
0x18: {  	s1 =	simm.s32 $0x1C7A0;
	s11 =	simm.s32 $0x9B00;
	[dreg:$0xa] =	wrdreg s9  }
0x19: {  	s13 =	sadd.s32 s22, s3;
	s0 =	sshll.u32 s18, $0x4;
	[dreg:$0xd] =	wrdreg s25  }
0x1a: {  	s24 =	sadd.s32 s7, s3;
	[dreg:$0xe] =	wrdreg s26;
	s25 =	simm.s32 $0x50  }
0x1b: {  	s26 =	simm.s32 $0x18BA0;
	s22 =	simm.s32 $0x157C0;
	s7 =	simm.s32 $0x4  }
0x1c: {  	v1 =	vimm.bf16 $0.0e+00;
	s9 =	simm.s32 $0x5;
	s0 =	sadd.s32 s0, s3;
	[dreg:$0xc] =	wrdreg s24  }
0x1d: {  	v2 =	vimm.f32 $1.000000000e+00;
	v3 =	vimm.f32 $0.0e+00;
	v0 =	vmov s16;
	s24 =	simm.s32 $0x15CC0;
	[dreg:$0xb] =	wrdreg s0;
	s0 =	simm.s32 $0x2  }
.LBB2_1:
0x1e: {  	s17 =	simm.s32 $0x100;
	s16 =	simm.s32 $0x0  }
.LBB2_2:
0x1f: {  	p0 =	sne.s32 s17, $0x7C00;
	[tilespmem:s16+$0x9C70] =	vst v1;
	s18 =	smov.u32 s17;
	s17 =	sadd.s32 $0x100, s17  }
.Ltmp0:
0x20: {  	[tilespmem:s16+$0x9C60] =	vst v1;
	(pc) =	sbr.rel @p0 .LBB2_2-.Ltmp0, $3  }
0x21: {  	[tilespmem:s16+$0x9C40] =	vst v1  }
0x22: {  	[tilespmem:s16+$0x9C50] =	vst v1;
	_ =	sdelay $0x1  }
0x23: {  	s16 =	sshra.s32 s18, $0x2  }
0x24: {  	[tilespmem:s16+$0x9C70] =	vst v1  }
0x25: {  	[tilespmem:s16+$0x9C60] =	vst v1  }
0x26: {  	[tilespmem:s16+$0x9C40] =	vst v1  }
0x27: {  	[tilespmem:s16+$0x9C50] =	vst v1;
	s16 =	simm.s32 $0x40;
	s17 =	simm.s32 $0x0  }
.LBB2_4:
0x28: {  	p0 =	sne.s32 s16, $0x13C0;
	[tilespmem:s17+$0x157C0] =	vst v2;
	s17 =	smov.u32 s16;
	s16 =	sadd.s32 $0x40, s16  }
.Ltmp1:
0x29: {  	(pc) =	sbr.rel @p0 .LBB2_4-.Ltmp1, $2  }
0x2a: {  	_ =	sdelay $0x2  }
0x2b: {  	s17 =	sshra.s32 s17, $0x2  }
0x2c: {  	[tilespmem:s17+$0x157C0] =	vst v2;
	s16 =	simm.s32 $0x40;
	s17 =	simm.s32 $0x0  }
.LBB2_6:
0x2d: {  	p0 =	sne.s32 s16, $0x1F00;
	[tilespmem:s17+$0x15CC0] =	vst v3;
	s17 =	smov.u32 s16;
	s16 =	sadd.s32 $0x40, s16  }
.Ltmp2:
0x2e: {  	(pc) =	sbr.rel @p0 .LBB2_6-.Ltmp2, $2  }
0x2f: {  	_ =	sdelay $0x2  }
0x30: {  	s17 =	sshra.s32 s17, $0x2  }
0x31: {  	[tilespmem:s17+$0x15CC0] =	vst v3;
	s16 =	simm.s32 $0x0;
	s18 =	rddreg [dreg:$0x4]  }
0x32: {  	[tilespmem:s16], [sflag:$0x6] =	stream.linear.gather [hbm4b:s18+s16], $0x4E20, $0x38;
	[tilespmem:$0x1EFA0] =	vst v63  }
0x33: {  	_ =	swait.ge [sflag:s21], $0x4E20  }
0x34: {  	[sflag:s21] =	ssyncset.done $0x0  }
0x35: {  	s18 =	simm.s32 $0x4E20;
	s17 =	rddreg [dreg:$0x5];
	[sflag:s21] =	ssyncadd.s32 $0xFFFFB1E0  }
0x36: {  	[tilespmem:s18], [sflag:$0x6] =	stream.linear.gather [hbm4b:s17+s16], $0x4E20, $0x38;
	[tilespmem:$0x1EFA0] =	vst v63  }
0x37: {  	_ =	swait.ge [sflag:s21], $0x4E20  }
0x38: {  	[sflag:s21] =	ssyncset.done $0x0  }
0x39: {  	s16 =	simm.s32 $0x0;
	[sflag:s21] =	ssyncadd.s32 $0xFFFFB1E0  }
0x3a: {  	v7 =	vld [tilespmem:s16+$0x0]  }
0x3b: {  	v6 =	vld [tilespmem:s16+$0x10]  }
0x3c: {  	v5 =	vld [tilespmem:s16+$0x20]  }
0x3d: {  	s17 =	simm.s32 $0x140;
	v4 =	vld [tilespmem:s16+$0x30]  }
.LBB2_8:
0x3e: {  	p0 =	sne.s32 s17, $0x13740;
	v8 =	vld [tilespmem:s16+$0x40]  }
0x3f: {  	v7 =	vadd.s32 v0, v7  }
.Ltmp3:
0x40: {  	s18 =	sshra.s32 s17, $0x2;
	[tilespmem:s16+$0x0] =	vst v7;
	v6 =	vadd.s32 v0, v6;
	(pc) =	sbr.rel @p0 .LBB2_8-.Ltmp3, $4  }
0x41: {  	v7 =	vld [tilespmem:s18+$0x0];
	[tilespmem:s16+$0x10] =	vst v6;
	v5 =	vadd.s32 v0, v5  }
0x42: {  	v6 =	vld [tilespmem:s18+$0x10];
	[tilespmem:s16+$0x20] =	vst v5;
	v4 =	vadd.s32 v0, v4  }
0x43: {  	v5 =	vld [tilespmem:s18+$0x20];
	[tilespmem:s16+$0x30] =	vst v4;
	v8 =	vadd.s32 v0, v8  }
0x44: {  	s17 =	sadd.s32 $0x140, s17;
	v4 =	vld [tilespmem:s18+$0x30];
	[tilespmem:s16+$0x40] =	vst v8;
	s16 =	smov.u32 s18  }
0x45: {  	v8 =	vld [tilespmem:s16+$0x40]  }
0x46: {  	v7 =	vadd.s32 v0, v7  }
0x47: {  	[tilespmem:s16+$0x0] =	vst v7;
	v6 =	vadd.s32 v0, v6  }
0x48: {  	[tilespmem:s16+$0x10] =	vst v6;
	v5 =	vadd.s32 v0, v5  }
0x49: {  	[tilespmem:s16+$0x20] =	vst v5;
	v4 =	vadd.s32 v0, v4  }
0x4a: {  	[tilespmem:s16+$0x30] =	vst v4;
	v4 =	vadd.s32 v0, v8  }
0x4b: {  	[tilespmem:s16+$0x40] =	vst v4  }
0x4c: {  	[spmem:s8] =	stream.linear.scatter [tilespmem:s23], [sflag:$0x6], $0x1F40, $0x38;
	[tilespmem:$0x1EFA0] =	vst v63  }
0x4d: {  	_ =	swait.ge [sflag:s21], $0x1F40  }
0x4e: {  	[sflag:s21] =	ssyncset.done $0x0  }
0x4f: {  	s18 =	rddreg [dreg:$0x6];
	[sflag:s21] =	ssyncadd.s32 $0xFFFFE0C0  }
0x50: {  	[spmem:s18] =	stream.linear.scatter [tilespmem:s23], [sflag:$0x6], $0x1F40, $0x38;
	[tilespmem:$0x1EFA0] =	vst v63  }
0x51: {  	_ =	swait.ge [sflag:s21], $0x1F40  }
0x52: {  	[sflag:s21] =	ssyncset.done $0x0  }
0x53: {  	s17 =	rddreg [dreg:$0x7];
	[sflag:s21] =	ssyncadd.s32 $0xFFFFE0C0  }
0x54: {  	[spmem:s17] =	stream.linear.scatter [tilespmem:s23], [sflag:$0x6], $0x1F40, $0x38;
	[tilespmem:$0x1EFA0] =	vst v63  }
0x55: {  	_ =	swait.ge [sflag:s21], $0x1F40  }
0x56: {  	[sflag:s21] =	ssyncset.done $0x0  }
0x57: {  	s18 =	rddreg [dreg:$0x8];
	[sflag:s21] =	ssyncadd.s32 $0xFFFFE0C0  }
0x58: {  	[spmem:s18] =	stream.linear.scatter [tilespmem:s23], [sflag:$0x6], $0x1F40, $0x38;
	[tilespmem:$0x1EFA0] =	vst v63  }
0x59: {  	_ =	swait.ge [sflag:s21], $0x1F40  }
0x5a: {  	[sflag:s21] =	ssyncset.done $0x0  }
0x5b: {  	s17 =	rddreg [dreg:$0x9];
	[sflag:s21] =	ssyncadd.s32 $0xFFFFE0C0  }
0x5c: {  	[spmem:s17] =	stream.linear.scatter [tilespmem:s23], [sflag:$0x6], $0x1F40, $0x38;
	[tilespmem:$0x1EFA0] =	vst v63  }
0x5d: {  	_ =	swait.ge [sflag:s21], $0x1F40  }
0x5e: {  	[sflag:s21] =	ssyncset.done $0x0  }
0x5f: {  	[sflag:s21] =	ssyncadd.s32 $0xFFFFE0C0  }
0x60: {  	[spmem:s13] =	stream.linear.scatter [tilespmem:s24], [sflag:$0x6], $0x7D0, $0x38;
	[tilespmem:$0x1EFA0] =	vst v63  }
0x61: {  	_ =	swait.ge [sflag:s21], $0x7D0  }
0x62: {  	[sflag:s21] =	ssyncset.done $0x0  }
0x63: {  	s18 =	rddreg [dreg:$0xa];
	[sflag:s21] =	ssyncadd.s32 $0xFFFFF830  }
0x64: {  	[spmem:s18] =	stream.linear.scatter [tilespmem:s24], [sflag:$0x6], $0x7D0, $0x38;
	[tilespmem:$0x1EFA0] =	vst v63  }
0x65: {  	_ =	swait.ge [sflag:s21], $0x7D0  }
0x66: {  	[sflag:s21] =	ssyncset.done $0x0  }
0x67: {  	s17 =	rddreg [dreg:$0xb];
	[sflag:s21] =	ssyncadd.s32 $0xFFFFF830  }
0x68: {  	[spmem:s17] =	stream.linear.scatter [tilespmem:s24], [sflag:$0x6], $0x7D0, $0x38;
	[tilespmem:$0x1EFA0] =	vst v63  }
0x69: {  	_ =	swait.ge [sflag:s21], $0x7D0  }
0x6a: {  	[sflag:s21] =	ssyncset.done $0x0  }
0x6b: {  	s18 =	rddreg [dreg:$0xc];
	[sflag:s21] =	ssyncadd.s32 $0xFFFFF830  }
0x6c: {  	[spmem:s18] =	stream.linear.scatter [tilespmem:s24], [sflag:$0x6], $0x7D0, $0x38;
	[tilespmem:$0x1EFA0] =	vst v63  }
0x6d: {  	_ =	swait.ge [sflag:s21], $0x7D0  }
0x6e: {  	[sflag:s21] =	ssyncset.done $0x0  }
0x6f: {  	s17 =	rddreg [dreg:$0xd];
	[sflag:s21] =	ssyncadd.s32 $0xFFFFF830  }
0x70: {  	[spmem:s17] =	stream.linear.scatter [tilespmem:s24], [sflag:$0x6], $0x7D0, $0x38;
	[tilespmem:$0x1EFA0] =	vst v63  }
0x71: {  	_ =	swait.ge [sflag:s21], $0x7D0  }
0x72: {  	[sflag:s21] =	ssyncset.done $0x0  }
0x73: {  	[sflag:s21] =	ssyncadd.s32 $0xFFFFF830  }
0x74: {  	s18 =	simm.s32 $0x0;
	[bflag:$0x0] =	sbarrier.arrive $0xFFFF  }
0x75: {  	[tilespmem:s26], [sflag:$0x1] =	stream.indirect.gather [hbm4b:s5+s25], $0x40, s18, s25, $0xb8;
	[tilespmem:$0x1EFA0] =	vst v63  }
0x76: {  	_ = 	snop  }
0x77: {  	[tilespmem:s28], [sflag:$0x2] =	stream.indirect.gather [hbm4b:s5+s25], $0x40, s25, s25, $0xb8;
	[tilespmem:$0x1EFA0] =	vst v63  }
0x78: {  	s17 =	simm.s32 $0xA0  }
0x79: {  	[tilespmem:s30], [sflag:$0x3] =	stream.indirect.gather [hbm4b:s5+s25], $0x40, s17, s25, $0xb8;
	[tilespmem:$0x1EFA0] =	vst v63  }
0x7a: {  	s18 =	simm.s32 $0xF0  }
0x7b: {  	[tilespmem:s1], [sflag:$0x4] =	stream.indirect.gather [hbm4b:s5+s25], $0x40, s18, s25, $0xb8;
	[tilespmem:$0x1EFA0] =	vst v63  }
0x7c: {  	s17 =	simm.s32 $0x140  }
0x7d: {  	[tilespmem:s29], [sflag:$0x5] =	stream.indirect.gather [hbm4b:s5+s25], $0x40, s17, s25, $0xb8;
	[tilespmem:$0x1EFA0] =	vst v63  }
0x7e: {  	_ =	swait.ge [sflag:s31], $0x1400  }
0x7f: {  	[sflag:s31] =	ssyncset.done $0x0  }
0x80: {  	s18 =	simm.s32 $0x4E20;
	[sflag:s31] =	ssyncadd.s32 $0xFFFFEC00  }
0x81: {  	[spmem:s2] =	stream.indirect.scatter.add.bf16 [tilespmem:s26], [sflag:$0x6], $0x40, s18, s25, $0xb8;
	[tilespmem:$0x1EFA0] =	vst v63  }
0x82: {  	_ =	swait.ge [sflag:s21], $0x1400  }
0x83: {  	[sflag:s21] =	ssyncset.done $0x0  }
0x84: {  	[sflag:s21] =	ssyncadd.s32 $0xFFFFEC00  }
0x85: {  	[spmem:s3] =	stream.indirect.scatter.add.f32 [tilespmem:s22], [sflag:$0x6], $0x10, s18, s25, $0xb8;
	[tilespmem:$0x1EFA0] =	vst v63  }
0x86: {  	_ =	swait.ge [sflag:s21], $0x500  }
0x87: {  	[sflag:s21] =	ssyncset.done $0x0  }
0x88: {  	s17 =	simm.s32 $0x190;
	[sflag:s21] =	ssyncadd.s32 $0xFFFFFB00  }
0x89: {  	[tilespmem:s26], [sflag:$0x1] =	stream.indirect.gather [hbm4b:s5+s25], $0x40, s17, s25, $0xb8;
	[tilespmem:$0x1EFA0] =	vst v63  }
0x8a: {  	_ =	swait.ge [sflag:s0], $0x1400  }
0x8b: {  	[sflag:s0] =	ssyncset.done $0x0  }
0x8c: {  	s18 =	simm.s32 $0x4E70;
	[sflag:s0] =	ssyncadd.s32 $0xFFFFEC00  }
0x8d: {  	[spmem:s2] =	stream.indirect.scatter.add.bf16 [tilespmem:s28], [sflag:$0x6], $0x40, s18, s25, $0xb8;
	[tilespmem:$0x1EFA0] =	vst v63  }
0x8e: {  	_ =	swait.ge [sflag:s21], $0x1400  }
0x8f: {  	[sflag:s21] =	ssyncset.done $0x0  }
0x90: {  	[sflag:s21] =	ssyncadd.s32 $0xFFFFEC00  }
0x91: {  	[spmem:s3] =	stream.indirect.scatter.add.f32 [tilespmem:s22], [sflag:$0x6], $0x10, s18, s25, $0xb8;
	[tilespmem:$0x1EFA0] =	vst v63  }
0x92: {  	_ =	swait.ge [sflag:s21], $0x500  }
0x93: {  	[sflag:s21] =	ssyncset.done $0x0  }
0x94: {  	s17 =	simm.s32 $0x1E0;
	[sflag:s21] =	ssyncadd.s32 $0xFFFFFB00  }
0x95: {  	[tilespmem:s28], [sflag:$0x2] =	stream.indirect.gather [hbm4b:s5+s25], $0x40, s17, s25, $0xb8;
	[tilespmem:$0x1EFA0] =	vst v63  }
0x96: {  	_ =	swait.ge [sflag:s6], $0x1400  }
0x97: {  	[sflag:s6] =	ssyncset.done $0x0  }
0x98: {  	s18 =	simm.s32 $0x4EC0;
	[sflag:s6] =	ssyncadd.s32 $0xFFFFEC00  }
0x99: {  	[spmem:s2] =	stream.indirect.scatter.add.bf16 [tilespmem:s30], [sflag:$0x6], $0x40, s18, s25, $0xb8;
	[tilespmem:$0x1EFA0] =	vst v63  }
0x9a: {  	_ =	swait.ge [sflag:s21], $0x1400  }
0x9b: {  	[sflag:s21] =	ssyncset.done $0x0  }
0x9c: {  	[sflag:s21] =	ssyncadd.s32 $0xFFFFEC00  }
0x9d: {  	[spmem:s3] =	stream.indirect.scatter.add.f32 [tilespmem:s22], [sflag:$0x6], $0x10, s18, s25, $0xb8;
	[tilespmem:$0x1EFA0] =	vst v63  }
0x9e: {  	_ =	swait.ge [sflag:s21], $0x500  }
0x9f: {  	[sflag:s21] =	ssyncset.done $0x0  }
0xa0: {  	s17 =	simm.s32 $0x230;
	[sflag:s21] =	ssyncadd.s32 $0xFFFFFB00  }
0xa1: {  	[tilespmem:s30], [sflag:$0x3] =	stream.indirect.gather [hbm4b:s5+s25], $0x40, s17, s25, $0xb8;
	[tilespmem:$0x1EFA0] =	vst v63  }
0xa2: {  	_ =	swait.ge [sflag:s7], $0x1400  }
0xa3: {  	[sflag:s7] =	ssyncset.done $0x0  }
0xa4: {  	s18 =	simm.s32 $0x4F10;
	[sflag:s7] =	ssyncadd.s32 $0xFFFFEC00  }
0xa5: {  	[spmem:s2] =	stream.indirect.scatter.add.bf16 [tilespmem:s1], [sflag:$0x6], $0x40, s18, s25, $0xb8;
	[tilespmem:$0x1EFA0] =	vst v63  }
0xa6: {  	_ =	swait.ge [sflag:s21], $0x1400  }
0xa7: {  	[sflag:s21] =	ssyncset.done $0x0  }
0xa8: {  	[sflag:s21] =	ssyncadd.s32 $0xFFFFEC00  }
0xa9: {  	[spmem:s3] =	stream.indirect.scatter.add.f32 [tilespmem:s22], [sflag:$0x6], $0x10, s18, s25, $0xb8;
	[tilespmem:$0x1EFA0] =	vst v63  }
0xaa: {  	_ =	swait.ge [sflag:s21], $0x500  }
0xab: {  	[sflag:s21] =	ssyncset.done $0x0  }
0xac: {  	s17 =	simm.s32 $0x280;
	[sflag:s21] =	ssyncadd.s32 $0xFFFFFB00  }
0xad: {  	[tilespmem:s1], [sflag:$0x4] =	stream.indirect.gather [hbm4b:s5+s25], $0x40, s17, s25, $0xb8;
	[tilespmem:$0x1EFA0] =	vst v63  }
0xae: {  	_ =	swait.ge [sflag:s9], $0x1400  }
0xaf: {  	[sflag:s9] =	ssyncset.done $0x0  }
0xb0: {  	s18 =	simm.s32 $0x4F60;
	[sflag:s9] =	ssyncadd.s32 $0xFFFFEC00  }
0xb1: {  	[spmem:s2] =	stream.indirect.scatter.add.bf16 [tilespmem:s29], [sflag:$0x6], $0x40, s18, s25, $0xb8;
	[tilespmem:$0x1EFA0] =	vst v63  }
0xb2: {  	_ =	swait.ge [sflag:s21], $0x1400  }
0xb3: {  	[sflag:s21] =	ssyncset.done $0x0  }
0xb4: {  	[sflag:s21] =	ssyncadd.s32 $0xFFFFEC00  }
0xb5: {  	[spmem:s3] =	stream.indirect.scatter.add.f32 [tilespmem:s22], [sflag:$0x6], $0x10, s18, s25, $0xb8;
	[tilespmem:$0x1EFA0] =	vst v63  }
0xb6: {  	_ =	swait.ge [sflag:s21], $0x500  }
0xb7: {  	[sflag:s21] =	ssyncset.done $0x0  }
0xb8: {  	s16 =	simm.s32 $0x640;
	s17 =	simm.s32 $0x2D0;
	[sflag:s21] =	ssyncadd.s32 $0xFFFFFB00  }
.LBB2_10:
0xb9: {  	[tilespmem:s29], [sflag:$0x5] =	stream.indirect.gather [hbm4b:s5+s25], $0x40, s17, s25, $0xb8;
	[tilespmem:$0x1EFA0] =	vst v63  }
0xba: {  	s17 =	smov.u32 s16  }
0xbb: {  	p0 =	sne.s32 s16, $0x12C00;
	s16 =	sadd.s32 $0x640, s16;
	_ =	swait.ge [sflag:s31], $0x1400  }
0xbc: {  	s17 =	sshra.s32 s17, $0x2;
	[sflag:s31] =	ssyncset.done $0x0  }
0xbd: {  	s18 =	sadd.s32 $0x4E20, s17;
	[sflag:s31] =	ssyncadd.s32 $0xFFFFEC00  }
0xbe: {  	[spmem:s2] =	stream.indirect.scatter.add.bf16 [tilespmem:s26], [sflag:$0x6], $0x40, s18, s25, $0xb8;
	[tilespmem:$0x1EFA0] =	vst v63  }
0xbf: {  	_ =	swait.ge [sflag:s21], $0x1400  }
0xc0: {  	[sflag:s21] =	ssyncset.done $0x0  }
0xc1: {  	[sflag:s21] =	ssyncadd.s32 $0xFFFFEC00  }
0xc2: {  	[spmem:s3] =	stream.indirect.scatter.add.f32 [tilespmem:s22], [sflag:$0x6], $0x10, s18, s25, $0xb8;
	[tilespmem:$0x1EFA0] =	vst v63  }
0xc3: {  	_ =	swait.ge [sflag:s21], $0x500  }
0xc4: {  	[sflag:s21] =	ssyncset.done $0x0  }
0xc5: {  	s18 =	sadd.s32 $0x190, s17;
	[sflag:s21] =	ssyncadd.s32 $0xFFFFFB00  }
0xc6: {  	[tilespmem:s26], [sflag:$0x1] =	stream.indirect.gather [hbm4b:s5+s25], $0x40, s18, s25, $0xb8;
	[tilespmem:$0x1EFA0] =	vst v63  }
0xc7: {  	_ =	swait.ge [sflag:s0], $0x1400  }
0xc8: {  	[sflag:s0] =	ssyncset.done $0x0  }
0xc9: {  	s18 =	sadd.s32 $0x4E70, s17;
	[sflag:s0] =	ssyncadd.s32 $0xFFFFEC00  }
0xca: {  	[spmem:s2] =	stream.indirect.scatter.add.bf16 [tilespmem:s28], [sflag:$0x6], $0x40, s18, s25, $0xb8;
	[tilespmem:$0x1EFA0] =	vst v63  }
0xcb: {  	_ =	swait.ge [sflag:s21], $0x1400  }
0xcc: {  	[sflag:s21] =	ssyncset.done $0x0  }
0xcd: {  	[sflag:s21] =	ssyncadd.s32 $0xFFFFEC00  }
0xce: {  	[spmem:s3] =	stream.indirect.scatter.add.f32 [tilespmem:s22], [sflag:$0x6], $0x10, s18, s25, $0xb8;
	[tilespmem:$0x1EFA0] =	vst v63  }
0xcf: {  	_ =	swait.ge [sflag:s21], $0x500  }
0xd0: {  	[sflag:s21] =	ssyncset.done $0x0  }
0xd1: {  	s18 =	sadd.s32 $0x1E0, s17;
	[sflag:s21] =	ssyncadd.s32 $0xFFFFFB00  }
0xd2: {  	[tilespmem:s28], [sflag:$0x2] =	stream.indirect.gather [hbm4b:s5+s25], $0x40, s18, s25, $0xb8;
	[tilespmem:$0x1EFA0] =	vst v63  }
0xd3: {  	_ =	swait.ge [sflag:s6], $0x1400  }
0xd4: {  	[sflag:s6] =	ssyncset.done $0x0  }
0xd5: {  	s18 =	sadd.s32 $0x4EC0, s17;
	[sflag:s6] =	ssyncadd.s32 $0xFFFFEC00  }
0xd6: {  	[spmem:s2] =	stream.indirect.scatter.add.bf16 [tilespmem:s30], [sflag:$0x6], $0x40, s18, s25, $0xb8;
	[tilespmem:$0x1EFA0] =	vst v63  }
0xd7: {  	_ =	swait.ge [sflag:s21], $0x1400  }
0xd8: {  	[sflag:s21] =	ssyncset.done $0x0  }
0xd9: {  	[sflag:s21] =	ssyncadd.s32 $0xFFFFEC00  }
0xda: {  	[spmem:s3] =	stream.indirect.scatter.add.f32 [tilespmem:s22], [sflag:$0x6], $0x10, s18, s25, $0xb8;
	[tilespmem:$0x1EFA0] =	vst v63  }
0xdb: {  	_ =	swait.ge [sflag:s21], $0x500  }
0xdc: {  	[sflag:s21] =	ssyncset.done $0x0  }
0xdd: {  	s18 =	sadd.s32 $0x230, s17;
	[sflag:s21] =	ssyncadd.s32 $0xFFFFFB00  }
0xde: {  	[tilespmem:s30], [sflag:$0x3] =	stream.indirect.gather [hbm4b:s5+s25], $0x40, s18, s25, $0xb8;
	[tilespmem:$0x1EFA0] =	vst v63  }
0xdf: {  	_ =	swait.ge [sflag:s7], $0x1400  }
0xe0: {  	[sflag:s7] =	ssyncset.done $0x0  }
0xe1: {  	s18 =	sadd.s32 $0x4F10, s17;
	[sflag:s7] =	ssyncadd.s32 $0xFFFFEC00  }
0xe2: {  	[spmem:s2] =	stream.indirect.scatter.add.bf16 [tilespmem:s1], [sflag:$0x6], $0x40, s18, s25, $0xb8;
	[tilespmem:$0x1EFA0] =	vst v63  }
0xe3: {  	_ =	swait.ge [sflag:s21], $0x1400  }
0xe4: {  	[sflag:s21] =	ssyncset.done $0x0  }
0xe5: {  	[sflag:s21] =	ssyncadd.s32 $0xFFFFEC00  }
0xe6: {  	[spmem:s3] =	stream.indirect.scatter.add.f32 [tilespmem:s22], [sflag:$0x6], $0x10, s18, s25, $0xb8;
	[tilespmem:$0x1EFA0] =	vst v63  }
0xe7: {  	_ =	swait.ge [sflag:s21], $0x500  }
0xe8: {  	[sflag:s21] =	ssyncset.done $0x0  }
0xe9: {  	s18 =	sadd.s32 $0x280, s17;
	[sflag:s21] =	ssyncadd.s32 $0xFFFFFB00  }
0xea: {  	[tilespmem:s1], [sflag:$0x4] =	stream.indirect.gather [hbm4b:s5+s25], $0x40, s18, s25, $0xb8;
	[tilespmem:$0x1EFA0] =	vst v63  }
0xeb: {  	_ =	swait.ge [sflag:s9], $0x1400  }
0xec: {  	[sflag:s9] =	ssyncset.done $0x0  }
0xed: {  	s18 =	sadd.s32 $0x4F60, s17;
	[sflag:s9] =	ssyncadd.s32 $0xFFFFEC00  }
0xee: {  	[spmem:s2] =	stream.indirect.scatter.add.bf16 [tilespmem:s29], [sflag:$0x6], $0x40, s18, s25, $0xb8;
	[tilespmem:$0x1EFA0] =	vst v63  }
0xef: {  	_ =	swait.ge [sflag:s21], $0x1400  }
0xf0: {  	[sflag:s21] =	ssyncset.done $0x0  }
.Ltmp4:
0xf1: {  	[sflag:s21] =	ssyncadd.s32 $0xFFFFEC00;
	(pc) =	sbr.rel @p0 .LBB2_10-.Ltmp4, $4  }
0xf2: {  	[spmem:s3] =	stream.indirect.scatter.add.f32 [tilespmem:s22], [sflag:$0x6], $0x10, s18, s25, $0xb8;
	[tilespmem:$0x1EFA0] =	vst v63  }
0xf3: {  	_ =	swait.ge [sflag:s21], $0x500  }
0xf4: {  	[sflag:s21] =	ssyncset.done $0x0  }
0xf5: {  	s17 =	sadd.s32 $0x2D0, s17;
	[sflag:s21] =	ssyncadd.s32 $0xFFFFFB00  }
0xf6: {  	[tilespmem:s29], [sflag:$0x5] =	stream.indirect.gather [hbm4b:s5+s25], $0x40, s17, s25, $0xb8;
	[tilespmem:$0x1EFA0] =	vst v63  }
0xf7: {  	_ =	swait.ge [sflag:s31], $0x1400  }
0xf8: {  	[sflag:s31] =	ssyncset.done $0x0  }
0xf9: {  	[sflag:s31] =	ssyncadd.s32 $0xFFFFEC00  }
0xfa: {  	[spmem:s2] =	stream.indirect.scatter.add.bf16 [tilespmem:s26], [sflag:$0x6], $0x40, s10, s25, $0xb8;
	[tilespmem:$0x1EFA0] =	vst v63  }
0xfb: {  	_ =	swait.ge [sflag:s21], $0x1400  }
0xfc: {  	[sflag:s21] =	ssyncset.done $0x0  }
0xfd: {  	[sflag:s21] =	ssyncadd.s32 $0xFFFFEC00  }
0xfe: {  	[spmem:s3] =	stream.indirect.scatter.add.f32 [tilespmem:s22], [sflag:$0x6], $0x10, s10, s25, $0xb8;
	[tilespmem:$0x1EFA0] =	vst v63  }
0xff: {  	_ =	swait.ge [sflag:s21], $0x500  }
0x100: {  	[sflag:s21] =	ssyncset.done $0x0  }
0x101: {  	[sflag:s21] =	ssyncadd.s32 $0xFFFFFB00  }
0x102: {  	_ =	swait.ge [sflag:s0], $0x1400  }
0x103: {  	[sflag:s0] =	ssyncset.done $0x0  }
0x104: {  	[sflag:s0] =	ssyncadd.s32 $0xFFFFEC00  }
0x105: {  	[spmem:s2] =	stream.indirect.scatter.add.bf16 [tilespmem:s28], [sflag:$0x6], $0x40, s11, s25, $0xb8;
	[tilespmem:$0x1EFA0] =	vst v63  }
0x106: {  	_ =	swait.ge [sflag:s21], $0x1400  }
0x107: {  	[sflag:s21] =	ssyncset.done $0x0  }
0x108: {  	[sflag:s21] =	ssyncadd.s32 $0xFFFFEC00  }
0x109: {  	[spmem:s3] =	stream.indirect.scatter.add.f32 [tilespmem:s22], [sflag:$0x6], $0x10, s11, s25, $0xb8;
	[tilespmem:$0x1EFA0] =	vst v63  }
0x10a: {  	_ =	swait.ge [sflag:s21], $0x500  }
0x10b: {  	[sflag:s21] =	ssyncset.done $0x0  }
0x10c: {  	[sflag:s21] =	ssyncadd.s32 $0xFFFFFB00  }
0x10d: {  	_ =	swait.ge [sflag:s6], $0x1400  }
0x10e: {  	[sflag:s6] =	ssyncset.done $0x0  }
0x10f: {  	[sflag:s6] =	ssyncadd.s32 $0xFFFFEC00  }
0x110: {  	[spmem:s2] =	stream.indirect.scatter.add.bf16 [tilespmem:s30], [sflag:$0x6], $0x40, s12, s25, $0xb8;
	[tilespmem:$0x1EFA0] =	vst v63  }
0x111: {  	_ =	swait.ge [sflag:s21], $0x1400  }
0x112: {  	[sflag:s21] =	ssyncset.done $0x0  }
0x113: {  	[sflag:s21] =	ssyncadd.s32 $0xFFFFEC00  }
0x114: {  	[spmem:s3] =	stream.indirect.scatter.add.f32 [tilespmem:s22], [sflag:$0x6], $0x10, s12, s25, $0xb8;
	[tilespmem:$0x1EFA0] =	vst v63  }
0x115: {  	_ =	swait.ge [sflag:s21], $0x500  }
0x116: {  	[sflag:s21] =	ssyncset.done $0x0  }
0x117: {  	[sflag:s21] =	ssyncadd.s32 $0xFFFFFB00  }
0x118: {  	_ =	swait.ge [sflag:s7], $0x1400  }
0x119: {  	[sflag:s7] =	ssyncset.done $0x0  }
0x11a: {  	[sflag:s7] =	ssyncadd.s32 $0xFFFFEC00  }
0x11b: {  	[spmem:s2] =	stream.indirect.scatter.add.bf16 [tilespmem:s1], [sflag:$0x6], $0x40, s14, s25, $0xb8;
	[tilespmem:$0x1EFA0] =	vst v63  }
0x11c: {  	_ =	swait.ge [sflag:s21], $0x1400  }
0x11d: {  	[sflag:s21] =	ssyncset.done $0x0  }
0x11e: {  	[sflag:s21] =	ssyncadd.s32 $0xFFFFEC00  }
0x11f: {  	[spmem:s3] =	stream.indirect.scatter.add.f32 [tilespmem:s22], [sflag:$0x6], $0x10, s14, s25, $0xb8;
	[tilespmem:$0x1EFA0] =	vst v63  }
0x120: {  	_ =	swait.ge [sflag:s21], $0x500  }
0x121: {  	[sflag:s21] =	ssyncset.done $0x0  }
0x122: {  	[sflag:s21] =	ssyncadd.s32 $0xFFFFFB00  }
0x123: {  	_ =	swait.ge [sflag:s9], $0x1400  }
0x124: {  	[sflag:s9] =	ssyncset.done $0x0  }
0x125: {  	[sflag:s9] =	ssyncadd.s32 $0xFFFFEC00  }
0x126: {  	[spmem:s2] =	stream.indirect.scatter.add.bf16 [tilespmem:s29], [sflag:$0x6], $0x40, s15, s25, $0xb8;
	[tilespmem:$0x1EFA0] =	vst v63  }
0x127: {  	_ =	swait.ge [sflag:s21], $0x1400  }
0x128: {  	[sflag:s21] =	ssyncset.done $0x0  }
0x129: {  	[sflag:s21] =	ssyncadd.s32 $0xFFFFEC00  }
0x12a: {  	[spmem:s3] =	stream.indirect.scatter.add.f32 [tilespmem:s22], [sflag:$0x6], $0x10, s15, s25, $0xb8;
	[tilespmem:$0x1EFA0] =	vst v63  }
0x12b: {  	_ =	swait.ge [sflag:s21], $0x500  }
0x12c: {  	[sflag:s21] =	ssyncset.done $0x0  }
0x12d: {  	s16 =	stileid.u32;
	[sflag:s21] =	ssyncadd.s32 $0xFFFFFB00  }
0x12e: {  	s16 =	sshll.u32 s16, $0x6;
	[bflag:$0x0] =	sbarrier.arrive $0xFFFF  }
0x12f: {  	s17 =	sshrl.u32 s8, $0x3;
	s16 =	sor.u32 $0x1C06, s16;
	s18 =	rddreg [dreg:$0xe]  }
0x130: {  	[hbm:s18], [sflag:s16] =	dma.local [spmem:s17], $0x1388  }
0x131: {  	s4 =	sadd.s32 $0x1, s4;
	_ =	swait.ge [sflag:s21], $0x1388  }
0x132: {  	p0 =	sne.s32 s4, s20;
	[sflag:s21] =	ssyncset.done $0x0  }
.Ltmp5:
0x133: {  	s18 =	sshrl.u32 s13, $0x3;
	[sflag:s21] =	ssyncadd.s32 $0xFFFFEC78;
	(pc) =	sbr.rel @p0 .LBB2_1-.Ltmp5, $4  }
0x134: {  	[hbm:s19], [sflag:s16] =	dma.local [spmem:s18], $0x4E2  }
0x135: {  	_ =	swait.ge [sflag:s21], $0x4E2  }
0x136: {  	[sflag:s21] =	ssyncset.done $0x0  }
0x137: {  	[sflag:s21] =	ssyncadd.s32 $0xFFFFFB1E  }
0x138: {  	_ =	sfence.sel $0x180000  }
0x139: {  	[bflag:$0x0] =	sbarrier.arrive $0xFFFF  }
0x13a: {  	_ =	strace $0x90000047  }
0x13b: {  	s0 =	stileid.u32;
	[bflag:$0x2] =	sbarrier.arrive $0xFFFF  }
0x13c: {  	p0 =	sne.s32 s0, $0x0;
	s0 =	rddreg [dreg:$0x3]  }
0x13d: {  	s0 =	sadd.s32 @!p0 $0x100000, s0  }
0x13e: {  	[sflag:s0] =	ssyncadd.tile.s32 @!p0 $0x1;
	_ =	shalt  }
.Lfunc_end2:
_tile_overlayer_lowered:
.L_overlay_start_2:
0x13f: {  	(tag) =	ssettag $0x2  }
0x140: {  	s0 =	rddreg [dreg:$0x0];
	s2 =	stileid.u32  }
0x141: {  	s1 =	rddreg [dreg:$0x1];
	p0 =	sne.s32 s2, $0x0  }
0x142: {  	s3 =	rddreg [dreg:$0x2];
	[bflag:$0x3] =	sbarrier.arrive $0xFFFF;
	s2 =	simm.s32 @!p0 $0x1C06  }
0x143: {  	[timem:s3], [sflag:s2] =	dma.local @!p0 [hbm:s0], s1  }
0x144: {  	s0 =	simm.s32 @!p0 $0x6  }
0x145: {  	_ =	swait.ge @!p0 [sflag:s0], s1  }
0x146: {  	s1 =	ssub.s32 @!p0 $0x0, s1;
	[sflag:s0] =	ssyncset.done @!p0 $0x0  }
0x147: {  	[sflag:s0] =	ssyncadd.s32 @!p0 s1  }
0x148: {  	[bflag:$0x3] =	sbarrier.arrive $0xFFFF  }
0x149: {  	_ =	shalt  }

</sc_bundles>
